<compile_context>
chip_gen: v7x
topology: tpu7x:2x2x1
jax: 0.10.2.dev20260603
libtpu: 0.0.44.dev20260713+nightly
codegen_flags: <defaults>
</compile_context>

<pallas_src>
import jax
import jax.numpy as jnp
from jax.experimental import pallas as pl

DIM = 384
DIM_HEAD = 64
HEADS = 8
TOP_K = 256
EPS = 1e-5
KM_ITERS = 5
INNER = DIM_HEAD * HEADS
B = 4
SEQ = 1024
BH = B * HEADS
CHUNK = 4096


def _cln(x, g, b):
    mean = jnp.mean(x, axis=1, keepdims=True)
    var = jnp.var(x, axis=1, keepdims=True)
    return (x - mean) / jnp.sqrt(var + EPS) * g + b


def _l2n(t):
    n = jnp.sqrt(jnp.sum(t * t, axis=1, keepdims=True))
    return t / jnp.maximum(n, 1e-12)


def _dot(a, b, ca, cb, precision=None):
    return jax.lax.dot_general(
        a, b, (((ca,), (cb,)), ((), ())),
        preferred_element_type=jnp.float32, precision=precision)



def _qproj_kernel(qs_ref, wq_ref, q_ref):
    q_ref[0] = _dot(qs_ref[0], wq_ref[...], 0, 1)


def _kvproj_kernel(ctx_ref, wkv_ref, kv_ref):
    kv_ref[0] = _dot(ctx_ref[0], wkv_ref[...], 0, 1)


def _assign_kernel(p_ref, c_ref, pp_ref, cc_ref, a_ref, cnt_ref):
    i = pl.program_id(0)
    dots = _dot(p_ref[...], c_ref[...], 1, 1)
    d = pp_ref[...] - 2.0 * dots + cc_ref[...]
    am = jnp.argmin(d, axis=1, keepdims=True).astype(jnp.int32)
    a_ref[...] = am
    oh = (am == jax.lax.broadcasted_iota(jnp.int32, (CHUNK, TOP_K), 1)
          ).astype(jnp.float32)
    part = _dot(jnp.ones((1, CHUNK), jnp.float32), oh, 1, 0)

    @pl.when(i == 0)
    def _():
        cnt_ref[...] = part

    @pl.when(i > 0)
    def _():
        cnt_ref[...] = cnt_ref[...] + part


def _kdist_kernel(k_ref, c_ref, pp_ref, cc_ref, kd_ref):
    dots = _dot(k_ref[...], c_ref[...], 1, 1)
    d = pp_ref[...] - 2.0 * dots + cc_ref[...]
    am = jnp.argmin(d, axis=1, keepdims=True).astype(jnp.int32)
    oh = (am == jax.lax.broadcasted_iota(jnp.int32, (CHUNK, TOP_K), 1)
          ).astype(jnp.float32)
    centers = _dot(oh, c_ref[...], 1, 0,
                   precision=jax.lax.Precision.HIGHEST)
    kd_ref[...] = jnp.sum(jnp.abs(centers - k_ref[...]), axis=1, keepdims=True)


def _attn_kernel(kdc_ref, kdr_ref, q_ref, k_ref, v_ref, o_ref):
    kdc = kdc_ref[0]
    kdr = kdr_ref[0]
    ones_row = jnp.ones((1, SEQ), jnp.float32)
    gt = (kdr > kdc).astype(jnp.float32)
    eq = (kdr == kdc).astype(jnp.float32)
    rank_gt = _dot(gt, ones_row, 1, 1)
    eq_cnt = _dot(eq, ones_row, 1, 1)
    has_tie = jnp.max(eq_cnt) > 1.0

    def _with_ties(eq):
        lane = jax.lax.broadcasted_iota(jnp.int32, (SEQ, SEQ), 1)
        sub = jax.lax.broadcasted_iota(jnp.int32, (SEQ, SEQ), 0)
        tie = eq * (lane < sub).astype(jnp.float32)
        return _dot(tie, ones_row, 1, 1)

    corr = jax.lax.cond(has_tie, _with_ties,
                        lambda eq: jnp.zeros((SEQ, 1), jnp.float32), eq)
    rank = (rank_gt + corr).astype(jnp.int32)
    scat = (rank == jax.lax.broadcasted_iota(jnp.int32, (SEQ, TOP_K), 1)
            ).astype(jnp.float32)
    ksel = _dot(k_ref[0], scat, 1, 0,
                precision=jax.lax.Precision.HIGHEST)
    vsel = _dot(v_ref[0], scat, 1, 0,
                precision=jax.lax.Precision.HIGHEST)
    sim = _dot(q_ref[0], ksel, 0, 0)
    m = jnp.max(sim, axis=1, keepdims=True)
    e = jnp.exp(sim - m)
    p = e / jnp.sum(e, axis=1, keepdims=True)
    o_ref[0] = _dot(vsel, p, 1, 1)


def _outproj_kernel(x_ref, w_ref, qs_ref, g_ref, b_ref, gm_ref, o_ref):
    o = _dot(w_ref[...], x_ref[0], 1, 0)
    mean = jnp.mean(o, axis=0, keepdims=True)
    var = jnp.mean((o - mean) * (o - mean), axis=0, keepdims=True)
    o = (o - mean) / jnp.sqrt(var + EPS) * g_ref[...] + b_ref[...]
    o_ref[0] = gm_ref[0, 0] * o + qs_ref[0]



def _full(s):
    return pl.BlockSpec(s, lambda i: tuple(0 for _ in s))


def _bat(s):
    return pl.BlockSpec(s, lambda i: (i,) + tuple(0 for _ in s[1:]))


def kernel(query_source, context, g_ctx, b_ctx, g_qs, b_qs, g_on, b_on,
           W_q, W_kv, W_out, gamma):
    b, c, H, W = query_source.shape

    ctxn = _cln(context, g_ctx, b_ctx)
    qsn = _cln(query_source, g_qs, b_qs)

    q3 = pl.pallas_call(
        _qproj_kernel,
        grid=(B,),
        in_specs=[_bat((1, DIM, SEQ)), _full((INNER, DIM))],
        out_specs=_bat((1, SEQ, INNER)),
        out_shape=jax.ShapeDtypeStruct((B, SEQ, INNER), jnp.float32),
    )(qsn.reshape(B, DIM, SEQ), W_q)

    kv3 = pl.pallas_call(
        _kvproj_kernel,
        grid=(B,),
        in_specs=[_bat((1, DIM, SEQ)), _full((2 * INNER, DIM))],
        out_specs=_bat((1, SEQ, 2 * INNER)),
        out_shape=jax.ShapeDtypeStruct((B, SEQ, 2 * INNER), jnp.float32),
    )(ctxn.reshape(B, DIM, SEQ), W_kv)

    q4 = q3.transpose(0, 2, 1).reshape(B * HEADS, DIM_HEAD, H, W)
    kv4 = kv3.transpose(0, 2, 1).reshape(B, 2 * INNER, H, W)
    k4 = kv4[:, :INNER].reshape(B * HEADS, DIM_HEAD, H, W)
    v4 = kv4[:, INNER:].reshape(B * HEADS, DIM_HEAD, H, W)
    qn4 = _l2n(q4)
    kn4 = _l2n(k4)
    q_cm = qn4.reshape(BH, DIM_HEAD, SEQ)
    k_cm = kn4.reshape(BH, DIM_HEAD, SEQ)
    v_cm = v4.reshape(BH, DIM_HEAD, SEQ)

    points = jnp.transpose(qn4, (0, 2, 3, 1)).reshape(-1, DIM_HEAD)
    keys = jnp.transpose(kn4, (0, 2, 3, 1)).reshape(-1, DIM_HEAD)
    pp = jnp.sum(points * points, axis=-1, keepdims=True)

    nchunk = points.shape[0] // CHUNK
    cent = points[:TOP_K]
    for _ in range(KM_ITERS):
        cc = jnp.sum(cent * cent, axis=-1)
        assign, counts = pl.pallas_call(
            _assign_kernel,
            grid=(nchunk,),
            in_specs=[_bat((CHUNK, DIM_HEAD)), _full((TOP_K, DIM_HEAD)),
                      _bat((CHUNK, 1)), _full((1, TOP_K))],
            out_specs=[_bat((CHUNK, 1)), _full((1, TOP_K))],
            out_shape=[jax.ShapeDtypeStruct((points.shape[0], 1), jnp.int32),
                       jax.ShapeDtypeStruct((1, TOP_K), jnp.float32)],
        )(points, cent, pp, cc[None, :])
        assign = assign.reshape(-1)
        counts = counts.reshape(-1)
        sums = jax.ops.segment_sum(points, assign, num_segments=TOP_K)
        new_c = sums / jnp.maximum(counts, 1.0)[:, None]
        cent = jnp.where((counts > 0)[:, None], new_c, cent)

    cc = jnp.sum(cent * cent, axis=-1)
    ppk = jnp.sum(keys * keys, axis=-1, keepdims=True)
    kd = pl.pallas_call(
        _kdist_kernel,
        grid=(nchunk,),
        in_specs=[_bat((CHUNK, DIM_HEAD)), _full((TOP_K, DIM_HEAD)),
                  _bat((CHUNK, 1)), _full((1, TOP_K))],
        out_specs=_bat((CHUNK, 1)),
        out_shape=jax.ShapeDtypeStruct((keys.shape[0], 1), jnp.float32),
    )(keys, cent, ppk, cc[None, :])

    kdc = kd.reshape(BH, SEQ, 1)
    kdr = kd.reshape(BH, 1, SEQ)

    out_bh = pl.pallas_call(
        _attn_kernel,
        grid=(BH,),
        in_specs=[_bat((1, SEQ, 1)), _bat((1, 1, SEQ)),
                  _bat((1, DIM_HEAD, SEQ)), _bat((1, DIM_HEAD, SEQ)),
                  _bat((1, DIM_HEAD, SEQ))],
        out_specs=_bat((1, DIM_HEAD, SEQ)),
        out_shape=jax.ShapeDtypeStruct((BH, DIM_HEAD, SEQ), jnp.float32),
    )(kdc, kdr, q_cm, k_cm, v_cm)

    cat = out_bh.reshape(B, INNER, SEQ)

    o3 = pl.pallas_call(
        _outproj_kernel,
        grid=(B,),
        in_specs=[_bat((1, INNER, SEQ)), _full((DIM, INNER)),
                  _bat((1, DIM, SEQ)), _full((DIM, 1)), _full((DIM, 1)),
                  _full((1, 1))],
        out_specs=_bat((1, DIM, SEQ)),
        out_shape=jax.ShapeDtypeStruct((B, DIM, SEQ), jnp.float32),
    )(cat, W_out, query_source.reshape(B, DIM, SEQ),
      g_on.reshape(DIM, 1), b_on.reshape(DIM, 1), gamma.reshape(1, 1))

    return o3.reshape(b, c, H, W)

# --- scband reference (transcript-rebuilt; emitter-appended) ---
"""Pipeline reference for scband-dpca2-d-30477087932761 (READ-ONLY COPY).

The authoritative reference and input builder live on the scoring server;
editing this copy changes nothing except your own understanding.
"""

import jax, jax.numpy as jnp
import numpy as np

DIM = 384
DIM_HEAD = 64
HEADS = 8
TOP_K = 256
EPS = 1e-5
KM_ITERS = 5
INNER = DIM_HEAD * HEADS


def _chan_ln(x, g, b):
    mean = jnp.mean(x, axis=1, keepdims=True)
    var = jnp.var(x, axis=1, keepdims=True)
    return (x - mean) / jnp.sqrt(var + EPS) * g + b


def _l2norm(t):
    n = jnp.sqrt(jnp.sum(t * t, axis=1, keepdims=True))
    return t / jnp.maximum(n, 1e-12)


def _sqdist(x, c):
    return jnp.sum(x * x, axis=-1, keepdims=True) - 2.0 * (x @ c.T) + jnp.sum(c * c, axis=-1)[None, :]


def _kmeans_fit(points, k):
    centroids = points[:k]
    for _ in range(KM_ITERS):
        assign = jnp.argmin(_sqdist(points, centroids), axis=1)
        sums = jax.ops.segment_sum(points, assign, num_segments=k)
        counts = jax.ops.segment_sum(jnp.ones((points.shape[0],), points.dtype), assign, num_segments=k)
        new_c = sums / jnp.maximum(counts, 1.0)[:, None]
        centroids = jnp.where((counts > 0)[:, None], new_c, centroids)
    return centroids


def _select_best_ind(q, k, v, top_k):
    bh, seq, d = k.shape
    centroids = _kmeans_fit(q.reshape(-1, d), top_k)
    k_ind = jnp.argmin(_sqdist(k.reshape(-1, d), centroids), axis=1).reshape(bh, seq)
    centers = centroids[k_ind]
    kdist = jnp.sum(jnp.abs(centers - k), axis=-1)
    best = jnp.argsort(-kdist, axis=1)[:, :top_k]
    idx = jnp.broadcast_to(best[:, :, None], (bh, top_k, d))
    return jnp.take_along_axis(k, idx, axis=1), jnp.take_along_axis(v, idx, axis=1)


def _fold_heads(t):
    b, hc, H, W = t.shape
    return t.reshape(b, HEADS, hc // HEADS, H, W).reshape(b * HEADS, hc // HEADS, H, W)


def _flatten_hw(t):
    return jnp.transpose(t, (0, 2, 3, 1)).reshape(t.shape[0], -1, t.shape[1])


def _forward(query_source, context, g_ctx, b_ctx, g_qs, b_qs, g_on, b_on, W_q, W_kv, W_out, gamma):
    b, c, Hq, Wq = query_source.shape
    ctx = _chan_ln(context, g_ctx, b_ctx)
    qs = _chan_ln(query_source, g_qs, b_qs)
    kv = jnp.einsum('oc,bchw->bohw', W_kv, ctx)
    k, v = jnp.split(kv, 2, axis=1)
    q = jnp.einsum('oc,bchw->bohw', W_q, qs)
    q = _fold_heads(q)
    k = _fold_heads(k)
    v = _fold_heads(v)
    q = _l2norm(q)
    k = _l2norm(k)
    q = _flatten_hw(q)
    k = _flatten_hw(k)
    v = _flatten_hw(v)
    k, v = _select_best_ind(q, k, v, TOP_K)
    sim = jnp.einsum('bid,bjd->bij', q, k)
    attn = jax.nn.softmax(sim, axis=-1)
    out = jnp.einsum('bij,bjd->bid', attn, v)
    out = out.reshape(b, HEADS, Hq, Wq, DIM_HEAD)
    out = jnp.transpose(out, (0, 1, 4, 2, 3)).reshape(b, HEADS * DIM_HEAD, Hq, Wq)
    out = jnp.einsum('oc,bchw->bohw', W_out, out)
    out = _chan_ln(out, g_on, b_on)
    return gamma * out + query_source


def setup_inputs(seed: int = 0):
    key = jax.random.key(seed)
    ks = [jax.random.fold_in(key, i) for i in range(16)]
    B, Hq, Wq = 4, 32, 32
    inp = {}
    inp['query_source'] = jax.random.normal(ks[0], (B, DIM, Hq, Wq), jnp.float32)
    inp['context'] = jax.random.normal(ks[1], (B, DIM, Hq, Wq), jnp.float32)
    inp['g_ctx'] = jnp.ones((1, DIM, 1, 1), jnp.float32)
    inp['b_ctx'] = jnp.zeros((1, DIM, 1, 1), jnp.float32)
    inp['g_qs'] = jnp.ones((1, DIM, 1, 1), jnp.float32)
    inp['b_qs'] = jnp.zeros((1, DIM, 1, 1), jnp.float32)
    inp['g_on'] = jnp.ones((1, DIM, 1, 1), jnp.float32)
    inp['b_on'] = jnp.zeros((1, DIM, 1, 1), jnp.float32)
    inp['W_q'] = jax.random.normal(ks[2], (INNER, DIM), jnp.float32) * 0.02
    inp['W_kv'] = jax.random.normal(ks[3], (INNER * 2, DIM), jnp.float32) * 0.02
    inp['W_out'] = jax.random.normal(ks[4], (DIM, INNER), jnp.float32) * 0.02
    inp['gamma'] = jax.random.normal(ks[5], (1,), jnp.float32) * 0.1
    return inp


def reference(query_source, context, g_ctx, b_ctx, g_qs, b_qs, g_on, b_on, W_q, W_kv, W_out, gamma):
    return _forward(query_source, context, g_ctx, b_ctx, g_qs, b_qs, g_on, b_on, W_q, W_kv, W_out, gamma)

if __name__ == "__main__":
    import jax
    _d = setup_inputs()
    print(jax.jit(kernel)(*tuple(_d.values())))

</pallas_src>

<mosaic_0001>
module attributes {stable_mosaic.version = 14 : i64} {
  func.func @_qproj_kernel(%arg0: i32, %arg1: memref<1x384x1024xf32, #tpu.memory_space<vmem>>, %arg2: memref<512x384xf32, #tpu.memory_space<vmem>>, %arg3: memref<1x1024x512xf32, #tpu.memory_space<vmem>>) attributes {dimension_semantics = [#tpu.dimension_semantics<arbitrary>], iteration_bounds = array<i64: 4>, scalar_prefetch = 0 : i64, scratch_operands = 0 : i64, tpu.core_type = #tpu.core_type<tc>, window_params = [{transform_indices = @transform_0, window_bounds = array<i64: 1, 384, 1024>}, {pipeline_mode = #tpu.pipeline_mode<synchronous>, transform_indices = @transform_1, window_bounds = array<i64: 512, 384>}, {transform_indices = @transform_2, window_bounds = array<i64: 1, 1024, 512>}]} {
    %get3A = arith.constant 0 : index
    %get3A_0 = arith.constant 0 : index
    %get3A_1 = arith.constant 0 : index
    %get3A_2 = vector.load %arg1[%get3A, %get3A_0, %get3A_1] : memref<1x384x1024xf32, #tpu.memory_space<vmem>>, vector<1x384x1024xf32>
    %get3A_3 = vector.shape_cast %get3A_2 : vector<1x384x1024xf32> to vector<384x1024xf32>
    %get3A_4 = arith.constant 0 : index
    %get3A_5 = arith.constant 0 : index
    %get3A_6 = vector.load %arg2[%get3A_4, %get3A_5] : memref<512x384xf32, #tpu.memory_space<vmem>>, vector<512x384xf32>
    %dot_general3A = arith.constant dense<0.000000e+00> : vector<1024x512xf32>
    %dot_general3A_7 = tpu.matmul %get3A_3, %get3A_6, %dot_general3A {dimension_numbers = #tpu.dot_dimension_numbers<[0], [1], [1], [0], [0, 1, 1, 0], [], []>, transpose_lhs_hint = false} : vector<384x1024xf32>, vector<512x384xf32>, vector<1024x512xf32> -> vector<1024x512xf32>
    %swap3A = arith.constant 0 : index
    %swap3A_8 = arith.constant 0 : index
    %swap3A_9 = arith.constant 0 : index
    %swap3A_10 = vector.load %arg3[%swap3A, %swap3A_8, %swap3A_9] : memref<1x1024x512xf32, #tpu.memory_space<vmem>>, vector<1x1024x512xf32>
    %swap3A_11 = vector.shape_cast %swap3A_10 : vector<1x1024x512xf32> to vector<1024x512xf32>
    %swap3A_12 = vector.shape_cast %dot_general3A_7 : vector<1024x512xf32> to vector<1x1024x512xf32>
    tpu.vector_store %arg3[%swap3A, %swap3A_8, %swap3A_9], %swap3A_12 {strides = array<i32>} : memref<1x1024x512xf32, #tpu.memory_space<vmem>>, vector<1x1024x512xf32>,
    return
  }
  func.func @transform_0(%arg0: i32) -> (i32, i32, i32) {
    %c0_i32 = arith.constant 0 : i32
    %c0_i32_0 = arith.constant 0 : i32
    %c0_i32_1 = arith.constant 0 : i32
    return %arg0, %c0_i32, %c0_i32_0 : i32, i32, i32
  }
  func.func @transform_1(%arg0: i32) -> (i32, i32) {
    %c0_i32 = arith.constant 0 : i32
    %c0_i32_0 = arith.constant 0 : i32
    %c0_i32_1 = arith.constant 0 : i32
    return %c0_i32, %c0_i32_0 : i32, i32
  }
  func.func @transform_2(%arg0: i32) -> (i32, i32, i32) {
    %c0_i32 = arith.constant 0 : i32
    %c0_i32_0 = arith.constant 0 : i32
    %c0_i32_1 = arith.constant 0 : i32
    return %arg0, %c0_i32, %c0_i32_0 : i32, i32, i32
  }
}

module attributes {stable_mosaic.version = 14 : i64} {
  func.func @_assign_kernel(%arg0: i32, %arg1: memref<4096x64xf32, #tpu.memory_space<vmem>>, %arg2: memref<256x64xf32, #tpu.memory_space<vmem>>, %arg3: memref<4096x1xf32, #tpu.memory_space<vmem>>, %arg4: memref<1x256xf32, #tpu.memory_space<vmem>>, %arg5: memref<4096x1xi32, #tpu.memory_space<vmem>>, %arg6: memref<1x256xf32, #tpu.memory_space<vmem>>) attributes {dimension_semantics = [#tpu.dimension_semantics<arbitrary>], iteration_bounds = array<i64: 8>, scalar_prefetch = 0 : i64, scratch_operands = 0 : i64, tpu.core_type = #tpu.core_type<tc>, window_params = [{transform_indices = @transform_0, window_bounds = array<i64: 4096, 64>}, {pipeline_mode = #tpu.pipeline_mode<synchronous>, transform_indices = @transform_1, window_bounds = array<i64: 256, 64>}, {transform_indices = @transform_2, window_bounds = array<i64: 4096, 1>}, {pipeline_mode = #tpu.pipeline_mode<synchronous>, transform_indices = @transform_3, window_bounds = array<i64: 1, 256>}, {transform_indices = @transform_4, window_bounds = array<i64: 4096, 1>}, {pipeline_mode = #tpu.pipeline_mode<synchronous>, transform_indices = @transform_5, window_bounds = array<i64: 1, 256>}]} {
    %get3A = arith.constant 0 : index
    %get3A_0 = arith.constant 0 : index
    %get3A_1 = vector.load %arg1[%get3A, %get3A_0] : memref<4096x64xf32, #tpu.memory_space<vmem>>, vector<4096x64xf32>
    %get3A_2 = arith.constant 0 : index
    %get3A_3 = arith.constant 0 : index
    %get3A_4 = vector.load %arg2[%get3A_2, %get3A_3] : memref<256x64xf32, #tpu.memory_space<vmem>>, vector<256x64xf32>
    %dot_general3A = arith.constant dense<0.000000e+00> : vector<4096x256xf32>
    %dot_general3A_5 = tpu.matmul %get3A_1, %get3A_4, %dot_general3A {dimension_numbers = #tpu.dot_dimension_numbers<[1], [1], [0], [0], [0, 0, 1, 0], [], []>, transpose_lhs_hint = false} : vector<4096x64xf32>, vector<256x64xf32>, vector<4096x256xf32> -> vector<4096x256xf32>
    %get3A_6 = arith.constant 0 : index
    %get3A_7 = arith.constant 0 : index
    %get3A_8 = vector.load %arg3[%get3A_6, %get3A_7] : memref<4096x1xf32, #tpu.memory_space<vmem>>, vector<4096x1xf32>
    %mul3A = arith.constant 2.000000e+00 : f32
    %mul3A_9 = vector.broadcast %mul3A : f32 to vector<4096x256xf32>
    %mul3A_10 = arith.mulf %mul3A_9, %dot_general3A_5 : vector<4096x256xf32>
    %sub3A = vector.broadcast %get3A_8 : vector<4096x1xf32> to vector<4096x256xf32>
    %sub3A_11 = arith.subf %sub3A, %mul3A_10 : vector<4096x256xf32>
    %get3A_12 = arith.constant 0 : index
    %get3A_13 = arith.constant 0 : index
    %get3A_14 = vector.load %arg4[%get3A_12, %get3A_13] : memref<1x256xf32, #tpu.memory_space<vmem>>, vector<1x256xf32>
    %add3A = vector.broadcast %get3A_14 : vector<1x256xf32> to vector<4096x256xf32>
    %add3A_15 = arith.addf %sub3A_11, %add3A : vector<4096x256xf32>
    %argmin3A = tpu.reduce_index %add3A_15 {axis = 1 : i32, kind = #tpu.reduction_kind<arg_min>} : vector<4096x256xf32> -> vector<4096xi32>
    %broadcast_in_dim3A = vector.shape_cast %argmin3A : vector<4096xi32> to vector<4096x1xi32>
    %swap3A = arith.constant 0 : index
    %swap3A_16 = arith.constant 0 : index
    %swap3A_17 = vector.load %arg5[%swap3A, %swap3A_16] : memref<4096x1xi32, #tpu.memory_space<vmem>>, vector<4096x1xi32>
    tpu.vector_store %arg5[%swap3A, %swap3A_16], %broadcast_in_dim3A {strides = array<i32>} : memref<4096x1xi32, #tpu.memory_space<vmem>>, vector<4096x1xi32>,
    %iota3A = tpu.iota {dimensions = array<i32: 1>} : vector<4096x256xi32>
    %eq3A = vector.broadcast %broadcast_in_dim3A : vector<4096x1xi32> to vector<4096x256xi32>
    %eq3A_18 = arith.cmpi eq, %eq3A, %iota3A : vector<4096x256xi32>
    %convert_element_type3A = arith.extui %eq3A_18 : vector<4096x256xi1> to vector<4096x256xi32>
    %convert_element_type3A_19 = arith.sitofp %convert_element_type3A : vector<4096x256xi32> to vector<4096x256xf32>
    %broadcast_in_dim3A_20 = arith.constant 1.000000e+00 : f32
    %broadcast_in_dim3A_21 = vector.broadcast %broadcast_in_dim3A_20 : f32 to vector<1x4096xf32>
    %dot_general3A_22 = arith.constant dense<0.000000e+00> : vector<1x256xf32>
    %dot_general3A_23 = tpu.matmul %broadcast_in_dim3A_21, %convert_element_type3A_19, %dot_general3A_22 {dimension_numbers = #tpu.dot_dimension_numbers<[1], [0], [0], [1], [0, 0, 1, 1], [], []>, transpose_lhs_hint = false} : vector<1x4096xf32>, vector<4096x256xf32>, vector<1x256xf32> -> vector<1x256xf32>
    %eq3A_24 = arith.constant 0 : i32
    %eq3A_25 = arith.cmpi eq, %arg0, %eq3A_24 : i32
    %convert_element_type3A_26 = arith.extui %eq3A_25 : i1 to i32
    %cond3A = arith.constant 0 : i32
    %cond3A_27 = arith.cmpi ne, %convert_element_type3A_26, %cond3A : i32
    scf.if %cond3A_27 {
      %swap3A_32 = arith.constant 0 : index
      %swap3A_33 = arith.constant 0 : index
      %swap3A_34 = vector.load %arg6[%swap3A_32, %swap3A_33] : memref<1x256xf32, #tpu.memory_space<vmem>>, vector<1x256xf32>
      tpu.vector_store %arg6[%swap3A_32, %swap3A_33], %dot_general3A_23 {strides = array<i32>} : memref<1x256xf32, #tpu.memory_space<vmem>>, vector<1x256xf32>,
    } else {
    }
    %gt3A = arith.constant 0 : i32
    %gt3A_28 = arith.cmpi sgt, %arg0, %gt3A : i32
    %convert_element_type3A_29 = arith.extui %gt3A_28 : i1 to i32
    %cond3A_30 = arith.constant 0 : i32
    %cond3A_31 = arith.cmpi ne, %convert_element_type3A_29, %cond3A_30 : i32
    scf.if %cond3A_31 {
      %get3A_32 = arith.constant 0 : index
      %get3A_33 = arith.constant 0 : index
      %get3A_34 = vector.load %arg6[%get3A_32, %get3A_33] : memref<1x256xf32, #tpu.memory_space<vmem>>, vector<1x256xf32>
      %add3A_35 = arith.addf %get3A_34, %dot_general3A_23 : vector<1x256xf32>
      %swap3A_36 = arith.constant 0 : index
      %swap3A_37 = arith.constant 0 : index
      %swap3A_38 = vector.load %arg6[%swap3A_36, %swap3A_37] : memref<1x256xf32, #tpu.memory_space<vmem>>, vector<1x256xf32>
      tpu.vector_store %arg6[%swap3A_36, %swap3A_37], %add3A_35 {strides = array<i32>} : memref<1x256xf32, #tpu.memory_space<vmem>>, vector<1x256xf32>,
    } else {
    }
    return
  }
  func.func @transform_0(%arg0: i32) -> (i32, i32) {
    %c0_i32 = arith.constant 0 : i32
    %c0_i32_0 = arith.constant 0 : i32
    return %arg0, %c0_i32 : i32, i32
  }
  func.func @transform_1(%arg0: i32) -> (i32, i32) {
    %c0_i32 = arith.constant 0 : i32
    %c0_i32_0 = arith.constant 0 : i32
    %c0_i32_1 = arith.constant 0 : i32
    return %c0_i32, %c0_i32_0 : i32, i32
  }
  func.func @transform_2(%arg0: i32) -> (i32, i32) {
    %c0_i32 = arith.constant 0 : i32
    %c0_i32_0 = arith.constant 0 : i32
    return %arg0, %c0_i32 : i32, i32
  }
  func.func @transform_3(%arg0: i32) -> (i32, i32) {
    %c0_i32 = arith.constant 0 : i32
    %c0_i32_0 = arith.constant 0 : i32
    %c0_i32_1 = arith.constant 0 : i32
    return %c0_i32, %c0_i32_0 : i32, i32
  }
  func.func @transform_4(%arg0: i32) -> (i32, i32) {
    %c0_i32 = arith.constant 0 : i32
    %c0_i32_0 = arith.constant 0 : i32
    return %arg0, %c0_i32 : i32, i32
  }
  func.func @transform_5(%arg0: i32) -> (i32, i32) {
    %c0_i32 = arith.constant 0 : i32
    %c0_i32_0 = arith.constant 0 : i32
    %c0_i32_1 = arith.constant 0 : i32
    return %c0_i32, %c0_i32_0 : i32, i32
  }
}

module attributes {stable_mosaic.version = 14 : i64} {
  func.func @_kvproj_kernel(%arg0: i32, %arg1: memref<1x384x1024xf32, #tpu.memory_space<vmem>>, %arg2: memref<1024x384xf32, #tpu.memory_space<vmem>>, %arg3: memref<1x1024x1024xf32, #tpu.memory_space<vmem>>) attributes {dimension_semantics = [#tpu.dimension_semantics<arbitrary>], iteration_bounds = array<i64: 4>, scalar_prefetch = 0 : i64, scratch_operands = 0 : i64, tpu.core_type = #tpu.core_type<tc>, window_params = [{transform_indices = @transform_0, window_bounds = array<i64: 1, 384, 1024>}, {pipeline_mode = #tpu.pipeline_mode<synchronous>, transform_indices = @transform_1, window_bounds = array<i64: 1024, 384>}, {transform_indices = @transform_2, window_bounds = array<i64: 1, 1024, 1024>}]} {
    %get3A = arith.constant 0 : index
    %get3A_0 = arith.constant 0 : index
    %get3A_1 = arith.constant 0 : index
    %get3A_2 = vector.load %arg1[%get3A, %get3A_0, %get3A_1] : memref<1x384x1024xf32, #tpu.memory_space<vmem>>, vector<1x384x1024xf32>
    %get3A_3 = vector.shape_cast %get3A_2 : vector<1x384x1024xf32> to vector<384x1024xf32>
    %get3A_4 = arith.constant 0 : index
    %get3A_5 = arith.constant 0 : index
    %get3A_6 = vector.load %arg2[%get3A_4, %get3A_5] : memref<1024x384xf32, #tpu.memory_space<vmem>>, vector<1024x384xf32>
    %dot_general3A = arith.constant dense<0.000000e+00> : vector<1024x1024xf32>
    %dot_general3A_7 = tpu.matmul %get3A_3, %get3A_6, %dot_general3A {dimension_numbers = #tpu.dot_dimension_numbers<[0], [1], [1], [0], [0, 1, 1, 0], [], []>, transpose_lhs_hint = false} : vector<384x1024xf32>, vector<1024x384xf32>, vector<1024x1024xf32> -> vector<1024x1024xf32>
    %swap3A = arith.constant 0 : index
    %swap3A_8 = arith.constant 0 : index
    %swap3A_9 = arith.constant 0 : index
    %swap3A_10 = vector.load %arg3[%swap3A, %swap3A_8, %swap3A_9] : memref<1x1024x1024xf32, #tpu.memory_space<vmem>>, vector<1x1024x1024xf32>
    %swap3A_11 = vector.shape_cast %swap3A_10 : vector<1x1024x1024xf32> to vector<1024x1024xf32>
    %swap3A_12 = vector.shape_cast %dot_general3A_7 : vector<1024x1024xf32> to vector<1x1024x1024xf32>
    tpu.vector_store %arg3[%swap3A, %swap3A_8, %swap3A_9], %swap3A_12 {strides = array<i32>} : memref<1x1024x1024xf32, #tpu.memory_space<vmem>>, vector<1x1024x1024xf32>,
    return
  }
  func.func @transform_0(%arg0: i32) -> (i32, i32, i32) {
    %c0_i32 = arith.constant 0 : i32
    %c0_i32_0 = arith.constant 0 : i32
    %c0_i32_1 = arith.constant 0 : i32
    return %arg0, %c0_i32, %c0_i32_0 : i32, i32, i32
  }
  func.func @transform_1(%arg0: i32) -> (i32, i32) {
    %c0_i32 = arith.constant 0 : i32
    %c0_i32_0 = arith.constant 0 : i32
    %c0_i32_1 = arith.constant 0 : i32
    return %c0_i32, %c0_i32_0 : i32, i32
  }
  func.func @transform_2(%arg0: i32) -> (i32, i32, i32) {
    %c0_i32 = arith.constant 0 : i32
    %c0_i32_0 = arith.constant 0 : i32
    %c0_i32_1 = arith.constant 0 : i32
    return %arg0, %c0_i32, %c0_i32_0 : i32, i32, i32
  }
}

module attributes {stable_mosaic.version = 14 : i64} {
  func.func @_kdist_kernel(%arg0: i32, %arg1: memref<4096x64xf32, #tpu.memory_space<vmem>>, %arg2: memref<256x64xf32, #tpu.memory_space<vmem>>, %arg3: memref<4096x1xf32, #tpu.memory_space<vmem>>, %arg4: memref<1x256xf32, #tpu.memory_space<vmem>>, %arg5: memref<4096x1xf32, #tpu.memory_space<vmem>>) attributes {dimension_semantics = [#tpu.dimension_semantics<arbitrary>], iteration_bounds = array<i64: 8>, scalar_prefetch = 0 : i64, scratch_operands = 0 : i64, tpu.core_type = #tpu.core_type<tc>, window_params = [{transform_indices = @transform_0, window_bounds = array<i64: 4096, 64>}, {pipeline_mode = #tpu.pipeline_mode<synchronous>, transform_indices = @transform_1, window_bounds = array<i64: 256, 64>}, {transform_indices = @transform_2, window_bounds = array<i64: 4096, 1>}, {pipeline_mode = #tpu.pipeline_mode<synchronous>, transform_indices = @transform_3, window_bounds = array<i64: 1, 256>}, {transform_indices = @transform_4, window_bounds = array<i64: 4096, 1>}]} {
    %get3A = arith.constant 0 : index
    %get3A_0 = arith.constant 0 : index
    %get3A_1 = vector.load %arg1[%get3A, %get3A_0] : memref<4096x64xf32, #tpu.memory_space<vmem>>, vector<4096x64xf32>
    %get3A_2 = arith.constant 0 : index
    %get3A_3 = arith.constant 0 : index
    %get3A_4 = vector.load %arg2[%get3A_2, %get3A_3] : memref<256x64xf32, #tpu.memory_space<vmem>>, vector<256x64xf32>
    %dot_general3A = arith.constant dense<0.000000e+00> : vector<4096x256xf32>
    %dot_general3A_5 = tpu.matmul %get3A_1, %get3A_4, %dot_general3A {dimension_numbers = #tpu.dot_dimension_numbers<[1], [1], [0], [0], [0, 0, 1, 0], [], []>, transpose_lhs_hint = false} : vector<4096x64xf32>, vector<256x64xf32>, vector<4096x256xf32> -> vector<4096x256xf32>
    %get3A_6 = arith.constant 0 : index
    %get3A_7 = arith.constant 0 : index
    %get3A_8 = vector.load %arg3[%get3A_6, %get3A_7] : memref<4096x1xf32, #tpu.memory_space<vmem>>, vector<4096x1xf32>
    %mul3A = arith.constant 2.000000e+00 : f32
    %mul3A_9 = vector.broadcast %mul3A : f32 to vector<4096x256xf32>
    %mul3A_10 = arith.mulf %mul3A_9, %dot_general3A_5 : vector<4096x256xf32>
    %sub3A = vector.broadcast %get3A_8 : vector<4096x1xf32> to vector<4096x256xf32>
    %sub3A_11 = arith.subf %sub3A, %mul3A_10 : vector<4096x256xf32>
    %get3A_12 = arith.constant 0 : index
    %get3A_13 = arith.constant 0 : index
    %get3A_14 = vector.load %arg4[%get3A_12, %get3A_13] : memref<1x256xf32, #tpu.memory_space<vmem>>, vector<1x256xf32>
    %add3A = vector.broadcast %get3A_14 : vector<1x256xf32> to vector<4096x256xf32>
    %add3A_15 = arith.addf %sub3A_11, %add3A : vector<4096x256xf32>
    %argmin3A = tpu.reduce_index %add3A_15 {axis = 1 : i32, kind = #tpu.reduction_kind<arg_min>} : vector<4096x256xf32> -> vector<4096xi32>
    %broadcast_in_dim3A = vector.shape_cast %argmin3A : vector<4096xi32> to vector<4096x1xi32>
    %iota3A = tpu.iota {dimensions = array<i32: 1>} : vector<4096x256xi32>
    %eq3A = vector.broadcast %broadcast_in_dim3A : vector<4096x1xi32> to vector<4096x256xi32>
    %eq3A_16 = arith.cmpi eq, %eq3A, %iota3A : vector<4096x256xi32>
    %convert_element_type3A = arith.extui %eq3A_16 : vector<4096x256xi1> to vector<4096x256xi32>
    %convert_element_type3A_17 = arith.sitofp %convert_element_type3A : vector<4096x256xi32> to vector<4096x256xf32>
    %get3A_18 = arith.constant 0 : index
    %get3A_19 = arith.constant 0 : index
    %get3A_20 = vector.load %arg2[%get3A_18, %get3A_19] : memref<256x64xf32, #tpu.memory_space<vmem>>, vector<256x64xf32>
    %dot_general3A_21 = arith.constant dense<0.000000e+00> : vector<4096x64xf32>
    %dot_general3A_22 = tpu.matmul %convert_element_type3A_17, %get3A_20, %dot_general3A_21 {dimension_numbers = #tpu.dot_dimension_numbers<[1], [0], [0], [1], [0, 0, 1, 1], [], []>, precision = #tpu.contract_precision<fp32>, transpose_lhs_hint = false} : vector<4096x256xf32>, vector<256x64xf32>, vector<4096x64xf32> -> vector<4096x64xf32>
    %get3A_23 = arith.constant 0 : index
    %get3A_24 = arith.constant 0 : index
    %get3A_25 = vector.load %arg1[%get3A_23, %get3A_24] : memref<4096x64xf32, #tpu.memory_space<vmem>>, vector<4096x64xf32>
    %sub3A_26 = arith.subf %dot_general3A_22, %get3A_25 : vector<4096x64xf32>
    %abs3A = math.absf %sub3A_26 : vector<4096x64xf32>
    %reduce_sum3A = arith.constant dense<0.000000e+00> : vector<4096xf32>
    %reduce_sum3A_27 = vector.multi_reduction <add>, %abs3A, %reduce_sum3A [1] : vector<4096x64xf32> to vector<4096xf32>
    %broadcast_in_dim3A_28 = vector.shape_cast %reduce_sum3A_27 : vector<4096xf32> to vector<4096x1xf32>
    %swap3A = arith.constant 0 : index
    %swap3A_29 = arith.constant 0 : index
    %swap3A_30 = vector.load %arg5[%swap3A, %swap3A_29] : memref<4096x1xf32, #tpu.memory_space<vmem>>, vector<4096x1xf32>
    tpu.vector_store %arg5[%swap3A, %swap3A_29], %broadcast_in_dim3A_28 {strides = array<i32>} : memref<4096x1xf32, #tpu.memory_space<vmem>>, vector<4096x1xf32>,
    return
  }
  func.func @transform_0(%arg0: i32) -> (i32, i32) {
    %c0_i32 = arith.constant 0 : i32
    %c0_i32_0 = arith.constant 0 : i32
    return %arg0, %c0_i32 : i32, i32
  }
  func.func @transform_1(%arg0: i32) -> (i32, i32) {
    %c0_i32 = arith.constant 0 : i32
    %c0_i32_0 = arith.constant 0 : i32
    %c0_i32_1 = arith.constant 0 : i32
    return %c0_i32, %c0_i32_0 : i32, i32
  }
  func.func @transform_2(%arg0: i32) -> (i32, i32) {
    %c0_i32 = arith.constant 0 : i32
    %c0_i32_0 = arith.constant 0 : i32
    return %arg0, %c0_i32 : i32, i32
  }
  func.func @transform_3(%arg0: i32) -> (i32, i32) {
    %c0_i32 = arith.constant 0 : i32
    %c0_i32_0 = arith.constant 0 : i32
    %c0_i32_1 = arith.constant 0 : i32
    return %c0_i32, %c0_i32_0 : i32, i32
  }
  func.func @transform_4(%arg0: i32) -> (i32, i32) {
    %c0_i32 = arith.constant 0 : i32
    %c0_i32_0 = arith.constant 0 : i32
    return %arg0, %c0_i32 : i32, i32
  }
}

module attributes {stable_mosaic.version = 14 : i64} {
  func.func @_attn_kernel(%arg0: i32, %arg1: memref<1x1024x1xf32, #tpu.memory_space<vmem>>, %arg2: memref<1x1x1024xf32, #tpu.memory_space<vmem>>, %arg3: memref<1x64x1024xf32, #tpu.memory_space<vmem>>, %arg4: memref<1x64x1024xf32, #tpu.memory_space<vmem>>, %arg5: memref<1x64x1024xf32, #tpu.memory_space<vmem>>, %arg6: memref<1x64x1024xf32, #tpu.memory_space<vmem>>) attributes {dimension_semantics = [#tpu.dimension_semantics<arbitrary>], iteration_bounds = array<i64: 32>, scalar_prefetch = 0 : i64, scratch_operands = 0 : i64, tpu.core_type = #tpu.core_type<tc>, window_params = [{transform_indices = @transform_0, window_bounds = array<i64: 1, 1024, 1>}, {transform_indices = @transform_1, window_bounds = array<i64: 1, 1, 1024>}, {transform_indices = @transform_2, window_bounds = array<i64: 1, 64, 1024>}, {transform_indices = @transform_3, window_bounds = array<i64: 1, 64, 1024>}, {transform_indices = @transform_4, window_bounds = array<i64: 1, 64, 1024>}, {transform_indices = @transform_5, window_bounds = array<i64: 1, 64, 1024>}]} {
    %get3A = arith.constant 0 : index
    %get3A_0 = arith.constant 0 : index
    %get3A_1 = arith.constant 0 : index
    %get3A_2 = vector.load %arg1[%get3A, %get3A_0, %get3A_1] : memref<1x1024x1xf32, #tpu.memory_space<vmem>>, vector<1x1024x1xf32>
    %get3A_3 = vector.shape_cast %get3A_2 : vector<1x1024x1xf32> to vector<1024x1xf32>
    %get3A_4 = arith.constant 0 : index
    %get3A_5 = arith.constant 0 : index
    %get3A_6 = arith.constant 0 : index
    %get3A_7 = vector.load %arg2[%get3A_4, %get3A_5, %get3A_6] : memref<1x1x1024xf32, #tpu.memory_space<vmem>>, vector<1x1x1024xf32>
    %get3A_8 = vector.shape_cast %get3A_7 : vector<1x1x1024xf32> to vector<1x1024xf32>
    %broadcast_in_dim3A = arith.constant 1.000000e+00 : f32
    %broadcast_in_dim3A_9 = vector.broadcast %broadcast_in_dim3A : f32 to vector<1x1024xf32>
    %gt3A = vector.broadcast %get3A_8 : vector<1x1024xf32> to vector<1024x1024xf32>
    %gt3A_10 = vector.broadcast %get3A_3 : vector<1024x1xf32> to vector<1024x1024xf32>
    %gt3A_11 = arith.cmpf ogt, %gt3A, %gt3A_10 : vector<1024x1024xf32>
    %convert_element_type3A = arith.extui %gt3A_11 : vector<1024x1024xi1> to vector<1024x1024xi32>
    %convert_element_type3A_12 = arith.sitofp %convert_element_type3A : vector<1024x1024xi32> to vector<1024x1024xf32>
    %eq3A = vector.broadcast %get3A_8 : vector<1x1024xf32> to vector<1024x1024xf32>
    %eq3A_13 = vector.broadcast %get3A_3 : vector<1024x1xf32> to vector<1024x1024xf32>
    %eq3A_14 = arith.cmpf oeq, %eq3A, %eq3A_13 : vector<1024x1024xf32>
    %convert_element_type3A_15 = arith.extui %eq3A_14 : vector<1024x1024xi1> to vector<1024x1024xi32>
    %convert_element_type3A_16 = arith.sitofp %convert_element_type3A_15 : vector<1024x1024xi32> to vector<1024x1024xf32>
    %dot_general3A = arith.constant dense<0.000000e+00> : vector<1024x1xf32>
    %dot_general3A_17 = tpu.matmul %convert_element_type3A_12, %broadcast_in_dim3A_9, %dot_general3A {dimension_numbers = #tpu.dot_dimension_numbers<[1], [1], [0], [0], [0, 0, 1, 0], [], []>, transpose_lhs_hint = false} : vector<1024x1024xf32>, vector<1x1024xf32>, vector<1024x1xf32> -> vector<1024x1xf32>
    %dot_general3A_18 = arith.constant dense<0.000000e+00> : vector<1024x1xf32>
    %dot_general3A_19 = tpu.matmul %convert_element_type3A_16, %broadcast_in_dim3A_9, %dot_general3A_18 {dimension_numbers = #tpu.dot_dimension_numbers<[1], [1], [0], [0], [0, 0, 1, 0], [], []>, transpose_lhs_hint = false} : vector<1024x1024xf32>, vector<1x1024xf32>, vector<1024x1xf32> -> vector<1024x1xf32>
    %reduce_max3A = vector.shape_cast %dot_general3A_19 : vector<1024x1xf32> to vector<1x1024x1xf32>
    %reduce_max3A_20 = arith.constant dense<0xFF800000> : vector<1xf32>
    %reduce_max3A_21 = vector.multi_reduction <maximumf>, %reduce_max3A, %reduce_max3A_20 [1, 2] : vector<1x1024x1xf32> to vector<1xf32>
    %reduce_max3A_22 = vector.shape_cast %reduce_max3A_21 : vector<1xf32> to vector<1x1x1xf32>
    %reduce_max3A_23 = vector.extract %reduce_max3A_22[0, 0, 0] : f32 from vector<1x1x1xf32>
    %gt3A_24 = arith.constant 1.000000e+00 : f32
    %gt3A_25 = arith.cmpf ogt, %reduce_max3A_23, %gt3A_24 : f32
    %convert_element_type3A_26 = arith.extui %gt3A_25 : i1 to i32
    %cond3A = arith.constant 0 : i32
    %cond3A_27 = arith.cmpi ne, %convert_element_type3A_26, %cond3A : i32
    %cond3A_28 = scf.if %cond3A_27 -> (vector<1024x1xf32>) {
      %iota3A_69 = tpu.iota {dimensions = array<i32: 1>} : vector<1024x1024xi32>
      %iota3A_70 = tpu.iota {dimensions = array<i32: 0>} : vector<1024x1024xi32>
      %lt3A = arith.cmpi slt, %iota3A_69, %iota3A_70 : vector<1024x1024xi32>
      %convert_element_type3A_71 = arith.extui %lt3A : vector<1024x1024xi1> to vector<1024x1024xi32>
      %convert_element_type3A_72 = arith.sitofp %convert_element_type3A_71 : vector<1024x1024xi32> to vector<1024x1024xf32>
      %mul3A = arith.mulf %convert_element_type3A_16, %convert_element_type3A_72 : vector<1024x1024xf32>
      %dot_general3A_73 = arith.constant dense<0.000000e+00> : vector<1024x1xf32>
      %dot_general3A_74 = tpu.matmul %mul3A, %broadcast_in_dim3A_9, %dot_general3A_73 {dimension_numbers = #tpu.dot_dimension_numbers<[1], [1], [0], [0], [0, 0, 1, 0], [], []>, transpose_lhs_hint = false} : vector<1024x1024xf32>, vector<1x1024xf32>, vector<1024x1xf32> -> vector<1024x1xf32>
      scf.yield %dot_general3A_74 : vector<1024x1xf32>
    } else {
      %broadcast_in_dim3A_69 = arith.constant 0.000000e+00 : f32
      %broadcast_in_dim3A_70 = vector.broadcast %broadcast_in_dim3A_69 : f32 to vector<1024x1xf32>
      scf.yield %broadcast_in_dim3A_70 : vector<1024x1xf32>
    }
    %add3A = arith.addf %dot_general3A_17, %cond3A_28 : vector<1024x1xf32>
    %convert_element_type3A_29 = arith.fptosi %add3A : vector<1024x1xf32> to vector<1024x1xi32>
    %iota3A = tpu.iota {dimensions = array<i32: 1>} : vector<1024x256xi32>
    %eq3A_30 = vector.broadcast %convert_element_type3A_29 : vector<1024x1xi32> to vector<1024x256xi32>
    %eq3A_31 = arith.cmpi eq, %eq3A_30, %iota3A : vector<1024x256xi32>
    %convert_element_type3A_32 = arith.extui %eq3A_31 : vector<1024x256xi1> to vector<1024x256xi32>
    %convert_element_type3A_33 = arith.sitofp %convert_element_type3A_32 : vector<1024x256xi32> to vector<1024x256xf32>
    %get3A_34 = arith.constant 0 : index
    %get3A_35 = arith.constant 0 : index
    %get3A_36 = arith.constant 0 : index
    %get3A_37 = vector.load %arg4[%get3A_34, %get3A_35, %get3A_36] : memref<1x64x1024xf32, #tpu.memory_space<vmem>>, vector<1x64x1024xf32>
    %get3A_38 = vector.shape_cast %get3A_37 : vector<1x64x1024xf32> to vector<64x1024xf32>
    %dot_general3A_39 = arith.constant dense<0.000000e+00> : vector<64x256xf32>
    %dot_general3A_40 = tpu.matmul %get3A_38, %convert_element_type3A_33, %dot_general3A_39 {dimension_numbers = #tpu.dot_dimension_numbers<[1], [0], [0], [1], [0, 0, 1, 1], [], []>, precision = #tpu.contract_precision<fp32>, transpose_lhs_hint = false} : vector<64x1024xf32>, vector<1024x256xf32>, vector<64x256xf32> -> vector<64x256xf32>
    %get3A_41 = arith.constant 0 : index
    %get3A_42 = arith.constant 0 : index
    %get3A_43 = arith.constant 0 : index
    %get3A_44 = vector.load %arg5[%get3A_41, %get3A_42, %get3A_43] : memref<1x64x1024xf32, #tpu.memory_space<vmem>>, vector<1x64x1024xf32>
    %get3A_45 = vector.shape_cast %get3A_44 : vector<1x64x1024xf32> to vector<64x1024xf32>
    %dot_general3A_46 = arith.constant dense<0.000000e+00> : vector<64x256xf32>
    %dot_general3A_47 = tpu.matmul %get3A_45, %convert_element_type3A_33, %dot_general3A_46 {dimension_numbers = #tpu.dot_dimension_numbers<[1], [0], [0], [1], [0, 0, 1, 1], [], []>, precision = #tpu.contract_precision<fp32>, transpose_lhs_hint = false} : vector<64x1024xf32>, vector<1024x256xf32>, vector<64x256xf32> -> vector<64x256xf32>
    %get3A_48 = arith.constant 0 : index
    %get3A_49 = arith.constant 0 : index
    %get3A_50 = arith.constant 0 : index
    %get3A_51 = vector.load %arg3[%get3A_48, %get3A_49, %get3A_50] : memref<1x64x1024xf32, #tpu.memory_space<vmem>>, vector<1x64x1024xf32>
    %get3A_52 = vector.shape_cast %get3A_51 : vector<1x64x1024xf32> to vector<64x1024xf32>
    %dot_general3A_53 = arith.constant dense<0.000000e+00> : vector<1024x256xf32>
    %dot_general3A_54 = tpu.matmul %get3A_52, %dot_general3A_40, %dot_general3A_53 {dimension_numbers = #tpu.dot_dimension_numbers<[0], [0], [1], [1], [0, 1, 1, 1], [], []>, transpose_lhs_hint = false} : vector<64x1024xf32>, vector<64x256xf32>, vector<1024x256xf32> -> vector<1024x256xf32>
    %reduce_max3A_55 = arith.constant dense<0xFF800000> : vector<1024xf32>
    %reduce_max3A_56 = vector.multi_reduction <maximumf>, %dot_general3A_54, %reduce_max3A_55 [1] : vector<1024x256xf32> to vector<1024xf32>
    %broadcast_in_dim3A_57 = vector.shape_cast %reduce_max3A_56 : vector<1024xf32> to vector<1024x1xf32>
    %sub3A = vector.broadcast %broadcast_in_dim3A_57 : vector<1024x1xf32> to vector<1024x256xf32>
    %sub3A_58 = arith.subf %dot_general3A_54, %sub3A : vector<1024x256xf32>
    %exp3A = math.exp %sub3A_58 : vector<1024x256xf32>
    %reduce_sum3A = arith.constant dense<0.000000e+00> : vector<1024xf32>
    %reduce_sum3A_59 = vector.multi_reduction <add>, %exp3A, %reduce_sum3A [1] : vector<1024x256xf32> to vector<1024xf32>
    %broadcast_in_dim3A_60 = vector.shape_cast %reduce_sum3A_59 : vector<1024xf32> to vector<1024x1xf32>
    %div3A = vector.broadcast %broadcast_in_dim3A_60 : vector<1024x1xf32> to vector<1024x256xf32>
    %div3A_61 = arith.divf %exp3A, %div3A : vector<1024x256xf32>
    %dot_general3A_62 = arith.constant dense<0.000000e+00> : vector<64x1024xf32>
    %dot_general3A_63 = tpu.matmul %dot_general3A_47, %div3A_61, %dot_general3A_62 {dimension_numbers = #tpu.dot_dimension_numbers<[1], [1], [0], [0], [0, 0, 1, 0], [], []>, transpose_lhs_hint = false} : vector<64x256xf32>, vector<1024x256xf32>, vector<64x1024xf32> -> vector<64x1024xf32>
    %swap3A = arith.constant 0 : index
    %swap3A_64 = arith.constant 0 : index
    %swap3A_65 = arith.constant 0 : index
    %swap3A_66 = vector.load %arg6[%swap3A, %swap3A_64, %swap3A_65] : memref<1x64x1024xf32, #tpu.memory_space<vmem>>, vector<1x64x1024xf32>
    %swap3A_67 = vector.shape_cast %swap3A_66 : vector<1x64x1024xf32> to vector<64x1024xf32>
    %swap3A_68 = vector.shape_cast %dot_general3A_63 : vector<64x1024xf32> to vector<1x64x1024xf32>
    tpu.vector_store %arg6[%swap3A, %swap3A_64, %swap3A_65], %swap3A_68 {strides = array<i32>} : memref<1x64x1024xf32, #tpu.memory_space<vmem>>, vector<1x64x1024xf32>,
    return
  }
  func.func @transform_0(%arg0: i32) -> (i32, i32, i32) {
    %c0_i32 = arith.constant 0 : i32
    %c0_i32_0 = arith.constant 0 : i32
    %c0_i32_1 = arith.constant 0 : i32
    return %arg0, %c0_i32, %c0_i32_0 : i32, i32, i32
  }
  func.func @transform_1(%arg0: i32) -> (i32, i32, i32) {
    %c0_i32 = arith.constant 0 : i32
    %c0_i32_0 = arith.constant 0 : i32
    %c0_i32_1 = arith.constant 0 : i32
    return %arg0, %c0_i32, %c0_i32_0 : i32, i32, i32
  }
  func.func @transform_2(%arg0: i32) -> (i32, i32, i32) {
    %c0_i32 = arith.constant 0 : i32
    %c0_i32_0 = arith.constant 0 : i32
    %c0_i32_1 = arith.constant 0 : i32
    return %arg0, %c0_i32, %c0_i32_0 : i32, i32, i32
  }
  func.func @transform_3(%arg0: i32) -> (i32, i32, i32) {
    %c0_i32 = arith.constant 0 : i32
    %c0_i32_0 = arith.constant 0 : i32
    %c0_i32_1 = arith.constant 0 : i32
    return %arg0, %c0_i32, %c0_i32_0 : i32, i32, i32
  }
  func.func @transform_4(%arg0: i32) -> (i32, i32, i32) {
    %c0_i32 = arith.constant 0 : i32
    %c0_i32_0 = arith.constant 0 : i32
    %c0_i32_1 = arith.constant 0 : i32
    return %arg0, %c0_i32, %c0_i32_0 : i32, i32, i32
  }
  func.func @transform_5(%arg0: i32) -> (i32, i32, i32) {
    %c0_i32 = arith.constant 0 : i32
    %c0_i32_0 = arith.constant 0 : i32
    %c0_i32_1 = arith.constant 0 : i32
    return %arg0, %c0_i32, %c0_i32_0 : i32, i32, i32
  }
}

module attributes {stable_mosaic.version = 14 : i64} {
  func.func @_outproj_kernel(%arg0: i32, %arg1: memref<1x512x1024xf32, #tpu.memory_space<vmem>>, %arg2: memref<384x512xf32, #tpu.memory_space<vmem>>, %arg3: memref<1x384x1024xf32, #tpu.memory_space<vmem>>, %arg4: memref<384x1xf32, #tpu.memory_space<vmem>>, %arg5: memref<384x1xf32, #tpu.memory_space<vmem>>, %arg6: memref<1x1xf32, #tpu.memory_space<vmem>>, %arg7: memref<1x384x1024xf32, #tpu.memory_space<vmem>>) attributes {dimension_semantics = [#tpu.dimension_semantics<arbitrary>], iteration_bounds = array<i64: 4>, scalar_prefetch = 0 : i64, scratch_operands = 0 : i64, tpu.core_type = #tpu.core_type<tc>, window_params = [{transform_indices = @transform_0, window_bounds = array<i64: 1, 512, 1024>}, {pipeline_mode = #tpu.pipeline_mode<synchronous>, transform_indices = @transform_1, window_bounds = array<i64: 384, 512>}, {transform_indices = @transform_2, window_bounds = array<i64: 1, 384, 1024>}, {pipeline_mode = #tpu.pipeline_mode<synchronous>, transform_indices = @transform_3, window_bounds = array<i64: 384, 1>}, {pipeline_mode = #tpu.pipeline_mode<synchronous>, transform_indices = @transform_4, window_bounds = array<i64: 384, 1>}, {pipeline_mode = #tpu.pipeline_mode<synchronous>, transform_indices = @transform_5, window_bounds = array<i64: 1, 1>}, {transform_indices = @transform_6, window_bounds = array<i64: 1, 384, 1024>}]} {
    %get3A = arith.constant 0 : index
    %get3A_0 = arith.constant 0 : index
    %get3A_1 = vector.load %arg2[%get3A, %get3A_0] : memref<384x512xf32, #tpu.memory_space<vmem>>, vector<384x512xf32>
    %get3A_2 = arith.constant 0 : index
    %get3A_3 = arith.constant 0 : index
    %get3A_4 = arith.constant 0 : index
    %get3A_5 = vector.load %arg1[%get3A_2, %get3A_3, %get3A_4] : memref<1x512x1024xf32, #tpu.memory_space<vmem>>, vector<1x512x1024xf32>
    %get3A_6 = vector.shape_cast %get3A_5 : vector<1x512x1024xf32> to vector<512x1024xf32>
    %dot_general3A = arith.constant dense<0.000000e+00> : vector<384x1024xf32>
    %dot_general3A_7 = tpu.matmul %get3A_1, %get3A_6, %dot_general3A {dimension_numbers = #tpu.dot_dimension_numbers<[1], [0], [0], [1], [0, 0, 1, 1], [], []>, transpose_lhs_hint = false} : vector<384x512xf32>, vector<512x1024xf32>, vector<384x1024xf32> -> vector<384x1024xf32>
    %reduce_sum3A = arith.constant dense<0.000000e+00> : vector<1024xf32>
    %reduce_sum3A_8 = vector.multi_reduction <add>, %dot_general3A_7, %reduce_sum3A [0] : vector<384x1024xf32> to vector<1024xf32>
    %broadcast_in_dim3A = vector.shape_cast %reduce_sum3A_8 : vector<1024xf32> to vector<1x1024xf32>
    %div3A = arith.constant 3.840000e+02 : f32
    %div3A_9 = vector.broadcast %div3A : f32 to vector<1x1024xf32>
    %div3A_10 = arith.divf %broadcast_in_dim3A, %div3A_9 : vector<1x1024xf32>
    %sub3A = vector.broadcast %div3A_10 : vector<1x1024xf32> to vector<384x1024xf32>
    %sub3A_11 = arith.subf %dot_general3A_7, %sub3A : vector<384x1024xf32>
    %sub3A_12 = vector.broadcast %div3A_10 : vector<1x1024xf32> to vector<384x1024xf32>
    %sub3A_13 = arith.subf %dot_general3A_7, %sub3A_12 : vector<384x1024xf32>
    %mul3A = arith.mulf %sub3A_11, %sub3A_13 : vector<384x1024xf32>
    %reduce_sum3A_14 = arith.constant dense<0.000000e+00> : vector<1024xf32>
    %reduce_sum3A_15 = vector.multi_reduction <add>, %mul3A, %reduce_sum3A_14 [0] : vector<384x1024xf32> to vector<1024xf32>
    %broadcast_in_dim3A_16 = vector.shape_cast %reduce_sum3A_15 : vector<1024xf32> to vector<1x1024xf32>
    %div3A_17 = arith.constant 3.840000e+02 : f32
    %div3A_18 = vector.broadcast %div3A_17 : f32 to vector<1x1024xf32>
    %div3A_19 = arith.divf %broadcast_in_dim3A_16, %div3A_18 : vector<1x1024xf32>
    %sub3A_20 = vector.broadcast %div3A_10 : vector<1x1024xf32> to vector<384x1024xf32>
    %sub3A_21 = arith.subf %dot_general3A_7, %sub3A_20 : vector<384x1024xf32>
    %add3A = arith.constant 9.99999974E-6 : f32
    %add3A_22 = vector.broadcast %add3A : f32 to vector<1x1024xf32>
    %add3A_23 = arith.addf %div3A_19, %add3A_22 : vector<1x1024xf32>
    %sqrt3A = math.sqrt %add3A_23 : vector<1x1024xf32>
    %div3A_24 = vector.broadcast %sqrt3A : vector<1x1024xf32> to vector<384x1024xf32>
    %div3A_25 = arith.divf %sub3A_21, %div3A_24 : vector<384x1024xf32>
    %get3A_26 = arith.constant 0 : index
    %get3A_27 = arith.constant 0 : index
    %get3A_28 = vector.load %arg4[%get3A_26, %get3A_27] : memref<384x1xf32, #tpu.memory_space<vmem>>, vector<384x1xf32>
    %mul3A_29 = vector.broadcast %get3A_28 : vector<384x1xf32> to vector<384x1024xf32>
    %mul3A_30 = arith.mulf %div3A_25, %mul3A_29 : vector<384x1024xf32>
    %get3A_31 = arith.constant 0 : index
    %get3A_32 = arith.constant 0 : index
    %get3A_33 = vector.load %arg5[%get3A_31, %get3A_32] : memref<384x1xf32, #tpu.memory_space<vmem>>, vector<384x1xf32>
    %add3A_34 = vector.broadcast %get3A_33 : vector<384x1xf32> to vector<384x1024xf32>
    %add3A_35 = arith.addf %mul3A_30, %add3A_34 : vector<384x1024xf32>
    %get3A_36 = arith.constant 0 : index
    %get3A_37 = arith.constant 0 : index
    %get3A_38 = vector.load %arg6[%get3A_36, %get3A_37] : memref<1x1xf32, #tpu.memory_space<vmem>>, vector<1x1xf32>
    %get3A_39 = vector.extract %get3A_38[0, 0] : f32 from vector<1x1xf32>
    %mul3A_40 = vector.broadcast %get3A_39 : f32 to vector<384x1024xf32>
    %mul3A_41 = arith.mulf %mul3A_40, %add3A_35 : vector<384x1024xf32>
    %get3A_42 = arith.constant 0 : index
    %get3A_43 = arith.constant 0 : index
    %get3A_44 = arith.constant 0 : index
    %get3A_45 = vector.load %arg3[%get3A_42, %get3A_43, %get3A_44] : memref<1x384x1024xf32, #tpu.memory_space<vmem>>, vector<1x384x1024xf32>
    %get3A_46 = vector.shape_cast %get3A_45 : vector<1x384x1024xf32> to vector<384x1024xf32>
    %add3A_47 = arith.addf %mul3A_41, %get3A_46 : vector<384x1024xf32>
    %swap3A = arith.constant 0 : index
    %swap3A_48 = arith.constant 0 : index
    %swap3A_49 = arith.constant 0 : index
    %swap3A_50 = vector.load %arg7[%swap3A, %swap3A_48, %swap3A_49] : memref<1x384x1024xf32, #tpu.memory_space<vmem>>, vector<1x384x1024xf32>
    %swap3A_51 = vector.shape_cast %swap3A_50 : vector<1x384x1024xf32> to vector<384x1024xf32>
    %swap3A_52 = vector.shape_cast %add3A_47 : vector<384x1024xf32> to vector<1x384x1024xf32>
    tpu.vector_store %arg7[%swap3A, %swap3A_48, %swap3A_49], %swap3A_52 {strides = array<i32>} : memref<1x384x1024xf32, #tpu.memory_space<vmem>>, vector<1x384x1024xf32>,
    return
  }
  func.func @transform_0(%arg0: i32) -> (i32, i32, i32) {
    %c0_i32 = arith.constant 0 : i32
    %c0_i32_0 = arith.constant 0 : i32
    %c0_i32_1 = arith.constant 0 : i32
    return %arg0, %c0_i32, %c0_i32_0 : i32, i32, i32
  }
  func.func @transform_1(%arg0: i32) -> (i32, i32) {
    %c0_i32 = arith.constant 0 : i32
    %c0_i32_0 = arith.constant 0 : i32
    %c0_i32_1 = arith.constant 0 : i32
    return %c0_i32, %c0_i32_0 : i32, i32
  }
  func.func @transform_2(%arg0: i32) -> (i32, i32, i32) {
    %c0_i32 = arith.constant 0 : i32
    %c0_i32_0 = arith.constant 0 : i32
    %c0_i32_1 = arith.constant 0 : i32
    return %arg0, %c0_i32, %c0_i32_0 : i32, i32, i32
  }
  func.func @transform_3(%arg0: i32) -> (i32, i32) {
    %c0_i32 = arith.constant 0 : i32
    %c0_i32_0 = arith.constant 0 : i32
    %c0_i32_1 = arith.constant 0 : i32
    return %c0_i32, %c0_i32_0 : i32, i32
  }
  func.func @transform_4(%arg0: i32) -> (i32, i32) {
    %c0_i32 = arith.constant 0 : i32
    %c0_i32_0 = arith.constant 0 : i32
    %c0_i32_1 = arith.constant 0 : i32
    return %c0_i32, %c0_i32_0 : i32, i32
  }
  func.func @transform_5(%arg0: i32) -> (i32, i32) {
    %c0_i32 = arith.constant 0 : i32
    %c0_i32_0 = arith.constant 0 : i32
    %c0_i32_1 = arith.constant 0 : i32
    return %c0_i32, %c0_i32_0 : i32, i32
  }
  func.func @transform_6(%arg0: i32) -> (i32, i32, i32) {
    %c0_i32 = arith.constant 0 : i32
    %c0_i32_0 = arith.constant 0 : i32
    %c0_i32_1 = arith.constant 0 : i32
    return %arg0, %c0_i32, %c0_i32_0 : i32, i32, i32
  }
}

</mosaic_0001>

<sc_bundles>
// kernel: scatter_offload_async_start.1
scs
__scs_entry_jumppad:
0x0: {  	(pc) =	sbr.rel $0x88, $3  }
0x1: {  	(tag) =	ssettag $0x0;
	lr =	simm.s32 $0x1  }
0x2: {  	[smem:$0x3F95] =	sst lr;
	_ =	strace $0xD0000000  }
0x3: {  	_ = 	snop  }
0x4: {  	_ = 	snop  }
0x5: {  	_ = 	snop  }
0x6: {  	_ = 	snop  }
0x7: {  	_ = 	snop  }
__scs_overlays_trampoline_lowered:
0x8: {  	[smem:$0x3FA4] =	sst s0  }
0x9: {  	[smem:$0x3FA5] =	sst s1  }
0xa: {  	[smem:$0x3FA6] =	sst s2  }
0xb: {  	[smem:$0x3FA7] =	sst s3  }
0xc: {  	[smem:$0x3FA8] =	sst s4  }
0xd: {  	[smem:$0x3FA9] =	sst s5  }
0xe: {  	[smem:$0x3FAA] =	sst s6  }
0xf: {  	[smem:$0x3FAB] =	sst s7  }
0x10: {  	[smem:$0x3FAC] =	sst s8  }
0x11: {  	[smem:$0x3FAD] =	sst s9;
	s0 =	simm.s32 @!p0 $0x0  }
0x12: {  	s1 =	sld [smem:$0x3F93];
	s0 =	simm.s32 @p0 $0x1  }
0x13: {  	[smem:$0x3FAE] =	sst s0;
	s0 =	simm.s32 @!p1 $0x0  }
0x14: {  	s2 =	sld [smem:$0x3F92];
	s0 =	simm.s32 @p1 $0x1  }
0x15: {  	[smem:$0x3FAF] =	sst s0;
	s0 =	simm.s32 @!p2 $0x0  }
0x16: {  	s3 =	sld [smem:$0x3FDB];
	s0 =	simm.s32 @p2 $0x1  }
0x17: {  	s4 =	simm.s32 $0x1BF5;
	[smem:$0x3FB1] =	sst s0  }
0x18: {  	s0 =	sld [smem:$0x3F94];
	_ =	swait.ge [sflag:s4], $0x0  }
0x19: {  	s7 =	sld [smem:$0x3F95]  }
0x1a: {  	s8 =	sadd.s32 $0xFFFFE003, lr  }
0x1b: {  	s9 =	sadd.s32 $0xFFFFFEF7, lr;
	s5 =	simm.s32 $0xFFFFFFFF;
	p2 =	slt.u32 s8, $0xFFFFF086  }
0x1c: {  	p1 =	slt.u32 s9, $0xF7A;
	s5 =	simm.s32 @!p2 $0x0  }
0x1d: {  	s5 =	simm.s32 @p1 $0x1;
	p0 =	seq.s32 s7, s2  }
0x1e: {  	s7 =	smul.u32 @!p0 $0xF7A, s2;
	p2 =	seq.s32 @!p0 s5, $0x0  }
0x1f: {  	s9 =	smul.u32 $0xF7A, s1;
	s8 =	simm.s32 @!p0 $0x1BF5;
	p2 =	por !p2, p0  }
0x20: {  	[sflag:s8] =	ssyncset.s32 @!p0 $0xFFFFF086;
	s6 =	sadd.s32 @!p0 s3, s7;
	s7 =	simm.s32 @!p0 $0x108  }
0x21: {  	s3 =	sadd.s32 s3, s9;
	s6 =	sadd.s32 @!p0 $0x88, s6;
	s7 =	simm.s32 @p2 $0x1082  }
0x22: {  	[simem:s7], [sflag:s8] =	dma.local @!p0 [hbm:s6], $0xF7A  }
0x23: {  	s9 =	sor.u32 $0xD0000000, s2;
	s6 =	simm.s32 $0x108;
	_ =	swait.ge @!p0 [sflag:s8], $0x0  }
0x24: {  	s3 =	sadd.s32 $0x88, s3;
	s6 =	simm.s32 @!p1 $0x1082;
	[sflag:s4] =	ssyncset.s32 $0xFFFFF086  }
0x25: {  	[simem:s6], [sflag:s4] =	dma.local [hbm:s3], $0xF7A  }
0x26: {  	[smem:$0x3F95] =	sst s1;
	(tag) =	ssettag s2;
	_ =	strace s9  }
0x27: {  	s1 =	sld [smem:$0x3FA5]  }
0x28: {  	s2 =	sld [smem:$0x3FA6]  }
0x29: {  	s4 =	sld [smem:$0x3FA8]  }
0x2a: {  	p0 =	seq.s32 s5, $0x0;
	s5 =	sld [smem:$0x3FA9]  }
0x2b: {  	s6 =	sld [smem:$0x3FAA]  }
0x2c: {  	s7 =	sld [smem:$0x3FAB]  }
0x2d: {  	s3 =	simm.s32 $0x108;
	s8 =	sld [smem:$0x3FAC]  }
0x2e: {  	s3 =	simm.s32 @!p0 $0x1082;
	s9 =	sld [smem:$0x3FAD]  }
0x2f: {  	lr =	sadd.s32 s0, s3;
	s0 =	sld [smem:$0x3FA4]  }
0x30: {  	s3 =	sld [smem:$0x3FA7]  }
0x31: {  	[smem:$0x3FB0] =	sst s10  }
0x32: {  	s10 =	sld [smem:$0x3FAE];
	_ =	sdelay $0x3  }
0x33: {  	p0 =	seq.s32 s10, $0x1;
	s10 =	sld [smem:$0x3FB0];
	_ =	sdelay $0x3  }
0x34: {  	[smem:$0x3FB0] =	sst s10  }
0x35: {  	s10 =	sld [smem:$0x3FAF];
	_ =	sdelay $0x3  }
0x36: {  	p1 =	seq.s32 s10, $0x1;
	s10 =	sld [smem:$0x3FB0];
	_ =	sdelay $0x3  }
0x37: {  	[smem:$0x3FB0] =	sst s10  }
0x38: {  	s10 =	sld [smem:$0x3FB1]  }
0x39: {  	_ = 	snop;
	(pc) =	sbr.ind lr, $3  }
0x3a: {  	_ = 	snop  }
0x3b: {  	_ = 	snop  }
0x3c: {  	p2 =	seq.s32 s10, $0x1;
	s10 =	sld [smem:$0x3FB0]  }
0x3d: {  	_ =	shalt  }
0x3e: {  	_ =	shalt  }
0x3f: {  	_ =	shalt  }
0x40: {  	_ =	shalt  }
0x41: {  	_ =	shalt  }
0x42: {  	_ =	shalt  }
0x43: {  	_ =	shalt  }
0x44: {  	_ =	shalt  }
0x45: {  	_ =	shalt  }
0x46: {  	_ =	shalt  }
0x47: {  	_ =	shalt  }
0x48: {  	_ =	shalt  }
0x49: {  	_ =	shalt  }
0x4a: {  	_ =	shalt  }
0x4b: {  	_ =	shalt  }
0x4c: {  	_ =	shalt  }
0x4d: {  	_ =	shalt  }
0x4e: {  	_ =	shalt  }
0x4f: {  	_ =	shalt  }
0x50: {  	_ =	shalt  }
0x51: {  	_ =	shalt  }
0x52: {  	_ =	shalt  }
0x53: {  	_ =	shalt  }
0x54: {  	_ =	shalt  }
0x55: {  	_ =	shalt  }
0x56: {  	_ =	shalt  }
0x57: {  	_ =	shalt  }
0x58: {  	_ =	shalt  }
0x59: {  	_ =	shalt  }
0x5a: {  	_ =	shalt  }
0x5b: {  	_ =	shalt  }
0x5c: {  	_ =	shalt  }
0x5d: {  	_ =	shalt  }
0x5e: {  	_ =	shalt  }
0x5f: {  	_ =	shalt  }
0x60: {  	_ =	shalt  }
0x61: {  	_ =	shalt  }
0x62: {  	_ =	shalt  }
0x63: {  	_ =	shalt  }
0x64: {  	_ =	shalt  }
0x65: {  	_ =	shalt  }
0x66: {  	_ =	shalt  }
0x67: {  	_ =	shalt  }
0x68: {  	_ =	shalt  }
0x69: {  	_ =	shalt  }
0x6a: {  	_ =	shalt  }
0x6b: {  	_ =	shalt  }
0x6c: {  	_ =	shalt  }
0x6d: {  	_ =	shalt  }
0x6e: {  	_ =	shalt  }
0x6f: {  	_ =	shalt  }
0x70: {  	_ =	shalt  }
0x71: {  	_ =	shalt  }
0x72: {  	_ =	shalt  }
0x73: {  	_ =	shalt  }
0x74: {  	_ =	shalt  }
0x75: {  	_ =	shalt  }
0x76: {  	_ =	shalt  }
0x77: {  	_ =	shalt  }
0x78: {  	_ =	shalt  }
0x79: {  	_ =	shalt  }
0x7a: {  	_ =	shalt  }
0x7b: {  	_ =	shalt  }
0x7c: {  	_ =	shalt  }
0x7d: {  	_ =	shalt  }
0x7e: {  	_ =	shalt  }
0x7f: {  	_ =	shalt  }
0x80: {  	_ =	shalt  }
0x81: {  	_ =	shalt  }
0x82: {  	_ =	shalt  }
0x83: {  	_ =	shalt  }
0x84: {  	_ =	shalt  }
0x85: {  	_ =	shalt  }
0x86: {  	_ =	shalt  }
0x87: {  	_ =	shalt  }
.Lfunc_end0:
.L_simem_size_0:
called_computation.1_lowered:
.L_overlay_start_0:
0x88: {  	s2 =	sld [smem:$0x3FD9]  }
0x89: {  	s3 =	sld [smem:$0x3FFE];
	_ =	sdelay $0x1  }
0x8a: {  	s1 =	srdreg.scid  }
0x8b: {  	s0 =	sand.u32 $0x1, s1  }
0x8c: {  	s15 =	sshll.u32 s0, $0xA;
	s2 =	sadd.s32 s3, s2  }
0x8d: {  	s2 =	sadd.s32 s2, s15  }
0x8e: {  	[smem:$0x3FBC] =	sst s2  }
0x8f: {  	_ = 	snop  }
0x90: {  	(tm) =	ssettm $0x1  }
0x91: {  	s16 =	sld [smem:$0x3FFB];
	_ =	sdelay $0x3  }
0x92: {  	_ =	strace s16  }
0x93: {  	s2 =	sld [smem:$0x3FFC];
	_ =	sdelay $0x3  }
0x94: {  	_ =	strace s2  }
0x95: {  	s2 =	sld [smem:$0x3FFD];
	_ =	sdelay $0x3  }
0x96: {  	_ =	strace s2  }
0x97: {  	_ =	strace $0x8FFFFFFF  }
0x98: {  	s17 =	sld [smem:$0x3FDB];
	_ =	sdelay $0x1  }
0x99: {  	s18 =	simm.s32 $_scs_section_size  }
0x9a: {  	s4 =	simm.s32 $_size__tile_overlayer_lowered;
	s5 =	simm.s32 $_tile_overlayer_lowered  }
0x9b: {  	s6 =	simm.s32 $0x1BFF;
	s19 =	sshll.u32 s5, $0x1;
	s3 =	sadd.s32 s18, s17  }
0x9c: {  	s20 =	simm.s32 $0x0;
	s4 =	sshll.u32 s4, $0x1;
	s5 =	sadd.s32 s19, s3  }
0x9d: {  	[timem:s20], [sflag:s6] =	dma.local [hbm:s5], s4  }
0x9e: {  	_ =	swait.ge [sflag:s6], s4  }
0x9f: {  	s4 =	ssub.s32 $0x0, s4;
	[sflag:s6] =	ssyncset.done $0x0  }
0xa0: {  	[sflag:s6] =	ssyncadd.s32 s4;
	_ =	sdelay $0x1  }
0xa1: {  	s21 =	simm.s32 $0x1B8B  }
0xa2: {  	_ =	swait.ge [sflag:s21], $0x1  }
0xa3: {  	[sflag:s21] =	ssyncset.done $0x0  }
0xa4: {  	s22 =	sld [smem:$0x3FFE];
	[sflag:s21] =	ssyncadd.s32 $0xFFFFFFFF  }
0xa5: {  	s24 =	simm.s32 $0x1B8E;
	s23 =	sld [smem:$0x0]  }
0xa6: {  	s25 =	simm.s32 $execute0_lowered;
	[smem:$0x3FD2] =	sst s24  }
0xa7: {  	s6 =	sshll.u32 s25, $0x1;
	_ =	strace $0x8000004C;
	[dreg:$0x1] =	wrdreg $0xFFFFFFFF  }
0xa8: {  	s7 =	simm.s32 $_size_execute0_lowered;
	s6 =	sadd.s32 s3, s6;
	[dreg:$0x0] =	wrdreg $0x0  }
0xa9: {  	s7 =	sshll.u32 s7, $0x1;
	[dreg:$0x2] =	wrdreg s6  }
0xaa: {  	[dreg:$0x3] =	wrdreg s7  }
0xab: {  	[dreg:$0x4] =	wrdreg $0xC0  }
0xac: {  	s26 =	simm.s32 $execute1_lowered;
	_ =	task [dreg:s20], $0x5FFFF  }
0xad: {  	s6 =	sshll.u32 s26, $0x1;
	[dreg:$0x1] =	wrdreg $0xFFFFFFFF  }
0xae: {  	s3 =	sadd.s32 s3, s6;
	[dreg:$0x0] =	wrdreg $0x60  }
0xaf: {  	[dreg:$0x2] =	wrdreg s3  }
0xb0: {  	[dreg:$0x3] =	wrdreg s22  }
0xb1: {  	[dreg:$0x4] =	wrdreg $0x9  }
0xb2: {  	_ =	task.clear_ibuf [dreg:s20], $0x5FFFF;
	_ =	strace $0x9000004C  }
0xb3: {  	s28 =	simm.s32 $0x9;
	_ =	strace $0x8000004E  }
0xb4: {  	_ =	swait.ge [sflag:s28], $0x1  }
0xb5: {  	[sflag:s28] =	ssyncadd.s32 $0xFFFFFFFF  }
0xb6: {  	_ =	strace $0x9000004E  }
0xb7: {  	s3 =	sld [smem:$0x0]  }
0xb8: {  	s6 =	sand.u32 $0xFFFFFFFE, s1  }
0xb9: {  	p0 =	sne.s32 s1, s6  }
0xba: {  	s6 =	sshll.u32 @p0 s6, $0xE  }
0xbb: {  	s6 =	sadd.s32 @p0 $0x11BF3, s6;
	s7 =	sshll.u32 @p0 s3, $0x11  }
0xbc: {  	s6 =	sor.u32 @p0 s7, s6  }
0xbd: {  	[sflag:s6] =	ssyncadd.remote.s32 @p0 $0x1;
	_ =	sdelay $0x1  }
0xbe: {  	s6 =	simm.s32 @p0 $0x1BF3  }
0xbf: {  	_ =	swait.eq @p0 [sflag:s6], $0x1  }
0xc0: {  	[sflag:s6] =	ssyncadd.s32 @p0 $0xFFFFFFFF  }
0xc1: {  	s7 =	sshll.u32 @!p0 s1, $0xE  }
0xc2: {  	s7 =	sor.u32 @!p0 $0x4000, s7;
	s6 =	simm.s32 @!p0 $0x1BF3  }
0xc3: {  	s3 =	sshll.u32 @!p0 s3, $0x11;
	s7 =	sadd.s32 @!p0 $0x11BF3, s7;
	_ =	swait.eq @!p0 [sflag:s6], $0x1  }
0xc4: {  	s3 =	sor.u32 @!p0 s3, s7;
	[sflag:s6] =	ssyncadd.s32 @!p0 $0xFFFFFFFF  }
0xc5: {  	[sflag:s3] =	ssyncadd.remote.s32 @!p0 $0x1  }
0xc6: {  	_ =	strace $0x8000004F;
	[dreg:$0x1] =	wrdreg $0xFFFFFFFF  }
0xc7: {  	[dreg:$0x0] =	wrdreg $0x2030  }
0xc8: {  	[dreg:$0x2] =	wrdreg s22  }
0xc9: {  	[dreg:$0x3] =	wrdreg s1  }
0xca: {  	[dreg:$0x4] =	wrdreg s23  }
0xcb: {  	[dreg:$0x5] =	wrdreg $0xA  }
0xcc: {  	_ =	task.clear_ibuf [dreg:s20], $0x6FFFF;
	_ =	strace $0x9000004F  }
0xcd: {  	s29 =	simm.s32 $0xA;
	_ =	strace $0x80000051  }
0xce: {  	_ =	swait.ge [sflag:s29], $0x1  }
0xcf: {  	[sflag:s29] =	ssyncadd.s32 $0xFFFFFFFF  }
0xd0: {  	_ =	strace $0x90000051  }
0xd1: {  	_ =	sfence  }
0xd2: {  	s30 =	sld [smem:$0x0];
	_ =	sdelay $0x2  }
0xd3: {  	s31 =	sshll.u32 s1, $0xD;
	s1 =	sshrl.u32 s1, $0x2  }
0xd4: {  	s4 =	sand.u32 $0x4000, s31;
	s1 =	sadd.s32 s1, s30  }
0xd5: {  	s0 =	sor.u32 s4, s0;
	s1 =	sshll.u32 s1, $0x11  }
0xd6: {  	s0 =	sor.u32 s1, s0  }
0xd7: {  	s0 =	sadd.s32 $0x8F2B, s0  }
0xd8: {  	[sflag:s0] =	ssyncadd.remote.s32 $0x1  }
0xd9: {  	_ =	sfence.sel $0xFFFF  }
0xda: {  	[dreg:$0x0] =	wrdreg $0xFFFFFFFF;
	(pc) =	sbr.abs _section_cstart, $3  }
0xdb: {  	[dreg:$0x1] =	wrdreg $0xFFFFFFFF  }
0xdc: {  	_ =	task.clear_ibuf [dreg:s20], $0x2FFFF;
	_ =	strace $0x9FFFFFFF  }
0xdd: {  	(tm) =	ssettm $0x7FFFFFFF  }
tec
execute0_lowered:
.L_overlay_start_1:
0x0: {  	(tag) =	ssettag $0x1  }
0x1: {  	s2 =	rddreg [dreg:$0x0]  }
0x2: {  	s3 =	rddreg [dreg:$0x1]  }
0x3: {  	s0 =	rddreg [dreg:$0x2];
	s4 =	stileid.u32;
	[bflag:$0x3] =	sbarrier.arrive $0xFFFF  }
0x4: {  	s1 =	simm.s32 $_size_execute1_lowered;
	s31 =	srdreg.scid;
	p0 =	sne.s32 s4, $0x0  }
0x5: {  	s1 =	sshll.u32 s1, $0x1;
	s5 =	simm.s32 @!p0 $0x1C3F;
	s6 =	simm.s32 @!p0 $0x4060  }
0x6: {  	[timem:s6], [sflag:s5] =	dma.local @!p0 [hbm:s2], s1  }
0x7: {  	s8 =	simm.s32 $0x2;
	s2 =	sshll.u32 s31, $0x4  }
0x8: {  	s11 =	simm.s32 $0x0;
	s4 =	sshll.u32 s4, $0x5;
	s2 =	sand.u32 $0x10, s2  }
0x9: {  	s9 =	simm.s32 $0x80;
	s10 =	simm.s32 $0x0;
	s2 =	sor.u32 s4, s2  }
0xa: {  	s6 =	simm.s32 $0x3;
	s4 =	sshll.u32 s2, $0x4;
	s5 =	ssub.s32 $0x100, s2  }
0xb: {  	_ =	strace $0x8000004D;
	s4 =	sand.u32 $0xF00, s4;
	p1 =	sgt.s32 s5, $0x0  }
.Ltmp0:
0xc: {  	s7 =	sadd.s32 s4, s3;
	s5 =	simm.s32 @!p1 $0x0;
	(pc) =	sbr.rel .LBB2_1-.Ltmp0, $4  }
0xd: {  	s3 =	sadd.s32 $0x143000, s3;
	s4 =	simm.s32 $0x1;
	s5 =	sand.u32 $0x1F0, s5  }
0xe: {  	[sflag:s4] =	ssyncpa.u1 $0x0;
	s7 =	sadd.s32 $0x142000, s7;
	p1 =	sne.s32 s5, $0x0  }
0xf: {  	s5 =	simm.s32 $0x1;
	[sflag:s8] =	ssyncpa.u1 $0x0;
	s8 =	simm.s32 $0x40  }
0x10: {  	s5 =	simm.s32 @!p1 $0x0;
	s6 =	simm.s32 @!p1 $0x2;
	p1 =	por $0x0, $0x0  }
.LBB2_4:
0x11: {  	_ =	sdelay $0x3  }
0x12: {  	[tilespmem:v2+s12+$0x30 ss:$0x1] =	vst.idx.msk $0xffff, v1  }
0x13: {  	[tilespmem:v2+s12+$0x0 ss:$0x1] =	vst.idx.msk $0xffff, v3;
	s11 =	sshll.u32 s11, $0x4  }
0x14: {  	[tilespmem:v2+s12+$0x10 ss:$0x1] =	vst.idx.msk $0xffff, v4;
	s11 =	sand.u32 $0xFF0, s11  }
0x15: {  	[tilespmem:v2+s12+$0x20 ss:$0x1] =	vst.idx.msk $0xffff, v5;
	s11 =	sadd.s32 s3, s11  }
0x16: {  	[hbm4b:s11+s8] =	stream.strided.scatter [tilespmem:s13], [sflag:$0x2], $0x400, s9, s8, $0x38;
	[tilespmem:$0x1000] =	vst v63  }
.LBB2_5:
0x17: {  	p2 =	slt.u32 s10, $0x2;
	s10 =	sadd.s32 $0x1, s10  }
0x18: {  	p3 =	sne.s32 s10, s6  }
.Ltmp1:
0x19: {  	_ = 	snop;
	(pc) =	sbr.rel @!p3 .LBB2_6-.Ltmp1, $4  }
0x1a: {  	s11 =	simm.s32 @!p2 $0x2  }
0x1b: {  	_ =	swait.ge @!p2 [sflag:s11], $0x400  }
0x1c: {  	[sflag:s11] =	ssyncset.done @!p2 $0x0  }
0x1d: {  	p1 =	por !p1, !p1;
	[sflag:s11] =	ssyncadd.s32 @!p2 $0xFFFFFC00;
	s11 =	smov.u32 s2  }
.LBB2_1:
0x1e: {  	p2 =	sge.u32 s10, s5;
	s31 =	sadd.s32 $0xFFFFFFFF, s10  }
0x1f: {  	s12 =	simm.s32 @!p2 $0x40;
	s13 =	simm.s32 @!p2 $0x80;
	s14 =	simm.s32 @!p2 $0x400  }
0x20: {  	[tilespmem:s14], [sflag:$0x1] =	stream.strided.gather @!p2 [hbm4b:s7+s12], $0x400, s13, s12, $0x38;
	[tilespmem:$0x1000] =	vst v63  }
0x21: {  	p2 =	sge.u32 s31, s5  }
.Ltmp2:
0x22: {  	_ = 	snop;
	(pc) =	sbr.rel @p2 .LBB2_5-.Ltmp2, $1  }
0x23: {  	_ =	sdelay $0x3  }
0x24: {  	s12 =	simm.s32 $0x1  }
0x25: {  	s12 =	simm.s32 @!p1 $0x0  }
0x26: {  	s13 =	sshll.u32 s12, $0xA  }
0x27: {  	s12 =	sor.u32 $0x20, s13  }
0x28: {  	v0 =	vmov s12;
	_ =	sdelay $0x1  }
0x29: {  	_ =	swait.ge [sflag:s4], $0x400  }
0x2a: {  	[sflag:s4] =	ssyncset.done $0x0  }
0x2b: {  	[sflag:s4] =	ssyncadd.s32 $0xFFFFFC00;
	s12 =	simm.s32 $0x0  }
0x2c: {  	s15 =	sor.u32 $0x800, s13;
	v1 =	vld.idx.msk [tilespmem:v0+s12+$0x10 ss:$0x1], $0xffff  }
0x2d: {  	s14 =	sshll.u32 s10, $0xA;
	v2 =	vmov s15;
	v3 =	vld.idx.msk [tilespmem:v0+s12+$0xFFFFFFE0 ss:$0x1], $0xffff  }
0x2e: {  	s31 =	sand.u32 $0x400, s14;
	v4 =	vld.idx.msk [tilespmem:v0+s12+$0xFFFFFFF0 ss:$0x1], $0xffff  }
0x2f: {  	s14 =	simm.s32 $0x100;
	s13 =	sor.u32 $0x800, s31;
	v5 =	vld.idx.msk [tilespmem:v0+s12+$0x0 ss:$0x1], $0xffff  }
.LBB2_3:
0x30: {  	p2 =	sne.s32 s14, $0xF00  }
.Ltmp3:
0x31: {  	s15 =	sshra.s32 s14, $0x2;
	s14 =	sadd.s32 $0x100, s14;
	(pc) =	sbr.rel @p2 .LBB2_3-.Ltmp3, $4  }
0x32: {  	[tilespmem:v2+s12+$0x30 ss:$0x1] =	vst.idx.msk $0xffff, v1;
	v1 =	vld.idx.msk [tilespmem:v0+s15+$0x10 ss:$0x1], $0xffff  }
0x33: {  	[tilespmem:v2+s12+$0x0 ss:$0x1] =	vst.idx.msk $0xffff, v3;
	v3 =	vld.idx.msk [tilespmem:v0+s15+$0xFFFFFFE0 ss:$0x1], $0xffff  }
0x34: {  	[tilespmem:v2+s12+$0x10 ss:$0x1] =	vst.idx.msk $0xffff, v4;
	v4 =	vld.idx.msk [tilespmem:v0+s15+$0xFFFFFFF0 ss:$0x1], $0xffff  }
0x35: {  	[tilespmem:v2+s12+$0x20 ss:$0x1] =	vst.idx.msk $0xffff, v5;
	v5 =	vld.idx.msk [tilespmem:v0+s15+$0x0 ss:$0x1], $0xffff;
	s12 =	smov.u32 s15  }
.Ltmp4:
0x36: {  	_ = 	snop;
	(pc) =	sbr.rel .LBB2_4-.Ltmp4, $1  }
0x37: {  	_ =	sdelay $0x3  }
.LBB2_6:
0x38: {  	_ =	sfence.sel $0x180000  }
0x39: {  	s2 =	simm.s32 $0x1;
	[bflag:$0x0] =	sbarrier.arrive $0xFFFF  }
0x3a: {  	s31 =	simm.s32 $0x2;
	[sflag:s2] =	ssyncpa.u1 $0x1  }
0x3b: {  	[sflag:s31] =	ssyncpa.u1 $0x1  }
0x3c: {  	_ =	strace $0x9000004D  }
0x3d: {  	s0 =	sadd.s32 @!p0 $0x100000, s0;
	[bflag:$0x2] =	sbarrier.arrive $0xFFFF  }
0x3e: {  	[sflag:s0] =	ssyncadd.tile.s32 @!p0 $0x1;
	s0 =	simm.s32 @!p0 $0x3F  }
0x3f: {  	_ =	swait.ge @!p0 [sflag:s0], s1  }
0x40: {  	s1 =	ssub.s32 @!p0 $0x0, s1;
	[sflag:s0] =	ssyncset.done @!p0 $0x0  }
0x41: {  	[sflag:s0] =	ssyncadd.s32 @!p0 s1  }
0x42: {  	[bflag:$0x3] =	sbarrier.arrive $0xFFFF  }
0x43: {  	_ =	shalt  }
.Lfunc_end2:
execute1_lowered:
.L_overlay_start_2:
0x44: {  	(tag) =	ssettag $0x2  }
0x45: {  	s2 =	rddreg [dreg:$0x0]  }
0x46: {  	s3 =	rddreg [dreg:$0x1];
	_ =	strace $0x80000050;
	s0 =	simm.s32 $0x1  }
0x47: {  	s4 =	simm.s32 $0x88;
	v0 =	vimm.s32 $0x0;
	[sflag:s0] =	ssyncpa.u1 $0x0  }
0x48: {  	s1 =	sadd.s32 $0x143000, s2;
	s0 =	sadd.s32 $0x140000, s2;
	[tilespmem:s4+$0x30] =	vst v0  }
0x49: {  	s6 =	sadd.s32 $0xC0000, s2;
	s3 =	sand.u32 $0x1, s3;
	s14 =	sadd.s32 $0x141000, s2;
	[tilespmem:s4+$0x20] =	vst v0  }
0x4a: {  	s2 =	simm.s32 $0x40;
	[dreg:$0x4] =	wrdreg s3;
	s15 =	sshll.u32 s3, $0xB;
	[tilespmem:s4+$0x10] =	vst v0  }
.LBB3_1:
0x4b: {  	s2 =	sadd.s32 $0x40, s2  }
0x4c: {  	[tilespmem:s4+$0x0] =	vst v0;
	s4 =	sadd.s32 $0x40, s4;
	p0 =	slt.u32 s2, $0x5040  }
.Ltmp5:
0x4d: {  	(pc) =	sbr.rel @p0 .LBB3_1-.Ltmp5, $4  }
0x4e: {  	_ = 	snop  }
0x4f: {  	[tilespmem:s4+$0x30] =	vst v0  }
0x50: {  	[tilespmem:s4+$0x20] =	vst v0  }
0x51: {  	[tilespmem:s4+$0x10] =	vst v0  }
0x52: {  	s9 =	stileid.u32  }
0x53: {  	s2 =	smul.u32 $0x3, s9  }
0x54: {  	s3 =	smin.u32 s9, $0x4  }
0x55: {  	s2 =	sadd.s32 s3, s2  }
0x56: {  	p0 =	slt.u32 s9, $0x4;
	s7 =	smul.u32 $0x140, s2;
	s2 =	simm.s32 $0x500  }
0x57: {  	s2 =	simm.s32 @!p0 $0x3C0  }
0x58: {  	s2 =	sadd.s32 s2, s7  }
0x59: {  	s8 =	smin.u32 s2, $0x4000  }
0x5a: {  	s2 =	ssub.s32 s8, s7  }
0x5b: {  	p0 =	sgt.s32 s2, $0x0  }
0x5c: {  	s28 =	simm.s32 $0x2;
	s30 =	simm.s32 $0x9;
	s2 =	simm.s32 @!p0 $0x0  }
0x5d: {  	s31 =	simm.s32 $0xA;
	s11 =	simm.s32 $0xB;
	s29 =	smul.u32 $0xCCCD, s2  }
0x5e: {  	s12 =	simm.s32 $0x1;
	s14 =	sadd.s32 s15, s14;
	s15 =	sadd.s32 s15, s0  }
0x5f: {  	s18 =	simm.s32 $0x0;
	p1 =	por $0x0, $0x0;
	s3 =	sshrl.u32 s29, $0x18  }
0x60: {  	s19 =	simm.s32 $0xC;
	s23 =	simm.s32 $0x0;
	s5 =	smul.u32 $0x140, s3  }
.Ltmp6:
0x61: {  	[tilespmem:s4+$0x0] =	vst v0;
	v0 =	vimm.s32 $0xFFFFFFFF;
	s20 =	simm.s32 $0x0;
	[sflag:s28] =	ssyncpa.u1 $0x0;
	(pc) =	sbr.rel .LBB3_3-.Ltmp6, $4  }
0x62: {  	[tilespmem:$0xA108] =	vst v0;
	[sflag:s30] =	ssyncpa.u1 $0x0;
	p0 =	sne.s32 s2, s5;
	s2 =	simm.s32 $0x1  }
0x63: {  	s22 =	simm.s32 $0x0;
	[sflag:s31] =	ssyncpa.u1 $0x0;
	s2 =	simm.s32 @!p0 $0x0  }
0x64: {  	s16 =	sshll.u32 s9, $0x7;
	[sflag:s11] =	ssyncpa.u1 $0x0;
	s13 =	sadd.s32 s3, s2  }
0x65: {  	v0 =	vlaneseq.u32;
	s21 =	smov.u32 s7;
	p0 =	por $0x1, $0x1;
	s17 =	sadd.s32 $0x1, s13  }
.LBB3_24:
0x66: {  	s0 =	sshrl.u32 s0, $0x2  }
.LBB3_26:
0x67: {  	_ =	swait.ge [sflag:s19], s0  }
0x68: {  	s30 =	ssub.s32 $0x0, s0;
	v1 =	vmov s25;
	vm0 =	veq.s32 v0, $0x0;
	[sflag:s19] =	ssyncset.done $0x0  }
0x69: {  	vm15 =	veq.s32 v0, $0x2;
	v1 =	vsel vm0, s31, v1;
	[sflag:s19] =	ssyncadd.s32 s30  }
0x6a: {  	v1 =	vsel vm15, s23, v1;
	[sflag:s19] =	ssyncpa.u1 $0x1  }
0x6b: {  	[tilespmem:$0xA108] =	vst v1  }
.LBB3_27:
0x6c: {  	s0 =	sadd.s32 $0x140, s21  }
0x6d: {  	s2 =	smov.u32 s7;
	p2 =	slt.s32 s0, s8  }
0x6e: {  	s2 =	smov.u32 @p2 s0;
	p2 =	sne.s32 s22, s17  }
.Ltmp7:
0x6f: {  	_ = 	snop;
	(pc) =	sbr.rel @!p2 .LBB3_28-.Ltmp7, $4  }
0x70: {  	_ = 	snop  }
0x71: {  	s23 =	smov.u32 s20  }
0x72: {  	s31 =	sadd.s32 $0x1, s22;
	s20 =	smov.u32 s21;
	p0 =	por !p0, !p0  }
0x73: {  	p1 =	por !p1, !p1;
	s22 =	smov.u32 s31;
	s21 =	smov.u32 s2  }
.LBB3_3:
0x74: {  	p2 =	sge.u32 s22, s13  }
0x75: {  	s0 =	smulhi.u32 @!p2 $0xAAAAAAAB, s22  }
0x76: {  	s2 =	smov.u32 s21;
	p3 =	sgt.s32 @!p2 s21, $0x3EC0  }
0x77: {  	s3 =	sshra.s32 @!p2 s21, $0x1F;
	p3 =	por !p3, p2;
	s0 =	sshrl.u32 @!p2 s0, $0x1  }
0x78: {  	s3 =	sand.u32 @!p2 s3, s21;
	s2 =	simm.s32 @p3 $0x3EC0;
	s0 =	smul.u32 @!p2 $0x3, s0  }
0x79: {  	s2 =	ssub.s32 @!p2 s2, s3  }
0x7a: {  	s2 =	sadd.s32 @!p2 $0xFFFFC140, s2;
	s0 =	ssub.s32 @!p2 s22, s0  }
0x7b: {  	s3 =	sshll.u32 @!p2 s2, $0x2;
	p3 =	sgt.s32 @!p2 s2, $0x13F;
	s0 =	smul.u32 @!p2 $0x500, s0  }
0x7c: {  	s4 =	sand.u32 @!p2 $0x7, s21;
	s2 =	ssub.s32 @!p2 $0x500, s3;
	p3 =	por !p3, p2  }
0x7d: {  	s3 =	sshrl.u32 @!p2 s21, $0x3;
	s2 =	sshrl.u32 @!p2 s2, $0x2;
	s0 =	sshrl.u32 @!p2 s0, $0x2  }
0x7e: {  	s3 =	sadd.s32 @!p2 s3, s14;
	s2 =	simm.s32 @!p3 $0x0;
	s0 =	sadd.s32 @!p2 $0xA948, s0  }
0x7f: {  	[tilespmem:s0], [sflag:$0xA] =	stream.linear.gather @!p2 [hbm4b:s3+s4], s2, $0x38;
	[tilespmem:$0x1EF88] =	vst v63  }
0x80: {  	s4 =	sadd.s32 $0xFFFFFFFF, s22  }
0x81: {  	p2 =	sge.u32 s4, s13  }
0x82: {  	p3 =	sgt.s32 @!p2 s20, $0x3EC0  }
0x83: {  	s0 =	smov.u32 s20;
	s2 =	sshra.s32 @!p2 s20, $0x1F;
	p3 =	por !p3, p2  }
0x84: {  	s2 =	sand.u32 @!p2 s2, s20;
	s0 =	simm.s32 @p3 $0x3EC0  }
0x85: {  	s0 =	ssub.s32 @!p2 s0, s2  }
0x86: {  	s0 =	sadd.s32 @!p2 $0xFFFFC140, s0  }
0x87: {  	s2 =	sshll.u32 @!p2 s0, $0x2  }
0x88: {  	p3 =	sgt.s32 @!p2 s0, $0x13F;
	s0 =	ssub.s32 @!p2 $0x500, s2  }
0x89: {  	p3 =	por !p3, p2;
	s0 =	sshrl.u32 @!p2 s0, $0x2  }
0x8a: {  	s3 =	simm.s32 @!p2 $0xA;
	s2 =	sand.u32 @!p2 $0x1, s4;
	s0 =	simm.s32 @!p3 $0x0  }
0x8b: {  	s2 =	smul.u32 @!p2 $0x500, s2;
	_ =	swait.ge @!p2 [sflag:s3], s0  }
0x8c: {  	s5 =	ssub.s32 @!p2 $0x0, s0;
	[sflag:s3] =	ssyncset.done @!p2 $0x0  }
0x8d: {  	s2 =	sshrl.u32 @!p2 s2, $0x2;
	[sflag:s3] =	ssyncadd.s32 @!p2 s5;
	s3 =	sshrl.u32 @!p2 s20, $0x3  }
0x8e: {  	s2 =	sadd.s32 @!p2 $0xAD08, s2;
	s5 =	sand.u32 @!p2 $0x7, s20;
	s3 =	sadd.s32 @!p2 s3, s15  }
0x8f: {  	[tilespmem:s2], [sflag:$0xB] =	stream.linear.gather @!p2 [hbm4b:s3+s5], s0, $0x38;
	[tilespmem:$0x1EF88] =	vst v63  }
0x90: {  	s0 =	ssub.s32 @!p2 $0x4000, s20  }
0x91: {  	p3 =	slt.s32 @!p2 s0, $0x1  }
0x92: {  	p3 =	por p2, p3  }
.Ltmp8:
0x93: {  	_ = 	snop;
	(pc) =	sbr.rel @p3 .LBB3_9-.Ltmp8, $1  }
0x94: {  	_ =	sdelay $0x3  }
0x95: {  	s2 =	smulhi.u32 $0xAAAAAAAB, s4;
	_ =	sdelay $0x1  }
0x96: {  	s2 =	sshrl.u32 s2, $0x1  }
0x97: {  	s2 =	smul.u32 $0x3, s2;
	_ =	sdelay $0x1  }
0x98: {  	s2 =	ssub.s32 s4, s2  }
0x99: {  	s3 =	simm.s32 $0x1;
	s2 =	smul.u32 $0x500, s2  }
.Ltmp9:
0x9a: {  	s3 =	simm.s32 @!p0 $0x0;
	(pc) =	sbr.rel .LBB3_6-.Ltmp9, $4  }
0x9b: {  	s3 =	smul.u32 $0x28000, s3  }
0x9c: {  	p3 =	slt.s32 @!p2 s0, $0x140;
	s2 =	sshrl.u32 s2, $0x2  }
0x9d: {  	p2 =	por !p3, p2;
	s3 =	sshrl.u32 s3, $0x2;
	s2 =	sadd.s32 $0xA948, s2  }
0x9e: {  	s24 =	simm.s32 $0x0;
	s0 =	simm.s32 @p2 $0x140;
	s4 =	sadd.s32 $0xAF88, s3;
	v1 =	vmov s2  }
.LBB3_5:
0x9f: {  	p2 =	sge.s32 s24, s0  }
.Ltmp10:
0xa0: {  	_ = 	snop;
	(pc) =	sbr.rel @p2 .LBB3_9-.Ltmp10, $2  }
0xa1: {  	_ =	sdelay $0x2  }
0xa2: {  	s4 =	sadd.s32 $0x800, s4  }
.LBB3_6:
0xa3: {  	p2 =	sle.s32 s0, s24  }
.Ltmp11:
0xa4: {  	_ = 	snop;
	(pc) =	sbr.rel @p2 .LBB3_5-.Ltmp11, $2  }
0xa5: {  	_ =	sdelay $0x2  }
0xa6: {  	s5 =	smov.u32 s24;
	s24 =	sadd.s32 $0x10, s24  }
0xa7: {  	s2 =	ssub.s32 s0, s5  }
0xa8: {  	p2 =	slt.s32 s2, $0x10  }
0xa9: {  	s2 =	simm.s32 @!p2 $0x10  }
0xaa: {  	v2 =	vmov s2  }
0xab: {  	vm0 =	vgt.s32 v2, v0;
	_ =	sdelay $0x5  }
0xac: {  	v2 =	vld.idx.msk [tilespmem:v1+s5+$0x0 ss:$0x1], vm0;
	_ =	sdelay $0x2  }
0xad: {  	p2 =	slt.s32 s24, s0;
	s2 =	smov.u32 s0  }
0xae: {  	s3 =	smov.u32 s4;
	s25 =	simm.s32 $0x0;
	s2 =	smov.u32 @p2 s24  }
.LBB3_8:
0xaf: {  	(v2sf) =	vpush v2, s25;
	_ =	sdelay $0xc  }
0xb0: {  	s25 =	sadd.s32 $0x1, s25  }
0xb1: {  	s31 =	sadd.s32 s25, s5  }
0xb2: {  	p2 =	slt.s32 s31, s2;
	s9 =	spop (v2sf)  }
.Ltmp12:
0xb3: {  	s9 =	sshll.u32 s9, $0x4;
	(pc) =	sbr.rel @p2 .LBB3_8-.Ltmp12, $4  }
0xb4: {  	s9 =	sand.u32 $0x1FFFFFF0, s9  }
0xb5: {  	s9 =	sadd.s32 s6, s9  }
0xb6: {  	[tilespmem:s3], [sflag:$0x9] =	stream.linear.gather [hbm4b:s9+s18], $0x40, $0x38;
	[tilespmem:$0x1EF88] =	vst v63  }
0xb7: {  	s3 =	sadd.s32 $0x80, s3  }
.Ltmp13:
0xb8: {  	_ = 	snop;
	(pc) =	sbr.rel .LBB3_5-.Ltmp13, $1  }
0xb9: {  	_ =	sdelay $0x3  }
.LBB3_9:
0xba: {  	p2 =	slt.u32 s22, $0x2  }
.Ltmp14:
0xbb: {  	_ = 	snop;
	(pc) =	sbr.rel @p2 .LBB3_27-.Ltmp14, $1  }
0xbc: {  	_ =	sdelay $0x3  }
0xbd: {  	p2 =	sgt.s32 s23, $0x3EC0  }
0xbe: {  	s0 =	smov.u32 s23;
	s2 =	sshra.s32 s23, $0x1F;
	s3 =	ssub.s32 $0x4000, s23  }
0xbf: {  	s0 =	simm.s32 @!p2 $0x3EC0;
	s2 =	sand.u32 s2, s23;
	p2 =	slt.s32 s3, $0x140  }
0xc0: {  	s0 =	ssub.s32 s0, s2;
	s3 =	simm.s32 @!p2 $0x140  }
0xc1: {  	s0 =	sadd.s32 $0xFFFFC140, s0;
	s10 =	sshll.u32 s3, $0x6  }
0xc2: {  	s26 =	simm.s32 $0x9;
	s24 =	sshll.u32 s0, $0x2;
	s2 =	sand.u32 $0x3FFFFFC0, s10  }
0xc3: {  	p2 =	sgt.s32 s0, $0x13F;
	s25 =	ssub.s32 $0x500, s24;
	_ =	swait.ge [sflag:s26], s2  }
0xc4: {  	s2 =	ssub.s32 $0x0, s2;
	[sflag:s26] =	ssyncset.done $0x0;
	s0 =	sshrl.u32 s25, $0x2  }
0xc5: {  	[sflag:s26] =	ssyncadd.s32 s2;
	s0 =	simm.s32 @p2 $0x0  }
0xc6: {  	_ =	swait.ge [sflag:s11], s0  }
0xc7: {  	s0 =	ssub.s32 $0x0, s0;
	[sflag:s11] =	ssyncset.done $0x0  }
0xc8: {  	[sflag:s11] =	ssyncadd.s32 s0  }
0xc9: {  	v1 =	vld [tilespmem:$0xA108];
	_ =	sdelay $0x4  }
0xca: {  	(v2sf) =	vpush v1, $0x0  }
0xcb: {  	(v2sf) =	vpush v1, $0x1  }
0xcc: {  	(v2sf) =	vpush v1, $0x2;
	_ =	sdelay $0x3  }
0xcd: {  	s0 =	sadd.s32 $0x140, s23  }
0xce: {  	s2 =	ssub.s32 $0x8000, s23;
	p2 =	slt.s32 s8, s0  }
0xcf: {  	s0 =	smov.u32 @p2 s8;
	p2 =	sgt.s32 s2, $0x0  }
0xd0: {  	s0 =	ssub.s32 s0, s23;
	s2 =	simm.s32 @!p2 $0x0  }
0xd1: {  	p2 =	slt.s32 s2, s0  }
0xd2: {  	s0 =	smov.u32 @p2 s2  }
0xd3: {  	s26 =	simm.s32 $0x1;
	p2 =	slt.s32 s0, $0x1  }
.Ltmp15:
0xd4: {  	s26 =	simm.s32 @!p1 $0x0;
	(pc) =	sbr.rel @p2 .LBB3_14-.Ltmp15, $4  }
0xd5: {  	s30 =	smul.u32 $0x500, s26  }
0xd6: {  	s28 =	spop (v2sf)  }
0xd7: {  	s31 =	sshrl.u32 s30, $0x2;
	s29 =	spop (v2sf)  }
0xd8: {  	s24 =	sadd.s32 $0xAD08, s31;
	s23 =	spop (v2sf)  }
0xd9: {  	s2 =	smin.u32 s0, $0x10  }
0xda: {  	v1 =	vmov s2  }
0xdb: {  	p3 =	sgt.s32 s0, $0x10;
	vm1 =	vgt.u32 v1, v0  }
.Ltmp16:
0xdc: {  	_ = 	snop;
	(pc) =	sbr.rel @!p3 .LBB3_13-.Ltmp16, $2  }
0xdd: {  	_ =	sdelay $0x2  }
0xde: {  	s5 =	simm.s32 $0x10;
	s25 =	sadd.s32 $0xFFFFFFF0, s0;
	s4 =	smov.u32 s24;
	vm0 =	vmmov vm1  }
.LBB3_12:
0xdf: {  	s2 =	smin.u32 s25, $0x10;
	s5 =	sadd.s32 $0x10, s5;
	v1 =	vld.msk [tilespmem:s4+$0x0 ss:$0x1], vm1  }
0xe0: {  	v2 =	vmov s2;
	p3 =	slt.s32 s5, s0  }
0xe1: {  	vm1 =	vgt.u32 v2, v0  }
.Ltmp17:
0xe2: {  	(pc) =	sbr.rel @p3 .LBB3_12-.Ltmp17, $3  }
0xe3: {  	_ =	sdelay $0x1  }
0xe4: {  	v1 =	vshll.u32 v1, $0x4  }
0xe5: {  	s25 =	sadd.s32 $0xFFFFFFF0, s25;
	[tilespmem:s4+$0x0] =	vst.msk vm0, v1;
	s4 =	sadd.s32 $0x10, s4;
	vm0 =	vmmov vm1  }
.LBB3_13:
0xe6: {  	_ =	sdelay $0x4  }
0xe7: {  	v1 =	vld.msk [tilespmem:s4+$0x0 ss:$0x1], vm1;
	_ =	sdelay $0x4  }
0xe8: {  	v1 =	vshll.u32 v1, $0x4  }
0xe9: {  	[tilespmem:s4+$0x0] =	vst.msk vm0, v1  }
.LBB3_14:
0xea: {  	s2 =	sand.u32 $0x1, s22  }
0xeb: {  	s2 =	smul.u32 $0x140, s2  }
0xec: {  	p3 =	sne.s32 s29, $0xFFFFFFFF  }
0xed: {  	v1 =	vld.msk @!p3 [tilespmem:s2+$0xAD08], $0x1;
	_ =	sdelay $0x4  }
0xee: {  	(v2sf) =	vpush @!p3 v1, $0x0;
	_ =	sdelay $0xc  }
.Ltmp18:
0xef: {  	_ = 	snop;
	(pc) =	sbr.rel @p2 .LBB3_25-.Ltmp18, $4  }
0xf0: {  	_ = 	snop  }
0xf1: {  	s30 =	spop @!p3 (v2sf)  }
0xf2: {  	s23 =	simm.s32 @!p3 $0x0;
	s25 =	smov.u32 s30  }
0xf3: {  	[sflag:s19] =	ssyncpa.u1 $0x0;
	s30 =	smov.u32 @p3 s28;
	s25 =	smov.u32 @p3 s29  }
0xf4: {  	v1 =	vld.msk [tilespmem:s24+$0x0], $0x1;
	_ =	sdelay $0x4  }
0xf5: {  	(v2sf) =	vpush v1, $0x0;
	_ =	sdelay $0xe  }
0xf6: {  	s2 =	smul.u32 $0x28000, s26;
	s4 =	spop (v2sf)  }
0xf7: {  	s28 =	ssub.s32 $0x0, s0;
	p2 =	seq.s32 s30, s4  }
0xf8: {  	s0 =	sadd.s32 $0x1, s28;
	s2 =	sshrl.u32 s2, $0x2;
	p3 =	sgt.s32 @!p2 s30, $0x0  }
0xf9: {  	s26 =	sadd.s32 $0xAFA8, s2;
	s2 =	smov.u32 s30;
	p3 =	por !p3, p2  }
0xfa: {  	s2 =	simm.s32 @p3 $0x0;
	p3 =	seq.s32 s0, $0x0  }
.Ltmp19:
0xfb: {  	_ = 	snop;
	(pc) =	sbr.rel @p3 .LBB3_17-.Ltmp19, $4  }
0xfc: {  	_ = 	snop  }
0xfd: {  	s29 =	simm.s32 $0x0;
	s5 =	simm.s32 @!p2 $0x1;
	s3 =	smin.u32 @!p2 s2, $0xFF8  }
0xfe: {  	s31 =	sadd.s32 $0x1, s24;
	s5 =	smov.u32 @p2 s29;
	s9 =	sand.u32 @!p2 $0xFF8, s3  }
0xff: {  	s2 =	simm.s32 @!p2 $0x50C8;
	s3 =	sand.u32 @!p2 $0x7, s3;
	s9 =	sadd.s32 @!p2 s1, s9  }
.LBB3_16:
0x100: {  	s10 =	smov.u32 s5  }
0x101: {  	[tilespmem:s2], [sflag:$0x2] =	stream.linear.gather @!p2 [hbm4b:s9+s3], $0x40, $0x38;
	[tilespmem:$0x1EF88] =	vst v63  }
0x102: {  	s0 =	sadd.s32 $0x1, s0;
	s3 =	smov.u32 s4;
	v1 =	vld.msk [tilespmem:s31+$0x0], $0x1  }
0x103: {  	p3 =	seq.s32 s0, $0x0;
	_ =	sdelay $0x3  }
0x104: {  	(v2sf) =	vpush v1, $0x0;
	_ =	sdelay $0xe  }
0x105: {  	s4 =	spop (v2sf)  }
0x106: {  	p2 =	seq.s32 s3, s4  }
0x107: {  	p4 =	sgt.s32 @!p2 s3, $0x0;
	s2 =	sshll.u32 @!p2 s5, $0x8;
	s5 =	sadd.s32 @!p2 $0x1, s5  }
.Ltmp20:
0x108: {  	p4 =	por !p4, p2;
	s2 =	sshra.s32 @!p2 s2, $0x2;
	(pc) =	sbr.rel @!p3 .LBB3_16-.Ltmp20, $4  }
0x109: {  	s5 =	smov.u32 @p2 s10;
	s3 =	simm.s32 @p4 $0x0;
	s2 =	sadd.s32 @!p2 $0x50C8, s2  }
0x10a: {  	s3 =	smin.u32 @!p2 s3, $0xFF8  }
0x10b: {  	s9 =	sand.u32 @!p2 $0xFF8, s3;
	s3 =	sand.u32 @!p2 $0x7, s3  }
0x10c: {  	s31 =	sadd.s32 $0x1, s31;
	s9 =	sadd.s32 @!p2 s1, s9  }
.LBB3_17:
0x10d: {  	[tilespmem:s2], [sflag:$0x2] =	stream.linear.gather @!p2 [hbm4b:s9+s3], $0x40, $0x38;
	[tilespmem:$0x1EF88] =	vst v63  }
.Ltmp21:
0x10e: {  	s0 =	sshll.u32 s5, $0x6;
	(pc) =	sbr.rel .LBB3_18-.Ltmp21, $4  }
0x10f: {  	s31 =	simm.s32 $0x2;
	s0 =	sand.u32 $0x3FFFFFC0, s0  }
0x110: {  	_ =	swait.ge [sflag:s31], s0  }
0x111: {  	s0 =	ssub.s32 $0x0, s0;
	[sflag:s31] =	ssyncset.done $0x0  }
0x112: {  	[sflag:s31] =	ssyncadd.s32 s0;
	s0 =	simm.s32 $0x0  }
.LBB3_19:
0x113: {  	v1 =	vld [tilespmem:s26+$0xFFFFFFE0];
	_ =	sdelay $0x4  }
0x114: {  	[tilespmem:s4+$0x88] =	vst.add.f32.msk $0xffff, v1  }
0x115: {  	v1 =	vld [tilespmem:s26+$0xFFFFFFF0];
	_ =	sdelay $0x4  }
0x116: {  	[tilespmem:s4+$0x98] =	vst.add.f32.msk $0xffff, v1  }
0x117: {  	v1 =	vld [tilespmem:s26+$0x0];
	_ =	sdelay $0x4  }
0x118: {  	[tilespmem:s4+$0xA8] =	vst.add.f32.msk $0xffff, v1  }
0x119: {  	v1 =	vld [tilespmem:s26+$0x10];
	_ =	sdelay $0x4  }
0x11a: {  	[tilespmem:s4+$0xB8] =	vst.add.f32.msk $0xffff, v1  }
.LBB3_23:
0x11b: {  	s28 =	sadd.s32 $0x1, s28  }
0x11c: {  	p2 =	seq.s32 s28, $0x0  }
.Ltmp22:
0x11d: {  	_ = 	snop;
	(pc) =	sbr.rel @p2 .LBB3_24-.Ltmp22, $2  }
0x11e: {  	_ =	sdelay $0x2  }
0x11f: {  	s26 =	sadd.s32 $0x80, s26;
	s24 =	sadd.s32 $0x1, s24;
	s30 =	smov.u32 s31  }
.LBB3_18:
0x120: {  	v1 =	vld.msk [tilespmem:s24+$0x0], $0x1;
	_ =	sdelay $0x4  }
0x121: {  	(v2sf) =	vpush v1, $0x0;
	_ =	sdelay $0xe  }
0x122: {  	s31 =	spop (v2sf)  }
0x123: {  	p2 =	sne.s32 s30, s31  }
.Ltmp23:
0x124: {  	_ = 	snop;
	(pc) =	sbr.rel @!p2 .LBB3_19-.Ltmp23, $3  }
0x125: {  	_ =	sdelay $0x1  }
0x126: {  	s2 =	sshll.u32 s23, $0x8  }
0x127: {  	s4 =	sshra.s32 s2, $0x2  }
0x128: {  	p2 =	seq.s32 s30, s25  }
.Ltmp24:
0x129: {  	_ = 	snop;
	(pc) =	sbr.rel @!p2 .LBB3_21-.Ltmp24, $1  }
0x12a: {  	_ =	sdelay $0x3  }
.Ltmp25:
0x12b: {  	s2 =	sadd.s32 $0x88, s4;
	(pc) =	sbr.rel .LBB3_22-.Ltmp25, $4  }
0x12c: {  	[spmem:s16] =	stream.linear.scatter [tilespmem:s2], [sflag:$0x1], $0x40, $0x38;
	[tilespmem:$0x1EF88] =	vst v63  }
0x12d: {  	_ =	swait.ge [sflag:s12], $0x40  }
0x12e: {  	[sflag:s12] =	ssyncset.done $0x0  }
0x12f: {  	[sflag:s12] =	ssyncadd.s32 $0xFFFFFFC0  }
.LBB3_21:
0x130: {  	s2 =	sshll.u32 s29, $0x8  }
0x131: {  	s2 =	sshra.s32 s2, $0x2  }
0x132: {  	v1 =	vld [tilespmem:s2+$0x50C8];
	_ =	sdelay $0x4  }
0x133: {  	[tilespmem:s4+$0x88] =	vst.add.f32.msk $0xffff, v1  }
0x134: {  	v1 =	vld [tilespmem:s2+$0x50D8];
	_ =	sdelay $0x4  }
0x135: {  	[tilespmem:s4+$0x98] =	vst.add.f32.msk $0xffff, v1  }
0x136: {  	v1 =	vld [tilespmem:s2+$0x50E8];
	_ =	sdelay $0x4  }
0x137: {  	[tilespmem:s4+$0xA8] =	vst.add.f32.msk $0xffff, v1  }
0x138: {  	v1 =	vld [tilespmem:s2+$0x50F8];
	_ =	sdelay $0x2  }
0x139: {  	p2 =	sgt.u32 s30, $0xFF8  }
0x13a: {  	s2 =	sand.u32 @!p2 $0xFF8, s30  }
0x13b: {  	s3 =	sadd.s32 $0x88, s4;
	s2 =	sadd.s32 @!p2 s1, s2;
	[tilespmem:s4+$0xB8] =	vst.add.f32.msk $0xffff, v1;
	s4 =	sand.u32 @!p2 $0x7, s30  }
0x13c: {  	[hbm4b:s2+s4] =	stream.linear.scatter @!p2 [tilespmem:s3], [sflag:$0xC], $0x40, $0x38;
	[tilespmem:$0x1EF88] =	vst v63  }
0x13d: {  	s2 =	simm.s32 $0x0  }
0x13e: {  	s2 =	simm.s32 @!p2 $0x100  }
0x13f: {  	s0 =	sadd.s32 s2, s0  }
.LBB3_22:
0x140: {  	s2 =	sadd.s32 $0x1, s23  }
0x141: {  	s3 =	smulhi.u32 $0xCCCCCCCD, s2;
	_ =	sdelay $0x1  }
0x142: {  	v1 =	vld [tilespmem:s26+$0xFFFFFFE0];
	s3 =	sshrl.u32 s3, $0x8  }
0x143: {  	s3 =	smul.u32 $0x140, s3;
	_ =	sdelay $0x1  }
0x144: {  	s23 =	ssub.s32 s2, s3  }
0x145: {  	s2 =	sshll.u32 s23, $0x6  }
0x146: {  	[tilespmem:s2+$0x88] =	vst v1  }
0x147: {  	v1 =	vld [tilespmem:s26+$0xFFFFFFF0];
	_ =	sdelay $0x4  }
0x148: {  	[tilespmem:s2+$0x98] =	vst v1  }
0x149: {  	v1 =	vld [tilespmem:s26+$0x0];
	_ =	sdelay $0x4  }
0x14a: {  	[tilespmem:s2+$0xA8] =	vst v1  }
0x14b: {  	v1 =	vld [tilespmem:s26+$0x10]  }
.Ltmp26:
0x14c: {  	_ = 	snop;
	(pc) =	sbr.rel .LBB3_23-.Ltmp26, $2  }
0x14d: {  	_ =	sdelay $0x2  }
0x14e: {  	s29 =	sadd.s32 $0x1, s29;
	[tilespmem:s2+$0xB8] =	vst v1  }
.LBB3_25:
.Ltmp27:
0x14f: {  	(pc) =	sbr.rel .LBB3_26-.Ltmp27, $4  }
0x150: {  	_ = 	snop  }
0x151: {  	s0 =	simm.s32 $0x2  }
0x152: {  	_ =	swait.ge [sflag:s0], $0x0  }
0x153: {  	s31 =	smov.u32 s30;
	[sflag:s0] =	ssyncset.done $0x0;
	s0 =	simm.s32 $0x0  }
.LBB3_28:
0x154: {  	_ =	sfence.sel $0x180000  }
0x155: {  	s0 =	simm.s32 $0x9;
	[bflag:$0x0] =	sbarrier.arrive $0xFFFF  }
0x156: {  	s24 =	simm.s32 $0xA;
	[sflag:s0] =	ssyncpa.u1 $0x1  }
0x157: {  	s25 =	simm.s32 $0xB;
	[sflag:s24] =	ssyncpa.u1 $0x1  }
0x158: {  	s26 =	simm.s32 $0x2;
	[sflag:s25] =	ssyncpa.u1 $0x1  }
0x159: {  	[sflag:s26] =	ssyncpa.u1 $0x1  }
0x15a: {  	v0 =	vld [tilespmem:$0xA108];
	_ =	sdelay $0x4  }
0x15b: {  	(v2sf) =	vpush v0, $0x0  }
0x15c: {  	(v2sf) =	vpush v0, $0x1;
	_ =	sdelay $0x1  }
0x15d: {  	(v2sf) =	vpush v0, $0x2;
	_ =	sdelay $0xb  }
0x15e: {  	s0 =	spop (v2sf)  }
0x15f: {  	s2 =	spop (v2sf)  }
0x160: {  	s3 =	smov.u32 s0;
	p0 =	sne.s32 s0, s2  }
0x161: {  	s4 =	spop (v2sf);
	s3 =	simm.s32 @!p0 $0xFFFFFFFF  }
0x162: {  	v2 =	vimm.s32 $0x1;
	v3 =	vlaneseq.u32;
	p0 =	seq.s32 s4, $0xFFFFFFFF;
	v1 =	vmov s3  }
0x163: {  	s15 =	stileid.u32;
	v0 =	vperm.xlane v0, v2;
	p1 =	sne.s32 @!p0 s0, s2;
	v1 =	vperm.xlane v1, v3  }
0x164: {  	vm0 =	vcmask $0x3F04;
	s6 =	simm.s32 $0xA108;
	s0 =	simm.s32 @!p0 $0x1;
	p1 =	por !p1, p0  }
0x165: {  	s3 =	sshll.u32 s15, $0x1;
	s2 =	sshll.u32 @!p0 s4, $0x8;
	s0 =	simm.s32 @p1 $0x0;
	v0 =	vsel vm0, v1, v0  }
0x166: {  	s5 =	sor.u32 $0x800, s3;
	s2 =	sshra.s32 @!p0 s2, $0x2;
	s0 =	sor.u32 @!p0 s0, s3;
	[tilespmem:$0xA108] =	vst v0  }
0x167: {  	[spmem:s5] =	stream.linear.scatter [tilespmem:s6], [sflag:$0x1], $0x2, $0x38;
	[tilespmem:$0x1EF88] =	vst v63  }
0x168: {  	s2 =	sadd.s32 @!p0 $0x88, s2;
	s0 =	sshll.u32 @!p0 s0, $0x6  }
0x169: {  	[spmem:s0] =	stream.linear.scatter @!p0 [tilespmem:s2], [sflag:$0x1], $0x40, $0x38;
	[tilespmem:$0x1EF88] =	vst v63  }
0x16a: {  	s0 =	simm.s32 @!p0 $0x42  }
0x16b: {  	s28 =	simm.s32 $0x1;
	s0 =	simm.s32 @p0 $0x2  }
0x16c: {  	_ =	swait.ge [sflag:s28], s0  }
0x16d: {  	s0 =	ssub.s32 $0x0, s0;
	[sflag:s28] =	ssyncset.done $0x0  }
0x16e: {  	p0 =	sne.s32 s15, $0x0;
	[sflag:s28] =	ssyncadd.s32 s0  }
.Ltmp28:
0x16f: {  	_ =	sfence.stream.spmem;
	(pc) =	sbr.rel @p0 .LBB3_45-.Ltmp28, $4  }
0x170: {  	s29 =	simm.s32 $0x3;
	[bflag:$0x0] =	sbarrier.arrive $0xFFFF  }
0x171: {  	s30 =	simm.s32 $0x4;
	[sflag:s29] =	ssyncpa.u1 $0x1  }
0x172: {  	s31 =	simm.s32 $0x3C;
	[sflag:s30] =	ssyncpa.u1 $0x1  }
0x173: {  	s14 =	rddreg [dreg:$0x4];
	[sflag:s31] =	ssyncpa.u1 $0x1  }
0x174: {  	_ =	sfence.stream.spmem;
	s0 =	simm.s32 $0x5  }
0x175: {  	s2 =	simm.s32 $0x800;
	s3 =	simm.s32 $0xA118;
	[sflag:s0] =	ssyncpa.u1 $0x0  }
0x176: {  	[tilespmem:s3], [sflag:$0x5] =	stream.linear.gather [spmem:s2], $0x20, $0x38;
	[tilespmem:$0x1EF88] =	vst v63  }
0x177: {  	s26 =	simm.s32 $0x0;
	s28 =	simm.s32 $0xA138  }
0x178: {  	[tilespmem:s28], [sflag:$0x5] =	stream.linear.gather [spmem:s26], $0x800, $0x38;
	[tilespmem:$0x1EF88] =	vst v63  }
0x179: {  	_ =	swait.ge [sflag:s0], $0x820  }
0x17a: {  	[sflag:s0] =	ssyncset.done $0x0  }
0x17b: {  	s29 =	simm.s32 $0x0;
	[sflag:s0] =	ssyncadd.s32 $0xFFFFF7E0  }
0x17c: {  	v0 =	vld.msk [tilespmem:s29+$0xA118], $0x1;
	_ =	sdelay $0x1  }
0x17d: {  	s30 =	simm.s32 $0x1  }
0x17e: {  	v1 =	vld.msk [tilespmem:s30+$0xA118], $0x1;
	_ =	sdelay $0x1  }
0x17f: {  	(v2sf) =	vpush v0, $0x0;
	_ =	sdelay $0x2  }
0x180: {  	(v2sf) =	vpush v1, $0x0;
	_ =	sdelay $0x2  }
0x181: {  	s31 =	simm.s32 $0x2  }
0x182: {  	v0 =	vld.msk [tilespmem:s31+$0xA118], $0x1;
	_ =	sdelay $0x2  }
0x183: {  	s4 =	simm.s32 $0xFFFFFFFF;
	s2 =	simm.s32 $0xFFFFFFFF;
	s0 =	simm.s32 $0xC  }
.LBB3_30:
0x184: {  	s3 =	smov.u32 s4;
	s5 =	smov.u32 s2  }
0x185: {  	s2 =	sshra.s32 s0, $0x2;
	p1 =	sne.s32 s0, $0x7C;
	s0 =	sadd.s32 $0x4, s0;
	(v2sf) =	vpush v0, $0x0  }
0x186: {  	v0 =	vld.msk [tilespmem:s2+$0xA118], $0x1  }
.Ltmp29:
0x187: {  	(pc) =	sbr.rel @p1 .LBB3_30-.Ltmp29, $4  }
0x188: {  	s4 =	spop (v2sf)  }
0x189: {  	p2 =	sne.s32 s5, $0xFFFFFFFF;
	s2 =	smov.u32 s4  }
0x18a: {  	p3 =	seq.s32 s4, $0xFFFFFFFF;
	s2 =	smov.u32 @p2 s5  }
0x18b: {  	s4 =	smov.u32 @p3 s3;
	s2 =	smov.u32 @p3 s5  }
0x18c: {  	(v2sf) =	vpush v0, $0x0;
	_ =	sdelay $0x8  }
0x18d: {  	s0 =	spop (v2sf)  }
0x18e: {  	p1 =	sne.s32 s2, $0xFFFFFFFF;
	s3 =	smov.u32 s0  }
0x18f: {  	s9 =	simm.s32 $0x6;
	p2 =	seq.s32 s0, $0xFFFFFFFF;
	s3 =	smov.u32 @p1 s2  }
0x190: {  	s6 =	simm.s32 $0x0;
	s3 =	smov.u32 @p2 s2;
	s2 =	spop (v2sf)  }
0x191: {  	s0 =	smov.u32 @p2 s4;
	p1 =	sne.s32 s3, $0xFFFFFFFF;
	s5 =	smov.u32 s2  }
.Ltmp30:
0x192: {  	p2 =	seq.s32 s2, $0xFFFFFFFF;
	s5 =	smov.u32 @p1 s3;
	(pc) =	sbr.rel .LBB3_32-.Ltmp30, $4  }
0x193: {  	s10 =	simm.s32 $0xA0C8;
	s5 =	smov.u32 @p2 s3;
	s7 =	spop (v2sf)  }
0x194: {  	s11 =	simm.s32 $0x0;
	p1 =	sne.s32 s5, $0xFFFFFFFF;
	s8 =	smov.u32 s7  }
0x195: {  	s2 =	smov.u32 @p2 s0;
	p2 =	seq.s32 s7, $0xFFFFFFFF;
	s8 =	smov.u32 @p1 s5  }
0x196: {  	[sflag:s9] =	ssyncpa.u1 $0x0;
	s7 =	smov.u32 @p2 s2;
	s8 =	smov.u32 @p2 s5  }
.LBB3_38:
0x197: {  	p1 =	sgt.u32 s12, $0xFF8  }
0x198: {  	p2 =	seq.s32 @!p1 s12, s8  }
0x199: {  	p1 =	por p1, p2  }
0x19a: {  	p2 =	sne.s32 @!p1 s12, s7  }
0x19b: {  	p1 =	por p1, !p2  }
0x19c: {  	s0 =	sshll.u32 @p1 s11, $0x8  }
0x19d: {  	s0 =	sand.u32 @!p1 $0xFF8, s12  }
0x19e: {  	s2 =	sand.u32 @!p1 $0x7, s12;
	s0 =	sadd.s32 @!p1 s1, s0  }
0x19f: {  	[tilespmem:s10], [sflag:$0x6] =	stream.linear.gather @!p1 [hbm4b:s0+s2], $0x40, $0x38;
	[tilespmem:$0x1EF88] =	vst v63  }
0x1a0: {  	_ =	swait.ge @!p1 [sflag:s9], $0x40  }
0x1a1: {  	[sflag:s9] =	ssyncset.done @!p1 $0x0  }
0x1a2: {  	[sflag:s9] =	ssyncadd.s32 @!p1 $0xFFFFFFC0  }
0x1a3: {  	v1 =	vld @!p1 [tilespmem:$0xA0C8];
	_ =	sdelay $0x2  }
0x1a4: {  	s0 =	sshll.u32 @!p1 s11, $0x8  }
0x1a5: {  	s2 =	sshrl.u32 @!p1 s0, $0x2  }
0x1a6: {  	[tilespmem:s2+$0xA138] =	vst.add.f32.msk @!p1 $0xffff, v1  }
0x1a7: {  	v1 =	vld @!p1 [tilespmem:$0xA0D8];
	_ =	sdelay $0x4  }
0x1a8: {  	[tilespmem:s2+$0xA148] =	vst.add.f32.msk @!p1 $0xffff, v1  }
0x1a9: {  	v1 =	vld @!p1 [tilespmem:$0xA0E8];
	_ =	sdelay $0x4  }
0x1aa: {  	[tilespmem:s2+$0xA158] =	vst.add.f32.msk @!p1 $0xffff, v1  }
0x1ab: {  	v1 =	vld @!p1 [tilespmem:$0xA0F8];
	_ =	sdelay $0x4  }
0x1ac: {  	[tilespmem:s2+$0xA168] =	vst.add.f32.msk @!p1 $0xffff, v1  }
0x1ad: {  	s0 =	sshrl.u32 s0, $0x2;
	[tilespmem:s6+$0xA118] =	vst.msk $0x1, v0  }
0x1ae: {  	v0 =	vld [tilespmem:s0+$0xA138];
	_ =	sdelay $0x2  }
0x1af: {  	s31 =	sshll.u32 s6, $0x8  }
0x1b0: {  	s2 =	sshra.s32 s31, $0x2  }
0x1b1: {  	[tilespmem:s2+$0xA138] =	vst v0  }
0x1b2: {  	v0 =	vld [tilespmem:s0+$0xA148];
	_ =	sdelay $0x4  }
0x1b3: {  	[tilespmem:s2+$0xA148] =	vst v0  }
0x1b4: {  	v0 =	vld [tilespmem:s0+$0xA158];
	_ =	sdelay $0x4  }
0x1b5: {  	[tilespmem:s2+$0xA158] =	vst v0  }
0x1b6: {  	v0 =	vld [tilespmem:s0+$0xA168];
	_ =	sdelay $0x4  }
0x1b7: {  	s6 =	sadd.s32 $0x1, s6;
	[tilespmem:s2+$0xA168] =	vst v0  }
.LBB3_39:
0x1b8: {  	s11 =	sadd.s32 $0x1, s11  }
0x1b9: {  	p1 =	sne.s32 s11, $0x20  }
.Ltmp31:
0x1ba: {  	_ = 	snop;
	(pc) =	sbr.rel @!p1 .LBB3_40-.Ltmp31, $1  }
0x1bb: {  	_ =	sdelay $0x3  }
.LBB3_32:
0x1bc: {  	v0 =	vld.msk [tilespmem:s11+$0xA118], $0x1;
	_ =	sdelay $0x4  }
0x1bd: {  	(v2sf) =	vpush v0, $0x0;
	_ =	sdelay $0xe  }
0x1be: {  	s12 =	spop (v2sf)  }
0x1bf: {  	p1 =	seq.s32 s12, $0xFFFFFFFF  }
.Ltmp32:
0x1c0: {  	_ = 	snop;
	(pc) =	sbr.rel @p1 .LBB3_39-.Ltmp32, $1  }
0x1c1: {  	_ =	sdelay $0x3  }
0x1c2: {  	p1 =	slt.s32 s6, $0x1  }
.Ltmp33:
0x1c3: {  	_ = 	snop;
	(pc) =	sbr.rel @p1 .LBB3_38-.Ltmp33, $1  }
0x1c4: {  	_ =	sdelay $0x3  }
0x1c5: {  	s0 =	simm.s32 $0xA118;
	p1 =	por $0x0, $0x0  }
0x1c6: {  	v1 =	vld.msk @!p1 [tilespmem:s0+$0x0], $0x1;
	_ =	sdelay $0x4  }
0x1c7: {  	(v2sf) =	vpush @!p1 v1, $0x0;
	_ =	sdelay $0xd  }
0x1c8: {  	p3 =	sne.s32 s6, $0x1  }
.Ltmp34:
0x1c9: {  	s2 =	spop @!p1 (v2sf);
	(pc) =	sbr.rel @!p3 .LBB3_36-.Ltmp34, $4  }
0x1ca: {  	p2 =	seq.s32 @!p1 s12, s2  }
0x1cb: {  	s13 =	simm.s32 $0x0;
	p2 =	por !p2, p1  }
0x1cc: {  	s2 =	simm.s32 $0xFFFFFFFF;
	s13 =	simm.s32 @p2 $0xFFFFFFFF  }
0x1cd: {  	s4 =	simm.s32 $0x1;
	s13 =	smov.u32 @p1 s2  }
.LBB3_35:
0x1ce: {  	s2 =	smov.u32 s13;
	p1 =	sne.s32 s13, $0xFFFFFFFF  }
0x1cf: {  	s0 =	sadd.s32 $0x1, s0;
	s13 =	smov.u32 s4;
	s4 =	sadd.s32 $0x1, s4  }
0x1d0: {  	p2 =	sne.s32 s6, s4;
	v1 =	vld.msk @!p1 [tilespmem:s0+$0x0], $0x1;
	_ =	sdelay $0x4  }
0x1d1: {  	(v2sf) =	vpush @!p1 v1, $0x0;
	_ =	sdelay $0xe  }
.Ltmp35:
0x1d2: {  	s3 =	spop @!p1 (v2sf);
	(pc) =	sbr.rel @p2 .LBB3_35-.Ltmp35, $4  }
0x1d3: {  	p3 =	seq.s32 @!p1 s12, s3  }
0x1d4: {  	p3 =	por !p3, p1  }
0x1d5: {  	s13 =	simm.s32 @p3 $0xFFFFFFFF  }
0x1d6: {  	s13 =	smov.u32 @p1 s2  }
.LBB3_36:
0x1d7: {  	p1 =	seq.s32 s13, $0xFFFFFFFF  }
.Ltmp36:
0x1d8: {  	_ = 	snop;
	(pc) =	sbr.rel @p1 .LBB3_38-.Ltmp36, $1  }
0x1d9: {  	_ =	sdelay $0x3  }
0x1da: {  	s0 =	sshll.u32 s11, $0x6  }
0x1db: {  	s0 =	sand.u32 $0x3FFFFFC0, s0  }
0x1dc: {  	v0 =	vld [tilespmem:s0+$0xA138];
	_ =	sdelay $0x2  }
0x1dd: {  	s2 =	sshll.u32 s13, $0x8  }
0x1de: {  	s2 =	sshra.s32 s2, $0x2  }
0x1df: {  	[tilespmem:s2+$0xA138] =	vst.add.f32.msk $0xffff, v0  }
0x1e0: {  	v0 =	vld [tilespmem:s0+$0xA148];
	_ =	sdelay $0x4  }
0x1e1: {  	[tilespmem:s2+$0xA148] =	vst.add.f32.msk $0xffff, v0  }
0x1e2: {  	v0 =	vld [tilespmem:s0+$0xA158];
	_ =	sdelay $0x4  }
0x1e3: {  	[tilespmem:s2+$0xA158] =	vst.add.f32.msk $0xffff, v0  }
0x1e4: {  	v0 =	vld [tilespmem:s0+$0xA168]  }
.Ltmp37:
0x1e5: {  	_ = 	snop;
	(pc) =	sbr.rel .LBB3_39-.Ltmp37, $2  }
0x1e6: {  	_ =	sdelay $0x2  }
0x1e7: {  	[tilespmem:s2+$0xA168] =	vst.add.f32.msk $0xffff, v0  }
.LBB3_40:
0x1e8: {  	s0 =	simm.s32 $0x6;
	p1 =	seq.s32 s6, $0x0  }
0x1e9: {  	[sflag:s0] =	ssyncpa.u1 $0x1;
	v0 =	vimm.s32 @p1 $0xFFFFFFFF  }
0x1ea: {  	s0 =	sadd.s32 $0xFFFFFFFF, s6;
	[tilespmem:$0xA938] =	vst @p1 v0  }
0x1eb: {  	v0 =	vld.msk @!p1 [tilespmem:s0+$0xA118], $0x1;
	_ =	sdelay $0x1  }
0x1ec: {  	v1 =	vld.msk @!p1 [tilespmem:$0xA118], $0x1;
	_ =	sdelay $0x2  }
0x1ed: {  	p2 =	seq.s32 @!p1 s0, $0x0;
	v0 =	vbroadcast @!p1 v0, $0x0  }
0x1ee: {  	vm0 =	vmmov @!p1 $0x1;
	p2 =	por !p2, p1  }
0x1ef: {  	v1 =	vnsel @!p1 vm0, $0xFFFFFFFF, v1;
	vm0 =	vcmask @!p1 $0x308;
	v0 =	vpsel !p2, $0xFFFFFFFF, v0  }
0x1f0: {  	p2 =	sne.s32 @!p1 s8, s7;
	v0 =	vsel @!p1 vm0, v1, v0  }
0x1f1: {  	s2 =	simm.s32 @!p1 $0xA138;
	s3 =	simm.s32 @!p1 $0x0;
	p3 =	por !p2, p1;
	[tilespmem:$0xA938] =	vst @!p1 v0  }
0x1f2: {  	[spmem:s3] =	stream.linear.scatter @!p1 [tilespmem:s2], [sflag:$0x1], $0x40, $0x38;
	[tilespmem:$0x1EF88] =	vst v63  }
0x1f3: {  	s2 =	sshll.u32 @!p3 s0, $0x8  }
0x1f4: {  	s2 =	sshra.s32 @!p3 s2, $0x2  }
0x1f5: {  	s3 =	simm.s32 @!p3 $0x40;
	s2 =	sadd.s32 @!p3 $0xA138, s2  }
0x1f6: {  	[spmem:s3] =	stream.linear.scatter @!p3 [tilespmem:s2], [sflag:$0x1], $0x40, $0x38;
	[tilespmem:$0x1EF88] =	vst v63  }
0x1f7: {  	s2 =	simm.s32 @!p3 $0x1  }
0x1f8: {  	_ =	swait.ge @!p3 [sflag:s2], $0x80  }
0x1f9: {  	p1 =	por p2, p1;
	[sflag:s2] =	ssyncset.done @!p3 $0x0  }
0x1fa: {  	[sflag:s2] =	ssyncadd.s32 @!p3 $0xFFFFFF80;
	s2 =	simm.s32 @!p1 $0x1  }
0x1fb: {  	_ =	swait.ge @!p1 [sflag:s2], $0x40  }
0x1fc: {  	s29 =	simm.s32 $0xA938;
	[sflag:s2] =	ssyncset.done @!p1 $0x0  }
0x1fd: {  	s30 =	simm.s32 $0x800;
	s31 =	simm.s32 $0x1;
	[sflag:s2] =	ssyncadd.s32 @!p1 $0xFFFFFFC0  }
0x1fe: {  	[spmem:s30] =	stream.linear.scatter [tilespmem:s29], [sflag:$0x1], $0x10, $0x38;
	[tilespmem:$0x1EF88] =	vst v63  }
0x1ff: {  	_ =	swait.ge [sflag:s31], $0x10  }
0x200: {  	[sflag:s31] =	ssyncset.done $0x0  }
0x201: {  	p1 =	seq.s32 s14, $0x0;
	s9 =	rddreg [dreg:$0x1];
	[sflag:s31] =	ssyncadd.s32 $0xFFFFFFF0  }
0x202: {  	s3 =	sshll.u32 @p1 s9, $0xE;
	s8 =	rddreg [dreg:$0x2]  }
0x203: {  	s2 =	sadd.s32 @p1 $0x15C3C, s3;
	s3 =	sshll.u32 @p1 s8, $0x11  }
0x204: {  	_ =	sfence.stream.spmem;
	s2 =	sor.u32 @p1 s3, s2  }
0x205: {  	[sflag:s2] =	ssyncadd.remote.s32 @p1 $0x1;
	s2 =	simm.s32 @p1 $0x4  }
0x206: {  	s4 =	simm.s32 @!p1 $0x3C;
	s3 =	sand.u32 $0xFFFFFFFE, s9;
	_ =	swait.ge @p1 [sflag:s2], $0x12  }
0x207: {  	s5 =	simm.s32 @!p1 $0x0;
	s3 =	sadd.s32 @!p1 $0x4, s3;
	[sflag:s2] =	ssyncset.done @p1 $0x0  }
0x208: {  	s7 =	simm.s32 @!p1 $0x80;
	[sflag:s2] =	ssyncadd.s32 @p1 $0xFFFFFFEE;
	s2 =	sshll.u32 @!p1 s3, $0x1A  }
0x209: {  	s3 =	sshll.u32 @!p1 s3, $0xD;
	s2 =	sor.u32 @!p1 s2, s8;
	_ =	swait.eq @!p1 [sflag:s4], $0x1  }
0x20a: {  	s3 =	sor.u32 @!p1 $0x1C04, s3;
	s4 =	simm.s32 @!p1 $0x1C03;
	s2 =	sor.u32 @!p1 $0x80004000, s2  }
0x20b: {  	[spmem:s7], [sflag:s3] =	dma.general @!p1 [spmem:s5], [sflag:s4], length:$0x10, [dreg:$0x0], stride_count:$0x0, ici_dest:s2, dma_misc:DstOpCode:WRITE  }
0x20c: {  	p2 =	slt.s32 s0, $0x2;
	s5 =	simm.s32 @!p1 $0x100;
	s7 =	simm.s32 @!p1 $0x102  }
0x20d: {  	[spmem:s7], [sflag:s3] =	dma.general @!p1 [spmem:s5], [sflag:s4], length:$0x2, [dreg:$0x0], stride_count:$0x0, ici_dest:s2, dma_misc:DstOpCode:WRITE  }
.Ltmp38:
0x20e: {  	s2 =	simm.s32 @!p1 $0x3;
	(pc) =	sbr.rel @p2 .LBB3_44-.Ltmp38, $4  }
0x20f: {  	s3 =	sshll.u32 @!p1 s9, $0xE;
	_ =	swait.ge @!p1 [sflag:s2], $0x12  }
0x210: {  	s4 =	sshll.u32 @!p1 s8, $0x11;
	s3 =	sadd.s32 @!p1 $0x11C3C, s3;
	[sflag:s2] =	ssyncset.done @!p1 $0x0  }
0x211: {  	[sflag:s2] =	ssyncadd.s32 @!p1 $0xFFFFFFEE;
	s2 =	sor.u32 @!p1 s4, s3  }
0x212: {  	s0 =	simm.s32 $0x0;
	[sflag:s2] =	ssyncadd.remote.s32 @!p1 $0xFFFFFFFF  }
0x213: {  	s0 =	simm.s32 $0xA119  }
0x214: {  	v0 =	vld.msk [tilespmem:s0+$0x0], $0x1;
	_ =	sdelay $0x4  }
0x215: {  	(v2sf) =	vpush v0, $0x0;
	_ =	sdelay $0xd  }
0x216: {  	s3 =	sadd.s32 $0xFFFFFFFE, s6  }
0x217: {  	s4 =	sadd.s32 $0xFFFFFFFF, s3;
	s2 =	spop (v2sf)  }
0x218: {  	p2 =	sne.s32 s4, $0x0;
	p1 =	sgt.u32 s2, $0xFF8  }
.Ltmp39:
0x219: {  	s5 =	sand.u32 @!p1 $0xFF8, s2;
	(pc) =	sbr.rel @!p2 .LBB3_43-.Ltmp39, $4  }
0x21a: {  	s0 =	simm.s32 $0xA178;
	s2 =	sand.u32 @!p1 $0x7, s2;
	s3 =	sadd.s32 @!p1 s1, s5  }
0x21b: {  	[hbm4b:s3+s2] =	stream.linear.scatter @!p1 [tilespmem:s0], [sflag:$0x5], $0x40, $0x38;
	[tilespmem:$0x1EF88] =	vst v63  }
0x21c: {  	s2 =	simm.s32 $0x0  }
0x21d: {  	s6 =	simm.s32 $0xA11A;
	s5 =	simm.s32 $0x0;
	s2 =	simm.s32 @!p1 $0x100  }
.LBB3_42:
0x21e: {  	v0 =	vld.msk [tilespmem:s6+$0x0], $0x1;
	s4 =	sadd.s32 $0xFFFFFFFF, s4;
	s5 =	sadd.s32 s5, s2  }
0x21f: {  	p1 =	sne.s32 s4, $0x0;
	_ =	sdelay $0x3  }
0x220: {  	(v2sf) =	vpush v0, $0x0;
	_ =	sdelay $0xe  }
.Ltmp40:
0x221: {  	s3 =	spop (v2sf);
	(pc) =	sbr.rel @p1 .LBB3_42-.Ltmp40, $4  }
0x222: {  	s2 =	simm.s32 $0x0;
	p2 =	sgt.u32 s3, $0xFF8  }
0x223: {  	s0 =	sadd.s32 $0x40, s0;
	s2 =	simm.s32 @!p2 $0x100;
	s7 =	sand.u32 @!p2 $0xFF8, s3  }
0x224: {  	s6 =	sadd.s32 $0x1, s6;
	s3 =	sand.u32 @!p2 $0x7, s3;
	s7 =	sadd.s32 @!p2 s1, s7  }
0x225: {  	[hbm4b:s7+s3] =	stream.linear.scatter @!p2 [tilespmem:s0], [sflag:$0x5], $0x40, $0x38;
	[tilespmem:$0x1EF88] =	vst v63  }
.LBB3_43:
0x226: {  	s0 =	sadd.s32 s5, s2  }
0x227: {  	s0 =	sshrl.u32 s0, $0x2  }
.LBB3_44:
0x228: {  	s2 =	simm.s32 $0x5  }
0x229: {  	_ =	swait.ge [sflag:s2], s0  }
0x22a: {  	s31 =	ssub.s32 $0x0, s0;
	[sflag:s2] =	ssyncset.done $0x0  }
0x22b: {  	[sflag:s2] =	ssyncadd.s32 s31  }
0x22c: {  	[sflag:s2] =	ssyncpa.u1 $0x1  }
.LBB3_45:
0x22d: {  	s0 =	sor.u32 s14, s15  }
0x22e: {  	p1 =	sne.s32 s0, $0x0  }
.Ltmp41:
0x22f: {  	_ = 	snop;
	(pc) =	sbr.rel @p1 .LBB3_60-.Ltmp41, $3  }
0x230: {  	_ =	sdelay $0x1  }
0x231: {  	[bflag:$0x0] =	sbarrier.arrive $0xFFFF  }
0x232: {  	_ =	sfence  }
0x233: {  	s0 =	simm.s32 $0x7  }
0x234: {  	s2 =	simm.s32 $0x800;
	s3 =	simm.s32 $0xA118;
	[sflag:s0] =	ssyncpa.u1 $0x0  }
0x235: {  	[tilespmem:s3], [sflag:$0x7] =	stream.linear.gather [spmem:s2], $0x20, $0x38;
	[tilespmem:$0x1EF88] =	vst v63  }
0x236: {  	s30 =	simm.s32 $0xA138;
	s2 =	simm.s32 $0x0  }
0x237: {  	[tilespmem:s30], [sflag:$0x7] =	stream.linear.gather [spmem:s2], $0x800, $0x38;
	[tilespmem:$0x1EF88] =	vst v63  }
.Ltmp42:
0x238: {  	_ = 	snop;
	(pc) =	sbr.rel .LBB3_47-.Ltmp42, $4  }
0x239: {  	_ =	swait.ge [sflag:s0], $0x820  }
0x23a: {  	[sflag:s0] =	ssyncset.done $0x0  }
0x23b: {  	s31 =	simm.s32 $0x8;
	[sflag:s0] =	ssyncadd.s32 $0xFFFFF7E0  }
0x23c: {  	s3 =	simm.s32 $0x0;
	[sflag:s31] =	ssyncpa.u1 $0x0  }
.LBB3_53:
0x23d: {  	p1 =	slt.u32 s0, $0xFF9  }
0x23e: {  	s4 =	sand.u32 @p1 $0xFF8, s0  }
0x23f: {  	s0 =	sand.u32 @p1 $0x7, s0;
	s5 =	simm.s32 @p1 $0xA0C8;
	s4 =	sadd.s32 @p1 s1, s4  }
0x240: {  	[tilespmem:s5], [sflag:$0x8] =	stream.linear.gather @p1 [hbm4b:s4+s0], $0x40, $0x38;
	[tilespmem:$0x1EF88] =	vst v63  }
0x241: {  	s0 =	simm.s32 @p1 $0x8  }
0x242: {  	_ =	swait.ge @p1 [sflag:s0], $0x40  }
0x243: {  	[sflag:s0] =	ssyncset.done @p1 $0x0  }
0x244: {  	[sflag:s0] =	ssyncadd.s32 @p1 $0xFFFFFFC0  }
0x245: {  	v1 =	vld @p1 [tilespmem:$0xA0C8];
	_ =	sdelay $0x2  }
0x246: {  	s0 =	sshll.u32 @p1 s3, $0x8  }
0x247: {  	s4 =	sshrl.u32 @p1 s0, $0x2  }
0x248: {  	[tilespmem:s4+$0xA138] =	vst.add.f32.msk @p1 $0xffff, v1  }
0x249: {  	v1 =	vld @p1 [tilespmem:$0xA0D8];
	_ =	sdelay $0x4  }
0x24a: {  	[tilespmem:s4+$0xA148] =	vst.add.f32.msk @p1 $0xffff, v1  }
0x24b: {  	v1 =	vld @p1 [tilespmem:$0xA0E8];
	_ =	sdelay $0x4  }
0x24c: {  	[tilespmem:s4+$0xA158] =	vst.add.f32.msk @p1 $0xffff, v1  }
0x24d: {  	v1 =	vld @p1 [tilespmem:$0xA0F8];
	_ =	sdelay $0x3  }
0x24e: {  	s5 =	sshll.u32 @!p1 s3, $0x8  }
0x24f: {  	s5 =	smov.u32 @p1 s0;
	[tilespmem:s4+$0xA168] =	vst.add.f32.msk @p1 $0xffff, v1  }
0x250: {  	s0 =	sshrl.u32 s5, $0x2;
	[tilespmem:s2+$0xA118] =	vst.msk $0x1, v0  }
0x251: {  	v0 =	vld [tilespmem:s0+$0xA138];
	_ =	sdelay $0x2  }
0x252: {  	s31 =	sshll.u32 s2, $0x8  }
0x253: {  	s4 =	sshra.s32 s31, $0x2  }
0x254: {  	[tilespmem:s4+$0xA138] =	vst v0  }
0x255: {  	v0 =	vld [tilespmem:s0+$0xA148];
	_ =	sdelay $0x4  }
0x256: {  	[tilespmem:s4+$0xA148] =	vst v0  }
0x257: {  	v0 =	vld [tilespmem:s0+$0xA158];
	_ =	sdelay $0x4  }
0x258: {  	[tilespmem:s4+$0xA158] =	vst v0  }
0x259: {  	v0 =	vld [tilespmem:s0+$0xA168];
	_ =	sdelay $0x4  }
0x25a: {  	s2 =	sadd.s32 $0x1, s2;
	[tilespmem:s4+$0xA168] =	vst v0  }
.LBB3_54:
0x25b: {  	s3 =	sadd.s32 $0x1, s3  }
0x25c: {  	p1 =	sne.s32 s3, $0x20  }
.Ltmp43:
0x25d: {  	_ = 	snop;
	(pc) =	sbr.rel @!p1 .LBB3_55-.Ltmp43, $1  }
0x25e: {  	_ =	sdelay $0x3  }
.LBB3_47:
0x25f: {  	v0 =	vld.msk [tilespmem:s3+$0xA118], $0x1;
	_ =	sdelay $0x4  }
0x260: {  	(v2sf) =	vpush v0, $0x0;
	_ =	sdelay $0xe  }
0x261: {  	s0 =	spop (v2sf)  }
0x262: {  	p1 =	seq.s32 s0, $0xFFFFFFFF  }
.Ltmp44:
0x263: {  	_ = 	snop;
	(pc) =	sbr.rel @p1 .LBB3_54-.Ltmp44, $1  }
0x264: {  	_ =	sdelay $0x3  }
0x265: {  	p1 =	slt.s32 s2, $0x1  }
.Ltmp45:
0x266: {  	_ = 	snop;
	(pc) =	sbr.rel @p1 .LBB3_53-.Ltmp45, $1  }
0x267: {  	_ =	sdelay $0x3  }
0x268: {  	s4 =	simm.s32 $0xA118;
	p1 =	por $0x0, $0x0  }
0x269: {  	v1 =	vld.msk @!p1 [tilespmem:s4+$0x0], $0x1;
	_ =	sdelay $0x4  }
0x26a: {  	(v2sf) =	vpush @!p1 v1, $0x0;
	_ =	sdelay $0xd  }
0x26b: {  	p3 =	sne.s32 s2, $0x1  }
.Ltmp46:
0x26c: {  	s5 =	spop @!p1 (v2sf);
	(pc) =	sbr.rel @!p3 .LBB3_51-.Ltmp46, $4  }
0x26d: {  	p2 =	seq.s32 @!p1 s0, s5  }
0x26e: {  	s5 =	simm.s32 $0x0;
	p2 =	por !p2, p1  }
0x26f: {  	s7 =	simm.s32 $0xFFFFFFFF;
	s5 =	simm.s32 @p2 $0xFFFFFFFF  }
0x270: {  	s6 =	simm.s32 $0x1;
	s5 =	smov.u32 @p1 s7  }
.LBB3_50:
0x271: {  	s7 =	smov.u32 s5;
	p1 =	sne.s32 s5, $0xFFFFFFFF  }
0x272: {  	s4 =	sadd.s32 $0x1, s4;
	s5 =	smov.u32 s6;
	s6 =	sadd.s32 $0x1, s6  }
0x273: {  	p2 =	sne.s32 s2, s6;
	v1 =	vld.msk @!p1 [tilespmem:s4+$0x0], $0x1;
	_ =	sdelay $0x4  }
0x274: {  	(v2sf) =	vpush @!p1 v1, $0x0;
	_ =	sdelay $0xe  }
.Ltmp47:
0x275: {  	s8 =	spop @!p1 (v2sf);
	(pc) =	sbr.rel @p2 .LBB3_50-.Ltmp47, $4  }
0x276: {  	p3 =	seq.s32 @!p1 s0, s8  }
0x277: {  	p3 =	por !p3, p1  }
0x278: {  	s5 =	simm.s32 @p3 $0xFFFFFFFF  }
0x279: {  	s5 =	smov.u32 @p1 s7  }
.LBB3_51:
0x27a: {  	p1 =	seq.s32 s5, $0xFFFFFFFF  }
.Ltmp48:
0x27b: {  	_ = 	snop;
	(pc) =	sbr.rel @p1 .LBB3_53-.Ltmp48, $1  }
0x27c: {  	_ =	sdelay $0x3  }
0x27d: {  	s0 =	sshll.u32 s3, $0x6  }
0x27e: {  	s0 =	sand.u32 $0x3FFFFFC0, s0  }
0x27f: {  	v0 =	vld [tilespmem:s0+$0xA138];
	_ =	sdelay $0x2  }
0x280: {  	s4 =	sshll.u32 s5, $0x8  }
0x281: {  	s4 =	sshra.s32 s4, $0x2  }
0x282: {  	[tilespmem:s4+$0xA138] =	vst.add.f32.msk $0xffff, v0  }
0x283: {  	v0 =	vld [tilespmem:s0+$0xA148];
	_ =	sdelay $0x4  }
0x284: {  	[tilespmem:s4+$0xA148] =	vst.add.f32.msk $0xffff, v0  }
0x285: {  	v0 =	vld [tilespmem:s0+$0xA158];
	_ =	sdelay $0x4  }
0x286: {  	[tilespmem:s4+$0xA158] =	vst.add.f32.msk $0xffff, v0  }
0x287: {  	v0 =	vld [tilespmem:s0+$0xA168]  }
.Ltmp49:
0x288: {  	_ = 	snop;
	(pc) =	sbr.rel .LBB3_54-.Ltmp49, $2  }
0x289: {  	_ =	sdelay $0x2  }
0x28a: {  	[tilespmem:s4+$0xA168] =	vst.add.f32.msk $0xffff, v0  }
.LBB3_55:
0x28b: {  	p1 =	slt.s32 s2, $0x1  }
.Ltmp50:
0x28c: {  	_ = 	snop;
	(pc) =	sbr.rel @p1 .LBB3_59-.Ltmp50, $3  }
0x28d: {  	_ =	sdelay $0x1  }
0x28e: {  	s0 =	simm.s32 $0x8  }
0x28f: {  	[sflag:s0] =	ssyncpa.u1 $0x1;
	s0 =	simm.s32 $0x0  }
0x290: {  	s3 =	simm.s32 $0xA118  }
0x291: {  	v0 =	vld.msk [tilespmem:s3+$0x0], $0x1;
	_ =	sdelay $0x4  }
0x292: {  	(v2sf) =	vpush v0, $0x0;
	_ =	sdelay $0xe  }
0x293: {  	s2 =	sadd.s32 $0xFFFFFFFF, s2;
	s4 =	spop (v2sf)  }
0x294: {  	p2 =	sne.s32 s2, $0x0;
	p1 =	sgt.u32 s4, $0xFF8  }
.Ltmp51:
0x295: {  	s5 =	sand.u32 @!p1 $0xFF8, s4;
	(pc) =	sbr.rel @!p2 .LBB3_58-.Ltmp51, $4  }
0x296: {  	s3 =	simm.s32 $0xA138;
	s4 =	sand.u32 @!p1 $0x7, s4;
	s5 =	sadd.s32 @!p1 s1, s5  }
0x297: {  	[hbm4b:s5+s4] =	stream.linear.scatter @!p1 [tilespmem:s3], [sflag:$0x7], $0x40, $0x38;
	[tilespmem:$0x1EF88] =	vst v63  }
0x298: {  	s5 =	simm.s32 $0x0  }
0x299: {  	s4 =	simm.s32 $0xA119;
	s5 =	simm.s32 @!p1 $0x100  }
.LBB3_57:
0x29a: {  	v0 =	vld.msk [tilespmem:s4+$0x0], $0x1;
	s2 =	sadd.s32 $0xFFFFFFFF, s2;
	s0 =	sadd.s32 s0, s5  }
0x29b: {  	p1 =	sne.s32 s2, $0x0;
	_ =	sdelay $0x3  }
0x29c: {  	(v2sf) =	vpush v0, $0x0;
	_ =	sdelay $0xe  }
.Ltmp52:
0x29d: {  	s6 =	spop (v2sf);
	(pc) =	sbr.rel @p1 .LBB3_57-.Ltmp52, $4  }
0x29e: {  	s5 =	simm.s32 $0x0;
	p2 =	sgt.u32 s6, $0xFF8  }
0x29f: {  	s3 =	sadd.s32 $0x40, s3;
	s5 =	simm.s32 @!p2 $0x100;
	s7 =	sand.u32 @!p2 $0xFF8, s6  }
0x2a0: {  	s4 =	sadd.s32 $0x1, s4;
	s6 =	sand.u32 @!p2 $0x7, s6;
	s7 =	sadd.s32 @!p2 s1, s7  }
0x2a1: {  	[hbm4b:s7+s6] =	stream.linear.scatter @!p2 [tilespmem:s3], [sflag:$0x7], $0x40, $0x38;
	[tilespmem:$0x1EF88] =	vst v63  }
.LBB3_58:
0x2a2: {  	s0 =	sadd.s32 s0, s5  }
0x2a3: {  	s0 =	sshrl.u32 s0, $0x2  }
.LBB3_59:
0x2a4: {  	s1 =	simm.s32 $0x7  }
0x2a5: {  	_ =	swait.ge [sflag:s1], s0  }
0x2a6: {  	s31 =	ssub.s32 $0x0, s0;
	[sflag:s1] =	ssyncset.done $0x0  }
0x2a7: {  	[sflag:s1] =	ssyncadd.s32 s31  }
0x2a8: {  	[sflag:s1] =	ssyncpa.u1 $0x1  }
.LBB3_60:
0x2a9: {  	_ =	sfence;
	s0 =	simm.s32 $0x1  }
0x2aa: {  	[sflag:s0] =	ssyncpa.u1 $0x1  }
0x2ab: {  	_ =	strace $0x90000050  }
0x2ac: {  	[bflag:$0x2] =	sbarrier.arrive $0xFFFF  }
0x2ad: {  	s0 =	rddreg [dreg:$0x3]  }
0x2ae: {  	s0 =	sadd.s32 @!p0 $0x100000, s0  }
0x2af: {  	[sflag:s0] =	ssyncadd.tile.s32 @!p0 $0x1;
	_ =	shalt  }
.Lfunc_end3:
_tile_overlayer_lowered:
.L_overlay_start_3:
0x2b0: {  	(tag) =	ssettag $0x3  }
0x2b1: {  	s0 =	rddreg [dreg:$0x0];
	s2 =	stileid.u32  }
0x2b2: {  	s1 =	rddreg [dreg:$0x1];
	p0 =	sne.s32 s2, $0x0  }
0x2b3: {  	s3 =	rddreg [dreg:$0x2];
	[bflag:$0x3] =	sbarrier.arrive $0xFFFF;
	s2 =	simm.s32 @!p0 $0x1C01  }
0x2b4: {  	[timem:s3], [sflag:s2] =	dma.local @!p0 [hbm:s0], s1  }
0x2b5: {  	s0 =	simm.s32 @!p0 $0x1  }
0x2b6: {  	_ =	swait.ge @!p0 [sflag:s0], s1  }
0x2b7: {  	s1 =	ssub.s32 @!p0 $0x0, s1;
	[sflag:s0] =	ssyncset.done @!p0 $0x0  }
0x2b8: {  	[sflag:s0] =	ssyncadd.s32 @!p0 s1  }
0x2b9: {  	[bflag:$0x3] =	sbarrier.arrive $0xFFFF  }
0x2ba: {  	_ =	shalt  }

// kernel: scatter_offload_async_start.2
scs
__scs_entry_jumppad:
0x0: {  	(pc) =	sbr.rel $0x88, $3  }
0x1: {  	(tag) =	ssettag $0x0;
	lr =	simm.s32 $0x1  }
0x2: {  	[smem:$0x3F95] =	sst lr;
	_ =	strace $0xD0000000  }
0x3: {  	_ = 	snop  }
0x4: {  	_ = 	snop  }
0x5: {  	_ = 	snop  }
0x6: {  	_ = 	snop  }
0x7: {  	_ = 	snop  }
__scs_overlays_trampoline_lowered:
0x8: {  	[smem:$0x3FA4] =	sst s0  }
0x9: {  	[smem:$0x3FA5] =	sst s1  }
0xa: {  	[smem:$0x3FA6] =	sst s2  }
0xb: {  	[smem:$0x3FA7] =	sst s3  }
0xc: {  	[smem:$0x3FA8] =	sst s4  }
0xd: {  	[smem:$0x3FA9] =	sst s5  }
0xe: {  	[smem:$0x3FAA] =	sst s6  }
0xf: {  	[smem:$0x3FAB] =	sst s7  }
0x10: {  	[smem:$0x3FAC] =	sst s8  }
0x11: {  	[smem:$0x3FAD] =	sst s9;
	s0 =	simm.s32 @!p0 $0x0  }
0x12: {  	s1 =	sld [smem:$0x3F93];
	s0 =	simm.s32 @p0 $0x1  }
0x13: {  	[smem:$0x3FAE] =	sst s0;
	s0 =	simm.s32 @!p1 $0x0  }
0x14: {  	s2 =	sld [smem:$0x3F92];
	s0 =	simm.s32 @p1 $0x1  }
0x15: {  	[smem:$0x3FAF] =	sst s0;
	s0 =	simm.s32 @!p2 $0x0  }
0x16: {  	s3 =	sld [smem:$0x3FDB];
	s0 =	simm.s32 @p2 $0x1  }
0x17: {  	s4 =	simm.s32 $0x1BF5;
	[smem:$0x3FB1] =	sst s0  }
0x18: {  	s0 =	sld [smem:$0x3F94];
	_ =	swait.ge [sflag:s4], $0x0  }
0x19: {  	s7 =	sld [smem:$0x3F95]  }
0x1a: {  	s8 =	sadd.s32 $0xFFFFE003, lr  }
0x1b: {  	s9 =	sadd.s32 $0xFFFFFEF7, lr;
	s5 =	simm.s32 $0xFFFFFFFF;
	p2 =	slt.u32 s8, $0xFFFFF086  }
0x1c: {  	p1 =	slt.u32 s9, $0xF7A;
	s5 =	simm.s32 @!p2 $0x0  }
0x1d: {  	s5 =	simm.s32 @p1 $0x1;
	p0 =	seq.s32 s7, s2  }
0x1e: {  	s7 =	smul.u32 @!p0 $0xF7A, s2;
	p2 =	seq.s32 @!p0 s5, $0x0  }
0x1f: {  	s9 =	smul.u32 $0xF7A, s1;
	s8 =	simm.s32 @!p0 $0x1BF5;
	p2 =	por !p2, p0  }
0x20: {  	[sflag:s8] =	ssyncset.s32 @!p0 $0xFFFFF086;
	s6 =	sadd.s32 @!p0 s3, s7;
	s7 =	simm.s32 @!p0 $0x108  }
0x21: {  	s3 =	sadd.s32 s3, s9;
	s6 =	sadd.s32 @!p0 $0x88, s6;
	s7 =	simm.s32 @p2 $0x1082  }
0x22: {  	[simem:s7], [sflag:s8] =	dma.local @!p0 [hbm:s6], $0xF7A  }
0x23: {  	s9 =	sor.u32 $0xD0000000, s2;
	s6 =	simm.s32 $0x108;
	_ =	swait.ge @!p0 [sflag:s8], $0x0  }
0x24: {  	s3 =	sadd.s32 $0x88, s3;
	s6 =	simm.s32 @!p1 $0x1082;
	[sflag:s4] =	ssyncset.s32 $0xFFFFF086  }
0x25: {  	[simem:s6], [sflag:s4] =	dma.local [hbm:s3], $0xF7A  }
0x26: {  	[smem:$0x3F95] =	sst s1;
	(tag) =	ssettag s2;
	_ =	strace s9  }
0x27: {  	s1 =	sld [smem:$0x3FA5]  }
0x28: {  	s2 =	sld [smem:$0x3FA6]  }
0x29: {  	s4 =	sld [smem:$0x3FA8]  }
0x2a: {  	p0 =	seq.s32 s5, $0x0;
	s5 =	sld [smem:$0x3FA9]  }
0x2b: {  	s6 =	sld [smem:$0x3FAA]  }
0x2c: {  	s7 =	sld [smem:$0x3FAB]  }
0x2d: {  	s3 =	simm.s32 $0x108;
	s8 =	sld [smem:$0x3FAC]  }
0x2e: {  	s3 =	simm.s32 @!p0 $0x1082;
	s9 =	sld [smem:$0x3FAD]  }
0x2f: {  	lr =	sadd.s32 s0, s3;
	s0 =	sld [smem:$0x3FA4]  }
0x30: {  	s3 =	sld [smem:$0x3FA7]  }
0x31: {  	[smem:$0x3FB0] =	sst s10  }
0x32: {  	s10 =	sld [smem:$0x3FAE];
	_ =	sdelay $0x3  }
0x33: {  	p0 =	seq.s32 s10, $0x1;
	s10 =	sld [smem:$0x3FB0];
	_ =	sdelay $0x3  }
0x34: {  	[smem:$0x3FB0] =	sst s10  }
0x35: {  	s10 =	sld [smem:$0x3FAF];
	_ =	sdelay $0x3  }
0x36: {  	p1 =	seq.s32 s10, $0x1;
	s10 =	sld [smem:$0x3FB0];
	_ =	sdelay $0x3  }
0x37: {  	[smem:$0x3FB0] =	sst s10  }
0x38: {  	s10 =	sld [smem:$0x3FB1]  }
0x39: {  	_ = 	snop;
	(pc) =	sbr.ind lr, $3  }
0x3a: {  	_ = 	snop  }
0x3b: {  	_ = 	snop  }
0x3c: {  	p2 =	seq.s32 s10, $0x1;
	s10 =	sld [smem:$0x3FB0]  }
0x3d: {  	_ =	shalt  }
0x3e: {  	_ =	shalt  }
0x3f: {  	_ =	shalt  }
0x40: {  	_ =	shalt  }
0x41: {  	_ =	shalt  }
0x42: {  	_ =	shalt  }
0x43: {  	_ =	shalt  }
0x44: {  	_ =	shalt  }
0x45: {  	_ =	shalt  }
0x46: {  	_ =	shalt  }
0x47: {  	_ =	shalt  }
0x48: {  	_ =	shalt  }
0x49: {  	_ =	shalt  }
0x4a: {  	_ =	shalt  }
0x4b: {  	_ =	shalt  }
0x4c: {  	_ =	shalt  }
0x4d: {  	_ =	shalt  }
0x4e: {  	_ =	shalt  }
0x4f: {  	_ =	shalt  }
0x50: {  	_ =	shalt  }
0x51: {  	_ =	shalt  }
0x52: {  	_ =	shalt  }
0x53: {  	_ =	shalt  }
0x54: {  	_ =	shalt  }
0x55: {  	_ =	shalt  }
0x56: {  	_ =	shalt  }
0x57: {  	_ =	shalt  }
0x58: {  	_ =	shalt  }
0x59: {  	_ =	shalt  }
0x5a: {  	_ =	shalt  }
0x5b: {  	_ =	shalt  }
0x5c: {  	_ =	shalt  }
0x5d: {  	_ =	shalt  }
0x5e: {  	_ =	shalt  }
0x5f: {  	_ =	shalt  }
0x60: {  	_ =	shalt  }
0x61: {  	_ =	shalt  }
0x62: {  	_ =	shalt  }
0x63: {  	_ =	shalt  }
0x64: {  	_ =	shalt  }
0x65: {  	_ =	shalt  }
0x66: {  	_ =	shalt  }
0x67: {  	_ =	shalt  }
0x68: {  	_ =	shalt  }
0x69: {  	_ =	shalt  }
0x6a: {  	_ =	shalt  }
0x6b: {  	_ =	shalt  }
0x6c: {  	_ =	shalt  }
0x6d: {  	_ =	shalt  }
0x6e: {  	_ =	shalt  }
0x6f: {  	_ =	shalt  }
0x70: {  	_ =	shalt  }
0x71: {  	_ =	shalt  }
0x72: {  	_ =	shalt  }
0x73: {  	_ =	shalt  }
0x74: {  	_ =	shalt  }
0x75: {  	_ =	shalt  }
0x76: {  	_ =	shalt  }
0x77: {  	_ =	shalt  }
0x78: {  	_ =	shalt  }
0x79: {  	_ =	shalt  }
0x7a: {  	_ =	shalt  }
0x7b: {  	_ =	shalt  }
0x7c: {  	_ =	shalt  }
0x7d: {  	_ =	shalt  }
0x7e: {  	_ =	shalt  }
0x7f: {  	_ =	shalt  }
0x80: {  	_ =	shalt  }
0x81: {  	_ =	shalt  }
0x82: {  	_ =	shalt  }
0x83: {  	_ =	shalt  }
0x84: {  	_ =	shalt  }
0x85: {  	_ =	shalt  }
0x86: {  	_ =	shalt  }
0x87: {  	_ =	shalt  }
.Lfunc_end0:
.L_simem_size_0:
called_computation.2_lowered:
.L_overlay_start_0:
0x88: {  	s2 =	sld [smem:$0x3FD9]  }
0x89: {  	s3 =	sld [smem:$0x3FFE];
	_ =	sdelay $0x1  }
0x8a: {  	s1 =	srdreg.scid  }
0x8b: {  	s0 =	sand.u32 $0x1, s1  }
0x8c: {  	s15 =	sshll.u32 s0, $0xA;
	s2 =	sadd.s32 s3, s2  }
0x8d: {  	s2 =	sadd.s32 s2, s15  }
0x8e: {  	[smem:$0x3FBC] =	sst s2  }
0x8f: {  	_ = 	snop  }
0x90: {  	(tm) =	ssettm $0x1  }
0x91: {  	s16 =	sld [smem:$0x3FFB];
	_ =	sdelay $0x3  }
0x92: {  	_ =	strace s16  }
0x93: {  	s2 =	sld [smem:$0x3FFC];
	_ =	sdelay $0x3  }
0x94: {  	_ =	strace s2  }
0x95: {  	s2 =	sld [smem:$0x3FFD];
	_ =	sdelay $0x3  }
0x96: {  	_ =	strace s2  }
0x97: {  	_ =	strace $0x8FFFFFFF  }
0x98: {  	s17 =	sld [smem:$0x3FDB];
	_ =	sdelay $0x1  }
0x99: {  	s18 =	simm.s32 $_scs_section_size  }
0x9a: {  	s4 =	simm.s32 $_size__tile_overlayer_lowered;
	s5 =	simm.s32 $_tile_overlayer_lowered  }
0x9b: {  	s6 =	simm.s32 $0x1BFF;
	s19 =	sshll.u32 s5, $0x1;
	s3 =	sadd.s32 s18, s17  }
0x9c: {  	s20 =	simm.s32 $0x0;
	s4 =	sshll.u32 s4, $0x1;
	s5 =	sadd.s32 s19, s3  }
0x9d: {  	[timem:s20], [sflag:s6] =	dma.local [hbm:s5], s4  }
0x9e: {  	_ =	swait.ge [sflag:s6], s4  }
0x9f: {  	s4 =	ssub.s32 $0x0, s4;
	[sflag:s6] =	ssyncset.done $0x0  }
0xa0: {  	[sflag:s6] =	ssyncadd.s32 s4;
	_ =	sdelay $0x1  }
0xa1: {  	s21 =	simm.s32 $0x1B8B  }
0xa2: {  	_ =	swait.ge [sflag:s21], $0x1  }
0xa3: {  	[sflag:s21] =	ssyncset.done $0x0  }
0xa4: {  	s22 =	sld [smem:$0x3FFE];
	[sflag:s21] =	ssyncadd.s32 $0xFFFFFFFF  }
0xa5: {  	s24 =	simm.s32 $0x1B8E;
	s23 =	sld [smem:$0x0]  }
0xa6: {  	s25 =	simm.s32 $execute0_lowered;
	[smem:$0x3FD2] =	sst s24  }
0xa7: {  	s6 =	sshll.u32 s25, $0x1;
	_ =	strace $0x80000052;
	[dreg:$0x1] =	wrdreg $0xFFFFFFFF  }
0xa8: {  	s7 =	simm.s32 $_size_execute0_lowered;
	s6 =	sadd.s32 s3, s6;
	[dreg:$0x0] =	wrdreg $0x0  }
0xa9: {  	s7 =	sshll.u32 s7, $0x1;
	[dreg:$0x2] =	wrdreg s6  }
0xaa: {  	[dreg:$0x3] =	wrdreg s7  }
0xab: {  	[dreg:$0x4] =	wrdreg $0xC0  }
0xac: {  	s26 =	simm.s32 $execute1_lowered;
	_ =	task [dreg:s20], $0x5FFFF  }
0xad: {  	s6 =	sshll.u32 s26, $0x1;
	[dreg:$0x1] =	wrdreg $0xFFFFFFFF  }
0xae: {  	s3 =	sadd.s32 s3, s6;
	[dreg:$0x0] =	wrdreg $0x60  }
0xaf: {  	[dreg:$0x2] =	wrdreg s3  }
0xb0: {  	[dreg:$0x3] =	wrdreg s22  }
0xb1: {  	[dreg:$0x4] =	wrdreg $0x9  }
0xb2: {  	_ =	task.clear_ibuf [dreg:s20], $0x5FFFF;
	_ =	strace $0x90000052  }
0xb3: {  	s28 =	simm.s32 $0x9;
	_ =	strace $0x80000054  }
0xb4: {  	_ =	swait.ge [sflag:s28], $0x1  }
0xb5: {  	[sflag:s28] =	ssyncadd.s32 $0xFFFFFFFF  }
0xb6: {  	_ =	strace $0x90000054  }
0xb7: {  	s3 =	sld [smem:$0x0]  }
0xb8: {  	s6 =	sand.u32 $0xFFFFFFFE, s1  }
0xb9: {  	p0 =	sne.s32 s1, s6  }
0xba: {  	s6 =	sshll.u32 @p0 s6, $0xE  }
0xbb: {  	s6 =	sadd.s32 @p0 $0x11BF3, s6;
	s7 =	sshll.u32 @p0 s3, $0x11  }
0xbc: {  	s6 =	sor.u32 @p0 s7, s6  }
0xbd: {  	[sflag:s6] =	ssyncadd.remote.s32 @p0 $0x1;
	_ =	sdelay $0x1  }
0xbe: {  	s6 =	simm.s32 @p0 $0x1BF3  }
0xbf: {  	_ =	swait.eq @p0 [sflag:s6], $0x1  }
0xc0: {  	[sflag:s6] =	ssyncadd.s32 @p0 $0xFFFFFFFF  }
0xc1: {  	s7 =	sshll.u32 @!p0 s1, $0xE  }
0xc2: {  	s7 =	sor.u32 @!p0 $0x4000, s7;
	s6 =	simm.s32 @!p0 $0x1BF3  }
0xc3: {  	s3 =	sshll.u32 @!p0 s3, $0x11;
	s7 =	sadd.s32 @!p0 $0x11BF3, s7;
	_ =	swait.eq @!p0 [sflag:s6], $0x1  }
0xc4: {  	s3 =	sor.u32 @!p0 s3, s7;
	[sflag:s6] =	ssyncadd.s32 @!p0 $0xFFFFFFFF  }
0xc5: {  	[sflag:s3] =	ssyncadd.remote.s32 @!p0 $0x1  }
0xc6: {  	_ =	strace $0x80000055;
	[dreg:$0x1] =	wrdreg $0xFFFFFFFF  }
0xc7: {  	[dreg:$0x0] =	wrdreg $0x2030  }
0xc8: {  	[dreg:$0x2] =	wrdreg s22  }
0xc9: {  	[dreg:$0x3] =	wrdreg s1  }
0xca: {  	[dreg:$0x4] =	wrdreg s23  }
0xcb: {  	[dreg:$0x5] =	wrdreg $0xA  }
0xcc: {  	_ =	task.clear_ibuf [dreg:s20], $0x6FFFF;
	_ =	strace $0x90000055  }
0xcd: {  	s29 =	simm.s32 $0xA;
	_ =	strace $0x80000057  }
0xce: {  	_ =	swait.ge [sflag:s29], $0x1  }
0xcf: {  	[sflag:s29] =	ssyncadd.s32 $0xFFFFFFFF  }
0xd0: {  	_ =	strace $0x90000057  }
0xd1: {  	_ =	sfence  }
0xd2: {  	s30 =	sld [smem:$0x0];
	_ =	sdelay $0x2  }
0xd3: {  	s31 =	sshll.u32 s1, $0xD;
	s1 =	sshrl.u32 s1, $0x2  }
0xd4: {  	s4 =	sand.u32 $0x4000, s31;
	s1 =	sadd.s32 s1, s30  }
0xd5: {  	s0 =	sor.u32 s4, s0;
	s1 =	sshll.u32 s1, $0x11  }
0xd6: {  	s0 =	sor.u32 s1, s0  }
0xd7: {  	s0 =	sadd.s32 $0x8F2B, s0  }
0xd8: {  	[sflag:s0] =	ssyncadd.remote.s32 $0x1  }
0xd9: {  	_ =	sfence.sel $0xFFFF  }
0xda: {  	[dreg:$0x0] =	wrdreg $0xFFFFFFFF;
	(pc) =	sbr.abs _section_cstart, $3  }
0xdb: {  	[dreg:$0x1] =	wrdreg $0xFFFFFFFF  }
0xdc: {  	_ =	task.clear_ibuf [dreg:s20], $0x2FFFF;
	_ =	strace $0x9FFFFFFF  }
0xdd: {  	(tm) =	ssettm $0x7FFFFFFF  }
tec
execute0_lowered:
.L_overlay_start_1:
0x0: {  	(tag) =	ssettag $0x1  }
0x1: {  	s2 =	rddreg [dreg:$0x0]  }
0x2: {  	s3 =	rddreg [dreg:$0x1]  }
0x3: {  	s0 =	rddreg [dreg:$0x2];
	s4 =	stileid.u32;
	[bflag:$0x3] =	sbarrier.arrive $0xFFFF  }
0x4: {  	s1 =	simm.s32 $_size_execute1_lowered;
	s31 =	srdreg.scid;
	p0 =	sne.s32 s4, $0x0  }
0x5: {  	s1 =	sshll.u32 s1, $0x1;
	s5 =	simm.s32 @!p0 $0x1C3F;
	s6 =	simm.s32 @!p0 $0x4060  }
0x6: {  	[timem:s6], [sflag:s5] =	dma.local @!p0 [hbm:s2], s1  }
0x7: {  	s8 =	simm.s32 $0x2;
	s2 =	sshll.u32 s31, $0x4  }
0x8: {  	s11 =	simm.s32 $0x0;
	s4 =	sshll.u32 s4, $0x5;
	s2 =	sand.u32 $0x10, s2  }
0x9: {  	s9 =	simm.s32 $0x80;
	s10 =	simm.s32 $0x0;
	s2 =	sor.u32 s4, s2  }
0xa: {  	s6 =	simm.s32 $0x3;
	s4 =	sshll.u32 s2, $0x4;
	s5 =	ssub.s32 $0x100, s2  }
0xb: {  	_ =	strace $0x80000053;
	s4 =	sand.u32 $0xF00, s4;
	p1 =	sgt.s32 s5, $0x0  }
.Ltmp0:
0xc: {  	s7 =	sadd.s32 s4, s3;
	s5 =	simm.s32 @!p1 $0x0;
	(pc) =	sbr.rel .LBB2_1-.Ltmp0, $4  }
0xd: {  	s3 =	sadd.s32 $0x143000, s3;
	s4 =	simm.s32 $0x1;
	s5 =	sand.u32 $0x1F0, s5  }
0xe: {  	[sflag:s4] =	ssyncpa.u1 $0x0;
	s7 =	sadd.s32 $0x142000, s7;
	p1 =	sne.s32 s5, $0x0  }
0xf: {  	s5 =	simm.s32 $0x1;
	[sflag:s8] =	ssyncpa.u1 $0x0;
	s8 =	simm.s32 $0x40  }
0x10: {  	s5 =	simm.s32 @!p1 $0x0;
	s6 =	simm.s32 @!p1 $0x2;
	p1 =	por $0x0, $0x0  }
.LBB2_4:
0x11: {  	_ =	sdelay $0x3  }
0x12: {  	[tilespmem:v2+s12+$0x30 ss:$0x1] =	vst.idx.msk $0xffff, v1  }
0x13: {  	[tilespmem:v2+s12+$0x0 ss:$0x1] =	vst.idx.msk $0xffff, v3;
	s11 =	sshll.u32 s11, $0x4  }
0x14: {  	[tilespmem:v2+s12+$0x10 ss:$0x1] =	vst.idx.msk $0xffff, v4;
	s11 =	sand.u32 $0xFF0, s11  }
0x15: {  	[tilespmem:v2+s12+$0x20 ss:$0x1] =	vst.idx.msk $0xffff, v5;
	s11 =	sadd.s32 s3, s11  }
0x16: {  	[hbm4b:s11+s8] =	stream.strided.scatter [tilespmem:s13], [sflag:$0x2], $0x400, s9, s8, $0x38;
	[tilespmem:$0x1000] =	vst v63  }
.LBB2_5:
0x17: {  	p2 =	slt.u32 s10, $0x2;
	s10 =	sadd.s32 $0x1, s10  }
0x18: {  	p3 =	sne.s32 s10, s6  }
.Ltmp1:
0x19: {  	_ = 	snop;
	(pc) =	sbr.rel @!p3 .LBB2_6-.Ltmp1, $4  }
0x1a: {  	s11 =	simm.s32 @!p2 $0x2  }
0x1b: {  	_ =	swait.ge @!p2 [sflag:s11], $0x400  }
0x1c: {  	[sflag:s11] =	ssyncset.done @!p2 $0x0  }
0x1d: {  	p1 =	por !p1, !p1;
	[sflag:s11] =	ssyncadd.s32 @!p2 $0xFFFFFC00;
	s11 =	smov.u32 s2  }
.LBB2_1:
0x1e: {  	p2 =	sge.u32 s10, s5;
	s31 =	sadd.s32 $0xFFFFFFFF, s10  }
0x1f: {  	s12 =	simm.s32 @!p2 $0x40;
	s13 =	simm.s32 @!p2 $0x80;
	s14 =	simm.s32 @!p2 $0x400  }
0x20: {  	[tilespmem:s14], [sflag:$0x1] =	stream.strided.gather @!p2 [hbm4b:s7+s12], $0x400, s13, s12, $0x38;
	[tilespmem:$0x1000] =	vst v63  }
0x21: {  	p2 =	sge.u32 s31, s5  }
.Ltmp2:
0x22: {  	_ = 	snop;
	(pc) =	sbr.rel @p2 .LBB2_5-.Ltmp2, $1  }
0x23: {  	_ =	sdelay $0x3  }
0x24: {  	s12 =	simm.s32 $0x1  }
0x25: {  	s12 =	simm.s32 @!p1 $0x0  }
0x26: {  	s13 =	sshll.u32 s12, $0xA  }
0x27: {  	s12 =	sor.u32 $0x20, s13  }
0x28: {  	v0 =	vmov s12;
	_ =	sdelay $0x1  }
0x29: {  	_ =	swait.ge [sflag:s4], $0x400  }
0x2a: {  	[sflag:s4] =	ssyncset.done $0x0  }
0x2b: {  	[sflag:s4] =	ssyncadd.s32 $0xFFFFFC00;
	s12 =	simm.s32 $0x0  }
0x2c: {  	s15 =	sor.u32 $0x800, s13;
	v1 =	vld.idx.msk [tilespmem:v0+s12+$0x10 ss:$0x1], $0xffff  }
0x2d: {  	s14 =	sshll.u32 s10, $0xA;
	v2 =	vmov s15;
	v3 =	vld.idx.msk [tilespmem:v0+s12+$0xFFFFFFE0 ss:$0x1], $0xffff  }
0x2e: {  	s31 =	sand.u32 $0x400, s14;
	v4 =	vld.idx.msk [tilespmem:v0+s12+$0xFFFFFFF0 ss:$0x1], $0xffff  }
0x2f: {  	s14 =	simm.s32 $0x100;
	s13 =	sor.u32 $0x800, s31;
	v5 =	vld.idx.msk [tilespmem:v0+s12+$0x0 ss:$0x1], $0xffff  }
.LBB2_3:
0x30: {  	p2 =	sne.s32 s14, $0xF00  }
.Ltmp3:
0x31: {  	s15 =	sshra.s32 s14, $0x2;
	s14 =	sadd.s32 $0x100, s14;
	(pc) =	sbr.rel @p2 .LBB2_3-.Ltmp3, $4  }
0x32: {  	[tilespmem:v2+s12+$0x30 ss:$0x1] =	vst.idx.msk $0xffff, v1;
	v1 =	vld.idx.msk [tilespmem:v0+s15+$0x10 ss:$0x1], $0xffff  }
0x33: {  	[tilespmem:v2+s12+$0x0 ss:$0x1] =	vst.idx.msk $0xffff, v3;
	v3 =	vld.idx.msk [tilespmem:v0+s15+$0xFFFFFFE0 ss:$0x1], $0xffff  }
0x34: {  	[tilespmem:v2+s12+$0x10 ss:$0x1] =	vst.idx.msk $0xffff, v4;
	v4 =	vld.idx.msk [tilespmem:v0+s15+$0xFFFFFFF0 ss:$0x1], $0xffff  }
0x35: {  	[tilespmem:v2+s12+$0x20 ss:$0x1] =	vst.idx.msk $0xffff, v5;
	v5 =	vld.idx.msk [tilespmem:v0+s15+$0x0 ss:$0x1], $0xffff;
	s12 =	smov.u32 s15  }
.Ltmp4:
0x36: {  	_ = 	snop;
	(pc) =	sbr.rel .LBB2_4-.Ltmp4, $1  }
0x37: {  	_ =	sdelay $0x3  }
.LBB2_6:
0x38: {  	_ =	sfence.sel $0x180000  }
0x39: {  	s2 =	simm.s32 $0x1;
	[bflag:$0x0] =	sbarrier.arrive $0xFFFF  }
0x3a: {  	s31 =	simm.s32 $0x2;
	[sflag:s2] =	ssyncpa.u1 $0x1  }
0x3b: {  	[sflag:s31] =	ssyncpa.u1 $0x1  }
0x3c: {  	_ =	strace $0x90000053  }
0x3d: {  	s0 =	sadd.s32 @!p0 $0x100000, s0;
	[bflag:$0x2] =	sbarrier.arrive $0xFFFF  }
0x3e: {  	[sflag:s0] =	ssyncadd.tile.s32 @!p0 $0x1;
	s0 =	simm.s32 @!p0 $0x3F  }
0x3f: {  	_ =	swait.ge @!p0 [sflag:s0], s1  }
0x40: {  	s1 =	ssub.s32 @!p0 $0x0, s1;
	[sflag:s0] =	ssyncset.done @!p0 $0x0  }
0x41: {  	[sflag:s0] =	ssyncadd.s32 @!p0 s1  }
0x42: {  	[bflag:$0x3] =	sbarrier.arrive $0xFFFF  }
0x43: {  	_ =	shalt  }
.Lfunc_end2:
execute1_lowered:
.L_overlay_start_2:
0x44: {  	(tag) =	ssettag $0x2  }
0x45: {  	s2 =	rddreg [dreg:$0x0]  }
0x46: {  	s3 =	rddreg [dreg:$0x1];
	_ =	strace $0x80000056;
	s0 =	simm.s32 $0x1  }
0x47: {  	s4 =	simm.s32 $0x88;
	v0 =	vimm.s32 $0x0;
	[sflag:s0] =	ssyncpa.u1 $0x0  }
0x48: {  	s1 =	sadd.s32 $0x143000, s2;
	s0 =	sadd.s32 $0x140000, s2;
	[tilespmem:s4+$0x30] =	vst v0  }
0x49: {  	s6 =	sadd.s32 $0xC0000, s2;
	s3 =	sand.u32 $0x1, s3;
	s14 =	sadd.s32 $0x141000, s2;
	[tilespmem:s4+$0x20] =	vst v0  }
0x4a: {  	s2 =	simm.s32 $0x40;
	[dreg:$0x4] =	wrdreg s3;
	s15 =	sshll.u32 s3, $0xB;
	[tilespmem:s4+$0x10] =	vst v0  }
.LBB3_1:
0x4b: {  	s2 =	sadd.s32 $0x40, s2  }
0x4c: {  	[tilespmem:s4+$0x0] =	vst v0;
	s4 =	sadd.s32 $0x40, s4;
	p0 =	slt.u32 s2, $0x5040  }
.Ltmp5:
0x4d: {  	(pc) =	sbr.rel @p0 .LBB3_1-.Ltmp5, $4  }
0x4e: {  	_ = 	snop  }
0x4f: {  	[tilespmem:s4+$0x30] =	vst v0  }
0x50: {  	[tilespmem:s4+$0x20] =	vst v0  }
0x51: {  	[tilespmem:s4+$0x10] =	vst v0  }
0x52: {  	s9 =	stileid.u32  }
0x53: {  	s2 =	smul.u32 $0x3, s9  }
0x54: {  	s3 =	smin.u32 s9, $0x4  }
0x55: {  	s2 =	sadd.s32 s3, s2  }
0x56: {  	p0 =	slt.u32 s9, $0x4;
	s7 =	smul.u32 $0x140, s2;
	s2 =	simm.s32 $0x500  }
0x57: {  	s2 =	simm.s32 @!p0 $0x3C0  }
0x58: {  	s2 =	sadd.s32 s2, s7  }
0x59: {  	s8 =	smin.u32 s2, $0x4000  }
0x5a: {  	s2 =	ssub.s32 s8, s7  }
0x5b: {  	p0 =	sgt.s32 s2, $0x0  }
0x5c: {  	s28 =	simm.s32 $0x2;
	s30 =	simm.s32 $0x9;
	s2 =	simm.s32 @!p0 $0x0  }
0x5d: {  	s31 =	simm.s32 $0xA;
	s11 =	simm.s32 $0xB;
	s29 =	smul.u32 $0xCCCD, s2  }
0x5e: {  	s12 =	simm.s32 $0x1;
	s14 =	sadd.s32 s15, s14;
	s15 =	sadd.s32 s15, s0  }
0x5f: {  	s18 =	simm.s32 $0x0;
	p1 =	por $0x0, $0x0;
	s3 =	sshrl.u32 s29, $0x18  }
0x60: {  	s19 =	simm.s32 $0xC;
	s23 =	simm.s32 $0x0;
	s5 =	smul.u32 $0x140, s3  }
.Ltmp6:
0x61: {  	[tilespmem:s4+$0x0] =	vst v0;
	v0 =	vimm.s32 $0xFFFFFFFF;
	s20 =	simm.s32 $0x0;
	[sflag:s28] =	ssyncpa.u1 $0x0;
	(pc) =	sbr.rel .LBB3_3-.Ltmp6, $4  }
0x62: {  	[tilespmem:$0xA108] =	vst v0;
	[sflag:s30] =	ssyncpa.u1 $0x0;
	p0 =	sne.s32 s2, s5;
	s2 =	simm.s32 $0x1  }
0x63: {  	s22 =	simm.s32 $0x0;
	[sflag:s31] =	ssyncpa.u1 $0x0;
	s2 =	simm.s32 @!p0 $0x0  }
0x64: {  	s16 =	sshll.u32 s9, $0x7;
	[sflag:s11] =	ssyncpa.u1 $0x0;
	s13 =	sadd.s32 s3, s2  }
0x65: {  	v0 =	vlaneseq.u32;
	s21 =	smov.u32 s7;
	p0 =	por $0x1, $0x1;
	s17 =	sadd.s32 $0x1, s13  }
.LBB3_24:
0x66: {  	s0 =	sshrl.u32 s0, $0x2  }
.LBB3_26:
0x67: {  	_ =	swait.ge [sflag:s19], s0  }
0x68: {  	s30 =	ssub.s32 $0x0, s0;
	v1 =	vmov s25;
	vm0 =	veq.s32 v0, $0x0;
	[sflag:s19] =	ssyncset.done $0x0  }
0x69: {  	vm15 =	veq.s32 v0, $0x2;
	v1 =	vsel vm0, s31, v1;
	[sflag:s19] =	ssyncadd.s32 s30  }
0x6a: {  	v1 =	vsel vm15, s23, v1;
	[sflag:s19] =	ssyncpa.u1 $0x1  }
0x6b: {  	[tilespmem:$0xA108] =	vst v1  }
.LBB3_27:
0x6c: {  	s0 =	sadd.s32 $0x140, s21  }
0x6d: {  	s2 =	smov.u32 s7;
	p2 =	slt.s32 s0, s8  }
0x6e: {  	s2 =	smov.u32 @p2 s0;
	p2 =	sne.s32 s22, s17  }
.Ltmp7:
0x6f: {  	_ = 	snop;
	(pc) =	sbr.rel @!p2 .LBB3_28-.Ltmp7, $4  }
0x70: {  	_ = 	snop  }
0x71: {  	s23 =	smov.u32 s20  }
0x72: {  	s31 =	sadd.s32 $0x1, s22;
	s20 =	smov.u32 s21;
	p0 =	por !p0, !p0  }
0x73: {  	p1 =	por !p1, !p1;
	s22 =	smov.u32 s31;
	s21 =	smov.u32 s2  }
.LBB3_3:
0x74: {  	p2 =	sge.u32 s22, s13  }
0x75: {  	s0 =	smulhi.u32 @!p2 $0xAAAAAAAB, s22  }
0x76: {  	s2 =	smov.u32 s21;
	p3 =	sgt.s32 @!p2 s21, $0x3EC0  }
0x77: {  	s3 =	sshra.s32 @!p2 s21, $0x1F;
	p3 =	por !p3, p2;
	s0 =	sshrl.u32 @!p2 s0, $0x1  }
0x78: {  	s3 =	sand.u32 @!p2 s3, s21;
	s2 =	simm.s32 @p3 $0x3EC0;
	s0 =	smul.u32 @!p2 $0x3, s0  }
0x79: {  	s2 =	ssub.s32 @!p2 s2, s3  }
0x7a: {  	s2 =	sadd.s32 @!p2 $0xFFFFC140, s2;
	s0 =	ssub.s32 @!p2 s22, s0  }
0x7b: {  	s3 =	sshll.u32 @!p2 s2, $0x2;
	p3 =	sgt.s32 @!p2 s2, $0x13F;
	s0 =	smul.u32 @!p2 $0x500, s0  }
0x7c: {  	s4 =	sand.u32 @!p2 $0x7, s21;
	s2 =	ssub.s32 @!p2 $0x500, s3;
	p3 =	por !p3, p2  }
0x7d: {  	s3 =	sshrl.u32 @!p2 s21, $0x3;
	s2 =	sshrl.u32 @!p2 s2, $0x2;
	s0 =	sshrl.u32 @!p2 s0, $0x2  }
0x7e: {  	s3 =	sadd.s32 @!p2 s3, s14;
	s2 =	simm.s32 @!p3 $0x0;
	s0 =	sadd.s32 @!p2 $0xA948, s0  }
0x7f: {  	[tilespmem:s0], [sflag:$0xA] =	stream.linear.gather @!p2 [hbm4b:s3+s4], s2, $0x38;
	[tilespmem:$0x1EF88] =	vst v63  }
0x80: {  	s4 =	sadd.s32 $0xFFFFFFFF, s22  }
0x81: {  	p2 =	sge.u32 s4, s13  }
0x82: {  	p3 =	sgt.s32 @!p2 s20, $0x3EC0  }
0x83: {  	s0 =	smov.u32 s20;
	s2 =	sshra.s32 @!p2 s20, $0x1F;
	p3 =	por !p3, p2  }
0x84: {  	s2 =	sand.u32 @!p2 s2, s20;
	s0 =	simm.s32 @p3 $0x3EC0  }
0x85: {  	s0 =	ssub.s32 @!p2 s0, s2  }
0x86: {  	s0 =	sadd.s32 @!p2 $0xFFFFC140, s0  }
0x87: {  	s2 =	sshll.u32 @!p2 s0, $0x2  }
0x88: {  	p3 =	sgt.s32 @!p2 s0, $0x13F;
	s0 =	ssub.s32 @!p2 $0x500, s2  }
0x89: {  	p3 =	por !p3, p2;
	s0 =	sshrl.u32 @!p2 s0, $0x2  }
0x8a: {  	s3 =	simm.s32 @!p2 $0xA;
	s2 =	sand.u32 @!p2 $0x1, s4;
	s0 =	simm.s32 @!p3 $0x0  }
0x8b: {  	s2 =	smul.u32 @!p2 $0x500, s2;
	_ =	swait.ge @!p2 [sflag:s3], s0  }
0x8c: {  	s5 =	ssub.s32 @!p2 $0x0, s0;
	[sflag:s3] =	ssyncset.done @!p2 $0x0  }
0x8d: {  	s2 =	sshrl.u32 @!p2 s2, $0x2;
	[sflag:s3] =	ssyncadd.s32 @!p2 s5;
	s3 =	sshrl.u32 @!p2 s20, $0x3  }
0x8e: {  	s2 =	sadd.s32 @!p2 $0xAD08, s2;
	s5 =	sand.u32 @!p2 $0x7, s20;
	s3 =	sadd.s32 @!p2 s3, s15  }
0x8f: {  	[tilespmem:s2], [sflag:$0xB] =	stream.linear.gather @!p2 [hbm4b:s3+s5], s0, $0x38;
	[tilespmem:$0x1EF88] =	vst v63  }
0x90: {  	s0 =	ssub.s32 @!p2 $0x4000, s20  }
0x91: {  	p3 =	slt.s32 @!p2 s0, $0x1  }
0x92: {  	p3 =	por p2, p3  }
.Ltmp8:
0x93: {  	_ = 	snop;
	(pc) =	sbr.rel @p3 .LBB3_9-.Ltmp8, $1  }
0x94: {  	_ =	sdelay $0x3  }
0x95: {  	s2 =	smulhi.u32 $0xAAAAAAAB, s4;
	_ =	sdelay $0x1  }
0x96: {  	s2 =	sshrl.u32 s2, $0x1  }
0x97: {  	s2 =	smul.u32 $0x3, s2;
	_ =	sdelay $0x1  }
0x98: {  	s2 =	ssub.s32 s4, s2  }
0x99: {  	s3 =	simm.s32 $0x1;
	s2 =	smul.u32 $0x500, s2  }
.Ltmp9:
0x9a: {  	s3 =	simm.s32 @!p0 $0x0;
	(pc) =	sbr.rel .LBB3_6-.Ltmp9, $4  }
0x9b: {  	s3 =	smul.u32 $0x28000, s3  }
0x9c: {  	p3 =	slt.s32 @!p2 s0, $0x140;
	s2 =	sshrl.u32 s2, $0x2  }
0x9d: {  	p2 =	por !p3, p2;
	s3 =	sshrl.u32 s3, $0x2;
	s2 =	sadd.s32 $0xA948, s2  }
0x9e: {  	s24 =	simm.s32 $0x0;
	s0 =	simm.s32 @p2 $0x140;
	s4 =	sadd.s32 $0xAF88, s3;
	v1 =	vmov s2  }
.LBB3_5:
0x9f: {  	p2 =	sge.s32 s24, s0  }
.Ltmp10:
0xa0: {  	_ = 	snop;
	(pc) =	sbr.rel @p2 .LBB3_9-.Ltmp10, $2  }
0xa1: {  	_ =	sdelay $0x2  }
0xa2: {  	s4 =	sadd.s32 $0x800, s4  }
.LBB3_6:
0xa3: {  	p2 =	sle.s32 s0, s24  }
.Ltmp11:
0xa4: {  	_ = 	snop;
	(pc) =	sbr.rel @p2 .LBB3_5-.Ltmp11, $2  }
0xa5: {  	_ =	sdelay $0x2  }
0xa6: {  	s5 =	smov.u32 s24;
	s24 =	sadd.s32 $0x10, s24  }
0xa7: {  	s2 =	ssub.s32 s0, s5  }
0xa8: {  	p2 =	slt.s32 s2, $0x10  }
0xa9: {  	s2 =	simm.s32 @!p2 $0x10  }
0xaa: {  	v2 =	vmov s2  }
0xab: {  	vm0 =	vgt.s32 v2, v0;
	_ =	sdelay $0x5  }
0xac: {  	v2 =	vld.idx.msk [tilespmem:v1+s5+$0x0 ss:$0x1], vm0;
	_ =	sdelay $0x2  }
0xad: {  	p2 =	slt.s32 s24, s0;
	s2 =	smov.u32 s0  }
0xae: {  	s3 =	smov.u32 s4;
	s25 =	simm.s32 $0x0;
	s2 =	smov.u32 @p2 s24  }
.LBB3_8:
0xaf: {  	(v2sf) =	vpush v2, s25;
	_ =	sdelay $0xc  }
0xb0: {  	s25 =	sadd.s32 $0x1, s25  }
0xb1: {  	s31 =	sadd.s32 s25, s5  }
0xb2: {  	p2 =	slt.s32 s31, s2;
	s9 =	spop (v2sf)  }
.Ltmp12:
0xb3: {  	s9 =	sshll.u32 s9, $0x4;
	(pc) =	sbr.rel @p2 .LBB3_8-.Ltmp12, $4  }
0xb4: {  	s9 =	sand.u32 $0x1FFFFFF0, s9  }
0xb5: {  	s9 =	sadd.s32 s6, s9  }
0xb6: {  	[tilespmem:s3], [sflag:$0x9] =	stream.linear.gather [hbm4b:s9+s18], $0x40, $0x38;
	[tilespmem:$0x1EF88] =	vst v63  }
0xb7: {  	s3 =	sadd.s32 $0x80, s3  }
.Ltmp13:
0xb8: {  	_ = 	snop;
	(pc) =	sbr.rel .LBB3_5-.Ltmp13, $1  }
0xb9: {  	_ =	sdelay $0x3  }
.LBB3_9:
0xba: {  	p2 =	slt.u32 s22, $0x2  }
.Ltmp14:
0xbb: {  	_ = 	snop;
	(pc) =	sbr.rel @p2 .LBB3_27-.Ltmp14, $1  }
0xbc: {  	_ =	sdelay $0x3  }
0xbd: {  	p2 =	sgt.s32 s23, $0x3EC0  }
0xbe: {  	s0 =	smov.u32 s23;
	s2 =	sshra.s32 s23, $0x1F;
	s3 =	ssub.s32 $0x4000, s23  }
0xbf: {  	s0 =	simm.s32 @!p2 $0x3EC0;
	s2 =	sand.u32 s2, s23;
	p2 =	slt.s32 s3, $0x140  }
0xc0: {  	s0 =	ssub.s32 s0, s2;
	s3 =	simm.s32 @!p2 $0x140  }
0xc1: {  	s0 =	sadd.s32 $0xFFFFC140, s0;
	s10 =	sshll.u32 s3, $0x6  }
0xc2: {  	s26 =	simm.s32 $0x9;
	s24 =	sshll.u32 s0, $0x2;
	s2 =	sand.u32 $0x3FFFFFC0, s10  }
0xc3: {  	p2 =	sgt.s32 s0, $0x13F;
	s25 =	ssub.s32 $0x500, s24;
	_ =	swait.ge [sflag:s26], s2  }
0xc4: {  	s2 =	ssub.s32 $0x0, s2;
	[sflag:s26] =	ssyncset.done $0x0;
	s0 =	sshrl.u32 s25, $0x2  }
0xc5: {  	[sflag:s26] =	ssyncadd.s32 s2;
	s0 =	simm.s32 @p2 $0x0  }
0xc6: {  	_ =	swait.ge [sflag:s11], s0  }
0xc7: {  	s0 =	ssub.s32 $0x0, s0;
	[sflag:s11] =	ssyncset.done $0x0  }
0xc8: {  	[sflag:s11] =	ssyncadd.s32 s0  }
0xc9: {  	v1 =	vld [tilespmem:$0xA108];
	_ =	sdelay $0x4  }
0xca: {  	(v2sf) =	vpush v1, $0x0  }
0xcb: {  	(v2sf) =	vpush v1, $0x1  }
0xcc: {  	(v2sf) =	vpush v1, $0x2;
	_ =	sdelay $0x3  }
0xcd: {  	s0 =	sadd.s32 $0x140, s23  }
0xce: {  	s2 =	ssub.s32 $0x8000, s23;
	p2 =	slt.s32 s8, s0  }
0xcf: {  	s0 =	smov.u32 @p2 s8;
	p2 =	sgt.s32 s2, $0x0  }
0xd0: {  	s0 =	ssub.s32 s0, s23;
	s2 =	simm.s32 @!p2 $0x0  }
0xd1: {  	p2 =	slt.s32 s2, s0  }
0xd2: {  	s0 =	smov.u32 @p2 s2  }
0xd3: {  	s26 =	simm.s32 $0x1;
	p2 =	slt.s32 s0, $0x1  }
.Ltmp15:
0xd4: {  	s26 =	simm.s32 @!p1 $0x0;
	(pc) =	sbr.rel @p2 .LBB3_14-.Ltmp15, $4  }
0xd5: {  	s30 =	smul.u32 $0x500, s26  }
0xd6: {  	s28 =	spop (v2sf)  }
0xd7: {  	s31 =	sshrl.u32 s30, $0x2;
	s29 =	spop (v2sf)  }
0xd8: {  	s24 =	sadd.s32 $0xAD08, s31;
	s23 =	spop (v2sf)  }
0xd9: {  	s2 =	smin.u32 s0, $0x10  }
0xda: {  	v1 =	vmov s2  }
0xdb: {  	p3 =	sgt.s32 s0, $0x10;
	vm1 =	vgt.u32 v1, v0  }
.Ltmp16:
0xdc: {  	_ = 	snop;
	(pc) =	sbr.rel @!p3 .LBB3_13-.Ltmp16, $2  }
0xdd: {  	_ =	sdelay $0x2  }
0xde: {  	s5 =	simm.s32 $0x10;
	s25 =	sadd.s32 $0xFFFFFFF0, s0;
	s4 =	smov.u32 s24;
	vm0 =	vmmov vm1  }
.LBB3_12:
0xdf: {  	s2 =	smin.u32 s25, $0x10;
	s5 =	sadd.s32 $0x10, s5;
	v1 =	vld.msk [tilespmem:s4+$0x0 ss:$0x1], vm1  }
0xe0: {  	v2 =	vmov s2;
	p3 =	slt.s32 s5, s0  }
0xe1: {  	vm1 =	vgt.u32 v2, v0  }
.Ltmp17:
0xe2: {  	(pc) =	sbr.rel @p3 .LBB3_12-.Ltmp17, $3  }
0xe3: {  	_ =	sdelay $0x1  }
0xe4: {  	v1 =	vshll.u32 v1, $0x4  }
0xe5: {  	s25 =	sadd.s32 $0xFFFFFFF0, s25;
	[tilespmem:s4+$0x0] =	vst.msk vm0, v1;
	s4 =	sadd.s32 $0x10, s4;
	vm0 =	vmmov vm1  }
.LBB3_13:
0xe6: {  	_ =	sdelay $0x4  }
0xe7: {  	v1 =	vld.msk [tilespmem:s4+$0x0 ss:$0x1], vm1;
	_ =	sdelay $0x4  }
0xe8: {  	v1 =	vshll.u32 v1, $0x4  }
0xe9: {  	[tilespmem:s4+$0x0] =	vst.msk vm0, v1  }
.LBB3_14:
0xea: {  	s2 =	sand.u32 $0x1, s22  }
0xeb: {  	s2 =	smul.u32 $0x140, s2  }
0xec: {  	p3 =	sne.s32 s29, $0xFFFFFFFF  }
0xed: {  	v1 =	vld.msk @!p3 [tilespmem:s2+$0xAD08], $0x1;
	_ =	sdelay $0x4  }
0xee: {  	(v2sf) =	vpush @!p3 v1, $0x0;
	_ =	sdelay $0xc  }
.Ltmp18:
0xef: {  	_ = 	snop;
	(pc) =	sbr.rel @p2 .LBB3_25-.Ltmp18, $4  }
0xf0: {  	_ = 	snop  }
0xf1: {  	s30 =	spop @!p3 (v2sf)  }
0xf2: {  	s23 =	simm.s32 @!p3 $0x0;
	s25 =	smov.u32 s30  }
0xf3: {  	[sflag:s19] =	ssyncpa.u1 $0x0;
	s30 =	smov.u32 @p3 s28;
	s25 =	smov.u32 @p3 s29  }
0xf4: {  	v1 =	vld.msk [tilespmem:s24+$0x0], $0x1;
	_ =	sdelay $0x4  }
0xf5: {  	(v2sf) =	vpush v1, $0x0;
	_ =	sdelay $0xe  }
0xf6: {  	s2 =	smul.u32 $0x28000, s26;
	s4 =	spop (v2sf)  }
0xf7: {  	s28 =	ssub.s32 $0x0, s0;
	p2 =	seq.s32 s30, s4  }
0xf8: {  	s0 =	sadd.s32 $0x1, s28;
	s2 =	sshrl.u32 s2, $0x2;
	p3 =	sgt.s32 @!p2 s30, $0x0  }
0xf9: {  	s26 =	sadd.s32 $0xAFA8, s2;
	s2 =	smov.u32 s30;
	p3 =	por !p3, p2  }
0xfa: {  	s2 =	simm.s32 @p3 $0x0;
	p3 =	seq.s32 s0, $0x0  }
.Ltmp19:
0xfb: {  	_ = 	snop;
	(pc) =	sbr.rel @p3 .LBB3_17-.Ltmp19, $4  }
0xfc: {  	_ = 	snop  }
0xfd: {  	s29 =	simm.s32 $0x0;
	s5 =	simm.s32 @!p2 $0x1;
	s3 =	smin.u32 @!p2 s2, $0xFF8  }
0xfe: {  	s31 =	sadd.s32 $0x1, s24;
	s5 =	smov.u32 @p2 s29;
	s9 =	sand.u32 @!p2 $0xFF8, s3  }
0xff: {  	s2 =	simm.s32 @!p2 $0x50C8;
	s3 =	sand.u32 @!p2 $0x7, s3;
	s9 =	sadd.s32 @!p2 s1, s9  }
.LBB3_16:
0x100: {  	s10 =	smov.u32 s5  }
0x101: {  	[tilespmem:s2], [sflag:$0x2] =	stream.linear.gather @!p2 [hbm4b:s9+s3], $0x40, $0x38;
	[tilespmem:$0x1EF88] =	vst v63  }
0x102: {  	s0 =	sadd.s32 $0x1, s0;
	s3 =	smov.u32 s4;
	v1 =	vld.msk [tilespmem:s31+$0x0], $0x1  }
0x103: {  	p3 =	seq.s32 s0, $0x0;
	_ =	sdelay $0x3  }
0x104: {  	(v2sf) =	vpush v1, $0x0;
	_ =	sdelay $0xe  }
0x105: {  	s4 =	spop (v2sf)  }
0x106: {  	p2 =	seq.s32 s3, s4  }
0x107: {  	p4 =	sgt.s32 @!p2 s3, $0x0;
	s2 =	sshll.u32 @!p2 s5, $0x8;
	s5 =	sadd.s32 @!p2 $0x1, s5  }
.Ltmp20:
0x108: {  	p4 =	por !p4, p2;
	s2 =	sshra.s32 @!p2 s2, $0x2;
	(pc) =	sbr.rel @!p3 .LBB3_16-.Ltmp20, $4  }
0x109: {  	s5 =	smov.u32 @p2 s10;
	s3 =	simm.s32 @p4 $0x0;
	s2 =	sadd.s32 @!p2 $0x50C8, s2  }
0x10a: {  	s3 =	smin.u32 @!p2 s3, $0xFF8  }
0x10b: {  	s9 =	sand.u32 @!p2 $0xFF8, s3;
	s3 =	sand.u32 @!p2 $0x7, s3  }
0x10c: {  	s31 =	sadd.s32 $0x1, s31;
	s9 =	sadd.s32 @!p2 s1, s9  }
.LBB3_17:
0x10d: {  	[tilespmem:s2], [sflag:$0x2] =	stream.linear.gather @!p2 [hbm4b:s9+s3], $0x40, $0x38;
	[tilespmem:$0x1EF88] =	vst v63  }
.Ltmp21:
0x10e: {  	s0 =	sshll.u32 s5, $0x6;
	(pc) =	sbr.rel .LBB3_18-.Ltmp21, $4  }
0x10f: {  	s31 =	simm.s32 $0x2;
	s0 =	sand.u32 $0x3FFFFFC0, s0  }
0x110: {  	_ =	swait.ge [sflag:s31], s0  }
0x111: {  	s0 =	ssub.s32 $0x0, s0;
	[sflag:s31] =	ssyncset.done $0x0  }
0x112: {  	[sflag:s31] =	ssyncadd.s32 s0;
	s0 =	simm.s32 $0x0  }
.LBB3_19:
0x113: {  	v1 =	vld [tilespmem:s26+$0xFFFFFFE0];
	_ =	sdelay $0x4  }
0x114: {  	[tilespmem:s4+$0x88] =	vst.add.f32.msk $0xffff, v1  }
0x115: {  	v1 =	vld [tilespmem:s26+$0xFFFFFFF0];
	_ =	sdelay $0x4  }
0x116: {  	[tilespmem:s4+$0x98] =	vst.add.f32.msk $0xffff, v1  }
0x117: {  	v1 =	vld [tilespmem:s26+$0x0];
	_ =	sdelay $0x4  }
0x118: {  	[tilespmem:s4+$0xA8] =	vst.add.f32.msk $0xffff, v1  }
0x119: {  	v1 =	vld [tilespmem:s26+$0x10];
	_ =	sdelay $0x4  }
0x11a: {  	[tilespmem:s4+$0xB8] =	vst.add.f32.msk $0xffff, v1  }
.LBB3_23:
0x11b: {  	s28 =	sadd.s32 $0x1, s28  }
0x11c: {  	p2 =	seq.s32 s28, $0x0  }
.Ltmp22:
0x11d: {  	_ = 	snop;
	(pc) =	sbr.rel @p2 .LBB3_24-.Ltmp22, $2  }
0x11e: {  	_ =	sdelay $0x2  }
0x11f: {  	s26 =	sadd.s32 $0x80, s26;
	s24 =	sadd.s32 $0x1, s24;
	s30 =	smov.u32 s31  }
.LBB3_18:
0x120: {  	v1 =	vld.msk [tilespmem:s24+$0x0], $0x1;
	_ =	sdelay $0x4  }
0x121: {  	(v2sf) =	vpush v1, $0x0;
	_ =	sdelay $0xe  }
0x122: {  	s31 =	spop (v2sf)  }
0x123: {  	p2 =	sne.s32 s30, s31  }
.Ltmp23:
0x124: {  	_ = 	snop;
	(pc) =	sbr.rel @!p2 .LBB3_19-.Ltmp23, $3  }
0x125: {  	_ =	sdelay $0x1  }
0x126: {  	s2 =	sshll.u32 s23, $0x8  }
0x127: {  	s4 =	sshra.s32 s2, $0x2  }
0x128: {  	p2 =	seq.s32 s30, s25  }
.Ltmp24:
0x129: {  	_ = 	snop;
	(pc) =	sbr.rel @!p2 .LBB3_21-.Ltmp24, $1  }
0x12a: {  	_ =	sdelay $0x3  }
.Ltmp25:
0x12b: {  	s2 =	sadd.s32 $0x88, s4;
	(pc) =	sbr.rel .LBB3_22-.Ltmp25, $4  }
0x12c: {  	[spmem:s16] =	stream.linear.scatter [tilespmem:s2], [sflag:$0x1], $0x40, $0x38;
	[tilespmem:$0x1EF88] =	vst v63  }
0x12d: {  	_ =	swait.ge [sflag:s12], $0x40  }
0x12e: {  	[sflag:s12] =	ssyncset.done $0x0  }
0x12f: {  	[sflag:s12] =	ssyncadd.s32 $0xFFFFFFC0  }
.LBB3_21:
0x130: {  	s2 =	sshll.u32 s29, $0x8  }
0x131: {  	s2 =	sshra.s32 s2, $0x2  }
0x132: {  	v1 =	vld [tilespmem:s2+$0x50C8];
	_ =	sdelay $0x4  }
0x133: {  	[tilespmem:s4+$0x88] =	vst.add.f32.msk $0xffff, v1  }
0x134: {  	v1 =	vld [tilespmem:s2+$0x50D8];
	_ =	sdelay $0x4  }
0x135: {  	[tilespmem:s4+$0x98] =	vst.add.f32.msk $0xffff, v1  }
0x136: {  	v1 =	vld [tilespmem:s2+$0x50E8];
	_ =	sdelay $0x4  }
0x137: {  	[tilespmem:s4+$0xA8] =	vst.add.f32.msk $0xffff, v1  }
0x138: {  	v1 =	vld [tilespmem:s2+$0x50F8];
	_ =	sdelay $0x2  }
0x139: {  	p2 =	sgt.u32 s30, $0xFF8  }
0x13a: {  	s2 =	sand.u32 @!p2 $0xFF8, s30  }
0x13b: {  	s3 =	sadd.s32 $0x88, s4;
	s2 =	sadd.s32 @!p2 s1, s2;
	[tilespmem:s4+$0xB8] =	vst.add.f32.msk $0xffff, v1;
	s4 =	sand.u32 @!p2 $0x7, s30  }
0x13c: {  	[hbm4b:s2+s4] =	stream.linear.scatter @!p2 [tilespmem:s3], [sflag:$0xC], $0x40, $0x38;
	[tilespmem:$0x1EF88] =	vst v63  }
0x13d: {  	s2 =	simm.s32 $0x0  }
0x13e: {  	s2 =	simm.s32 @!p2 $0x100  }
0x13f: {  	s0 =	sadd.s32 s2, s0  }
.LBB3_22:
0x140: {  	s2 =	sadd.s32 $0x1, s23  }
0x141: {  	s3 =	smulhi.u32 $0xCCCCCCCD, s2;
	_ =	sdelay $0x1  }
0x142: {  	v1 =	vld [tilespmem:s26+$0xFFFFFFE0];
	s3 =	sshrl.u32 s3, $0x8  }
0x143: {  	s3 =	smul.u32 $0x140, s3;
	_ =	sdelay $0x1  }
0x144: {  	s23 =	ssub.s32 s2, s3  }
0x145: {  	s2 =	sshll.u32 s23, $0x6  }
0x146: {  	[tilespmem:s2+$0x88] =	vst v1  }
0x147: {  	v1 =	vld [tilespmem:s26+$0xFFFFFFF0];
	_ =	sdelay $0x4  }
0x148: {  	[tilespmem:s2+$0x98] =	vst v1  }
0x149: {  	v1 =	vld [tilespmem:s26+$0x0];
	_ =	sdelay $0x4  }
0x14a: {  	[tilespmem:s2+$0xA8] =	vst v1  }
0x14b: {  	v1 =	vld [tilespmem:s26+$0x10]  }
.Ltmp26:
0x14c: {  	_ = 	snop;
	(pc) =	sbr.rel .LBB3_23-.Ltmp26, $2  }
0x14d: {  	_ =	sdelay $0x2  }
0x14e: {  	s29 =	sadd.s32 $0x1, s29;
	[tilespmem:s2+$0xB8] =	vst v1  }
.LBB3_25:
.Ltmp27:
0x14f: {  	(pc) =	sbr.rel .LBB3_26-.Ltmp27, $4  }
0x150: {  	_ = 	snop  }
0x151: {  	s0 =	simm.s32 $0x2  }
0x152: {  	_ =	swait.ge [sflag:s0], $0x0  }
0x153: {  	s31 =	smov.u32 s30;
	[sflag:s0] =	ssyncset.done $0x0;
	s0 =	simm.s32 $0x0  }
.LBB3_28:
0x154: {  	_ =	sfence.sel $0x180000  }
0x155: {  	s0 =	simm.s32 $0x9;
	[bflag:$0x0] =	sbarrier.arrive $0xFFFF  }
0x156: {  	s24 =	simm.s32 $0xA;
	[sflag:s0] =	ssyncpa.u1 $0x1  }
0x157: {  	s25 =	simm.s32 $0xB;
	[sflag:s24] =	ssyncpa.u1 $0x1  }
0x158: {  	s26 =	simm.s32 $0x2;
	[sflag:s25] =	ssyncpa.u1 $0x1  }
0x159: {  	[sflag:s26] =	ssyncpa.u1 $0x1  }
0x15a: {  	v0 =	vld [tilespmem:$0xA108];
	_ =	sdelay $0x4  }
0x15b: {  	(v2sf) =	vpush v0, $0x0  }
0x15c: {  	(v2sf) =	vpush v0, $0x1;
	_ =	sdelay $0x1  }
0x15d: {  	(v2sf) =	vpush v0, $0x2;
	_ =	sdelay $0xb  }
0x15e: {  	s0 =	spop (v2sf)  }
0x15f: {  	s2 =	spop (v2sf)  }
0x160: {  	s3 =	smov.u32 s0;
	p0 =	sne.s32 s0, s2  }
0x161: {  	s4 =	spop (v2sf);
	s3 =	simm.s32 @!p0 $0xFFFFFFFF  }
0x162: {  	v2 =	vimm.s32 $0x1;
	v3 =	vlaneseq.u32;
	p0 =	seq.s32 s4, $0xFFFFFFFF;
	v1 =	vmov s3  }
0x163: {  	s15 =	stileid.u32;
	v0 =	vperm.xlane v0, v2;
	p1 =	sne.s32 @!p0 s0, s2;
	v1 =	vperm.xlane v1, v3  }
0x164: {  	vm0 =	vcmask $0x3F04;
	s6 =	simm.s32 $0xA108;
	s0 =	simm.s32 @!p0 $0x1;
	p1 =	por !p1, p0  }
0x165: {  	s3 =	sshll.u32 s15, $0x1;
	s2 =	sshll.u32 @!p0 s4, $0x8;
	s0 =	simm.s32 @p1 $0x0;
	v0 =	vsel vm0, v1, v0  }
0x166: {  	s5 =	sor.u32 $0x800, s3;
	s2 =	sshra.s32 @!p0 s2, $0x2;
	s0 =	sor.u32 @!p0 s0, s3;
	[tilespmem:$0xA108] =	vst v0  }
0x167: {  	[spmem:s5] =	stream.linear.scatter [tilespmem:s6], [sflag:$0x1], $0x2, $0x38;
	[tilespmem:$0x1EF88] =	vst v63  }
0x168: {  	s2 =	sadd.s32 @!p0 $0x88, s2;
	s0 =	sshll.u32 @!p0 s0, $0x6  }
0x169: {  	[spmem:s0] =	stream.linear.scatter @!p0 [tilespmem:s2], [sflag:$0x1], $0x40, $0x38;
	[tilespmem:$0x1EF88] =	vst v63  }
0x16a: {  	s0 =	simm.s32 @!p0 $0x42  }
0x16b: {  	s28 =	simm.s32 $0x1;
	s0 =	simm.s32 @p0 $0x2  }
0x16c: {  	_ =	swait.ge [sflag:s28], s0  }
0x16d: {  	s0 =	ssub.s32 $0x0, s0;
	[sflag:s28] =	ssyncset.done $0x0  }
0x16e: {  	p0 =	sne.s32 s15, $0x0;
	[sflag:s28] =	ssyncadd.s32 s0  }
.Ltmp28:
0x16f: {  	_ =	sfence.stream.spmem;
	(pc) =	sbr.rel @p0 .LBB3_45-.Ltmp28, $4  }
0x170: {  	s29 =	simm.s32 $0x3;
	[bflag:$0x0] =	sbarrier.arrive $0xFFFF  }
0x171: {  	s30 =	simm.s32 $0x4;
	[sflag:s29] =	ssyncpa.u1 $0x1  }
0x172: {  	s31 =	simm.s32 $0x3C;
	[sflag:s30] =	ssyncpa.u1 $0x1  }
0x173: {  	s14 =	rddreg [dreg:$0x4];
	[sflag:s31] =	ssyncpa.u1 $0x1  }
0x174: {  	_ =	sfence.stream.spmem;
	s0 =	simm.s32 $0x5  }
0x175: {  	s2 =	simm.s32 $0x800;
	s3 =	simm.s32 $0xA118;
	[sflag:s0] =	ssyncpa.u1 $0x0  }
0x176: {  	[tilespmem:s3], [sflag:$0x5] =	stream.linear.gather [spmem:s2], $0x20, $0x38;
	[tilespmem:$0x1EF88] =	vst v63  }
0x177: {  	s26 =	simm.s32 $0x0;
	s28 =	simm.s32 $0xA138  }
0x178: {  	[tilespmem:s28], [sflag:$0x5] =	stream.linear.gather [spmem:s26], $0x800, $0x38;
	[tilespmem:$0x1EF88] =	vst v63  }
0x179: {  	_ =	swait.ge [sflag:s0], $0x820  }
0x17a: {  	[sflag:s0] =	ssyncset.done $0x0  }
0x17b: {  	s29 =	simm.s32 $0x0;
	[sflag:s0] =	ssyncadd.s32 $0xFFFFF7E0  }
0x17c: {  	v0 =	vld.msk [tilespmem:s29+$0xA118], $0x1;
	_ =	sdelay $0x1  }
0x17d: {  	s30 =	simm.s32 $0x1  }
0x17e: {  	v1 =	vld.msk [tilespmem:s30+$0xA118], $0x1;
	_ =	sdelay $0x1  }
0x17f: {  	(v2sf) =	vpush v0, $0x0;
	_ =	sdelay $0x2  }
0x180: {  	(v2sf) =	vpush v1, $0x0;
	_ =	sdelay $0x2  }
0x181: {  	s31 =	simm.s32 $0x2  }
0x182: {  	v0 =	vld.msk [tilespmem:s31+$0xA118], $0x1;
	_ =	sdelay $0x2  }
0x183: {  	s4 =	simm.s32 $0xFFFFFFFF;
	s2 =	simm.s32 $0xFFFFFFFF;
	s0 =	simm.s32 $0xC  }
.LBB3_30:
0x184: {  	s3 =	smov.u32 s4;
	s5 =	smov.u32 s2  }
0x185: {  	s2 =	sshra.s32 s0, $0x2;
	p1 =	sne.s32 s0, $0x7C;
	s0 =	sadd.s32 $0x4, s0;
	(v2sf) =	vpush v0, $0x0  }
0x186: {  	v0 =	vld.msk [tilespmem:s2+$0xA118], $0x1  }
.Ltmp29:
0x187: {  	(pc) =	sbr.rel @p1 .LBB3_30-.Ltmp29, $4  }
0x188: {  	s4 =	spop (v2sf)  }
0x189: {  	p2 =	sne.s32 s5, $0xFFFFFFFF;
	s2 =	smov.u32 s4  }
0x18a: {  	p3 =	seq.s32 s4, $0xFFFFFFFF;
	s2 =	smov.u32 @p2 s5  }
0x18b: {  	s4 =	smov.u32 @p3 s3;
	s2 =	smov.u32 @p3 s5  }
0x18c: {  	(v2sf) =	vpush v0, $0x0;
	_ =	sdelay $0x8  }
0x18d: {  	s0 =	spop (v2sf)  }
0x18e: {  	p1 =	sne.s32 s2, $0xFFFFFFFF;
	s3 =	smov.u32 s0  }
0x18f: {  	s9 =	simm.s32 $0x6;
	p2 =	seq.s32 s0, $0xFFFFFFFF;
	s3 =	smov.u32 @p1 s2  }
0x190: {  	s6 =	simm.s32 $0x0;
	s3 =	smov.u32 @p2 s2;
	s2 =	spop (v2sf)  }
0x191: {  	s0 =	smov.u32 @p2 s4;
	p1 =	sne.s32 s3, $0xFFFFFFFF;
	s5 =	smov.u32 s2  }
.Ltmp30:
0x192: {  	p2 =	seq.s32 s2, $0xFFFFFFFF;
	s5 =	smov.u32 @p1 s3;
	(pc) =	sbr.rel .LBB3_32-.Ltmp30, $4  }
0x193: {  	s10 =	simm.s32 $0xA0C8;
	s5 =	smov.u32 @p2 s3;
	s7 =	spop (v2sf)  }
0x194: {  	s11 =	simm.s32 $0x0;
	p1 =	sne.s32 s5, $0xFFFFFFFF;
	s8 =	smov.u32 s7  }
0x195: {  	s2 =	smov.u32 @p2 s0;
	p2 =	seq.s32 s7, $0xFFFFFFFF;
	s8 =	smov.u32 @p1 s5  }
0x196: {  	[sflag:s9] =	ssyncpa.u1 $0x0;
	s7 =	smov.u32 @p2 s2;
	s8 =	smov.u32 @p2 s5  }
.LBB3_38:
0x197: {  	p1 =	sgt.u32 s12, $0xFF8  }
0x198: {  	p2 =	seq.s32 @!p1 s12, s8  }
0x199: {  	p1 =	por p1, p2  }
0x19a: {  	p2 =	sne.s32 @!p1 s12, s7  }
0x19b: {  	p1 =	por p1, !p2  }
0x19c: {  	s0 =	sshll.u32 @p1 s11, $0x8  }
0x19d: {  	s0 =	sand.u32 @!p1 $0xFF8, s12  }
0x19e: {  	s2 =	sand.u32 @!p1 $0x7, s12;
	s0 =	sadd.s32 @!p1 s1, s0  }
0x19f: {  	[tilespmem:s10], [sflag:$0x6] =	stream.linear.gather @!p1 [hbm4b:s0+s2], $0x40, $0x38;
	[tilespmem:$0x1EF88] =	vst v63  }
0x1a0: {  	_ =	swait.ge @!p1 [sflag:s9], $0x40  }
0x1a1: {  	[sflag:s9] =	ssyncset.done @!p1 $0x0  }
0x1a2: {  	[sflag:s9] =	ssyncadd.s32 @!p1 $0xFFFFFFC0  }
0x1a3: {  	v1 =	vld @!p1 [tilespmem:$0xA0C8];
	_ =	sdelay $0x2  }
0x1a4: {  	s0 =	sshll.u32 @!p1 s11, $0x8  }
0x1a5: {  	s2 =	sshrl.u32 @!p1 s0, $0x2  }
0x1a6: {  	[tilespmem:s2+$0xA138] =	vst.add.f32.msk @!p1 $0xffff, v1  }
0x1a7: {  	v1 =	vld @!p1 [tilespmem:$0xA0D8];
	_ =	sdelay $0x4  }
0x1a8: {  	[tilespmem:s2+$0xA148] =	vst.add.f32.msk @!p1 $0xffff, v1  }
0x1a9: {  	v1 =	vld @!p1 [tilespmem:$0xA0E8];
	_ =	sdelay $0x4  }
0x1aa: {  	[tilespmem:s2+$0xA158] =	vst.add.f32.msk @!p1 $0xffff, v1  }
0x1ab: {  	v1 =	vld @!p1 [tilespmem:$0xA0F8];
	_ =	sdelay $0x4  }
0x1ac: {  	[tilespmem:s2+$0xA168] =	vst.add.f32.msk @!p1 $0xffff, v1  }
0x1ad: {  	s0 =	sshrl.u32 s0, $0x2;
	[tilespmem:s6+$0xA118] =	vst.msk $0x1, v0  }
0x1ae: {  	v0 =	vld [tilespmem:s0+$0xA138];
	_ =	sdelay $0x2  }
0x1af: {  	s31 =	sshll.u32 s6, $0x8  }
0x1b0: {  	s2 =	sshra.s32 s31, $0x2  }
0x1b1: {  	[tilespmem:s2+$0xA138] =	vst v0  }
0x1b2: {  	v0 =	vld [tilespmem:s0+$0xA148];
	_ =	sdelay $0x4  }
0x1b3: {  	[tilespmem:s2+$0xA148] =	vst v0  }
0x1b4: {  	v0 =	vld [tilespmem:s0+$0xA158];
	_ =	sdelay $0x4  }
0x1b5: {  	[tilespmem:s2+$0xA158] =	vst v0  }
0x1b6: {  	v0 =	vld [tilespmem:s0+$0xA168];
	_ =	sdelay $0x4  }
0x1b7: {  	s6 =	sadd.s32 $0x1, s6;
	[tilespmem:s2+$0xA168] =	vst v0  }
.LBB3_39:
0x1b8: {  	s11 =	sadd.s32 $0x1, s11  }
0x1b9: {  	p1 =	sne.s32 s11, $0x20  }
.Ltmp31:
0x1ba: {  	_ = 	snop;
	(pc) =	sbr.rel @!p1 .LBB3_40-.Ltmp31, $1  }
0x1bb: {  	_ =	sdelay $0x3  }
.LBB3_32:
0x1bc: {  	v0 =	vld.msk [tilespmem:s11+$0xA118], $0x1;
	_ =	sdelay $0x4  }
0x1bd: {  	(v2sf) =	vpush v0, $0x0;
	_ =	sdelay $0xe  }
0x1be: {  	s12 =	spop (v2sf)  }
0x1bf: {  	p1 =	seq.s32 s12, $0xFFFFFFFF  }
.Ltmp32:
0x1c0: {  	_ = 	snop;
	(pc) =	sbr.rel @p1 .LBB3_39-.Ltmp32, $1  }
0x1c1: {  	_ =	sdelay $0x3  }
0x1c2: {  	p1 =	slt.s32 s6, $0x1  }
.Ltmp33:
0x1c3: {  	_ = 	snop;
	(pc) =	sbr.rel @p1 .LBB3_38-.Ltmp33, $1  }
0x1c4: {  	_ =	sdelay $0x3  }
0x1c5: {  	s0 =	simm.s32 $0xA118;
	p1 =	por $0x0, $0x0  }
0x1c6: {  	v1 =	vld.msk @!p1 [tilespmem:s0+$0x0], $0x1;
	_ =	sdelay $0x4  }
0x1c7: {  	(v2sf) =	vpush @!p1 v1, $0x0;
	_ =	sdelay $0xd  }
0x1c8: {  	p3 =	sne.s32 s6, $0x1  }
.Ltmp34:
0x1c9: {  	s2 =	spop @!p1 (v2sf);
	(pc) =	sbr.rel @!p3 .LBB3_36-.Ltmp34, $4  }
0x1ca: {  	p2 =	seq.s32 @!p1 s12, s2  }
0x1cb: {  	s13 =	simm.s32 $0x0;
	p2 =	por !p2, p1  }
0x1cc: {  	s2 =	simm.s32 $0xFFFFFFFF;
	s13 =	simm.s32 @p2 $0xFFFFFFFF  }
0x1cd: {  	s4 =	simm.s32 $0x1;
	s13 =	smov.u32 @p1 s2  }
.LBB3_35:
0x1ce: {  	s2 =	smov.u32 s13;
	p1 =	sne.s32 s13, $0xFFFFFFFF  }
0x1cf: {  	s0 =	sadd.s32 $0x1, s0;
	s13 =	smov.u32 s4;
	s4 =	sadd.s32 $0x1, s4  }
0x1d0: {  	p2 =	sne.s32 s6, s4;
	v1 =	vld.msk @!p1 [tilespmem:s0+$0x0], $0x1;
	_ =	sdelay $0x4  }
0x1d1: {  	(v2sf) =	vpush @!p1 v1, $0x0;
	_ =	sdelay $0xe  }
.Ltmp35:
0x1d2: {  	s3 =	spop @!p1 (v2sf);
	(pc) =	sbr.rel @p2 .LBB3_35-.Ltmp35, $4  }
0x1d3: {  	p3 =	seq.s32 @!p1 s12, s3  }
0x1d4: {  	p3 =	por !p3, p1  }
0x1d5: {  	s13 =	simm.s32 @p3 $0xFFFFFFFF  }
0x1d6: {  	s13 =	smov.u32 @p1 s2  }
.LBB3_36:
0x1d7: {  	p1 =	seq.s32 s13, $0xFFFFFFFF  }
.Ltmp36:
0x1d8: {  	_ = 	snop;
	(pc) =	sbr.rel @p1 .LBB3_38-.Ltmp36, $1  }
0x1d9: {  	_ =	sdelay $0x3  }
0x1da: {  	s0 =	sshll.u32 s11, $0x6  }
0x1db: {  	s0 =	sand.u32 $0x3FFFFFC0, s0  }
0x1dc: {  	v0 =	vld [tilespmem:s0+$0xA138];
	_ =	sdelay $0x2  }
0x1dd: {  	s2 =	sshll.u32 s13, $0x8  }
0x1de: {  	s2 =	sshra.s32 s2, $0x2  }
0x1df: {  	[tilespmem:s2+$0xA138] =	vst.add.f32.msk $0xffff, v0  }
0x1e0: {  	v0 =	vld [tilespmem:s0+$0xA148];
	_ =	sdelay $0x4  }
0x1e1: {  	[tilespmem:s2+$0xA148] =	vst.add.f32.msk $0xffff, v0  }
0x1e2: {  	v0 =	vld [tilespmem:s0+$0xA158];
	_ =	sdelay $0x4  }
0x1e3: {  	[tilespmem:s2+$0xA158] =	vst.add.f32.msk $0xffff, v0  }
0x1e4: {  	v0 =	vld [tilespmem:s0+$0xA168]  }
.Ltmp37:
0x1e5: {  	_ = 	snop;
	(pc) =	sbr.rel .LBB3_39-.Ltmp37, $2  }
0x1e6: {  	_ =	sdelay $0x2  }
0x1e7: {  	[tilespmem:s2+$0xA168] =	vst.add.f32.msk $0xffff, v0  }
.LBB3_40:
0x1e8: {  	s0 =	simm.s32 $0x6;
	p1 =	seq.s32 s6, $0x0  }
0x1e9: {  	[sflag:s0] =	ssyncpa.u1 $0x1;
	v0 =	vimm.s32 @p1 $0xFFFFFFFF  }
0x1ea: {  	s0 =	sadd.s32 $0xFFFFFFFF, s6;
	[tilespmem:$0xA938] =	vst @p1 v0  }
0x1eb: {  	v0 =	vld.msk @!p1 [tilespmem:s0+$0xA118], $0x1;
	_ =	sdelay $0x1  }
0x1ec: {  	v1 =	vld.msk @!p1 [tilespmem:$0xA118], $0x1;
	_ =	sdelay $0x2  }
0x1ed: {  	p2 =	seq.s32 @!p1 s0, $0x0;
	v0 =	vbroadcast @!p1 v0, $0x0  }
0x1ee: {  	vm0 =	vmmov @!p1 $0x1;
	p2 =	por !p2, p1  }
0x1ef: {  	v1 =	vnsel @!p1 vm0, $0xFFFFFFFF, v1;
	vm0 =	vcmask @!p1 $0x308;
	v0 =	vpsel !p2, $0xFFFFFFFF, v0  }
0x1f0: {  	p2 =	sne.s32 @!p1 s8, s7;
	v0 =	vsel @!p1 vm0, v1, v0  }
0x1f1: {  	s2 =	simm.s32 @!p1 $0xA138;
	s3 =	simm.s32 @!p1 $0x0;
	p3 =	por !p2, p1;
	[tilespmem:$0xA938] =	vst @!p1 v0  }
0x1f2: {  	[spmem:s3] =	stream.linear.scatter @!p1 [tilespmem:s2], [sflag:$0x1], $0x40, $0x38;
	[tilespmem:$0x1EF88] =	vst v63  }
0x1f3: {  	s2 =	sshll.u32 @!p3 s0, $0x8  }
0x1f4: {  	s2 =	sshra.s32 @!p3 s2, $0x2  }
0x1f5: {  	s3 =	simm.s32 @!p3 $0x40;
	s2 =	sadd.s32 @!p3 $0xA138, s2  }
0x1f6: {  	[spmem:s3] =	stream.linear.scatter @!p3 [tilespmem:s2], [sflag:$0x1], $0x40, $0x38;
	[tilespmem:$0x1EF88] =	vst v63  }
0x1f7: {  	s2 =	simm.s32 @!p3 $0x1  }
0x1f8: {  	_ =	swait.ge @!p3 [sflag:s2], $0x80  }
0x1f9: {  	p1 =	por p2, p1;
	[sflag:s2] =	ssyncset.done @!p3 $0x0  }
0x1fa: {  	[sflag:s2] =	ssyncadd.s32 @!p3 $0xFFFFFF80;
	s2 =	simm.s32 @!p1 $0x1  }
0x1fb: {  	_ =	swait.ge @!p1 [sflag:s2], $0x40  }
0x1fc: {  	s29 =	simm.s32 $0xA938;
	[sflag:s2] =	ssyncset.done @!p1 $0x0  }
0x1fd: {  	s30 =	simm.s32 $0x800;
	s31 =	simm.s32 $0x1;
	[sflag:s2] =	ssyncadd.s32 @!p1 $0xFFFFFFC0  }
0x1fe: {  	[spmem:s30] =	stream.linear.scatter [tilespmem:s29], [sflag:$0x1], $0x10, $0x38;
	[tilespmem:$0x1EF88] =	vst v63  }
0x1ff: {  	_ =	swait.ge [sflag:s31], $0x10  }
0x200: {  	[sflag:s31] =	ssyncset.done $0x0  }
0x201: {  	p1 =	seq.s32 s14, $0x0;
	s9 =	rddreg [dreg:$0x1];
	[sflag:s31] =	ssyncadd.s32 $0xFFFFFFF0  }
0x202: {  	s3 =	sshll.u32 @p1 s9, $0xE;
	s8 =	rddreg [dreg:$0x2]  }
0x203: {  	s2 =	sadd.s32 @p1 $0x15C3C, s3;
	s3 =	sshll.u32 @p1 s8, $0x11  }
0x204: {  	_ =	sfence.stream.spmem;
	s2 =	sor.u32 @p1 s3, s2  }
0x205: {  	[sflag:s2] =	ssyncadd.remote.s32 @p1 $0x1;
	s2 =	simm.s32 @p1 $0x4  }
0x206: {  	s4 =	simm.s32 @!p1 $0x3C;
	s3 =	sand.u32 $0xFFFFFFFE, s9;
	_ =	swait.ge @p1 [sflag:s2], $0x12  }
0x207: {  	s5 =	simm.s32 @!p1 $0x0;
	s3 =	sadd.s32 @!p1 $0x4, s3;
	[sflag:s2] =	ssyncset.done @p1 $0x0  }
0x208: {  	s7 =	simm.s32 @!p1 $0x80;
	[sflag:s2] =	ssyncadd.s32 @p1 $0xFFFFFFEE;
	s2 =	sshll.u32 @!p1 s3, $0x1A  }
0x209: {  	s3 =	sshll.u32 @!p1 s3, $0xD;
	s2 =	sor.u32 @!p1 s2, s8;
	_ =	swait.eq @!p1 [sflag:s4], $0x1  }
0x20a: {  	s3 =	sor.u32 @!p1 $0x1C04, s3;
	s4 =	simm.s32 @!p1 $0x1C03;
	s2 =	sor.u32 @!p1 $0x80004000, s2  }
0x20b: {  	[spmem:s7], [sflag:s3] =	dma.general @!p1 [spmem:s5], [sflag:s4], length:$0x10, [dreg:$0x0], stride_count:$0x0, ici_dest:s2, dma_misc:DstOpCode:WRITE  }
0x20c: {  	p2 =	slt.s32 s0, $0x2;
	s5 =	simm.s32 @!p1 $0x100;
	s7 =	simm.s32 @!p1 $0x102  }
0x20d: {  	[spmem:s7], [sflag:s3] =	dma.general @!p1 [spmem:s5], [sflag:s4], length:$0x2, [dreg:$0x0], stride_count:$0x0, ici_dest:s2, dma_misc:DstOpCode:WRITE  }
.Ltmp38:
0x20e: {  	s2 =	simm.s32 @!p1 $0x3;
	(pc) =	sbr.rel @p2 .LBB3_44-.Ltmp38, $4  }
0x20f: {  	s3 =	sshll.u32 @!p1 s9, $0xE;
	_ =	swait.ge @!p1 [sflag:s2], $0x12  }
0x210: {  	s4 =	sshll.u32 @!p1 s8, $0x11;
	s3 =	sadd.s32 @!p1 $0x11C3C, s3;
	[sflag:s2] =	ssyncset.done @!p1 $0x0  }
0x211: {  	[sflag:s2] =	ssyncadd.s32 @!p1 $0xFFFFFFEE;
	s2 =	sor.u32 @!p1 s4, s3  }
0x212: {  	s0 =	simm.s32 $0x0;
	[sflag:s2] =	ssyncadd.remote.s32 @!p1 $0xFFFFFFFF  }
0x213: {  	s0 =	simm.s32 $0xA119  }
0x214: {  	v0 =	vld.msk [tilespmem:s0+$0x0], $0x1;
	_ =	sdelay $0x4  }
0x215: {  	(v2sf) =	vpush v0, $0x0;
	_ =	sdelay $0xd  }
0x216: {  	s3 =	sadd.s32 $0xFFFFFFFE, s6  }
0x217: {  	s4 =	sadd.s32 $0xFFFFFFFF, s3;
	s2 =	spop (v2sf)  }
0x218: {  	p2 =	sne.s32 s4, $0x0;
	p1 =	sgt.u32 s2, $0xFF8  }
.Ltmp39:
0x219: {  	s5 =	sand.u32 @!p1 $0xFF8, s2;
	(pc) =	sbr.rel @!p2 .LBB3_43-.Ltmp39, $4  }
0x21a: {  	s0 =	simm.s32 $0xA178;
	s2 =	sand.u32 @!p1 $0x7, s2;
	s3 =	sadd.s32 @!p1 s1, s5  }
0x21b: {  	[hbm4b:s3+s2] =	stream.linear.scatter @!p1 [tilespmem:s0], [sflag:$0x5], $0x40, $0x38;
	[tilespmem:$0x1EF88] =	vst v63  }
0x21c: {  	s2 =	simm.s32 $0x0  }
0x21d: {  	s6 =	simm.s32 $0xA11A;
	s5 =	simm.s32 $0x0;
	s2 =	simm.s32 @!p1 $0x100  }
.LBB3_42:
0x21e: {  	v0 =	vld.msk [tilespmem:s6+$0x0], $0x1;
	s4 =	sadd.s32 $0xFFFFFFFF, s4;
	s5 =	sadd.s32 s5, s2  }
0x21f: {  	p1 =	sne.s32 s4, $0x0;
	_ =	sdelay $0x3  }
0x220: {  	(v2sf) =	vpush v0, $0x0;
	_ =	sdelay $0xe  }
.Ltmp40:
0x221: {  	s3 =	spop (v2sf);
	(pc) =	sbr.rel @p1 .LBB3_42-.Ltmp40, $4  }
0x222: {  	s2 =	simm.s32 $0x0;
	p2 =	sgt.u32 s3, $0xFF8  }
0x223: {  	s0 =	sadd.s32 $0x40, s0;
	s2 =	simm.s32 @!p2 $0x100;
	s7 =	sand.u32 @!p2 $0xFF8, s3  }
0x224: {  	s6 =	sadd.s32 $0x1, s6;
	s3 =	sand.u32 @!p2 $0x7, s3;
	s7 =	sadd.s32 @!p2 s1, s7  }
0x225: {  	[hbm4b:s7+s3] =	stream.linear.scatter @!p2 [tilespmem:s0], [sflag:$0x5], $0x40, $0x38;
	[tilespmem:$0x1EF88] =	vst v63  }
.LBB3_43:
0x226: {  	s0 =	sadd.s32 s5, s2  }
0x227: {  	s0 =	sshrl.u32 s0, $0x2  }
.LBB3_44:
0x228: {  	s2 =	simm.s32 $0x5  }
0x229: {  	_ =	swait.ge [sflag:s2], s0  }
0x22a: {  	s31 =	ssub.s32 $0x0, s0;
	[sflag:s2] =	ssyncset.done $0x0  }
0x22b: {  	[sflag:s2] =	ssyncadd.s32 s31  }
0x22c: {  	[sflag:s2] =	ssyncpa.u1 $0x1  }
.LBB3_45:
0x22d: {  	s0 =	sor.u32 s14, s15  }
0x22e: {  	p1 =	sne.s32 s0, $0x0  }
.Ltmp41:
0x22f: {  	_ = 	snop;
	(pc) =	sbr.rel @p1 .LBB3_60-.Ltmp41, $3  }
0x230: {  	_ =	sdelay $0x1  }
0x231: {  	[bflag:$0x0] =	sbarrier.arrive $0xFFFF  }
0x232: {  	_ =	sfence  }
0x233: {  	s0 =	simm.s32 $0x7  }
0x234: {  	s2 =	simm.s32 $0x800;
	s3 =	simm.s32 $0xA118;
	[sflag:s0] =	ssyncpa.u1 $0x0  }
0x235: {  	[tilespmem:s3], [sflag:$0x7] =	stream.linear.gather [spmem:s2], $0x20, $0x38;
	[tilespmem:$0x1EF88] =	vst v63  }
0x236: {  	s30 =	simm.s32 $0xA138;
	s2 =	simm.s32 $0x0  }
0x237: {  	[tilespmem:s30], [sflag:$0x7] =	stream.linear.gather [spmem:s2], $0x800, $0x38;
	[tilespmem:$0x1EF88] =	vst v63  }
.Ltmp42:
0x238: {  	_ = 	snop;
	(pc) =	sbr.rel .LBB3_47-.Ltmp42, $4  }
0x239: {  	_ =	swait.ge [sflag:s0], $0x820  }
0x23a: {  	[sflag:s0] =	ssyncset.done $0x0  }
0x23b: {  	s31 =	simm.s32 $0x8;
	[sflag:s0] =	ssyncadd.s32 $0xFFFFF7E0  }
0x23c: {  	s3 =	simm.s32 $0x0;
	[sflag:s31] =	ssyncpa.u1 $0x0  }
.LBB3_53:
0x23d: {  	p1 =	slt.u32 s0, $0xFF9  }
0x23e: {  	s4 =	sand.u32 @p1 $0xFF8, s0  }
0x23f: {  	s0 =	sand.u32 @p1 $0x7, s0;
	s5 =	simm.s32 @p1 $0xA0C8;
	s4 =	sadd.s32 @p1 s1, s4  }
0x240: {  	[tilespmem:s5], [sflag:$0x8] =	stream.linear.gather @p1 [hbm4b:s4+s0], $0x40, $0x38;
	[tilespmem:$0x1EF88] =	vst v63  }
0x241: {  	s0 =	simm.s32 @p1 $0x8  }
0x242: {  	_ =	swait.ge @p1 [sflag:s0], $0x40  }
0x243: {  	[sflag:s0] =	ssyncset.done @p1 $0x0  }
0x244: {  	[sflag:s0] =	ssyncadd.s32 @p1 $0xFFFFFFC0  }
0x245: {  	v1 =	vld @p1 [tilespmem:$0xA0C8];
	_ =	sdelay $0x2  }
0x246: {  	s0 =	sshll.u32 @p1 s3, $0x8  }
0x247: {  	s4 =	sshrl.u32 @p1 s0, $0x2  }
0x248: {  	[tilespmem:s4+$0xA138] =	vst.add.f32.msk @p1 $0xffff, v1  }
0x249: {  	v1 =	vld @p1 [tilespmem:$0xA0D8];
	_ =	sdelay $0x4  }
0x24a: {  	[tilespmem:s4+$0xA148] =	vst.add.f32.msk @p1 $0xffff, v1  }
0x24b: {  	v1 =	vld @p1 [tilespmem:$0xA0E8];
	_ =	sdelay $0x4  }
0x24c: {  	[tilespmem:s4+$0xA158] =	vst.add.f32.msk @p1 $0xffff, v1  }
0x24d: {  	v1 =	vld @p1 [tilespmem:$0xA0F8];
	_ =	sdelay $0x3  }
0x24e: {  	s5 =	sshll.u32 @!p1 s3, $0x8  }
0x24f: {  	s5 =	smov.u32 @p1 s0;
	[tilespmem:s4+$0xA168] =	vst.add.f32.msk @p1 $0xffff, v1  }
0x250: {  	s0 =	sshrl.u32 s5, $0x2;
	[tilespmem:s2+$0xA118] =	vst.msk $0x1, v0  }
0x251: {  	v0 =	vld [tilespmem:s0+$0xA138];
	_ =	sdelay $0x2  }
0x252: {  	s31 =	sshll.u32 s2, $0x8  }
0x253: {  	s4 =	sshra.s32 s31, $0x2  }
0x254: {  	[tilespmem:s4+$0xA138] =	vst v0  }
0x255: {  	v0 =	vld [tilespmem:s0+$0xA148];
	_ =	sdelay $0x4  }
0x256: {  	[tilespmem:s4+$0xA148] =	vst v0  }
0x257: {  	v0 =	vld [tilespmem:s0+$0xA158];
	_ =	sdelay $0x4  }
0x258: {  	[tilespmem:s4+$0xA158] =	vst v0  }
0x259: {  	v0 =	vld [tilespmem:s0+$0xA168];
	_ =	sdelay $0x4  }
0x25a: {  	s2 =	sadd.s32 $0x1, s2;
	[tilespmem:s4+$0xA168] =	vst v0  }
.LBB3_54:
0x25b: {  	s3 =	sadd.s32 $0x1, s3  }
0x25c: {  	p1 =	sne.s32 s3, $0x20  }
.Ltmp43:
0x25d: {  	_ = 	snop;
	(pc) =	sbr.rel @!p1 .LBB3_55-.Ltmp43, $1  }
0x25e: {  	_ =	sdelay $0x3  }
.LBB3_47:
0x25f: {  	v0 =	vld.msk [tilespmem:s3+$0xA118], $0x1;
	_ =	sdelay $0x4  }
0x260: {  	(v2sf) =	vpush v0, $0x0;
	_ =	sdelay $0xe  }
0x261: {  	s0 =	spop (v2sf)  }
0x262: {  	p1 =	seq.s32 s0, $0xFFFFFFFF  }
.Ltmp44:
0x263: {  	_ = 	snop;
	(pc) =	sbr.rel @p1 .LBB3_54-.Ltmp44, $1  }
0x264: {  	_ =	sdelay $0x3  }
0x265: {  	p1 =	slt.s32 s2, $0x1  }
.Ltmp45:
0x266: {  	_ = 	snop;
	(pc) =	sbr.rel @p1 .LBB3_53-.Ltmp45, $1  }
0x267: {  	_ =	sdelay $0x3  }
0x268: {  	s4 =	simm.s32 $0xA118;
	p1 =	por $0x0, $0x0  }
0x269: {  	v1 =	vld.msk @!p1 [tilespmem:s4+$0x0], $0x1;
	_ =	sdelay $0x4  }
0x26a: {  	(v2sf) =	vpush @!p1 v1, $0x0;
	_ =	sdelay $0xd  }
0x26b: {  	p3 =	sne.s32 s2, $0x1  }
.Ltmp46:
0x26c: {  	s5 =	spop @!p1 (v2sf);
	(pc) =	sbr.rel @!p3 .LBB3_51-.Ltmp46, $4  }
0x26d: {  	p2 =	seq.s32 @!p1 s0, s5  }
0x26e: {  	s5 =	simm.s32 $0x0;
	p2 =	por !p2, p1  }
0x26f: {  	s7 =	simm.s32 $0xFFFFFFFF;
	s5 =	simm.s32 @p2 $0xFFFFFFFF  }
0x270: {  	s6 =	simm.s32 $0x1;
	s5 =	smov.u32 @p1 s7  }
.LBB3_50:
0x271: {  	s7 =	smov.u32 s5;
	p1 =	sne.s32 s5, $0xFFFFFFFF  }
0x272: {  	s4 =	sadd.s32 $0x1, s4;
	s5 =	smov.u32 s6;
	s6 =	sadd.s32 $0x1, s6  }
0x273: {  	p2 =	sne.s32 s2, s6;
	v1 =	vld.msk @!p1 [tilespmem:s4+$0x0], $0x1;
	_ =	sdelay $0x4  }
0x274: {  	(v2sf) =	vpush @!p1 v1, $0x0;
	_ =	sdelay $0xe  }
.Ltmp47:
0x275: {  	s8 =	spop @!p1 (v2sf);
	(pc) =	sbr.rel @p2 .LBB3_50-.Ltmp47, $4  }
0x276: {  	p3 =	seq.s32 @!p1 s0, s8  }
0x277: {  	p3 =	por !p3, p1  }
0x278: {  	s5 =	simm.s32 @p3 $0xFFFFFFFF  }
0x279: {  	s5 =	smov.u32 @p1 s7  }
.LBB3_51:
0x27a: {  	p1 =	seq.s32 s5, $0xFFFFFFFF  }
.Ltmp48:
0x27b: {  	_ = 	snop;
	(pc) =	sbr.rel @p1 .LBB3_53-.Ltmp48, $1  }
0x27c: {  	_ =	sdelay $0x3  }
0x27d: {  	s0 =	sshll.u32 s3, $0x6  }
0x27e: {  	s0 =	sand.u32 $0x3FFFFFC0, s0  }
0x27f: {  	v0 =	vld [tilespmem:s0+$0xA138];
	_ =	sdelay $0x2  }
0x280: {  	s4 =	sshll.u32 s5, $0x8  }
0x281: {  	s4 =	sshra.s32 s4, $0x2  }
0x282: {  	[tilespmem:s4+$0xA138] =	vst.add.f32.msk $0xffff, v0  }
0x283: {  	v0 =	vld [tilespmem:s0+$0xA148];
	_ =	sdelay $0x4  }
0x284: {  	[tilespmem:s4+$0xA148] =	vst.add.f32.msk $0xffff, v0  }
0x285: {  	v0 =	vld [tilespmem:s0+$0xA158];
	_ =	sdelay $0x4  }
0x286: {  	[tilespmem:s4+$0xA158] =	vst.add.f32.msk $0xffff, v0  }
0x287: {  	v0 =	vld [tilespmem:s0+$0xA168]  }
.Ltmp49:
0x288: {  	_ = 	snop;
	(pc) =	sbr.rel .LBB3_54-.Ltmp49, $2  }
0x289: {  	_ =	sdelay $0x2  }
0x28a: {  	[tilespmem:s4+$0xA168] =	vst.add.f32.msk $0xffff, v0  }
.LBB3_55:
0x28b: {  	p1 =	slt.s32 s2, $0x1  }
.Ltmp50:
0x28c: {  	_ = 	snop;
	(pc) =	sbr.rel @p1 .LBB3_59-.Ltmp50, $3  }
0x28d: {  	_ =	sdelay $0x1  }
0x28e: {  	s0 =	simm.s32 $0x8  }
0x28f: {  	[sflag:s0] =	ssyncpa.u1 $0x1;
	s0 =	simm.s32 $0x0  }
0x290: {  	s3 =	simm.s32 $0xA118  }
0x291: {  	v0 =	vld.msk [tilespmem:s3+$0x0], $0x1;
	_ =	sdelay $0x4  }
0x292: {  	(v2sf) =	vpush v0, $0x0;
	_ =	sdelay $0xe  }
0x293: {  	s2 =	sadd.s32 $0xFFFFFFFF, s2;
	s4 =	spop (v2sf)  }
0x294: {  	p2 =	sne.s32 s2, $0x0;
	p1 =	sgt.u32 s4, $0xFF8  }
.Ltmp51:
0x295: {  	s5 =	sand.u32 @!p1 $0xFF8, s4;
	(pc) =	sbr.rel @!p2 .LBB3_58-.Ltmp51, $4  }
0x296: {  	s3 =	simm.s32 $0xA138;
	s4 =	sand.u32 @!p1 $0x7, s4;
	s5 =	sadd.s32 @!p1 s1, s5  }
0x297: {  	[hbm4b:s5+s4] =	stream.linear.scatter @!p1 [tilespmem:s3], [sflag:$0x7], $0x40, $0x38;
	[tilespmem:$0x1EF88] =	vst v63  }
0x298: {  	s5 =	simm.s32 $0x0  }
0x299: {  	s4 =	simm.s32 $0xA119;
	s5 =	simm.s32 @!p1 $0x100  }
.LBB3_57:
0x29a: {  	v0 =	vld.msk [tilespmem:s4+$0x0], $0x1;
	s2 =	sadd.s32 $0xFFFFFFFF, s2;
	s0 =	sadd.s32 s0, s5  }
0x29b: {  	p1 =	sne.s32 s2, $0x0;
	_ =	sdelay $0x3  }
0x29c: {  	(v2sf) =	vpush v0, $0x0;
	_ =	sdelay $0xe  }
.Ltmp52:
0x29d: {  	s6 =	spop (v2sf);
	(pc) =	sbr.rel @p1 .LBB3_57-.Ltmp52, $4  }
0x29e: {  	s5 =	simm.s32 $0x0;
	p2 =	sgt.u32 s6, $0xFF8  }
0x29f: {  	s3 =	sadd.s32 $0x40, s3;
	s5 =	simm.s32 @!p2 $0x100;
	s7 =	sand.u32 @!p2 $0xFF8, s6  }
0x2a0: {  	s4 =	sadd.s32 $0x1, s4;
	s6 =	sand.u32 @!p2 $0x7, s6;
	s7 =	sadd.s32 @!p2 s1, s7  }
0x2a1: {  	[hbm4b:s7+s6] =	stream.linear.scatter @!p2 [tilespmem:s3], [sflag:$0x7], $0x40, $0x38;
	[tilespmem:$0x1EF88] =	vst v63  }
.LBB3_58:
0x2a2: {  	s0 =	sadd.s32 s0, s5  }
0x2a3: {  	s0 =	sshrl.u32 s0, $0x2  }
.LBB3_59:
0x2a4: {  	s1 =	simm.s32 $0x7  }
0x2a5: {  	_ =	swait.ge [sflag:s1], s0  }
0x2a6: {  	s31 =	ssub.s32 $0x0, s0;
	[sflag:s1] =	ssyncset.done $0x0  }
0x2a7: {  	[sflag:s1] =	ssyncadd.s32 s31  }
0x2a8: {  	[sflag:s1] =	ssyncpa.u1 $0x1  }
.LBB3_60:
0x2a9: {  	_ =	sfence;
	s0 =	simm.s32 $0x1  }
0x2aa: {  	[sflag:s0] =	ssyncpa.u1 $0x1  }
0x2ab: {  	_ =	strace $0x90000056  }
0x2ac: {  	[bflag:$0x2] =	sbarrier.arrive $0xFFFF  }
0x2ad: {  	s0 =	rddreg [dreg:$0x3]  }
0x2ae: {  	s0 =	sadd.s32 @!p0 $0x100000, s0  }
0x2af: {  	[sflag:s0] =	ssyncadd.tile.s32 @!p0 $0x1;
	_ =	shalt  }
.Lfunc_end3:
_tile_overlayer_lowered:
.L_overlay_start_3:
0x2b0: {  	(tag) =	ssettag $0x3  }
0x2b1: {  	s0 =	rddreg [dreg:$0x0];
	s2 =	stileid.u32  }
0x2b2: {  	s1 =	rddreg [dreg:$0x1];
	p0 =	sne.s32 s2, $0x0  }
0x2b3: {  	s3 =	rddreg [dreg:$0x2];
	[bflag:$0x3] =	sbarrier.arrive $0xFFFF;
	s2 =	simm.s32 @!p0 $0x1C01  }
0x2b4: {  	[timem:s3], [sflag:s2] =	dma.local @!p0 [hbm:s0], s1  }
0x2b5: {  	s0 =	simm.s32 @!p0 $0x1  }
0x2b6: {  	_ =	swait.ge @!p0 [sflag:s0], s1  }
0x2b7: {  	s1 =	ssub.s32 @!p0 $0x0, s1;
	[sflag:s0] =	ssyncset.done @!p0 $0x0  }
0x2b8: {  	[sflag:s0] =	ssyncadd.s32 @!p0 s1  }
0x2b9: {  	[bflag:$0x3] =	sbarrier.arrive $0xFFFF  }
0x2ba: {  	_ =	shalt  }

// kernel: scatter_offload_async_start.3
scs
__scs_entry_jumppad:
0x0: {  	(pc) =	sbr.rel $0x88, $3  }
0x1: {  	(tag) =	ssettag $0x0;
	lr =	simm.s32 $0x1  }
0x2: {  	[smem:$0x3F95] =	sst lr;
	_ =	strace $0xD0000000  }
0x3: {  	_ = 	snop  }
0x4: {  	_ = 	snop  }
0x5: {  	_ = 	snop  }
0x6: {  	_ = 	snop  }
0x7: {  	_ = 	snop  }
__scs_overlays_trampoline_lowered:
0x8: {  	[smem:$0x3FA4] =	sst s0  }
0x9: {  	[smem:$0x3FA5] =	sst s1  }
0xa: {  	[smem:$0x3FA6] =	sst s2  }
0xb: {  	[smem:$0x3FA7] =	sst s3  }
0xc: {  	[smem:$0x3FA8] =	sst s4  }
0xd: {  	[smem:$0x3FA9] =	sst s5  }
0xe: {  	[smem:$0x3FAA] =	sst s6  }
0xf: {  	[smem:$0x3FAB] =	sst s7  }
0x10: {  	[smem:$0x3FAC] =	sst s8  }
0x11: {  	[smem:$0x3FAD] =	sst s9;
	s0 =	simm.s32 @!p0 $0x0  }
0x12: {  	s1 =	sld [smem:$0x3F93];
	s0 =	simm.s32 @p0 $0x1  }
0x13: {  	[smem:$0x3FAE] =	sst s0;
	s0 =	simm.s32 @!p1 $0x0  }
0x14: {  	s2 =	sld [smem:$0x3F92];
	s0 =	simm.s32 @p1 $0x1  }
0x15: {  	[smem:$0x3FAF] =	sst s0;
	s0 =	simm.s32 @!p2 $0x0  }
0x16: {  	s3 =	sld [smem:$0x3FDB];
	s0 =	simm.s32 @p2 $0x1  }
0x17: {  	s4 =	simm.s32 $0x1BF5;
	[smem:$0x3FB1] =	sst s0  }
0x18: {  	s0 =	sld [smem:$0x3F94];
	_ =	swait.ge [sflag:s4], $0x0  }
0x19: {  	s7 =	sld [smem:$0x3F95]  }
0x1a: {  	s8 =	sadd.s32 $0xFFFFE003, lr  }
0x1b: {  	s9 =	sadd.s32 $0xFFFFFEF7, lr;
	s5 =	simm.s32 $0xFFFFFFFF;
	p2 =	slt.u32 s8, $0xFFFFF086  }
0x1c: {  	p1 =	slt.u32 s9, $0xF7A;
	s5 =	simm.s32 @!p2 $0x0  }
0x1d: {  	s5 =	simm.s32 @p1 $0x1;
	p0 =	seq.s32 s7, s2  }
0x1e: {  	s7 =	smul.u32 @!p0 $0xF7A, s2;
	p2 =	seq.s32 @!p0 s5, $0x0  }
0x1f: {  	s9 =	smul.u32 $0xF7A, s1;
	s8 =	simm.s32 @!p0 $0x1BF5;
	p2 =	por !p2, p0  }
0x20: {  	[sflag:s8] =	ssyncset.s32 @!p0 $0xFFFFF086;
	s6 =	sadd.s32 @!p0 s3, s7;
	s7 =	simm.s32 @!p0 $0x108  }
0x21: {  	s3 =	sadd.s32 s3, s9;
	s6 =	sadd.s32 @!p0 $0x88, s6;
	s7 =	simm.s32 @p2 $0x1082  }
0x22: {  	[simem:s7], [sflag:s8] =	dma.local @!p0 [hbm:s6], $0xF7A  }
0x23: {  	s9 =	sor.u32 $0xD0000000, s2;
	s6 =	simm.s32 $0x108;
	_ =	swait.ge @!p0 [sflag:s8], $0x0  }
0x24: {  	s3 =	sadd.s32 $0x88, s3;
	s6 =	simm.s32 @!p1 $0x1082;
	[sflag:s4] =	ssyncset.s32 $0xFFFFF086  }
0x25: {  	[simem:s6], [sflag:s4] =	dma.local [hbm:s3], $0xF7A  }
0x26: {  	[smem:$0x3F95] =	sst s1;
	(tag) =	ssettag s2;
	_ =	strace s9  }
0x27: {  	s1 =	sld [smem:$0x3FA5]  }
0x28: {  	s2 =	sld [smem:$0x3FA6]  }
0x29: {  	s4 =	sld [smem:$0x3FA8]  }
0x2a: {  	p0 =	seq.s32 s5, $0x0;
	s5 =	sld [smem:$0x3FA9]  }
0x2b: {  	s6 =	sld [smem:$0x3FAA]  }
0x2c: {  	s7 =	sld [smem:$0x3FAB]  }
0x2d: {  	s3 =	simm.s32 $0x108;
	s8 =	sld [smem:$0x3FAC]  }
0x2e: {  	s3 =	simm.s32 @!p0 $0x1082;
	s9 =	sld [smem:$0x3FAD]  }
0x2f: {  	lr =	sadd.s32 s0, s3;
	s0 =	sld [smem:$0x3FA4]  }
0x30: {  	s3 =	sld [smem:$0x3FA7]  }
0x31: {  	[smem:$0x3FB0] =	sst s10  }
0x32: {  	s10 =	sld [smem:$0x3FAE];
	_ =	sdelay $0x3  }
0x33: {  	p0 =	seq.s32 s10, $0x1;
	s10 =	sld [smem:$0x3FB0];
	_ =	sdelay $0x3  }
0x34: {  	[smem:$0x3FB0] =	sst s10  }
0x35: {  	s10 =	sld [smem:$0x3FAF];
	_ =	sdelay $0x3  }
0x36: {  	p1 =	seq.s32 s10, $0x1;
	s10 =	sld [smem:$0x3FB0];
	_ =	sdelay $0x3  }
0x37: {  	[smem:$0x3FB0] =	sst s10  }
0x38: {  	s10 =	sld [smem:$0x3FB1]  }
0x39: {  	_ = 	snop;
	(pc) =	sbr.ind lr, $3  }
0x3a: {  	_ = 	snop  }
0x3b: {  	_ = 	snop  }
0x3c: {  	p2 =	seq.s32 s10, $0x1;
	s10 =	sld [smem:$0x3FB0]  }
0x3d: {  	_ =	shalt  }
0x3e: {  	_ =	shalt  }
0x3f: {  	_ =	shalt  }
0x40: {  	_ =	shalt  }
0x41: {  	_ =	shalt  }
0x42: {  	_ =	shalt  }
0x43: {  	_ =	shalt  }
0x44: {  	_ =	shalt  }
0x45: {  	_ =	shalt  }
0x46: {  	_ =	shalt  }
0x47: {  	_ =	shalt  }
0x48: {  	_ =	shalt  }
0x49: {  	_ =	shalt  }
0x4a: {  	_ =	shalt  }
0x4b: {  	_ =	shalt  }
0x4c: {  	_ =	shalt  }
0x4d: {  	_ =	shalt  }
0x4e: {  	_ =	shalt  }
0x4f: {  	_ =	shalt  }
0x50: {  	_ =	shalt  }
0x51: {  	_ =	shalt  }
0x52: {  	_ =	shalt  }
0x53: {  	_ =	shalt  }
0x54: {  	_ =	shalt  }
0x55: {  	_ =	shalt  }
0x56: {  	_ =	shalt  }
0x57: {  	_ =	shalt  }
0x58: {  	_ =	shalt  }
0x59: {  	_ =	shalt  }
0x5a: {  	_ =	shalt  }
0x5b: {  	_ =	shalt  }
0x5c: {  	_ =	shalt  }
0x5d: {  	_ =	shalt  }
0x5e: {  	_ =	shalt  }
0x5f: {  	_ =	shalt  }
0x60: {  	_ =	shalt  }
0x61: {  	_ =	shalt  }
0x62: {  	_ =	shalt  }
0x63: {  	_ =	shalt  }
0x64: {  	_ =	shalt  }
0x65: {  	_ =	shalt  }
0x66: {  	_ =	shalt  }
0x67: {  	_ =	shalt  }
0x68: {  	_ =	shalt  }
0x69: {  	_ =	shalt  }
0x6a: {  	_ =	shalt  }
0x6b: {  	_ =	shalt  }
0x6c: {  	_ =	shalt  }
0x6d: {  	_ =	shalt  }
0x6e: {  	_ =	shalt  }
0x6f: {  	_ =	shalt  }
0x70: {  	_ =	shalt  }
0x71: {  	_ =	shalt  }
0x72: {  	_ =	shalt  }
0x73: {  	_ =	shalt  }
0x74: {  	_ =	shalt  }
0x75: {  	_ =	shalt  }
0x76: {  	_ =	shalt  }
0x77: {  	_ =	shalt  }
0x78: {  	_ =	shalt  }
0x79: {  	_ =	shalt  }
0x7a: {  	_ =	shalt  }
0x7b: {  	_ =	shalt  }
0x7c: {  	_ =	shalt  }
0x7d: {  	_ =	shalt  }
0x7e: {  	_ =	shalt  }
0x7f: {  	_ =	shalt  }
0x80: {  	_ =	shalt  }
0x81: {  	_ =	shalt  }
0x82: {  	_ =	shalt  }
0x83: {  	_ =	shalt  }
0x84: {  	_ =	shalt  }
0x85: {  	_ =	shalt  }
0x86: {  	_ =	shalt  }
0x87: {  	_ =	shalt  }
.Lfunc_end0:
.L_simem_size_0:
called_computation.3_lowered:
.L_overlay_start_0:
0x88: {  	s2 =	sld [smem:$0x3FD9]  }
0x89: {  	s3 =	sld [smem:$0x3FFE];
	_ =	sdelay $0x1  }
0x8a: {  	s1 =	srdreg.scid  }
0x8b: {  	s0 =	sand.u32 $0x1, s1  }
0x8c: {  	s15 =	sshll.u32 s0, $0xA;
	s2 =	sadd.s32 s3, s2  }
0x8d: {  	s2 =	sadd.s32 s2, s15  }
0x8e: {  	[smem:$0x3FBC] =	sst s2  }
0x8f: {  	_ = 	snop  }
0x90: {  	(tm) =	ssettm $0x1  }
0x91: {  	s16 =	sld [smem:$0x3FFB];
	_ =	sdelay $0x3  }
0x92: {  	_ =	strace s16  }
0x93: {  	s2 =	sld [smem:$0x3FFC];
	_ =	sdelay $0x3  }
0x94: {  	_ =	strace s2  }
0x95: {  	s2 =	sld [smem:$0x3FFD];
	_ =	sdelay $0x3  }
0x96: {  	_ =	strace s2  }
0x97: {  	_ =	strace $0x8FFFFFFF  }
0x98: {  	s17 =	sld [smem:$0x3FDB];
	_ =	sdelay $0x1  }
0x99: {  	s18 =	simm.s32 $_scs_section_size  }
0x9a: {  	s4 =	simm.s32 $_size__tile_overlayer_lowered;
	s5 =	simm.s32 $_tile_overlayer_lowered  }
0x9b: {  	s6 =	simm.s32 $0x1BFF;
	s19 =	sshll.u32 s5, $0x1;
	s3 =	sadd.s32 s18, s17  }
0x9c: {  	s20 =	simm.s32 $0x0;
	s4 =	sshll.u32 s4, $0x1;
	s5 =	sadd.s32 s19, s3  }
0x9d: {  	[timem:s20], [sflag:s6] =	dma.local [hbm:s5], s4  }
0x9e: {  	_ =	swait.ge [sflag:s6], s4  }
0x9f: {  	s4 =	ssub.s32 $0x0, s4;
	[sflag:s6] =	ssyncset.done $0x0  }
0xa0: {  	[sflag:s6] =	ssyncadd.s32 s4;
	_ =	sdelay $0x1  }
0xa1: {  	s21 =	simm.s32 $0x1B8B  }
0xa2: {  	_ =	swait.ge [sflag:s21], $0x1  }
0xa3: {  	[sflag:s21] =	ssyncset.done $0x0  }
0xa4: {  	s22 =	sld [smem:$0x3FFE];
	[sflag:s21] =	ssyncadd.s32 $0xFFFFFFFF  }
0xa5: {  	s24 =	simm.s32 $0x1B8E;
	s23 =	sld [smem:$0x0]  }
0xa6: {  	s25 =	simm.s32 $execute0_lowered;
	[smem:$0x3FD2] =	sst s24  }
0xa7: {  	s6 =	sshll.u32 s25, $0x1;
	_ =	strace $0x80000058;
	[dreg:$0x1] =	wrdreg $0xFFFFFFFF  }
0xa8: {  	s7 =	simm.s32 $_size_execute0_lowered;
	s6 =	sadd.s32 s3, s6;
	[dreg:$0x0] =	wrdreg $0x0  }
0xa9: {  	s7 =	sshll.u32 s7, $0x1;
	[dreg:$0x2] =	wrdreg s6  }
0xaa: {  	[dreg:$0x3] =	wrdreg s7  }
0xab: {  	[dreg:$0x4] =	wrdreg $0xC0  }
0xac: {  	s26 =	simm.s32 $execute1_lowered;
	_ =	task [dreg:s20], $0x5FFFF  }
0xad: {  	s6 =	sshll.u32 s26, $0x1;
	[dreg:$0x1] =	wrdreg $0xFFFFFFFF  }
0xae: {  	s3 =	sadd.s32 s3, s6;
	[dreg:$0x0] =	wrdreg $0x60  }
0xaf: {  	[dreg:$0x2] =	wrdreg s3  }
0xb0: {  	[dreg:$0x3] =	wrdreg s22  }
0xb1: {  	[dreg:$0x4] =	wrdreg $0x9  }
0xb2: {  	_ =	task.clear_ibuf [dreg:s20], $0x5FFFF;
	_ =	strace $0x90000058  }
0xb3: {  	s28 =	simm.s32 $0x9;
	_ =	strace $0x8000005A  }
0xb4: {  	_ =	swait.ge [sflag:s28], $0x1  }
0xb5: {  	[sflag:s28] =	ssyncadd.s32 $0xFFFFFFFF  }
0xb6: {  	_ =	strace $0x9000005A  }
0xb7: {  	s3 =	sld [smem:$0x0]  }
0xb8: {  	s6 =	sand.u32 $0xFFFFFFFE, s1  }
0xb9: {  	p0 =	sne.s32 s1, s6  }
0xba: {  	s6 =	sshll.u32 @p0 s6, $0xE  }
0xbb: {  	s6 =	sadd.s32 @p0 $0x11BF3, s6;
	s7 =	sshll.u32 @p0 s3, $0x11  }
0xbc: {  	s6 =	sor.u32 @p0 s7, s6  }
0xbd: {  	[sflag:s6] =	ssyncadd.remote.s32 @p0 $0x1;
	_ =	sdelay $0x1  }
0xbe: {  	s6 =	simm.s32 @p0 $0x1BF3  }
0xbf: {  	_ =	swait.eq @p0 [sflag:s6], $0x1  }
0xc0: {  	[sflag:s6] =	ssyncadd.s32 @p0 $0xFFFFFFFF  }
0xc1: {  	s7 =	sshll.u32 @!p0 s1, $0xE  }
0xc2: {  	s7 =	sor.u32 @!p0 $0x4000, s7;
	s6 =	simm.s32 @!p0 $0x1BF3  }
0xc3: {  	s3 =	sshll.u32 @!p0 s3, $0x11;
	s7 =	sadd.s32 @!p0 $0x11BF3, s7;
	_ =	swait.eq @!p0 [sflag:s6], $0x1  }
0xc4: {  	s3 =	sor.u32 @!p0 s3, s7;
	[sflag:s6] =	ssyncadd.s32 @!p0 $0xFFFFFFFF  }
0xc5: {  	[sflag:s3] =	ssyncadd.remote.s32 @!p0 $0x1  }
0xc6: {  	_ =	strace $0x8000005B;
	[dreg:$0x1] =	wrdreg $0xFFFFFFFF  }
0xc7: {  	[dreg:$0x0] =	wrdreg $0x2030  }
0xc8: {  	[dreg:$0x2] =	wrdreg s22  }
0xc9: {  	[dreg:$0x3] =	wrdreg s1  }
0xca: {  	[dreg:$0x4] =	wrdreg s23  }
0xcb: {  	[dreg:$0x5] =	wrdreg $0xA  }
0xcc: {  	_ =	task.clear_ibuf [dreg:s20], $0x6FFFF;
	_ =	strace $0x9000005B  }
0xcd: {  	s29 =	simm.s32 $0xA;
	_ =	strace $0x8000005D  }
0xce: {  	_ =	swait.ge [sflag:s29], $0x1  }
0xcf: {  	[sflag:s29] =	ssyncadd.s32 $0xFFFFFFFF  }
0xd0: {  	_ =	strace $0x9000005D  }
0xd1: {  	_ =	sfence  }
0xd2: {  	s30 =	sld [smem:$0x0];
	_ =	sdelay $0x2  }
0xd3: {  	s31 =	sshll.u32 s1, $0xD;
	s1 =	sshrl.u32 s1, $0x2  }
0xd4: {  	s4 =	sand.u32 $0x4000, s31;
	s1 =	sadd.s32 s1, s30  }
0xd5: {  	s0 =	sor.u32 s4, s0;
	s1 =	sshll.u32 s1, $0x11  }
0xd6: {  	s0 =	sor.u32 s1, s0  }
0xd7: {  	s0 =	sadd.s32 $0x8F2B, s0  }
0xd8: {  	[sflag:s0] =	ssyncadd.remote.s32 $0x1  }
0xd9: {  	_ =	sfence.sel $0xFFFF  }
0xda: {  	[dreg:$0x0] =	wrdreg $0xFFFFFFFF;
	(pc) =	sbr.abs _section_cstart, $3  }
0xdb: {  	[dreg:$0x1] =	wrdreg $0xFFFFFFFF  }
0xdc: {  	_ =	task.clear_ibuf [dreg:s20], $0x2FFFF;
	_ =	strace $0x9FFFFFFF  }
0xdd: {  	(tm) =	ssettm $0x7FFFFFFF  }
tec
execute0_lowered:
.L_overlay_start_1:
0x0: {  	(tag) =	ssettag $0x1  }
0x1: {  	s2 =	rddreg [dreg:$0x0]  }
0x2: {  	s3 =	rddreg [dreg:$0x1]  }
0x3: {  	s0 =	rddreg [dreg:$0x2];
	s4 =	stileid.u32;
	[bflag:$0x3] =	sbarrier.arrive $0xFFFF  }
0x4: {  	s1 =	simm.s32 $_size_execute1_lowered;
	s31 =	srdreg.scid;
	p0 =	sne.s32 s4, $0x0  }
0x5: {  	s1 =	sshll.u32 s1, $0x1;
	s5 =	simm.s32 @!p0 $0x1C3F;
	s6 =	simm.s32 @!p0 $0x4060  }
0x6: {  	[timem:s6], [sflag:s5] =	dma.local @!p0 [hbm:s2], s1  }
0x7: {  	s8 =	simm.s32 $0x2;
	s2 =	sshll.u32 s31, $0x4  }
0x8: {  	s11 =	simm.s32 $0x0;
	s4 =	sshll.u32 s4, $0x5;
	s2 =	sand.u32 $0x10, s2  }
0x9: {  	s9 =	simm.s32 $0x80;
	s10 =	simm.s32 $0x0;
	s2 =	sor.u32 s4, s2  }
0xa: {  	s6 =	simm.s32 $0x3;
	s4 =	sshll.u32 s2, $0x4;
	s5 =	ssub.s32 $0x100, s2  }
0xb: {  	_ =	strace $0x80000059;
	s4 =	sand.u32 $0xF00, s4;
	p1 =	sgt.s32 s5, $0x0  }
.Ltmp0:
0xc: {  	s7 =	sadd.s32 s4, s3;
	s5 =	simm.s32 @!p1 $0x0;
	(pc) =	sbr.rel .LBB2_1-.Ltmp0, $4  }
0xd: {  	s3 =	sadd.s32 $0x143000, s3;
	s4 =	simm.s32 $0x1;
	s5 =	sand.u32 $0x1F0, s5  }
0xe: {  	[sflag:s4] =	ssyncpa.u1 $0x0;
	s7 =	sadd.s32 $0x142000, s7;
	p1 =	sne.s32 s5, $0x0  }
0xf: {  	s5 =	simm.s32 $0x1;
	[sflag:s8] =	ssyncpa.u1 $0x0;
	s8 =	simm.s32 $0x40  }
0x10: {  	s5 =	simm.s32 @!p1 $0x0;
	s6 =	simm.s32 @!p1 $0x2;
	p1 =	por $0x0, $0x0  }
.LBB2_4:
0x11: {  	_ =	sdelay $0x3  }
0x12: {  	[tilespmem:v2+s12+$0x30 ss:$0x1] =	vst.idx.msk $0xffff, v1  }
0x13: {  	[tilespmem:v2+s12+$0x0 ss:$0x1] =	vst.idx.msk $0xffff, v3;
	s11 =	sshll.u32 s11, $0x4  }
0x14: {  	[tilespmem:v2+s12+$0x10 ss:$0x1] =	vst.idx.msk $0xffff, v4;
	s11 =	sand.u32 $0xFF0, s11  }
0x15: {  	[tilespmem:v2+s12+$0x20 ss:$0x1] =	vst.idx.msk $0xffff, v5;
	s11 =	sadd.s32 s3, s11  }
0x16: {  	[hbm4b:s11+s8] =	stream.strided.scatter [tilespmem:s13], [sflag:$0x2], $0x400, s9, s8, $0x38;
	[tilespmem:$0x1000] =	vst v63  }
.LBB2_5:
0x17: {  	p2 =	slt.u32 s10, $0x2;
	s10 =	sadd.s32 $0x1, s10  }
0x18: {  	p3 =	sne.s32 s10, s6  }
.Ltmp1:
0x19: {  	_ = 	snop;
	(pc) =	sbr.rel @!p3 .LBB2_6-.Ltmp1, $4  }
0x1a: {  	s11 =	simm.s32 @!p2 $0x2  }
0x1b: {  	_ =	swait.ge @!p2 [sflag:s11], $0x400  }
0x1c: {  	[sflag:s11] =	ssyncset.done @!p2 $0x0  }
0x1d: {  	p1 =	por !p1, !p1;
	[sflag:s11] =	ssyncadd.s32 @!p2 $0xFFFFFC00;
	s11 =	smov.u32 s2  }
.LBB2_1:
0x1e: {  	p2 =	sge.u32 s10, s5;
	s31 =	sadd.s32 $0xFFFFFFFF, s10  }
0x1f: {  	s12 =	simm.s32 @!p2 $0x40;
	s13 =	simm.s32 @!p2 $0x80;
	s14 =	simm.s32 @!p2 $0x400  }
0x20: {  	[tilespmem:s14], [sflag:$0x1] =	stream.strided.gather @!p2 [hbm4b:s7+s12], $0x400, s13, s12, $0x38;
	[tilespmem:$0x1000] =	vst v63  }
0x21: {  	p2 =	sge.u32 s31, s5  }
.Ltmp2:
0x22: {  	_ = 	snop;
	(pc) =	sbr.rel @p2 .LBB2_5-.Ltmp2, $1  }
0x23: {  	_ =	sdelay $0x3  }
0x24: {  	s12 =	simm.s32 $0x1  }
0x25: {  	s12 =	simm.s32 @!p1 $0x0  }
0x26: {  	s13 =	sshll.u32 s12, $0xA  }
0x27: {  	s12 =	sor.u32 $0x20, s13  }
0x28: {  	v0 =	vmov s12;
	_ =	sdelay $0x1  }
0x29: {  	_ =	swait.ge [sflag:s4], $0x400  }
0x2a: {  	[sflag:s4] =	ssyncset.done $0x0  }
0x2b: {  	[sflag:s4] =	ssyncadd.s32 $0xFFFFFC00;
	s12 =	simm.s32 $0x0  }
0x2c: {  	s15 =	sor.u32 $0x800, s13;
	v1 =	vld.idx.msk [tilespmem:v0+s12+$0x10 ss:$0x1], $0xffff  }
0x2d: {  	s14 =	sshll.u32 s10, $0xA;
	v2 =	vmov s15;
	v3 =	vld.idx.msk [tilespmem:v0+s12+$0xFFFFFFE0 ss:$0x1], $0xffff  }
0x2e: {  	s31 =	sand.u32 $0x400, s14;
	v4 =	vld.idx.msk [tilespmem:v0+s12+$0xFFFFFFF0 ss:$0x1], $0xffff  }
0x2f: {  	s14 =	simm.s32 $0x100;
	s13 =	sor.u32 $0x800, s31;
	v5 =	vld.idx.msk [tilespmem:v0+s12+$0x0 ss:$0x1], $0xffff  }
.LBB2_3:
0x30: {  	p2 =	sne.s32 s14, $0xF00  }
.Ltmp3:
0x31: {  	s15 =	sshra.s32 s14, $0x2;
	s14 =	sadd.s32 $0x100, s14;
	(pc) =	sbr.rel @p2 .LBB2_3-.Ltmp3, $4  }
0x32: {  	[tilespmem:v2+s12+$0x30 ss:$0x1] =	vst.idx.msk $0xffff, v1;
	v1 =	vld.idx.msk [tilespmem:v0+s15+$0x10 ss:$0x1], $0xffff  }
0x33: {  	[tilespmem:v2+s12+$0x0 ss:$0x1] =	vst.idx.msk $0xffff, v3;
	v3 =	vld.idx.msk [tilespmem:v0+s15+$0xFFFFFFE0 ss:$0x1], $0xffff  }
0x34: {  	[tilespmem:v2+s12+$0x10 ss:$0x1] =	vst.idx.msk $0xffff, v4;
	v4 =	vld.idx.msk [tilespmem:v0+s15+$0xFFFFFFF0 ss:$0x1], $0xffff  }
0x35: {  	[tilespmem:v2+s12+$0x20 ss:$0x1] =	vst.idx.msk $0xffff, v5;
	v5 =	vld.idx.msk [tilespmem:v0+s15+$0x0 ss:$0x1], $0xffff;
	s12 =	smov.u32 s15  }
.Ltmp4:
0x36: {  	_ = 	snop;
	(pc) =	sbr.rel .LBB2_4-.Ltmp4, $1  }
0x37: {  	_ =	sdelay $0x3  }
.LBB2_6:
0x38: {  	_ =	sfence.sel $0x180000  }
0x39: {  	s2 =	simm.s32 $0x1;
	[bflag:$0x0] =	sbarrier.arrive $0xFFFF  }
0x3a: {  	s31 =	simm.s32 $0x2;
	[sflag:s2] =	ssyncpa.u1 $0x1  }
0x3b: {  	[sflag:s31] =	ssyncpa.u1 $0x1  }
0x3c: {  	_ =	strace $0x90000059  }
0x3d: {  	s0 =	sadd.s32 @!p0 $0x100000, s0;
	[bflag:$0x2] =	sbarrier.arrive $0xFFFF  }
0x3e: {  	[sflag:s0] =	ssyncadd.tile.s32 @!p0 $0x1;
	s0 =	simm.s32 @!p0 $0x3F  }
0x3f: {  	_ =	swait.ge @!p0 [sflag:s0], s1  }
0x40: {  	s1 =	ssub.s32 @!p0 $0x0, s1;
	[sflag:s0] =	ssyncset.done @!p0 $0x0  }
0x41: {  	[sflag:s0] =	ssyncadd.s32 @!p0 s1  }
0x42: {  	[bflag:$0x3] =	sbarrier.arrive $0xFFFF  }
0x43: {  	_ =	shalt  }
.Lfunc_end2:
execute1_lowered:
.L_overlay_start_2:
0x44: {  	(tag) =	ssettag $0x2  }
0x45: {  	s2 =	rddreg [dreg:$0x0]  }
0x46: {  	s3 =	rddreg [dreg:$0x1];
	_ =	strace $0x8000005C;
	s0 =	simm.s32 $0x1  }
0x47: {  	s4 =	simm.s32 $0x88;
	v0 =	vimm.s32 $0x0;
	[sflag:s0] =	ssyncpa.u1 $0x0  }
0x48: {  	s1 =	sadd.s32 $0x143000, s2;
	s0 =	sadd.s32 $0x140000, s2;
	[tilespmem:s4+$0x30] =	vst v0  }
0x49: {  	s6 =	sadd.s32 $0xC0000, s2;
	s3 =	sand.u32 $0x1, s3;
	s14 =	sadd.s32 $0x141000, s2;
	[tilespmem:s4+$0x20] =	vst v0  }
0x4a: {  	s2 =	simm.s32 $0x40;
	[dreg:$0x4] =	wrdreg s3;
	s15 =	sshll.u32 s3, $0xB;
	[tilespmem:s4+$0x10] =	vst v0  }
.LBB3_1:
0x4b: {  	s2 =	sadd.s32 $0x40, s2  }
0x4c: {  	[tilespmem:s4+$0x0] =	vst v0;
	s4 =	sadd.s32 $0x40, s4;
	p0 =	slt.u32 s2, $0x5040  }
.Ltmp5:
0x4d: {  	(pc) =	sbr.rel @p0 .LBB3_1-.Ltmp5, $4  }
0x4e: {  	_ = 	snop  }
0x4f: {  	[tilespmem:s4+$0x30] =	vst v0  }
0x50: {  	[tilespmem:s4+$0x20] =	vst v0  }
0x51: {  	[tilespmem:s4+$0x10] =	vst v0  }
0x52: {  	s9 =	stileid.u32  }
0x53: {  	s2 =	smul.u32 $0x3, s9  }
0x54: {  	s3 =	smin.u32 s9, $0x4  }
0x55: {  	s2 =	sadd.s32 s3, s2  }
0x56: {  	p0 =	slt.u32 s9, $0x4;
	s7 =	smul.u32 $0x140, s2;
	s2 =	simm.s32 $0x500  }
0x57: {  	s2 =	simm.s32 @!p0 $0x3C0  }
0x58: {  	s2 =	sadd.s32 s2, s7  }
0x59: {  	s8 =	smin.u32 s2, $0x4000  }
0x5a: {  	s2 =	ssub.s32 s8, s7  }
0x5b: {  	p0 =	sgt.s32 s2, $0x0  }
0x5c: {  	s28 =	simm.s32 $0x2;
	s30 =	simm.s32 $0x9;
	s2 =	simm.s32 @!p0 $0x0  }
0x5d: {  	s31 =	simm.s32 $0xA;
	s11 =	simm.s32 $0xB;
	s29 =	smul.u32 $0xCCCD, s2  }
0x5e: {  	s12 =	simm.s32 $0x1;
	s14 =	sadd.s32 s15, s14;
	s15 =	sadd.s32 s15, s0  }
0x5f: {  	s18 =	simm.s32 $0x0;
	p1 =	por $0x0, $0x0;
	s3 =	sshrl.u32 s29, $0x18  }
0x60: {  	s19 =	simm.s32 $0xC;
	s23 =	simm.s32 $0x0;
	s5 =	smul.u32 $0x140, s3  }
.Ltmp6:
0x61: {  	[tilespmem:s4+$0x0] =	vst v0;
	v0 =	vimm.s32 $0xFFFFFFFF;
	s20 =	simm.s32 $0x0;
	[sflag:s28] =	ssyncpa.u1 $0x0;
	(pc) =	sbr.rel .LBB3_3-.Ltmp6, $4  }
0x62: {  	[tilespmem:$0xA108] =	vst v0;
	[sflag:s30] =	ssyncpa.u1 $0x0;
	p0 =	sne.s32 s2, s5;
	s2 =	simm.s32 $0x1  }
0x63: {  	s22 =	simm.s32 $0x0;
	[sflag:s31] =	ssyncpa.u1 $0x0;
	s2 =	simm.s32 @!p0 $0x0  }
0x64: {  	s16 =	sshll.u32 s9, $0x7;
	[sflag:s11] =	ssyncpa.u1 $0x0;
	s13 =	sadd.s32 s3, s2  }
0x65: {  	v0 =	vlaneseq.u32;
	s21 =	smov.u32 s7;
	p0 =	por $0x1, $0x1;
	s17 =	sadd.s32 $0x1, s13  }
.LBB3_24:
0x66: {  	s0 =	sshrl.u32 s0, $0x2  }
.LBB3_26:
0x67: {  	_ =	swait.ge [sflag:s19], s0  }
0x68: {  	s30 =	ssub.s32 $0x0, s0;
	v1 =	vmov s25;
	vm0 =	veq.s32 v0, $0x0;
	[sflag:s19] =	ssyncset.done $0x0  }
0x69: {  	vm15 =	veq.s32 v0, $0x2;
	v1 =	vsel vm0, s31, v1;
	[sflag:s19] =	ssyncadd.s32 s30  }
0x6a: {  	v1 =	vsel vm15, s23, v1;
	[sflag:s19] =	ssyncpa.u1 $0x1  }
0x6b: {  	[tilespmem:$0xA108] =	vst v1  }
.LBB3_27:
0x6c: {  	s0 =	sadd.s32 $0x140, s21  }
0x6d: {  	s2 =	smov.u32 s7;
	p2 =	slt.s32 s0, s8  }
0x6e: {  	s2 =	smov.u32 @p2 s0;
	p2 =	sne.s32 s22, s17  }
.Ltmp7:
0x6f: {  	_ = 	snop;
	(pc) =	sbr.rel @!p2 .LBB3_28-.Ltmp7, $4  }
0x70: {  	_ = 	snop  }
0x71: {  	s23 =	smov.u32 s20  }
0x72: {  	s31 =	sadd.s32 $0x1, s22;
	s20 =	smov.u32 s21;
	p0 =	por !p0, !p0  }
0x73: {  	p1 =	por !p1, !p1;
	s22 =	smov.u32 s31;
	s21 =	smov.u32 s2  }
.LBB3_3:
0x74: {  	p2 =	sge.u32 s22, s13  }
0x75: {  	s0 =	smulhi.u32 @!p2 $0xAAAAAAAB, s22  }
0x76: {  	s2 =	smov.u32 s21;
	p3 =	sgt.s32 @!p2 s21, $0x3EC0  }
0x77: {  	s3 =	sshra.s32 @!p2 s21, $0x1F;
	p3 =	por !p3, p2;
	s0 =	sshrl.u32 @!p2 s0, $0x1  }
0x78: {  	s3 =	sand.u32 @!p2 s3, s21;
	s2 =	simm.s32 @p3 $0x3EC0;
	s0 =	smul.u32 @!p2 $0x3, s0  }
0x79: {  	s2 =	ssub.s32 @!p2 s2, s3  }
0x7a: {  	s2 =	sadd.s32 @!p2 $0xFFFFC140, s2;
	s0 =	ssub.s32 @!p2 s22, s0  }
0x7b: {  	s3 =	sshll.u32 @!p2 s2, $0x2;
	p3 =	sgt.s32 @!p2 s2, $0x13F;
	s0 =	smul.u32 @!p2 $0x500, s0  }
0x7c: {  	s4 =	sand.u32 @!p2 $0x7, s21;
	s2 =	ssub.s32 @!p2 $0x500, s3;
	p3 =	por !p3, p2  }
0x7d: {  	s3 =	sshrl.u32 @!p2 s21, $0x3;
	s2 =	sshrl.u32 @!p2 s2, $0x2;
	s0 =	sshrl.u32 @!p2 s0, $0x2  }
0x7e: {  	s3 =	sadd.s32 @!p2 s3, s14;
	s2 =	simm.s32 @!p3 $0x0;
	s0 =	sadd.s32 @!p2 $0xA948, s0  }
0x7f: {  	[tilespmem:s0], [sflag:$0xA] =	stream.linear.gather @!p2 [hbm4b:s3+s4], s2, $0x38;
	[tilespmem:$0x1EF88] =	vst v63  }
0x80: {  	s4 =	sadd.s32 $0xFFFFFFFF, s22  }
0x81: {  	p2 =	sge.u32 s4, s13  }
0x82: {  	p3 =	sgt.s32 @!p2 s20, $0x3EC0  }
0x83: {  	s0 =	smov.u32 s20;
	s2 =	sshra.s32 @!p2 s20, $0x1F;
	p3 =	por !p3, p2  }
0x84: {  	s2 =	sand.u32 @!p2 s2, s20;
	s0 =	simm.s32 @p3 $0x3EC0  }
0x85: {  	s0 =	ssub.s32 @!p2 s0, s2  }
0x86: {  	s0 =	sadd.s32 @!p2 $0xFFFFC140, s0  }
0x87: {  	s2 =	sshll.u32 @!p2 s0, $0x2  }
0x88: {  	p3 =	sgt.s32 @!p2 s0, $0x13F;
	s0 =	ssub.s32 @!p2 $0x500, s2  }
0x89: {  	p3 =	por !p3, p2;
	s0 =	sshrl.u32 @!p2 s0, $0x2  }
0x8a: {  	s3 =	simm.s32 @!p2 $0xA;
	s2 =	sand.u32 @!p2 $0x1, s4;
	s0 =	simm.s32 @!p3 $0x0  }
0x8b: {  	s2 =	smul.u32 @!p2 $0x500, s2;
	_ =	swait.ge @!p2 [sflag:s3], s0  }
0x8c: {  	s5 =	ssub.s32 @!p2 $0x0, s0;
	[sflag:s3] =	ssyncset.done @!p2 $0x0  }
0x8d: {  	s2 =	sshrl.u32 @!p2 s2, $0x2;
	[sflag:s3] =	ssyncadd.s32 @!p2 s5;
	s3 =	sshrl.u32 @!p2 s20, $0x3  }
0x8e: {  	s2 =	sadd.s32 @!p2 $0xAD08, s2;
	s5 =	sand.u32 @!p2 $0x7, s20;
	s3 =	sadd.s32 @!p2 s3, s15  }
0x8f: {  	[tilespmem:s2], [sflag:$0xB] =	stream.linear.gather @!p2 [hbm4b:s3+s5], s0, $0x38;
	[tilespmem:$0x1EF88] =	vst v63  }
0x90: {  	s0 =	ssub.s32 @!p2 $0x4000, s20  }
0x91: {  	p3 =	slt.s32 @!p2 s0, $0x1  }
0x92: {  	p3 =	por p2, p3  }
.Ltmp8:
0x93: {  	_ = 	snop;
	(pc) =	sbr.rel @p3 .LBB3_9-.Ltmp8, $1  }
0x94: {  	_ =	sdelay $0x3  }
0x95: {  	s2 =	smulhi.u32 $0xAAAAAAAB, s4;
	_ =	sdelay $0x1  }
0x96: {  	s2 =	sshrl.u32 s2, $0x1  }
0x97: {  	s2 =	smul.u32 $0x3, s2;
	_ =	sdelay $0x1  }
0x98: {  	s2 =	ssub.s32 s4, s2  }
0x99: {  	s3 =	simm.s32 $0x1;
	s2 =	smul.u32 $0x500, s2  }
.Ltmp9:
0x9a: {  	s3 =	simm.s32 @!p0 $0x0;
	(pc) =	sbr.rel .LBB3_6-.Ltmp9, $4  }
0x9b: {  	s3 =	smul.u32 $0x28000, s3  }
0x9c: {  	p3 =	slt.s32 @!p2 s0, $0x140;
	s2 =	sshrl.u32 s2, $0x2  }
0x9d: {  	p2 =	por !p3, p2;
	s3 =	sshrl.u32 s3, $0x2;
	s2 =	sadd.s32 $0xA948, s2  }
0x9e: {  	s24 =	simm.s32 $0x0;
	s0 =	simm.s32 @p2 $0x140;
	s4 =	sadd.s32 $0xAF88, s3;
	v1 =	vmov s2  }
.LBB3_5:
0x9f: {  	p2 =	sge.s32 s24, s0  }
.Ltmp10:
0xa0: {  	_ = 	snop;
	(pc) =	sbr.rel @p2 .LBB3_9-.Ltmp10, $2  }
0xa1: {  	_ =	sdelay $0x2  }
0xa2: {  	s4 =	sadd.s32 $0x800, s4  }
.LBB3_6:
0xa3: {  	p2 =	sle.s32 s0, s24  }
.Ltmp11:
0xa4: {  	_ = 	snop;
	(pc) =	sbr.rel @p2 .LBB3_5-.Ltmp11, $2  }
0xa5: {  	_ =	sdelay $0x2  }
0xa6: {  	s5 =	smov.u32 s24;
	s24 =	sadd.s32 $0x10, s24  }
0xa7: {  	s2 =	ssub.s32 s0, s5  }
0xa8: {  	p2 =	slt.s32 s2, $0x10  }
0xa9: {  	s2 =	simm.s32 @!p2 $0x10  }
0xaa: {  	v2 =	vmov s2  }
0xab: {  	vm0 =	vgt.s32 v2, v0;
	_ =	sdelay $0x5  }
0xac: {  	v2 =	vld.idx.msk [tilespmem:v1+s5+$0x0 ss:$0x1], vm0;
	_ =	sdelay $0x2  }
0xad: {  	p2 =	slt.s32 s24, s0;
	s2 =	smov.u32 s0  }
0xae: {  	s3 =	smov.u32 s4;
	s25 =	simm.s32 $0x0;
	s2 =	smov.u32 @p2 s24  }
.LBB3_8:
0xaf: {  	(v2sf) =	vpush v2, s25;
	_ =	sdelay $0xc  }
0xb0: {  	s25 =	sadd.s32 $0x1, s25  }
0xb1: {  	s31 =	sadd.s32 s25, s5  }
0xb2: {  	p2 =	slt.s32 s31, s2;
	s9 =	spop (v2sf)  }
.Ltmp12:
0xb3: {  	s9 =	sshll.u32 s9, $0x4;
	(pc) =	sbr.rel @p2 .LBB3_8-.Ltmp12, $4  }
0xb4: {  	s9 =	sand.u32 $0x1FFFFFF0, s9  }
0xb5: {  	s9 =	sadd.s32 s6, s9  }
0xb6: {  	[tilespmem:s3], [sflag:$0x9] =	stream.linear.gather [hbm4b:s9+s18], $0x40, $0x38;
	[tilespmem:$0x1EF88] =	vst v63  }
0xb7: {  	s3 =	sadd.s32 $0x80, s3  }
.Ltmp13:
0xb8: {  	_ = 	snop;
	(pc) =	sbr.rel .LBB3_5-.Ltmp13, $1  }
0xb9: {  	_ =	sdelay $0x3  }
.LBB3_9:
0xba: {  	p2 =	slt.u32 s22, $0x2  }
.Ltmp14:
0xbb: {  	_ = 	snop;
	(pc) =	sbr.rel @p2 .LBB3_27-.Ltmp14, $1  }
0xbc: {  	_ =	sdelay $0x3  }
0xbd: {  	p2 =	sgt.s32 s23, $0x3EC0  }
0xbe: {  	s0 =	smov.u32 s23;
	s2 =	sshra.s32 s23, $0x1F;
	s3 =	ssub.s32 $0x4000, s23  }
0xbf: {  	s0 =	simm.s32 @!p2 $0x3EC0;
	s2 =	sand.u32 s2, s23;
	p2 =	slt.s32 s3, $0x140  }
0xc0: {  	s0 =	ssub.s32 s0, s2;
	s3 =	simm.s32 @!p2 $0x140  }
0xc1: {  	s0 =	sadd.s32 $0xFFFFC140, s0;
	s10 =	sshll.u32 s3, $0x6  }
0xc2: {  	s26 =	simm.s32 $0x9;
	s24 =	sshll.u32 s0, $0x2;
	s2 =	sand.u32 $0x3FFFFFC0, s10  }
0xc3: {  	p2 =	sgt.s32 s0, $0x13F;
	s25 =	ssub.s32 $0x500, s24;
	_ =	swait.ge [sflag:s26], s2  }
0xc4: {  	s2 =	ssub.s32 $0x0, s2;
	[sflag:s26] =	ssyncset.done $0x0;
	s0 =	sshrl.u32 s25, $0x2  }
0xc5: {  	[sflag:s26] =	ssyncadd.s32 s2;
	s0 =	simm.s32 @p2 $0x0  }
0xc6: {  	_ =	swait.ge [sflag:s11], s0  }
0xc7: {  	s0 =	ssub.s32 $0x0, s0;
	[sflag:s11] =	ssyncset.done $0x0  }
0xc8: {  	[sflag:s11] =	ssyncadd.s32 s0  }
0xc9: {  	v1 =	vld [tilespmem:$0xA108];
	_ =	sdelay $0x4  }
0xca: {  	(v2sf) =	vpush v1, $0x0  }
0xcb: {  	(v2sf) =	vpush v1, $0x1  }
0xcc: {  	(v2sf) =	vpush v1, $0x2;
	_ =	sdelay $0x3  }
0xcd: {  	s0 =	sadd.s32 $0x140, s23  }
0xce: {  	s2 =	ssub.s32 $0x8000, s23;
	p2 =	slt.s32 s8, s0  }
0xcf: {  	s0 =	smov.u32 @p2 s8;
	p2 =	sgt.s32 s2, $0x0  }
0xd0: {  	s0 =	ssub.s32 s0, s23;
	s2 =	simm.s32 @!p2 $0x0  }
0xd1: {  	p2 =	slt.s32 s2, s0  }
0xd2: {  	s0 =	smov.u32 @p2 s2  }
0xd3: {  	s26 =	simm.s32 $0x1;
	p2 =	slt.s32 s0, $0x1  }
.Ltmp15:
0xd4: {  	s26 =	simm.s32 @!p1 $0x0;
	(pc) =	sbr.rel @p2 .LBB3_14-.Ltmp15, $4  }
0xd5: {  	s30 =	smul.u32 $0x500, s26  }
0xd6: {  	s28 =	spop (v2sf)  }
0xd7: {  	s31 =	sshrl.u32 s30, $0x2;
	s29 =	spop (v2sf)  }
0xd8: {  	s24 =	sadd.s32 $0xAD08, s31;
	s23 =	spop (v2sf)  }
0xd9: {  	s2 =	smin.u32 s0, $0x10  }
0xda: {  	v1 =	vmov s2  }
0xdb: {  	p3 =	sgt.s32 s0, $0x10;
	vm1 =	vgt.u32 v1, v0  }
.Ltmp16:
0xdc: {  	_ = 	snop;
	(pc) =	sbr.rel @!p3 .LBB3_13-.Ltmp16, $2  }
0xdd: {  	_ =	sdelay $0x2  }
0xde: {  	s5 =	simm.s32 $0x10;
	s25 =	sadd.s32 $0xFFFFFFF0, s0;
	s4 =	smov.u32 s24;
	vm0 =	vmmov vm1  }
.LBB3_12:
0xdf: {  	s2 =	smin.u32 s25, $0x10;
	s5 =	sadd.s32 $0x10, s5;
	v1 =	vld.msk [tilespmem:s4+$0x0 ss:$0x1], vm1  }
0xe0: {  	v2 =	vmov s2;
	p3 =	slt.s32 s5, s0  }
0xe1: {  	vm1 =	vgt.u32 v2, v0  }
.Ltmp17:
0xe2: {  	(pc) =	sbr.rel @p3 .LBB3_12-.Ltmp17, $3  }
0xe3: {  	_ =	sdelay $0x1  }
0xe4: {  	v1 =	vshll.u32 v1, $0x4  }
0xe5: {  	s25 =	sadd.s32 $0xFFFFFFF0, s25;
	[tilespmem:s4+$0x0] =	vst.msk vm0, v1;
	s4 =	sadd.s32 $0x10, s4;
	vm0 =	vmmov vm1  }
.LBB3_13:
0xe6: {  	_ =	sdelay $0x4  }
0xe7: {  	v1 =	vld.msk [tilespmem:s4+$0x0 ss:$0x1], vm1;
	_ =	sdelay $0x4  }
0xe8: {  	v1 =	vshll.u32 v1, $0x4  }
0xe9: {  	[tilespmem:s4+$0x0] =	vst.msk vm0, v1  }
.LBB3_14:
0xea: {  	s2 =	sand.u32 $0x1, s22  }
0xeb: {  	s2 =	smul.u32 $0x140, s2  }
0xec: {  	p3 =	sne.s32 s29, $0xFFFFFFFF  }
0xed: {  	v1 =	vld.msk @!p3 [tilespmem:s2+$0xAD08], $0x1;
	_ =	sdelay $0x4  }
0xee: {  	(v2sf) =	vpush @!p3 v1, $0x0;
	_ =	sdelay $0xc  }
.Ltmp18:
0xef: {  	_ = 	snop;
	(pc) =	sbr.rel @p2 .LBB3_25-.Ltmp18, $4  }
0xf0: {  	_ = 	snop  }
0xf1: {  	s30 =	spop @!p3 (v2sf)  }
0xf2: {  	s23 =	simm.s32 @!p3 $0x0;
	s25 =	smov.u32 s30  }
0xf3: {  	[sflag:s19] =	ssyncpa.u1 $0x0;
	s30 =	smov.u32 @p3 s28;
	s25 =	smov.u32 @p3 s29  }
0xf4: {  	v1 =	vld.msk [tilespmem:s24+$0x0], $0x1;
	_ =	sdelay $0x4  }
0xf5: {  	(v2sf) =	vpush v1, $0x0;
	_ =	sdelay $0xe  }
0xf6: {  	s2 =	smul.u32 $0x28000, s26;
	s4 =	spop (v2sf)  }
0xf7: {  	s28 =	ssub.s32 $0x0, s0;
	p2 =	seq.s32 s30, s4  }
0xf8: {  	s0 =	sadd.s32 $0x1, s28;
	s2 =	sshrl.u32 s2, $0x2;
	p3 =	sgt.s32 @!p2 s30, $0x0  }
0xf9: {  	s26 =	sadd.s32 $0xAFA8, s2;
	s2 =	smov.u32 s30;
	p3 =	por !p3, p2  }
0xfa: {  	s2 =	simm.s32 @p3 $0x0;
	p3 =	seq.s32 s0, $0x0  }
.Ltmp19:
0xfb: {  	_ = 	snop;
	(pc) =	sbr.rel @p3 .LBB3_17-.Ltmp19, $4  }
0xfc: {  	_ = 	snop  }
0xfd: {  	s29 =	simm.s32 $0x0;
	s5 =	simm.s32 @!p2 $0x1;
	s3 =	smin.u32 @!p2 s2, $0xFF8  }
0xfe: {  	s31 =	sadd.s32 $0x1, s24;
	s5 =	smov.u32 @p2 s29;
	s9 =	sand.u32 @!p2 $0xFF8, s3  }
0xff: {  	s2 =	simm.s32 @!p2 $0x50C8;
	s3 =	sand.u32 @!p2 $0x7, s3;
	s9 =	sadd.s32 @!p2 s1, s9  }
.LBB3_16:
0x100: {  	s10 =	smov.u32 s5  }
0x101: {  	[tilespmem:s2], [sflag:$0x2] =	stream.linear.gather @!p2 [hbm4b:s9+s3], $0x40, $0x38;
	[tilespmem:$0x1EF88] =	vst v63  }
0x102: {  	s0 =	sadd.s32 $0x1, s0;
	s3 =	smov.u32 s4;
	v1 =	vld.msk [tilespmem:s31+$0x0], $0x1  }
0x103: {  	p3 =	seq.s32 s0, $0x0;
	_ =	sdelay $0x3  }
0x104: {  	(v2sf) =	vpush v1, $0x0;
	_ =	sdelay $0xe  }
0x105: {  	s4 =	spop (v2sf)  }
0x106: {  	p2 =	seq.s32 s3, s4  }
0x107: {  	p4 =	sgt.s32 @!p2 s3, $0x0;
	s2 =	sshll.u32 @!p2 s5, $0x8;
	s5 =	sadd.s32 @!p2 $0x1, s5  }
.Ltmp20:
0x108: {  	p4 =	por !p4, p2;
	s2 =	sshra.s32 @!p2 s2, $0x2;
	(pc) =	sbr.rel @!p3 .LBB3_16-.Ltmp20, $4  }
0x109: {  	s5 =	smov.u32 @p2 s10;
	s3 =	simm.s32 @p4 $0x0;
	s2 =	sadd.s32 @!p2 $0x50C8, s2  }
0x10a: {  	s3 =	smin.u32 @!p2 s3, $0xFF8  }
0x10b: {  	s9 =	sand.u32 @!p2 $0xFF8, s3;
	s3 =	sand.u32 @!p2 $0x7, s3  }
0x10c: {  	s31 =	sadd.s32 $0x1, s31;
	s9 =	sadd.s32 @!p2 s1, s9  }
.LBB3_17:
0x10d: {  	[tilespmem:s2], [sflag:$0x2] =	stream.linear.gather @!p2 [hbm4b:s9+s3], $0x40, $0x38;
	[tilespmem:$0x1EF88] =	vst v63  }
.Ltmp21:
0x10e: {  	s0 =	sshll.u32 s5, $0x6;
	(pc) =	sbr.rel .LBB3_18-.Ltmp21, $4  }
0x10f: {  	s31 =	simm.s32 $0x2;
	s0 =	sand.u32 $0x3FFFFFC0, s0  }
0x110: {  	_ =	swait.ge [sflag:s31], s0  }
0x111: {  	s0 =	ssub.s32 $0x0, s0;
	[sflag:s31] =	ssyncset.done $0x0  }
0x112: {  	[sflag:s31] =	ssyncadd.s32 s0;
	s0 =	simm.s32 $0x0  }
.LBB3_19:
0x113: {  	v1 =	vld [tilespmem:s26+$0xFFFFFFE0];
	_ =	sdelay $0x4  }
0x114: {  	[tilespmem:s4+$0x88] =	vst.add.f32.msk $0xffff, v1  }
0x115: {  	v1 =	vld [tilespmem:s26+$0xFFFFFFF0];
	_ =	sdelay $0x4  }
0x116: {  	[tilespmem:s4+$0x98] =	vst.add.f32.msk $0xffff, v1  }
0x117: {  	v1 =	vld [tilespmem:s26+$0x0];
	_ =	sdelay $0x4  }
0x118: {  	[tilespmem:s4+$0xA8] =	vst.add.f32.msk $0xffff, v1  }
0x119: {  	v1 =	vld [tilespmem:s26+$0x10];
	_ =	sdelay $0x4  }
0x11a: {  	[tilespmem:s4+$0xB8] =	vst.add.f32.msk $0xffff, v1  }
.LBB3_23:
0x11b: {  	s28 =	sadd.s32 $0x1, s28  }
0x11c: {  	p2 =	seq.s32 s28, $0x0  }
.Ltmp22:
0x11d: {  	_ = 	snop;
	(pc) =	sbr.rel @p2 .LBB3_24-.Ltmp22, $2  }
0x11e: {  	_ =	sdelay $0x2  }
0x11f: {  	s26 =	sadd.s32 $0x80, s26;
	s24 =	sadd.s32 $0x1, s24;
	s30 =	smov.u32 s31  }
.LBB3_18:
0x120: {  	v1 =	vld.msk [tilespmem:s24+$0x0], $0x1;
	_ =	sdelay $0x4  }
0x121: {  	(v2sf) =	vpush v1, $0x0;
	_ =	sdelay $0xe  }
0x122: {  	s31 =	spop (v2sf)  }
0x123: {  	p2 =	sne.s32 s30, s31  }
.Ltmp23:
0x124: {  	_ = 	snop;
	(pc) =	sbr.rel @!p2 .LBB3_19-.Ltmp23, $3  }
0x125: {  	_ =	sdelay $0x1  }
0x126: {  	s2 =	sshll.u32 s23, $0x8  }
0x127: {  	s4 =	sshra.s32 s2, $0x2  }
0x128: {  	p2 =	seq.s32 s30, s25  }
.Ltmp24:
0x129: {  	_ = 	snop;
	(pc) =	sbr.rel @!p2 .LBB3_21-.Ltmp24, $1  }
0x12a: {  	_ =	sdelay $0x3  }
.Ltmp25:
0x12b: {  	s2 =	sadd.s32 $0x88, s4;
	(pc) =	sbr.rel .LBB3_22-.Ltmp25, $4  }
0x12c: {  	[spmem:s16] =	stream.linear.scatter [tilespmem:s2], [sflag:$0x1], $0x40, $0x38;
	[tilespmem:$0x1EF88] =	vst v63  }
0x12d: {  	_ =	swait.ge [sflag:s12], $0x40  }
0x12e: {  	[sflag:s12] =	ssyncset.done $0x0  }
0x12f: {  	[sflag:s12] =	ssyncadd.s32 $0xFFFFFFC0  }
.LBB3_21:
0x130: {  	s2 =	sshll.u32 s29, $0x8  }
0x131: {  	s2 =	sshra.s32 s2, $0x2  }
0x132: {  	v1 =	vld [tilespmem:s2+$0x50C8];
	_ =	sdelay $0x4  }
0x133: {  	[tilespmem:s4+$0x88] =	vst.add.f32.msk $0xffff, v1  }
0x134: {  	v1 =	vld [tilespmem:s2+$0x50D8];
	_ =	sdelay $0x4  }
0x135: {  	[tilespmem:s4+$0x98] =	vst.add.f32.msk $0xffff, v1  }
0x136: {  	v1 =	vld [tilespmem:s2+$0x50E8];
	_ =	sdelay $0x4  }
0x137: {  	[tilespmem:s4+$0xA8] =	vst.add.f32.msk $0xffff, v1  }
0x138: {  	v1 =	vld [tilespmem:s2+$0x50F8];
	_ =	sdelay $0x2  }
0x139: {  	p2 =	sgt.u32 s30, $0xFF8  }
0x13a: {  	s2 =	sand.u32 @!p2 $0xFF8, s30  }
0x13b: {  	s3 =	sadd.s32 $0x88, s4;
	s2 =	sadd.s32 @!p2 s1, s2;
	[tilespmem:s4+$0xB8] =	vst.add.f32.msk $0xffff, v1;
	s4 =	sand.u32 @!p2 $0x7, s30  }
0x13c: {  	[hbm4b:s2+s4] =	stream.linear.scatter @!p2 [tilespmem:s3], [sflag:$0xC], $0x40, $0x38;
	[tilespmem:$0x1EF88] =	vst v63  }
0x13d: {  	s2 =	simm.s32 $0x0  }
0x13e: {  	s2 =	simm.s32 @!p2 $0x100  }
0x13f: {  	s0 =	sadd.s32 s2, s0  }
.LBB3_22:
0x140: {  	s2 =	sadd.s32 $0x1, s23  }
0x141: {  	s3 =	smulhi.u32 $0xCCCCCCCD, s2;
	_ =	sdelay $0x1  }
0x142: {  	v1 =	vld [tilespmem:s26+$0xFFFFFFE0];
	s3 =	sshrl.u32 s3, $0x8  }
0x143: {  	s3 =	smul.u32 $0x140, s3;
	_ =	sdelay $0x1  }
0x144: {  	s23 =	ssub.s32 s2, s3  }
0x145: {  	s2 =	sshll.u32 s23, $0x6  }
0x146: {  	[tilespmem:s2+$0x88] =	vst v1  }
0x147: {  	v1 =	vld [tilespmem:s26+$0xFFFFFFF0];
	_ =	sdelay $0x4  }
0x148: {  	[tilespmem:s2+$0x98] =	vst v1  }
0x149: {  	v1 =	vld [tilespmem:s26+$0x0];
	_ =	sdelay $0x4  }
0x14a: {  	[tilespmem:s2+$0xA8] =	vst v1  }
0x14b: {  	v1 =	vld [tilespmem:s26+$0x10]  }
.Ltmp26:
0x14c: {  	_ = 	snop;
	(pc) =	sbr.rel .LBB3_23-.Ltmp26, $2  }
0x14d: {  	_ =	sdelay $0x2  }
0x14e: {  	s29 =	sadd.s32 $0x1, s29;
	[tilespmem:s2+$0xB8] =	vst v1  }
.LBB3_25:
.Ltmp27:
0x14f: {  	(pc) =	sbr.rel .LBB3_26-.Ltmp27, $4  }
0x150: {  	_ = 	snop  }
0x151: {  	s0 =	simm.s32 $0x2  }
0x152: {  	_ =	swait.ge [sflag:s0], $0x0  }
0x153: {  	s31 =	smov.u32 s30;
	[sflag:s0] =	ssyncset.done $0x0;
	s0 =	simm.s32 $0x0  }
.LBB3_28:
0x154: {  	_ =	sfence.sel $0x180000  }
0x155: {  	s0 =	simm.s32 $0x9;
	[bflag:$0x0] =	sbarrier.arrive $0xFFFF  }
0x156: {  	s24 =	simm.s32 $0xA;
	[sflag:s0] =	ssyncpa.u1 $0x1  }
0x157: {  	s25 =	simm.s32 $0xB;
	[sflag:s24] =	ssyncpa.u1 $0x1  }
0x158: {  	s26 =	simm.s32 $0x2;
	[sflag:s25] =	ssyncpa.u1 $0x1  }
0x159: {  	[sflag:s26] =	ssyncpa.u1 $0x1  }
0x15a: {  	v0 =	vld [tilespmem:$0xA108];
	_ =	sdelay $0x4  }
0x15b: {  	(v2sf) =	vpush v0, $0x0  }
0x15c: {  	(v2sf) =	vpush v0, $0x1;
	_ =	sdelay $0x1  }
0x15d: {  	(v2sf) =	vpush v0, $0x2;
	_ =	sdelay $0xb  }
0x15e: {  	s0 =	spop (v2sf)  }
0x15f: {  	s2 =	spop (v2sf)  }
0x160: {  	s3 =	smov.u32 s0;
	p0 =	sne.s32 s0, s2  }
0x161: {  	s4 =	spop (v2sf);
	s3 =	simm.s32 @!p0 $0xFFFFFFFF  }
0x162: {  	v2 =	vimm.s32 $0x1;
	v3 =	vlaneseq.u32;
	p0 =	seq.s32 s4, $0xFFFFFFFF;
	v1 =	vmov s3  }
0x163: {  	s15 =	stileid.u32;
	v0 =	vperm.xlane v0, v2;
	p1 =	sne.s32 @!p0 s0, s2;
	v1 =	vperm.xlane v1, v3  }
0x164: {  	vm0 =	vcmask $0x3F04;
	s6 =	simm.s32 $0xA108;
	s0 =	simm.s32 @!p0 $0x1;
	p1 =	por !p1, p0  }
0x165: {  	s3 =	sshll.u32 s15, $0x1;
	s2 =	sshll.u32 @!p0 s4, $0x8;
	s0 =	simm.s32 @p1 $0x0;
	v0 =	vsel vm0, v1, v0  }
0x166: {  	s5 =	sor.u32 $0x800, s3;
	s2 =	sshra.s32 @!p0 s2, $0x2;
	s0 =	sor.u32 @!p0 s0, s3;
	[tilespmem:$0xA108] =	vst v0  }
0x167: {  	[spmem:s5] =	stream.linear.scatter [tilespmem:s6], [sflag:$0x1], $0x2, $0x38;
	[tilespmem:$0x1EF88] =	vst v63  }
0x168: {  	s2 =	sadd.s32 @!p0 $0x88, s2;
	s0 =	sshll.u32 @!p0 s0, $0x6  }
0x169: {  	[spmem:s0] =	stream.linear.scatter @!p0 [tilespmem:s2], [sflag:$0x1], $0x40, $0x38;
	[tilespmem:$0x1EF88] =	vst v63  }
0x16a: {  	s0 =	simm.s32 @!p0 $0x42  }
0x16b: {  	s28 =	simm.s32 $0x1;
	s0 =	simm.s32 @p0 $0x2  }
0x16c: {  	_ =	swait.ge [sflag:s28], s0  }
0x16d: {  	s0 =	ssub.s32 $0x0, s0;
	[sflag:s28] =	ssyncset.done $0x0  }
0x16e: {  	p0 =	sne.s32 s15, $0x0;
	[sflag:s28] =	ssyncadd.s32 s0  }
.Ltmp28:
0x16f: {  	_ =	sfence.stream.spmem;
	(pc) =	sbr.rel @p0 .LBB3_45-.Ltmp28, $4  }
0x170: {  	s29 =	simm.s32 $0x3;
	[bflag:$0x0] =	sbarrier.arrive $0xFFFF  }
0x171: {  	s30 =	simm.s32 $0x4;
	[sflag:s29] =	ssyncpa.u1 $0x1  }
0x172: {  	s31 =	simm.s32 $0x3C;
	[sflag:s30] =	ssyncpa.u1 $0x1  }
0x173: {  	s14 =	rddreg [dreg:$0x4];
	[sflag:s31] =	ssyncpa.u1 $0x1  }
0x174: {  	_ =	sfence.stream.spmem;
	s0 =	simm.s32 $0x5  }
0x175: {  	s2 =	simm.s32 $0x800;
	s3 =	simm.s32 $0xA118;
	[sflag:s0] =	ssyncpa.u1 $0x0  }
0x176: {  	[tilespmem:s3], [sflag:$0x5] =	stream.linear.gather [spmem:s2], $0x20, $0x38;
	[tilespmem:$0x1EF88] =	vst v63  }
0x177: {  	s26 =	simm.s32 $0x0;
	s28 =	simm.s32 $0xA138  }
0x178: {  	[tilespmem:s28], [sflag:$0x5] =	stream.linear.gather [spmem:s26], $0x800, $0x38;
	[tilespmem:$0x1EF88] =	vst v63  }
0x179: {  	_ =	swait.ge [sflag:s0], $0x820  }
0x17a: {  	[sflag:s0] =	ssyncset.done $0x0  }
0x17b: {  	s29 =	simm.s32 $0x0;
	[sflag:s0] =	ssyncadd.s32 $0xFFFFF7E0  }
0x17c: {  	v0 =	vld.msk [tilespmem:s29+$0xA118], $0x1;
	_ =	sdelay $0x1  }
0x17d: {  	s30 =	simm.s32 $0x1  }
0x17e: {  	v1 =	vld.msk [tilespmem:s30+$0xA118], $0x1;
	_ =	sdelay $0x1  }
0x17f: {  	(v2sf) =	vpush v0, $0x0;
	_ =	sdelay $0x2  }
0x180: {  	(v2sf) =	vpush v1, $0x0;
	_ =	sdelay $0x2  }
0x181: {  	s31 =	simm.s32 $0x2  }
0x182: {  	v0 =	vld.msk [tilespmem:s31+$0xA118], $0x1;
	_ =	sdelay $0x2  }
0x183: {  	s4 =	simm.s32 $0xFFFFFFFF;
	s2 =	simm.s32 $0xFFFFFFFF;
	s0 =	simm.s32 $0xC  }
.LBB3_30:
0x184: {  	s3 =	smov.u32 s4;
	s5 =	smov.u32 s2  }
0x185: {  	s2 =	sshra.s32 s0, $0x2;
	p1 =	sne.s32 s0, $0x7C;
	s0 =	sadd.s32 $0x4, s0;
	(v2sf) =	vpush v0, $0x0  }
0x186: {  	v0 =	vld.msk [tilespmem:s2+$0xA118], $0x1  }
.Ltmp29:
0x187: {  	(pc) =	sbr.rel @p1 .LBB3_30-.Ltmp29, $4  }
0x188: {  	s4 =	spop (v2sf)  }
0x189: {  	p2 =	sne.s32 s5, $0xFFFFFFFF;
	s2 =	smov.u32 s4  }
0x18a: {  	p3 =	seq.s32 s4, $0xFFFFFFFF;
	s2 =	smov.u32 @p2 s5  }
0x18b: {  	s4 =	smov.u32 @p3 s3;
	s2 =	smov.u32 @p3 s5  }
0x18c: {  	(v2sf) =	vpush v0, $0x0;
	_ =	sdelay $0x8  }
0x18d: {  	s0 =	spop (v2sf)  }
0x18e: {  	p1 =	sne.s32 s2, $0xFFFFFFFF;
	s3 =	smov.u32 s0  }
0x18f: {  	s9 =	simm.s32 $0x6;
	p2 =	seq.s32 s0, $0xFFFFFFFF;
	s3 =	smov.u32 @p1 s2  }
0x190: {  	s6 =	simm.s32 $0x0;
	s3 =	smov.u32 @p2 s2;
	s2 =	spop (v2sf)  }
0x191: {  	s0 =	smov.u32 @p2 s4;
	p1 =	sne.s32 s3, $0xFFFFFFFF;
	s5 =	smov.u32 s2  }
.Ltmp30:
0x192: {  	p2 =	seq.s32 s2, $0xFFFFFFFF;
	s5 =	smov.u32 @p1 s3;
	(pc) =	sbr.rel .LBB3_32-.Ltmp30, $4  }
0x193: {  	s10 =	simm.s32 $0xA0C8;
	s5 =	smov.u32 @p2 s3;
	s7 =	spop (v2sf)  }
0x194: {  	s11 =	simm.s32 $0x0;
	p1 =	sne.s32 s5, $0xFFFFFFFF;
	s8 =	smov.u32 s7  }
0x195: {  	s2 =	smov.u32 @p2 s0;
	p2 =	seq.s32 s7, $0xFFFFFFFF;
	s8 =	smov.u32 @p1 s5  }
0x196: {  	[sflag:s9] =	ssyncpa.u1 $0x0;
	s7 =	smov.u32 @p2 s2;
	s8 =	smov.u32 @p2 s5  }
.LBB3_38:
0x197: {  	p1 =	sgt.u32 s12, $0xFF8  }
0x198: {  	p2 =	seq.s32 @!p1 s12, s8  }
0x199: {  	p1 =	por p1, p2  }
0x19a: {  	p2 =	sne.s32 @!p1 s12, s7  }
0x19b: {  	p1 =	por p1, !p2  }
0x19c: {  	s0 =	sshll.u32 @p1 s11, $0x8  }
0x19d: {  	s0 =	sand.u32 @!p1 $0xFF8, s12  }
0x19e: {  	s2 =	sand.u32 @!p1 $0x7, s12;
	s0 =	sadd.s32 @!p1 s1, s0  }
0x19f: {  	[tilespmem:s10], [sflag:$0x6] =	stream.linear.gather @!p1 [hbm4b:s0+s2], $0x40, $0x38;
	[tilespmem:$0x1EF88] =	vst v63  }
0x1a0: {  	_ =	swait.ge @!p1 [sflag:s9], $0x40  }
0x1a1: {  	[sflag:s9] =	ssyncset.done @!p1 $0x0  }
0x1a2: {  	[sflag:s9] =	ssyncadd.s32 @!p1 $0xFFFFFFC0  }
0x1a3: {  	v1 =	vld @!p1 [tilespmem:$0xA0C8];
	_ =	sdelay $0x2  }
0x1a4: {  	s0 =	sshll.u32 @!p1 s11, $0x8  }
0x1a5: {  	s2 =	sshrl.u32 @!p1 s0, $0x2  }
0x1a6: {  	[tilespmem:s2+$0xA138] =	vst.add.f32.msk @!p1 $0xffff, v1  }
0x1a7: {  	v1 =	vld @!p1 [tilespmem:$0xA0D8];
	_ =	sdelay $0x4  }
0x1a8: {  	[tilespmem:s2+$0xA148] =	vst.add.f32.msk @!p1 $0xffff, v1  }
0x1a9: {  	v1 =	vld @!p1 [tilespmem:$0xA0E8];
	_ =	sdelay $0x4  }
0x1aa: {  	[tilespmem:s2+$0xA158] =	vst.add.f32.msk @!p1 $0xffff, v1  }
0x1ab: {  	v1 =	vld @!p1 [tilespmem:$0xA0F8];
	_ =	sdelay $0x4  }
0x1ac: {  	[tilespmem:s2+$0xA168] =	vst.add.f32.msk @!p1 $0xffff, v1  }
0x1ad: {  	s0 =	sshrl.u32 s0, $0x2;
	[tilespmem:s6+$0xA118] =	vst.msk $0x1, v0  }
0x1ae: {  	v0 =	vld [tilespmem:s0+$0xA138];
	_ =	sdelay $0x2  }
0x1af: {  	s31 =	sshll.u32 s6, $0x8  }
0x1b0: {  	s2 =	sshra.s32 s31, $0x2  }
0x1b1: {  	[tilespmem:s2+$0xA138] =	vst v0  }
0x1b2: {  	v0 =	vld [tilespmem:s0+$0xA148];
	_ =	sdelay $0x4  }
0x1b3: {  	[tilespmem:s2+$0xA148] =	vst v0  }
0x1b4: {  	v0 =	vld [tilespmem:s0+$0xA158];
	_ =	sdelay $0x4  }
0x1b5: {  	[tilespmem:s2+$0xA158] =	vst v0  }
0x1b6: {  	v0 =	vld [tilespmem:s0+$0xA168];
	_ =	sdelay $0x4  }
0x1b7: {  	s6 =	sadd.s32 $0x1, s6;
	[tilespmem:s2+$0xA168] =	vst v0  }
.LBB3_39:
0x1b8: {  	s11 =	sadd.s32 $0x1, s11  }
0x1b9: {  	p1 =	sne.s32 s11, $0x20  }
.Ltmp31:
0x1ba: {  	_ = 	snop;
	(pc) =	sbr.rel @!p1 .LBB3_40-.Ltmp31, $1  }
0x1bb: {  	_ =	sdelay $0x3  }
.LBB3_32:
0x1bc: {  	v0 =	vld.msk [tilespmem:s11+$0xA118], $0x1;
	_ =	sdelay $0x4  }
0x1bd: {  	(v2sf) =	vpush v0, $0x0;
	_ =	sdelay $0xe  }
0x1be: {  	s12 =	spop (v2sf)  }
0x1bf: {  	p1 =	seq.s32 s12, $0xFFFFFFFF  }
.Ltmp32:
0x1c0: {  	_ = 	snop;
	(pc) =	sbr.rel @p1 .LBB3_39-.Ltmp32, $1  }
0x1c1: {  	_ =	sdelay $0x3  }
0x1c2: {  	p1 =	slt.s32 s6, $0x1  }
.Ltmp33:
0x1c3: {  	_ = 	snop;
	(pc) =	sbr.rel @p1 .LBB3_38-.Ltmp33, $1  }
0x1c4: {  	_ =	sdelay $0x3  }
0x1c5: {  	s0 =	simm.s32 $0xA118;
	p1 =	por $0x0, $0x0  }
0x1c6: {  	v1 =	vld.msk @!p1 [tilespmem:s0+$0x0], $0x1;
	_ =	sdelay $0x4  }
0x1c7: {  	(v2sf) =	vpush @!p1 v1, $0x0;
	_ =	sdelay $0xd  }
0x1c8: {  	p3 =	sne.s32 s6, $0x1  }
.Ltmp34:
0x1c9: {  	s2 =	spop @!p1 (v2sf);
	(pc) =	sbr.rel @!p3 .LBB3_36-.Ltmp34, $4  }
0x1ca: {  	p2 =	seq.s32 @!p1 s12, s2  }
0x1cb: {  	s13 =	simm.s32 $0x0;
	p2 =	por !p2, p1  }
0x1cc: {  	s2 =	simm.s32 $0xFFFFFFFF;
	s13 =	simm.s32 @p2 $0xFFFFFFFF  }
0x1cd: {  	s4 =	simm.s32 $0x1;
	s13 =	smov.u32 @p1 s2  }
.LBB3_35:
0x1ce: {  	s2 =	smov.u32 s13;
	p1 =	sne.s32 s13, $0xFFFFFFFF  }
0x1cf: {  	s0 =	sadd.s32 $0x1, s0;
	s13 =	smov.u32 s4;
	s4 =	sadd.s32 $0x1, s4  }
0x1d0: {  	p2 =	sne.s32 s6, s4;
	v1 =	vld.msk @!p1 [tilespmem:s0+$0x0], $0x1;
	_ =	sdelay $0x4  }
0x1d1: {  	(v2sf) =	vpush @!p1 v1, $0x0;
	_ =	sdelay $0xe  }
.Ltmp35:
0x1d2: {  	s3 =	spop @!p1 (v2sf);
	(pc) =	sbr.rel @p2 .LBB3_35-.Ltmp35, $4  }
0x1d3: {  	p3 =	seq.s32 @!p1 s12, s3  }
0x1d4: {  	p3 =	por !p3, p1  }
0x1d5: {  	s13 =	simm.s32 @p3 $0xFFFFFFFF  }
0x1d6: {  	s13 =	smov.u32 @p1 s2  }
.LBB3_36:
0x1d7: {  	p1 =	seq.s32 s13, $0xFFFFFFFF  }
.Ltmp36:
0x1d8: {  	_ = 	snop;
	(pc) =	sbr.rel @p1 .LBB3_38-.Ltmp36, $1  }
0x1d9: {  	_ =	sdelay $0x3  }
0x1da: {  	s0 =	sshll.u32 s11, $0x6  }
0x1db: {  	s0 =	sand.u32 $0x3FFFFFC0, s0  }
0x1dc: {  	v0 =	vld [tilespmem:s0+$0xA138];
	_ =	sdelay $0x2  }
0x1dd: {  	s2 =	sshll.u32 s13, $0x8  }
0x1de: {  	s2 =	sshra.s32 s2, $0x2  }
0x1df: {  	[tilespmem:s2+$0xA138] =	vst.add.f32.msk $0xffff, v0  }
0x1e0: {  	v0 =	vld [tilespmem:s0+$0xA148];
	_ =	sdelay $0x4  }
0x1e1: {  	[tilespmem:s2+$0xA148] =	vst.add.f32.msk $0xffff, v0  }
0x1e2: {  	v0 =	vld [tilespmem:s0+$0xA158];
	_ =	sdelay $0x4  }
0x1e3: {  	[tilespmem:s2+$0xA158] =	vst.add.f32.msk $0xffff, v0  }
0x1e4: {  	v0 =	vld [tilespmem:s0+$0xA168]  }
.Ltmp37:
0x1e5: {  	_ = 	snop;
	(pc) =	sbr.rel .LBB3_39-.Ltmp37, $2  }
0x1e6: {  	_ =	sdelay $0x2  }
0x1e7: {  	[tilespmem:s2+$0xA168] =	vst.add.f32.msk $0xffff, v0  }
.LBB3_40:
0x1e8: {  	s0 =	simm.s32 $0x6;
	p1 =	seq.s32 s6, $0x0  }
0x1e9: {  	[sflag:s0] =	ssyncpa.u1 $0x1;
	v0 =	vimm.s32 @p1 $0xFFFFFFFF  }
0x1ea: {  	s0 =	sadd.s32 $0xFFFFFFFF, s6;
	[tilespmem:$0xA938] =	vst @p1 v0  }
0x1eb: {  	v0 =	vld.msk @!p1 [tilespmem:s0+$0xA118], $0x1;
	_ =	sdelay $0x1  }
0x1ec: {  	v1 =	vld.msk @!p1 [tilespmem:$0xA118], $0x1;
	_ =	sdelay $0x2  }
0x1ed: {  	p2 =	seq.s32 @!p1 s0, $0x0;
	v0 =	vbroadcast @!p1 v0, $0x0  }
0x1ee: {  	vm0 =	vmmov @!p1 $0x1;
	p2 =	por !p2, p1  }
0x1ef: {  	v1 =	vnsel @!p1 vm0, $0xFFFFFFFF, v1;
	vm0 =	vcmask @!p1 $0x308;
	v0 =	vpsel !p2, $0xFFFFFFFF, v0  }
0x1f0: {  	p2 =	sne.s32 @!p1 s8, s7;
	v0 =	vsel @!p1 vm0, v1, v0  }
0x1f1: {  	s2 =	simm.s32 @!p1 $0xA138;
	s3 =	simm.s32 @!p1 $0x0;
	p3 =	por !p2, p1;
	[tilespmem:$0xA938] =	vst @!p1 v0  }
0x1f2: {  	[spmem:s3] =	stream.linear.scatter @!p1 [tilespmem:s2], [sflag:$0x1], $0x40, $0x38;
	[tilespmem:$0x1EF88] =	vst v63  }
0x1f3: {  	s2 =	sshll.u32 @!p3 s0, $0x8  }
0x1f4: {  	s2 =	sshra.s32 @!p3 s2, $0x2  }
0x1f5: {  	s3 =	simm.s32 @!p3 $0x40;
	s2 =	sadd.s32 @!p3 $0xA138, s2  }
0x1f6: {  	[spmem:s3] =	stream.linear.scatter @!p3 [tilespmem:s2], [sflag:$0x1], $0x40, $0x38;
	[tilespmem:$0x1EF88] =	vst v63  }
0x1f7: {  	s2 =	simm.s32 @!p3 $0x1  }
0x1f8: {  	_ =	swait.ge @!p3 [sflag:s2], $0x80  }
0x1f9: {  	p1 =	por p2, p1;
	[sflag:s2] =	ssyncset.done @!p3 $0x0  }
0x1fa: {  	[sflag:s2] =	ssyncadd.s32 @!p3 $0xFFFFFF80;
	s2 =	simm.s32 @!p1 $0x1  }
0x1fb: {  	_ =	swait.ge @!p1 [sflag:s2], $0x40  }
0x1fc: {  	s29 =	simm.s32 $0xA938;
	[sflag:s2] =	ssyncset.done @!p1 $0x0  }
0x1fd: {  	s30 =	simm.s32 $0x800;
	s31 =	simm.s32 $0x1;
	[sflag:s2] =	ssyncadd.s32 @!p1 $0xFFFFFFC0  }
0x1fe: {  	[spmem:s30] =	stream.linear.scatter [tilespmem:s29], [sflag:$0x1], $0x10, $0x38;
	[tilespmem:$0x1EF88] =	vst v63  }
0x1ff: {  	_ =	swait.ge [sflag:s31], $0x10  }
0x200: {  	[sflag:s31] =	ssyncset.done $0x0  }
0x201: {  	p1 =	seq.s32 s14, $0x0;
	s9 =	rddreg [dreg:$0x1];
	[sflag:s31] =	ssyncadd.s32 $0xFFFFFFF0  }
0x202: {  	s3 =	sshll.u32 @p1 s9, $0xE;
	s8 =	rddreg [dreg:$0x2]  }
0x203: {  	s2 =	sadd.s32 @p1 $0x15C3C, s3;
	s3 =	sshll.u32 @p1 s8, $0x11  }
0x204: {  	_ =	sfence.stream.spmem;
	s2 =	sor.u32 @p1 s3, s2  }
0x205: {  	[sflag:s2] =	ssyncadd.remote.s32 @p1 $0x1;
	s2 =	simm.s32 @p1 $0x4  }
0x206: {  	s4 =	simm.s32 @!p1 $0x3C;
	s3 =	sand.u32 $0xFFFFFFFE, s9;
	_ =	swait.ge @p1 [sflag:s2], $0x12  }
0x207: {  	s5 =	simm.s32 @!p1 $0x0;
	s3 =	sadd.s32 @!p1 $0x4, s3;
	[sflag:s2] =	ssyncset.done @p1 $0x0  }
0x208: {  	s7 =	simm.s32 @!p1 $0x80;
	[sflag:s2] =	ssyncadd.s32 @p1 $0xFFFFFFEE;
	s2 =	sshll.u32 @!p1 s3, $0x1A  }
0x209: {  	s3 =	sshll.u32 @!p1 s3, $0xD;
	s2 =	sor.u32 @!p1 s2, s8;
	_ =	swait.eq @!p1 [sflag:s4], $0x1  }
0x20a: {  	s3 =	sor.u32 @!p1 $0x1C04, s3;
	s4 =	simm.s32 @!p1 $0x1C03;
	s2 =	sor.u32 @!p1 $0x80004000, s2  }
0x20b: {  	[spmem:s7], [sflag:s3] =	dma.general @!p1 [spmem:s5], [sflag:s4], length:$0x10, [dreg:$0x0], stride_count:$0x0, ici_dest:s2, dma_misc:DstOpCode:WRITE  }
0x20c: {  	p2 =	slt.s32 s0, $0x2;
	s5 =	simm.s32 @!p1 $0x100;
	s7 =	simm.s32 @!p1 $0x102  }
0x20d: {  	[spmem:s7], [sflag:s3] =	dma.general @!p1 [spmem:s5], [sflag:s4], length:$0x2, [dreg:$0x0], stride_count:$0x0, ici_dest:s2, dma_misc:DstOpCode:WRITE  }
.Ltmp38:
0x20e: {  	s2 =	simm.s32 @!p1 $0x3;
	(pc) =	sbr.rel @p2 .LBB3_44-.Ltmp38, $4  }
0x20f: {  	s3 =	sshll.u32 @!p1 s9, $0xE;
	_ =	swait.ge @!p1 [sflag:s2], $0x12  }
0x210: {  	s4 =	sshll.u32 @!p1 s8, $0x11;
	s3 =	sadd.s32 @!p1 $0x11C3C, s3;
	[sflag:s2] =	ssyncset.done @!p1 $0x0  }
0x211: {  	[sflag:s2] =	ssyncadd.s32 @!p1 $0xFFFFFFEE;
	s2 =	sor.u32 @!p1 s4, s3  }
0x212: {  	s0 =	simm.s32 $0x0;
	[sflag:s2] =	ssyncadd.remote.s32 @!p1 $0xFFFFFFFF  }
0x213: {  	s0 =	simm.s32 $0xA119  }
0x214: {  	v0 =	vld.msk [tilespmem:s0+$0x0], $0x1;
	_ =	sdelay $0x4  }
0x215: {  	(v2sf) =	vpush v0, $0x0;
	_ =	sdelay $0xd  }
0x216: {  	s3 =	sadd.s32 $0xFFFFFFFE, s6  }
0x217: {  	s4 =	sadd.s32 $0xFFFFFFFF, s3;
	s2 =	spop (v2sf)  }
0x218: {  	p2 =	sne.s32 s4, $0x0;
	p1 =	sgt.u32 s2, $0xFF8  }
.Ltmp39:
0x219: {  	s5 =	sand.u32 @!p1 $0xFF8, s2;
	(pc) =	sbr.rel @!p2 .LBB3_43-.Ltmp39, $4  }
0x21a: {  	s0 =	simm.s32 $0xA178;
	s2 =	sand.u32 @!p1 $0x7, s2;
	s3 =	sadd.s32 @!p1 s1, s5  }
0x21b: {  	[hbm4b:s3+s2] =	stream.linear.scatter @!p1 [tilespmem:s0], [sflag:$0x5], $0x40, $0x38;
	[tilespmem:$0x1EF88] =	vst v63  }
0x21c: {  	s2 =	simm.s32 $0x0  }
0x21d: {  	s6 =	simm.s32 $0xA11A;
	s5 =	simm.s32 $0x0;
	s2 =	simm.s32 @!p1 $0x100  }
.LBB3_42:
0x21e: {  	v0 =	vld.msk [tilespmem:s6+$0x0], $0x1;
	s4 =	sadd.s32 $0xFFFFFFFF, s4;
	s5 =	sadd.s32 s5, s2  }
0x21f: {  	p1 =	sne.s32 s4, $0x0;
	_ =	sdelay $0x3  }
0x220: {  	(v2sf) =	vpush v0, $0x0;
	_ =	sdelay $0xe  }
.Ltmp40:
0x221: {  	s3 =	spop (v2sf);
	(pc) =	sbr.rel @p1 .LBB3_42-.Ltmp40, $4  }
0x222: {  	s2 =	simm.s32 $0x0;
	p2 =	sgt.u32 s3, $0xFF8  }
0x223: {  	s0 =	sadd.s32 $0x40, s0;
	s2 =	simm.s32 @!p2 $0x100;
	s7 =	sand.u32 @!p2 $0xFF8, s3  }
0x224: {  	s6 =	sadd.s32 $0x1, s6;
	s3 =	sand.u32 @!p2 $0x7, s3;
	s7 =	sadd.s32 @!p2 s1, s7  }
0x225: {  	[hbm4b:s7+s3] =	stream.linear.scatter @!p2 [tilespmem:s0], [sflag:$0x5], $0x40, $0x38;
	[tilespmem:$0x1EF88] =	vst v63  }
.LBB3_43:
0x226: {  	s0 =	sadd.s32 s5, s2  }
0x227: {  	s0 =	sshrl.u32 s0, $0x2  }
.LBB3_44:
0x228: {  	s2 =	simm.s32 $0x5  }
0x229: {  	_ =	swait.ge [sflag:s2], s0  }
0x22a: {  	s31 =	ssub.s32 $0x0, s0;
	[sflag:s2] =	ssyncset.done $0x0  }
0x22b: {  	[sflag:s2] =	ssyncadd.s32 s31  }
0x22c: {  	[sflag:s2] =	ssyncpa.u1 $0x1  }
.LBB3_45:
0x22d: {  	s0 =	sor.u32 s14, s15  }
0x22e: {  	p1 =	sne.s32 s0, $0x0  }
.Ltmp41:
0x22f: {  	_ = 	snop;
	(pc) =	sbr.rel @p1 .LBB3_60-.Ltmp41, $3  }
0x230: {  	_ =	sdelay $0x1  }
0x231: {  	[bflag:$0x0] =	sbarrier.arrive $0xFFFF  }
0x232: {  	_ =	sfence  }
0x233: {  	s0 =	simm.s32 $0x7  }
0x234: {  	s2 =	simm.s32 $0x800;
	s3 =	simm.s32 $0xA118;
	[sflag:s0] =	ssyncpa.u1 $0x0  }
0x235: {  	[tilespmem:s3], [sflag:$0x7] =	stream.linear.gather [spmem:s2], $0x20, $0x38;
	[tilespmem:$0x1EF88] =	vst v63  }
0x236: {  	s30 =	simm.s32 $0xA138;
	s2 =	simm.s32 $0x0  }
0x237: {  	[tilespmem:s30], [sflag:$0x7] =	stream.linear.gather [spmem:s2], $0x800, $0x38;
	[tilespmem:$0x1EF88] =	vst v63  }
.Ltmp42:
0x238: {  	_ = 	snop;
	(pc) =	sbr.rel .LBB3_47-.Ltmp42, $4  }
0x239: {  	_ =	swait.ge [sflag:s0], $0x820  }
0x23a: {  	[sflag:s0] =	ssyncset.done $0x0  }
0x23b: {  	s31 =	simm.s32 $0x8;
	[sflag:s0] =	ssyncadd.s32 $0xFFFFF7E0  }
0x23c: {  	s3 =	simm.s32 $0x0;
	[sflag:s31] =	ssyncpa.u1 $0x0  }
.LBB3_53:
0x23d: {  	p1 =	slt.u32 s0, $0xFF9  }
0x23e: {  	s4 =	sand.u32 @p1 $0xFF8, s0  }
0x23f: {  	s0 =	sand.u32 @p1 $0x7, s0;
	s5 =	simm.s32 @p1 $0xA0C8;
	s4 =	sadd.s32 @p1 s1, s4  }
0x240: {  	[tilespmem:s5], [sflag:$0x8] =	stream.linear.gather @p1 [hbm4b:s4+s0], $0x40, $0x38;
	[tilespmem:$0x1EF88] =	vst v63  }
0x241: {  	s0 =	simm.s32 @p1 $0x8  }
0x242: {  	_ =	swait.ge @p1 [sflag:s0], $0x40  }
0x243: {  	[sflag:s0] =	ssyncset.done @p1 $0x0  }
0x244: {  	[sflag:s0] =	ssyncadd.s32 @p1 $0xFFFFFFC0  }
0x245: {  	v1 =	vld @p1 [tilespmem:$0xA0C8];
	_ =	sdelay $0x2  }
0x246: {  	s0 =	sshll.u32 @p1 s3, $0x8  }
0x247: {  	s4 =	sshrl.u32 @p1 s0, $0x2  }
0x248: {  	[tilespmem:s4+$0xA138] =	vst.add.f32.msk @p1 $0xffff, v1  }
0x249: {  	v1 =	vld @p1 [tilespmem:$0xA0D8];
	_ =	sdelay $0x4  }
0x24a: {  	[tilespmem:s4+$0xA148] =	vst.add.f32.msk @p1 $0xffff, v1  }
0x24b: {  	v1 =	vld @p1 [tilespmem:$0xA0E8];
	_ =	sdelay $0x4  }
0x24c: {  	[tilespmem:s4+$0xA158] =	vst.add.f32.msk @p1 $0xffff, v1  }
0x24d: {  	v1 =	vld @p1 [tilespmem:$0xA0F8];
	_ =	sdelay $0x3  }
0x24e: {  	s5 =	sshll.u32 @!p1 s3, $0x8  }
0x24f: {  	s5 =	smov.u32 @p1 s0;
	[tilespmem:s4+$0xA168] =	vst.add.f32.msk @p1 $0xffff, v1  }
0x250: {  	s0 =	sshrl.u32 s5, $0x2;
	[tilespmem:s2+$0xA118] =	vst.msk $0x1, v0  }
0x251: {  	v0 =	vld [tilespmem:s0+$0xA138];
	_ =	sdelay $0x2  }
0x252: {  	s31 =	sshll.u32 s2, $0x8  }
0x253: {  	s4 =	sshra.s32 s31, $0x2  }
0x254: {  	[tilespmem:s4+$0xA138] =	vst v0  }
0x255: {  	v0 =	vld [tilespmem:s0+$0xA148];
	_ =	sdelay $0x4  }
0x256: {  	[tilespmem:s4+$0xA148] =	vst v0  }
0x257: {  	v0 =	vld [tilespmem:s0+$0xA158];
	_ =	sdelay $0x4  }
0x258: {  	[tilespmem:s4+$0xA158] =	vst v0  }
0x259: {  	v0 =	vld [tilespmem:s0+$0xA168];
	_ =	sdelay $0x4  }
0x25a: {  	s2 =	sadd.s32 $0x1, s2;
	[tilespmem:s4+$0xA168] =	vst v0  }
.LBB3_54:
0x25b: {  	s3 =	sadd.s32 $0x1, s3  }
0x25c: {  	p1 =	sne.s32 s3, $0x20  }
.Ltmp43:
0x25d: {  	_ = 	snop;
	(pc) =	sbr.rel @!p1 .LBB3_55-.Ltmp43, $1  }
0x25e: {  	_ =	sdelay $0x3  }
.LBB3_47:
0x25f: {  	v0 =	vld.msk [tilespmem:s3+$0xA118], $0x1;
	_ =	sdelay $0x4  }
0x260: {  	(v2sf) =	vpush v0, $0x0;
	_ =	sdelay $0xe  }
0x261: {  	s0 =	spop (v2sf)  }
0x262: {  	p1 =	seq.s32 s0, $0xFFFFFFFF  }
.Ltmp44:
0x263: {  	_ = 	snop;
	(pc) =	sbr.rel @p1 .LBB3_54-.Ltmp44, $1  }
0x264: {  	_ =	sdelay $0x3  }
0x265: {  	p1 =	slt.s32 s2, $0x1  }
.Ltmp45:
0x266: {  	_ = 	snop;
	(pc) =	sbr.rel @p1 .LBB3_53-.Ltmp45, $1  }
0x267: {  	_ =	sdelay $0x3  }
0x268: {  	s4 =	simm.s32 $0xA118;
	p1 =	por $0x0, $0x0  }
0x269: {  	v1 =	vld.msk @!p1 [tilespmem:s4+$0x0], $0x1;
	_ =	sdelay $0x4  }
0x26a: {  	(v2sf) =	vpush @!p1 v1, $0x0;
	_ =	sdelay $0xd  }
0x26b: {  	p3 =	sne.s32 s2, $0x1  }
.Ltmp46:
0x26c: {  	s5 =	spop @!p1 (v2sf);
	(pc) =	sbr.rel @!p3 .LBB3_51-.Ltmp46, $4  }
0x26d: {  	p2 =	seq.s32 @!p1 s0, s5  }
0x26e: {  	s5 =	simm.s32 $0x0;
	p2 =	por !p2, p1  }
0x26f: {  	s7 =	simm.s32 $0xFFFFFFFF;
	s5 =	simm.s32 @p2 $0xFFFFFFFF  }
0x270: {  	s6 =	simm.s32 $0x1;
	s5 =	smov.u32 @p1 s7  }
.LBB3_50:
0x271: {  	s7 =	smov.u32 s5;
	p1 =	sne.s32 s5, $0xFFFFFFFF  }
0x272: {  	s4 =	sadd.s32 $0x1, s4;
	s5 =	smov.u32 s6;
	s6 =	sadd.s32 $0x1, s6  }
0x273: {  	p2 =	sne.s32 s2, s6;
	v1 =	vld.msk @!p1 [tilespmem:s4+$0x0], $0x1;
	_ =	sdelay $0x4  }
0x274: {  	(v2sf) =	vpush @!p1 v1, $0x0;
	_ =	sdelay $0xe  }
.Ltmp47:
0x275: {  	s8 =	spop @!p1 (v2sf);
	(pc) =	sbr.rel @p2 .LBB3_50-.Ltmp47, $4  }
0x276: {  	p3 =	seq.s32 @!p1 s0, s8  }
0x277: {  	p3 =	por !p3, p1  }
0x278: {  	s5 =	simm.s32 @p3 $0xFFFFFFFF  }
0x279: {  	s5 =	smov.u32 @p1 s7  }
.LBB3_51:
0x27a: {  	p1 =	seq.s32 s5, $0xFFFFFFFF  }
.Ltmp48:
0x27b: {  	_ = 	snop;
	(pc) =	sbr.rel @p1 .LBB3_53-.Ltmp48, $1  }
0x27c: {  	_ =	sdelay $0x3  }
0x27d: {  	s0 =	sshll.u32 s3, $0x6  }
0x27e: {  	s0 =	sand.u32 $0x3FFFFFC0, s0  }
0x27f: {  	v0 =	vld [tilespmem:s0+$0xA138];
	_ =	sdelay $0x2  }
0x280: {  	s4 =	sshll.u32 s5, $0x8  }
0x281: {  	s4 =	sshra.s32 s4, $0x2  }
0x282: {  	[tilespmem:s4+$0xA138] =	vst.add.f32.msk $0xffff, v0  }
0x283: {  	v0 =	vld [tilespmem:s0+$0xA148];
	_ =	sdelay $0x4  }
0x284: {  	[tilespmem:s4+$0xA148] =	vst.add.f32.msk $0xffff, v0  }
0x285: {  	v0 =	vld [tilespmem:s0+$0xA158];
	_ =	sdelay $0x4  }
0x286: {  	[tilespmem:s4+$0xA158] =	vst.add.f32.msk $0xffff, v0  }
0x287: {  	v0 =	vld [tilespmem:s0+$0xA168]  }
.Ltmp49:
0x288: {  	_ = 	snop;
	(pc) =	sbr.rel .LBB3_54-.Ltmp49, $2  }
0x289: {  	_ =	sdelay $0x2  }
0x28a: {  	[tilespmem:s4+$0xA168] =	vst.add.f32.msk $0xffff, v0  }
.LBB3_55:
0x28b: {  	p1 =	slt.s32 s2, $0x1  }
.Ltmp50:
0x28c: {  	_ = 	snop;
	(pc) =	sbr.rel @p1 .LBB3_59-.Ltmp50, $3  }
0x28d: {  	_ =	sdelay $0x1  }
0x28e: {  	s0 =	simm.s32 $0x8  }
0x28f: {  	[sflag:s0] =	ssyncpa.u1 $0x1;
	s0 =	simm.s32 $0x0  }
0x290: {  	s3 =	simm.s32 $0xA118  }
0x291: {  	v0 =	vld.msk [tilespmem:s3+$0x0], $0x1;
	_ =	sdelay $0x4  }
0x292: {  	(v2sf) =	vpush v0, $0x0;
	_ =	sdelay $0xe  }
0x293: {  	s2 =	sadd.s32 $0xFFFFFFFF, s2;
	s4 =	spop (v2sf)  }
0x294: {  	p2 =	sne.s32 s2, $0x0;
	p1 =	sgt.u32 s4, $0xFF8  }
.Ltmp51:
0x295: {  	s5 =	sand.u32 @!p1 $0xFF8, s4;
	(pc) =	sbr.rel @!p2 .LBB3_58-.Ltmp51, $4  }
0x296: {  	s3 =	simm.s32 $0xA138;
	s4 =	sand.u32 @!p1 $0x7, s4;
	s5 =	sadd.s32 @!p1 s1, s5  }
0x297: {  	[hbm4b:s5+s4] =	stream.linear.scatter @!p1 [tilespmem:s3], [sflag:$0x7], $0x40, $0x38;
	[tilespmem:$0x1EF88] =	vst v63  }
0x298: {  	s5 =	simm.s32 $0x0  }
0x299: {  	s4 =	simm.s32 $0xA119;
	s5 =	simm.s32 @!p1 $0x100  }
.LBB3_57:
0x29a: {  	v0 =	vld.msk [tilespmem:s4+$0x0], $0x1;
	s2 =	sadd.s32 $0xFFFFFFFF, s2;
	s0 =	sadd.s32 s0, s5  }
0x29b: {  	p1 =	sne.s32 s2, $0x0;
	_ =	sdelay $0x3  }
0x29c: {  	(v2sf) =	vpush v0, $0x0;
	_ =	sdelay $0xe  }
.Ltmp52:
0x29d: {  	s6 =	spop (v2sf);
	(pc) =	sbr.rel @p1 .LBB3_57-.Ltmp52, $4  }
0x29e: {  	s5 =	simm.s32 $0x0;
	p2 =	sgt.u32 s6, $0xFF8  }
0x29f: {  	s3 =	sadd.s32 $0x40, s3;
	s5 =	simm.s32 @!p2 $0x100;
	s7 =	sand.u32 @!p2 $0xFF8, s6  }
0x2a0: {  	s4 =	sadd.s32 $0x1, s4;
	s6 =	sand.u32 @!p2 $0x7, s6;
	s7 =	sadd.s32 @!p2 s1, s7  }
0x2a1: {  	[hbm4b:s7+s6] =	stream.linear.scatter @!p2 [tilespmem:s3], [sflag:$0x7], $0x40, $0x38;
	[tilespmem:$0x1EF88] =	vst v63  }
.LBB3_58:
0x2a2: {  	s0 =	sadd.s32 s0, s5  }
0x2a3: {  	s0 =	sshrl.u32 s0, $0x2  }
.LBB3_59:
0x2a4: {  	s1 =	simm.s32 $0x7  }
0x2a5: {  	_ =	swait.ge [sflag:s1], s0  }
0x2a6: {  	s31 =	ssub.s32 $0x0, s0;
	[sflag:s1] =	ssyncset.done $0x0  }
0x2a7: {  	[sflag:s1] =	ssyncadd.s32 s31  }
0x2a8: {  	[sflag:s1] =	ssyncpa.u1 $0x1  }
.LBB3_60:
0x2a9: {  	_ =	sfence;
	s0 =	simm.s32 $0x1  }
0x2aa: {  	[sflag:s0] =	ssyncpa.u1 $0x1  }
0x2ab: {  	_ =	strace $0x9000005C  }
0x2ac: {  	[bflag:$0x2] =	sbarrier.arrive $0xFFFF  }
0x2ad: {  	s0 =	rddreg [dreg:$0x3]  }
0x2ae: {  	s0 =	sadd.s32 @!p0 $0x100000, s0  }
0x2af: {  	[sflag:s0] =	ssyncadd.tile.s32 @!p0 $0x1;
	_ =	shalt  }
.Lfunc_end3:
_tile_overlayer_lowered:
.L_overlay_start_3:
0x2b0: {  	(tag) =	ssettag $0x3  }
0x2b1: {  	s0 =	rddreg [dreg:$0x0];
	s2 =	stileid.u32  }
0x2b2: {  	s1 =	rddreg [dreg:$0x1];
	p0 =	sne.s32 s2, $0x0  }
0x2b3: {  	s3 =	rddreg [dreg:$0x2];
	[bflag:$0x3] =	sbarrier.arrive $0xFFFF;
	s2 =	simm.s32 @!p0 $0x1C01  }
0x2b4: {  	[timem:s3], [sflag:s2] =	dma.local @!p0 [hbm:s0], s1  }
0x2b5: {  	s0 =	simm.s32 @!p0 $0x1  }
0x2b6: {  	_ =	swait.ge @!p0 [sflag:s0], s1  }
0x2b7: {  	s1 =	ssub.s32 @!p0 $0x0, s1;
	[sflag:s0] =	ssyncset.done @!p0 $0x0  }
0x2b8: {  	[sflag:s0] =	ssyncadd.s32 @!p0 s1  }
0x2b9: {  	[bflag:$0x3] =	sbarrier.arrive $0xFFFF  }
0x2ba: {  	_ =	shalt  }

// kernel: scatter_offload_async_start.4
scs
__scs_entry_jumppad:
0x0: {  	(pc) =	sbr.rel $0x88, $3  }
0x1: {  	(tag) =	ssettag $0x0;
	lr =	simm.s32 $0x1  }
0x2: {  	[smem:$0x3F95] =	sst lr;
	_ =	strace $0xD0000000  }
0x3: {  	_ = 	snop  }
0x4: {  	_ = 	snop  }
0x5: {  	_ = 	snop  }
0x6: {  	_ = 	snop  }
0x7: {  	_ = 	snop  }
__scs_overlays_trampoline_lowered:
0x8: {  	[smem:$0x3FA4] =	sst s0  }
0x9: {  	[smem:$0x3FA5] =	sst s1  }
0xa: {  	[smem:$0x3FA6] =	sst s2  }
0xb: {  	[smem:$0x3FA7] =	sst s3  }
0xc: {  	[smem:$0x3FA8] =	sst s4  }
0xd: {  	[smem:$0x3FA9] =	sst s5  }
0xe: {  	[smem:$0x3FAA] =	sst s6  }
0xf: {  	[smem:$0x3FAB] =	sst s7  }
0x10: {  	[smem:$0x3FAC] =	sst s8  }
0x11: {  	[smem:$0x3FAD] =	sst s9;
	s0 =	simm.s32 @!p0 $0x0  }
0x12: {  	s1 =	sld [smem:$0x3F93];
	s0 =	simm.s32 @p0 $0x1  }
0x13: {  	[smem:$0x3FAE] =	sst s0;
	s0 =	simm.s32 @!p1 $0x0  }
0x14: {  	s2 =	sld [smem:$0x3F92];
	s0 =	simm.s32 @p1 $0x1  }
0x15: {  	[smem:$0x3FAF] =	sst s0;
	s0 =	simm.s32 @!p2 $0x0  }
0x16: {  	s3 =	sld [smem:$0x3FDB];
	s0 =	simm.s32 @p2 $0x1  }
0x17: {  	s4 =	simm.s32 $0x1BF5;
	[smem:$0x3FB1] =	sst s0  }
0x18: {  	s0 =	sld [smem:$0x3F94];
	_ =	swait.ge [sflag:s4], $0x0  }
0x19: {  	s7 =	sld [smem:$0x3F95]  }
0x1a: {  	s8 =	sadd.s32 $0xFFFFE003, lr  }
0x1b: {  	s9 =	sadd.s32 $0xFFFFFEF7, lr;
	s5 =	simm.s32 $0xFFFFFFFF;
	p2 =	slt.u32 s8, $0xFFFFF086  }
0x1c: {  	p1 =	slt.u32 s9, $0xF7A;
	s5 =	simm.s32 @!p2 $0x0  }
0x1d: {  	s5 =	simm.s32 @p1 $0x1;
	p0 =	seq.s32 s7, s2  }
0x1e: {  	s7 =	smul.u32 @!p0 $0xF7A, s2;
	p2 =	seq.s32 @!p0 s5, $0x0  }
0x1f: {  	s9 =	smul.u32 $0xF7A, s1;
	s8 =	simm.s32 @!p0 $0x1BF5;
	p2 =	por !p2, p0  }
0x20: {  	[sflag:s8] =	ssyncset.s32 @!p0 $0xFFFFF086;
	s6 =	sadd.s32 @!p0 s3, s7;
	s7 =	simm.s32 @!p0 $0x108  }
0x21: {  	s3 =	sadd.s32 s3, s9;
	s6 =	sadd.s32 @!p0 $0x88, s6;
	s7 =	simm.s32 @p2 $0x1082  }
0x22: {  	[simem:s7], [sflag:s8] =	dma.local @!p0 [hbm:s6], $0xF7A  }
0x23: {  	s9 =	sor.u32 $0xD0000000, s2;
	s6 =	simm.s32 $0x108;
	_ =	swait.ge @!p0 [sflag:s8], $0x0  }
0x24: {  	s3 =	sadd.s32 $0x88, s3;
	s6 =	simm.s32 @!p1 $0x1082;
	[sflag:s4] =	ssyncset.s32 $0xFFFFF086  }
0x25: {  	[simem:s6], [sflag:s4] =	dma.local [hbm:s3], $0xF7A  }
0x26: {  	[smem:$0x3F95] =	sst s1;
	(tag) =	ssettag s2;
	_ =	strace s9  }
0x27: {  	s1 =	sld [smem:$0x3FA5]  }
0x28: {  	s2 =	sld [smem:$0x3FA6]  }
0x29: {  	s4 =	sld [smem:$0x3FA8]  }
0x2a: {  	p0 =	seq.s32 s5, $0x0;
	s5 =	sld [smem:$0x3FA9]  }
0x2b: {  	s6 =	sld [smem:$0x3FAA]  }
0x2c: {  	s7 =	sld [smem:$0x3FAB]  }
0x2d: {  	s3 =	simm.s32 $0x108;
	s8 =	sld [smem:$0x3FAC]  }
0x2e: {  	s3 =	simm.s32 @!p0 $0x1082;
	s9 =	sld [smem:$0x3FAD]  }
0x2f: {  	lr =	sadd.s32 s0, s3;
	s0 =	sld [smem:$0x3FA4]  }
0x30: {  	s3 =	sld [smem:$0x3FA7]  }
0x31: {  	[smem:$0x3FB0] =	sst s10  }
0x32: {  	s10 =	sld [smem:$0x3FAE];
	_ =	sdelay $0x3  }
0x33: {  	p0 =	seq.s32 s10, $0x1;
	s10 =	sld [smem:$0x3FB0];
	_ =	sdelay $0x3  }
0x34: {  	[smem:$0x3FB0] =	sst s10  }
0x35: {  	s10 =	sld [smem:$0x3FAF];
	_ =	sdelay $0x3  }
0x36: {  	p1 =	seq.s32 s10, $0x1;
	s10 =	sld [smem:$0x3FB0];
	_ =	sdelay $0x3  }
0x37: {  	[smem:$0x3FB0] =	sst s10  }
0x38: {  	s10 =	sld [smem:$0x3FB1]  }
0x39: {  	_ = 	snop;
	(pc) =	sbr.ind lr, $3  }
0x3a: {  	_ = 	snop  }
0x3b: {  	_ = 	snop  }
0x3c: {  	p2 =	seq.s32 s10, $0x1;
	s10 =	sld [smem:$0x3FB0]  }
0x3d: {  	_ =	shalt  }
0x3e: {  	_ =	shalt  }
0x3f: {  	_ =	shalt  }
0x40: {  	_ =	shalt  }
0x41: {  	_ =	shalt  }
0x42: {  	_ =	shalt  }
0x43: {  	_ =	shalt  }
0x44: {  	_ =	shalt  }
0x45: {  	_ =	shalt  }
0x46: {  	_ =	shalt  }
0x47: {  	_ =	shalt  }
0x48: {  	_ =	shalt  }
0x49: {  	_ =	shalt  }
0x4a: {  	_ =	shalt  }
0x4b: {  	_ =	shalt  }
0x4c: {  	_ =	shalt  }
0x4d: {  	_ =	shalt  }
0x4e: {  	_ =	shalt  }
0x4f: {  	_ =	shalt  }
0x50: {  	_ =	shalt  }
0x51: {  	_ =	shalt  }
0x52: {  	_ =	shalt  }
0x53: {  	_ =	shalt  }
0x54: {  	_ =	shalt  }
0x55: {  	_ =	shalt  }
0x56: {  	_ =	shalt  }
0x57: {  	_ =	shalt  }
0x58: {  	_ =	shalt  }
0x59: {  	_ =	shalt  }
0x5a: {  	_ =	shalt  }
0x5b: {  	_ =	shalt  }
0x5c: {  	_ =	shalt  }
0x5d: {  	_ =	shalt  }
0x5e: {  	_ =	shalt  }
0x5f: {  	_ =	shalt  }
0x60: {  	_ =	shalt  }
0x61: {  	_ =	shalt  }
0x62: {  	_ =	shalt  }
0x63: {  	_ =	shalt  }
0x64: {  	_ =	shalt  }
0x65: {  	_ =	shalt  }
0x66: {  	_ =	shalt  }
0x67: {  	_ =	shalt  }
0x68: {  	_ =	shalt  }
0x69: {  	_ =	shalt  }
0x6a: {  	_ =	shalt  }
0x6b: {  	_ =	shalt  }
0x6c: {  	_ =	shalt  }
0x6d: {  	_ =	shalt  }
0x6e: {  	_ =	shalt  }
0x6f: {  	_ =	shalt  }
0x70: {  	_ =	shalt  }
0x71: {  	_ =	shalt  }
0x72: {  	_ =	shalt  }
0x73: {  	_ =	shalt  }
0x74: {  	_ =	shalt  }
0x75: {  	_ =	shalt  }
0x76: {  	_ =	shalt  }
0x77: {  	_ =	shalt  }
0x78: {  	_ =	shalt  }
0x79: {  	_ =	shalt  }
0x7a: {  	_ =	shalt  }
0x7b: {  	_ =	shalt  }
0x7c: {  	_ =	shalt  }
0x7d: {  	_ =	shalt  }
0x7e: {  	_ =	shalt  }
0x7f: {  	_ =	shalt  }
0x80: {  	_ =	shalt  }
0x81: {  	_ =	shalt  }
0x82: {  	_ =	shalt  }
0x83: {  	_ =	shalt  }
0x84: {  	_ =	shalt  }
0x85: {  	_ =	shalt  }
0x86: {  	_ =	shalt  }
0x87: {  	_ =	shalt  }
.Lfunc_end0:
.L_simem_size_0:
called_computation.4_lowered:
.L_overlay_start_0:
0x88: {  	s2 =	sld [smem:$0x3FD9]  }
0x89: {  	s3 =	sld [smem:$0x3FFE];
	_ =	sdelay $0x1  }
0x8a: {  	s1 =	srdreg.scid  }
0x8b: {  	s0 =	sand.u32 $0x1, s1  }
0x8c: {  	s15 =	sshll.u32 s0, $0xA;
	s2 =	sadd.s32 s3, s2  }
0x8d: {  	s2 =	sadd.s32 s2, s15  }
0x8e: {  	[smem:$0x3FBC] =	sst s2  }
0x8f: {  	_ = 	snop  }
0x90: {  	(tm) =	ssettm $0x1  }
0x91: {  	s16 =	sld [smem:$0x3FFB];
	_ =	sdelay $0x3  }
0x92: {  	_ =	strace s16  }
0x93: {  	s2 =	sld [smem:$0x3FFC];
	_ =	sdelay $0x3  }
0x94: {  	_ =	strace s2  }
0x95: {  	s2 =	sld [smem:$0x3FFD];
	_ =	sdelay $0x3  }
0x96: {  	_ =	strace s2  }
0x97: {  	_ =	strace $0x8FFFFFFF  }
0x98: {  	s17 =	sld [smem:$0x3FDB];
	_ =	sdelay $0x1  }
0x99: {  	s18 =	simm.s32 $_scs_section_size  }
0x9a: {  	s4 =	simm.s32 $_size__tile_overlayer_lowered;
	s5 =	simm.s32 $_tile_overlayer_lowered  }
0x9b: {  	s21 =	simm.s32 $0x1BFF;
	s20 =	sshll.u32 s5, $0x1;
	s2 =	sadd.s32 s18, s17  }
0x9c: {  	s6 =	simm.s32 $0x0;
	s19 =	sshll.u32 s4, $0x1;
	s4 =	sadd.s32 s20, s2  }
0x9d: {  	[timem:s6], [sflag:s21] =	dma.local [hbm:s4], s19  }
0x9e: {  	_ =	swait.ge [sflag:s21], s19  }
0x9f: {  	s3 =	ssub.s32 $0x0, s19;
	[sflag:s21] =	ssyncset.done $0x0  }
0xa0: {  	[sflag:s21] =	ssyncadd.s32 s3;
	_ =	sdelay $0x1  }
0xa1: {  	s22 =	simm.s32 $0x1B8B  }
0xa2: {  	_ =	swait.ge [sflag:s22], $0x1  }
0xa3: {  	[sflag:s22] =	ssyncset.done $0x0  }
0xa4: {  	s23 =	sld [smem:$0x3FFE];
	[sflag:s22] =	ssyncadd.s32 $0xFFFFFFFF  }
0xa5: {  	s25 =	simm.s32 $0x1B8E;
	s24 =	sld [smem:$0x0]  }
0xa6: {  	s26 =	simm.s32 $execute0_lowered;
	[smem:$0x3FD2] =	sst s25  }
0xa7: {  	s5 =	sshll.u32 s26, $0x1;
	_ =	strace $0x8000005E;
	[dreg:$0x1] =	wrdreg $0xFFFFFFFF  }
0xa8: {  	s28 =	simm.s32 $_size_execute0_lowered;
	s2 =	sadd.s32 s2, s5;
	[dreg:$0x0] =	wrdreg $0x0  }
0xa9: {  	s5 =	sshll.u32 s28, $0x1;
	[dreg:$0x2] =	wrdreg s2  }
0xaa: {  	[dreg:$0x3] =	wrdreg s5  }
0xab: {  	[dreg:$0x4] =	wrdreg $0xC0  }
0xac: {  	_ =	task [dreg:s6], $0x5FFFF  }
0xad: {  	[dreg:$0x1] =	wrdreg $0xFFFFFFFF  }
0xae: {  	[dreg:$0x0] =	wrdreg $0x60  }
0xaf: {  	[dreg:$0x2] =	wrdreg s23  }
0xb0: {  	[dreg:$0x3] =	wrdreg s1  }
0xb1: {  	[dreg:$0x4] =	wrdreg s24  }
0xb2: {  	[dreg:$0x5] =	wrdreg $0x9  }
0xb3: {  	_ =	task.clear_ibuf [dreg:s6], $0x6FFFF;
	_ =	strace $0x9000005E  }
0xb4: {  	s29 =	simm.s32 $0x9;
	_ =	strace $0x80000060  }
0xb5: {  	_ =	swait.ge [sflag:s29], $0x1  }
0xb6: {  	[sflag:s29] =	ssyncadd.s32 $0xFFFFFFFF  }
0xb7: {  	_ =	strace $0x90000060  }
0xb8: {  	_ =	sfence  }
0xb9: {  	s30 =	sld [smem:$0x0];
	_ =	sdelay $0x2  }
0xba: {  	s31 =	sshll.u32 s1, $0xD;
	s1 =	sshrl.u32 s1, $0x2  }
0xbb: {  	s3 =	sand.u32 $0x4000, s31;
	s1 =	sadd.s32 s1, s30  }
0xbc: {  	s0 =	sor.u32 s3, s0;
	s1 =	sshll.u32 s1, $0x11  }
0xbd: {  	s0 =	sor.u32 s1, s0  }
0xbe: {  	s0 =	sadd.s32 $0x8F2B, s0  }
0xbf: {  	[sflag:s0] =	ssyncadd.remote.s32 $0x1  }
0xc0: {  	_ =	sfence.sel $0xFFFF  }
0xc1: {  	[dreg:$0x0] =	wrdreg $0xFFFFFFFF;
	(pc) =	sbr.abs _section_cstart, $3  }
0xc2: {  	[dreg:$0x1] =	wrdreg $0xFFFFFFFF  }
0xc3: {  	_ =	task.clear_ibuf [dreg:s6], $0x2FFFF;
	_ =	strace $0x9FFFFFFF  }
0xc4: {  	(tm) =	ssettm $0x7FFFFFFF  }
0xc5: {  	_ =	shalt  }
tec
execute0_lowered:
.L_overlay_start_1:
0x0: {  	(tag) =	ssettag $0x1  }
0x1: {  	s2 =	rddreg [dreg:$0x0]  }
0x2: {  	s3 =	rddreg [dreg:$0x1];
	_ =	strace $0x8000005F;
	s0 =	simm.s32 $0x1  }
0x3: {  	s4 =	simm.s32 $0x88;
	v0 =	vimm.s32 $0x0;
	[sflag:s0] =	ssyncpa.u1 $0x0  }
0x4: {  	s1 =	sadd.s32 $0x142000, s2;
	s0 =	sadd.s32 $0x40000, s2;
	[tilespmem:s4+$0x30] =	vst v0  }
0x5: {  	s6 =	sadd.s32 $0xC0000, s2;
	s3 =	sand.u32 $0x1, s3;
	s14 =	sadd.s32 $0x41000, s2;
	[tilespmem:s4+$0x20] =	vst v0  }
0x6: {  	s2 =	simm.s32 $0x40;
	[dreg:$0x4] =	wrdreg s3;
	s15 =	sshll.u32 s3, $0xB;
	[tilespmem:s4+$0x10] =	vst v0  }
.LBB2_1:
0x7: {  	s2 =	sadd.s32 $0x40, s2  }
0x8: {  	[tilespmem:s4+$0x0] =	vst v0;
	s4 =	sadd.s32 $0x40, s4;
	p0 =	slt.u32 s2, $0x5040  }
.Ltmp0:
0x9: {  	(pc) =	sbr.rel @p0 .LBB2_1-.Ltmp0, $4  }
0xa: {  	_ = 	snop  }
0xb: {  	[tilespmem:s4+$0x30] =	vst v0  }
0xc: {  	[tilespmem:s4+$0x20] =	vst v0  }
0xd: {  	[tilespmem:s4+$0x10] =	vst v0  }
0xe: {  	s9 =	stileid.u32  }
0xf: {  	s2 =	smul.u32 $0x3, s9  }
0x10: {  	s3 =	smin.u32 s9, $0x4  }
0x11: {  	s2 =	sadd.s32 s3, s2  }
0x12: {  	p0 =	slt.u32 s9, $0x4;
	s7 =	smul.u32 $0x140, s2;
	s2 =	simm.s32 $0x500  }
0x13: {  	s2 =	simm.s32 @!p0 $0x3C0  }
0x14: {  	s2 =	sadd.s32 s2, s7  }
0x15: {  	s8 =	smin.u32 s2, $0x4000  }
0x16: {  	s2 =	ssub.s32 s8, s7  }
0x17: {  	p0 =	sgt.s32 s2, $0x0  }
0x18: {  	s28 =	simm.s32 $0x2;
	s30 =	simm.s32 $0x9;
	s2 =	simm.s32 @!p0 $0x0  }
0x19: {  	s31 =	simm.s32 $0xA;
	s11 =	simm.s32 $0xB;
	s29 =	smul.u32 $0xCCCD, s2  }
0x1a: {  	s12 =	simm.s32 $0x1;
	s14 =	sadd.s32 s15, s14;
	s15 =	sadd.s32 s15, s0  }
0x1b: {  	s18 =	simm.s32 $0x0;
	p1 =	por $0x0, $0x0;
	s3 =	sshrl.u32 s29, $0x18  }
0x1c: {  	s19 =	simm.s32 $0xC;
	s23 =	simm.s32 $0x0;
	s5 =	smul.u32 $0x140, s3  }
.Ltmp1:
0x1d: {  	[tilespmem:s4+$0x0] =	vst v0;
	v0 =	vimm.s32 $0xFFFFFFFF;
	s20 =	simm.s32 $0x0;
	[sflag:s28] =	ssyncpa.u1 $0x0;
	(pc) =	sbr.rel .LBB2_3-.Ltmp1, $4  }
0x1e: {  	[tilespmem:$0xA108] =	vst v0;
	[sflag:s30] =	ssyncpa.u1 $0x0;
	p0 =	sne.s32 s2, s5;
	s2 =	simm.s32 $0x1  }
0x1f: {  	s22 =	simm.s32 $0x0;
	[sflag:s31] =	ssyncpa.u1 $0x0;
	s2 =	simm.s32 @!p0 $0x0  }
0x20: {  	s16 =	sshll.u32 s9, $0x7;
	[sflag:s11] =	ssyncpa.u1 $0x0;
	s13 =	sadd.s32 s3, s2  }
0x21: {  	v0 =	vlaneseq.u32;
	s21 =	smov.u32 s7;
	p0 =	por $0x1, $0x1;
	s17 =	sadd.s32 $0x1, s13  }
.LBB2_24:
0x22: {  	s0 =	sshrl.u32 s0, $0x2  }
.LBB2_26:
0x23: {  	_ =	swait.ge [sflag:s19], s0  }
0x24: {  	s30 =	ssub.s32 $0x0, s0;
	v1 =	vmov s25;
	vm0 =	veq.s32 v0, $0x0;
	[sflag:s19] =	ssyncset.done $0x0  }
0x25: {  	vm15 =	veq.s32 v0, $0x2;
	v1 =	vsel vm0, s31, v1;
	[sflag:s19] =	ssyncadd.s32 s30  }
0x26: {  	v1 =	vsel vm15, s23, v1;
	[sflag:s19] =	ssyncpa.u1 $0x1  }
0x27: {  	[tilespmem:$0xA108] =	vst v1  }
.LBB2_27:
0x28: {  	s0 =	sadd.s32 $0x140, s21  }
0x29: {  	s2 =	smov.u32 s7;
	p2 =	slt.s32 s0, s8  }
0x2a: {  	s2 =	smov.u32 @p2 s0;
	p2 =	sne.s32 s22, s17  }
.Ltmp2:
0x2b: {  	_ = 	snop;
	(pc) =	sbr.rel @!p2 .LBB2_28-.Ltmp2, $4  }
0x2c: {  	_ = 	snop  }
0x2d: {  	s23 =	smov.u32 s20  }
0x2e: {  	s31 =	sadd.s32 $0x1, s22;
	s20 =	smov.u32 s21;
	p0 =	por !p0, !p0  }
0x2f: {  	p1 =	por !p1, !p1;
	s22 =	smov.u32 s31;
	s21 =	smov.u32 s2  }
.LBB2_3:
0x30: {  	p2 =	sge.u32 s22, s13  }
0x31: {  	s0 =	smulhi.u32 @!p2 $0xAAAAAAAB, s22  }
0x32: {  	s2 =	smov.u32 s21;
	p3 =	sgt.s32 @!p2 s21, $0x3EC0  }
0x33: {  	s3 =	sshra.s32 @!p2 s21, $0x1F;
	p3 =	por !p3, p2;
	s0 =	sshrl.u32 @!p2 s0, $0x1  }
0x34: {  	s3 =	sand.u32 @!p2 s3, s21;
	s2 =	simm.s32 @p3 $0x3EC0;
	s0 =	smul.u32 @!p2 $0x3, s0  }
0x35: {  	s2 =	ssub.s32 @!p2 s2, s3  }
0x36: {  	s2 =	sadd.s32 @!p2 $0xFFFFC140, s2;
	s0 =	ssub.s32 @!p2 s22, s0  }
0x37: {  	s3 =	sshll.u32 @!p2 s2, $0x2;
	p3 =	sgt.s32 @!p2 s2, $0x13F;
	s0 =	smul.u32 @!p2 $0x500, s0  }
0x38: {  	s4 =	sand.u32 @!p2 $0x7, s21;
	s2 =	ssub.s32 @!p2 $0x500, s3;
	p3 =	por !p3, p2  }
0x39: {  	s3 =	sshrl.u32 @!p2 s21, $0x3;
	s2 =	sshrl.u32 @!p2 s2, $0x2;
	s0 =	sshrl.u32 @!p2 s0, $0x2  }
0x3a: {  	s3 =	sadd.s32 @!p2 s3, s14;
	s2 =	simm.s32 @!p3 $0x0;
	s0 =	sadd.s32 @!p2 $0xA948, s0  }
0x3b: {  	[tilespmem:s0], [sflag:$0xA] =	stream.linear.gather @!p2 [hbm4b:s3+s4], s2, $0x38;
	[tilespmem:$0x1EF88] =	vst v63  }
0x3c: {  	s4 =	sadd.s32 $0xFFFFFFFF, s22  }
0x3d: {  	p2 =	sge.u32 s4, s13  }
0x3e: {  	p3 =	sgt.s32 @!p2 s20, $0x3EC0  }
0x3f: {  	s0 =	smov.u32 s20;
	s2 =	sshra.s32 @!p2 s20, $0x1F;
	p3 =	por !p3, p2  }
0x40: {  	s2 =	sand.u32 @!p2 s2, s20;
	s0 =	simm.s32 @p3 $0x3EC0  }
0x41: {  	s0 =	ssub.s32 @!p2 s0, s2  }
0x42: {  	s0 =	sadd.s32 @!p2 $0xFFFFC140, s0  }
0x43: {  	s2 =	sshll.u32 @!p2 s0, $0x2  }
0x44: {  	p3 =	sgt.s32 @!p2 s0, $0x13F;
	s0 =	ssub.s32 @!p2 $0x500, s2  }
0x45: {  	p3 =	por !p3, p2;
	s0 =	sshrl.u32 @!p2 s0, $0x2  }
0x46: {  	s3 =	simm.s32 @!p2 $0xA;
	s2 =	sand.u32 @!p2 $0x1, s4;
	s0 =	simm.s32 @!p3 $0x0  }
0x47: {  	s2 =	smul.u32 @!p2 $0x500, s2;
	_ =	swait.ge @!p2 [sflag:s3], s0  }
0x48: {  	s5 =	ssub.s32 @!p2 $0x0, s0;
	[sflag:s3] =	ssyncset.done @!p2 $0x0  }
0x49: {  	s2 =	sshrl.u32 @!p2 s2, $0x2;
	[sflag:s3] =	ssyncadd.s32 @!p2 s5;
	s3 =	sshrl.u32 @!p2 s20, $0x3  }
0x4a: {  	s2 =	sadd.s32 @!p2 $0xAD08, s2;
	s5 =	sand.u32 @!p2 $0x7, s20;
	s3 =	sadd.s32 @!p2 s3, s15  }
0x4b: {  	[tilespmem:s2], [sflag:$0xB] =	stream.linear.gather @!p2 [hbm4b:s3+s5], s0, $0x38;
	[tilespmem:$0x1EF88] =	vst v63  }
0x4c: {  	s0 =	ssub.s32 @!p2 $0x4000, s20  }
0x4d: {  	p3 =	slt.s32 @!p2 s0, $0x1  }
0x4e: {  	p3 =	por p2, p3  }
.Ltmp3:
0x4f: {  	_ = 	snop;
	(pc) =	sbr.rel @p3 .LBB2_9-.Ltmp3, $1  }
0x50: {  	_ =	sdelay $0x3  }
0x51: {  	s2 =	smulhi.u32 $0xAAAAAAAB, s4;
	_ =	sdelay $0x1  }
0x52: {  	s2 =	sshrl.u32 s2, $0x1  }
0x53: {  	s2 =	smul.u32 $0x3, s2;
	_ =	sdelay $0x1  }
0x54: {  	s2 =	ssub.s32 s4, s2  }
0x55: {  	s3 =	simm.s32 $0x1;
	s2 =	smul.u32 $0x500, s2  }
.Ltmp4:
0x56: {  	s3 =	simm.s32 @!p0 $0x0;
	(pc) =	sbr.rel .LBB2_6-.Ltmp4, $4  }
0x57: {  	s3 =	smul.u32 $0x28000, s3  }
0x58: {  	p3 =	slt.s32 @!p2 s0, $0x140;
	s2 =	sshrl.u32 s2, $0x2  }
0x59: {  	p2 =	por !p3, p2;
	s3 =	sshrl.u32 s3, $0x2;
	s2 =	sadd.s32 $0xA948, s2  }
0x5a: {  	s24 =	simm.s32 $0x0;
	s0 =	simm.s32 @p2 $0x140;
	s4 =	sadd.s32 $0xAF88, s3;
	v1 =	vmov s2  }
.LBB2_5:
0x5b: {  	p2 =	sge.s32 s24, s0  }
.Ltmp5:
0x5c: {  	_ = 	snop;
	(pc) =	sbr.rel @p2 .LBB2_9-.Ltmp5, $2  }
0x5d: {  	_ =	sdelay $0x2  }
0x5e: {  	s4 =	sadd.s32 $0x800, s4  }
.LBB2_6:
0x5f: {  	p2 =	sle.s32 s0, s24  }
.Ltmp6:
0x60: {  	_ = 	snop;
	(pc) =	sbr.rel @p2 .LBB2_5-.Ltmp6, $2  }
0x61: {  	_ =	sdelay $0x2  }
0x62: {  	s5 =	smov.u32 s24;
	s24 =	sadd.s32 $0x10, s24  }
0x63: {  	s2 =	ssub.s32 s0, s5  }
0x64: {  	p2 =	slt.s32 s2, $0x10  }
0x65: {  	s2 =	simm.s32 @!p2 $0x10  }
0x66: {  	v2 =	vmov s2  }
0x67: {  	vm0 =	vgt.s32 v2, v0;
	_ =	sdelay $0x5  }
0x68: {  	v2 =	vld.idx.msk [tilespmem:v1+s5+$0x0 ss:$0x1], vm0;
	_ =	sdelay $0x2  }
0x69: {  	p2 =	slt.s32 s24, s0;
	s2 =	smov.u32 s0  }
0x6a: {  	s3 =	smov.u32 s4;
	s25 =	simm.s32 $0x0;
	s2 =	smov.u32 @p2 s24  }
.LBB2_8:
0x6b: {  	(v2sf) =	vpush v2, s25;
	_ =	sdelay $0xc  }
0x6c: {  	s25 =	sadd.s32 $0x1, s25  }
0x6d: {  	s31 =	sadd.s32 s25, s5  }
0x6e: {  	p2 =	slt.s32 s31, s2;
	s9 =	spop (v2sf)  }
.Ltmp7:
0x6f: {  	s9 =	sshll.u32 s9, $0x4;
	(pc) =	sbr.rel @p2 .LBB2_8-.Ltmp7, $4  }
0x70: {  	s9 =	sand.u32 $0x1FFFFFF0, s9  }
0x71: {  	s9 =	sadd.s32 s6, s9  }
0x72: {  	[tilespmem:s3], [sflag:$0x9] =	stream.linear.gather [hbm4b:s9+s18], $0x40, $0x38;
	[tilespmem:$0x1EF88] =	vst v63  }
0x73: {  	s3 =	sadd.s32 $0x80, s3  }
.Ltmp8:
0x74: {  	_ = 	snop;
	(pc) =	sbr.rel .LBB2_5-.Ltmp8, $1  }
0x75: {  	_ =	sdelay $0x3  }
.LBB2_9:
0x76: {  	p2 =	slt.u32 s22, $0x2  }
.Ltmp9:
0x77: {  	_ = 	snop;
	(pc) =	sbr.rel @p2 .LBB2_27-.Ltmp9, $1  }
0x78: {  	_ =	sdelay $0x3  }
0x79: {  	p2 =	sgt.s32 s23, $0x3EC0  }
0x7a: {  	s0 =	smov.u32 s23;
	s2 =	sshra.s32 s23, $0x1F;
	s3 =	ssub.s32 $0x4000, s23  }
0x7b: {  	s0 =	simm.s32 @!p2 $0x3EC0;
	s2 =	sand.u32 s2, s23;
	p2 =	slt.s32 s3, $0x140  }
0x7c: {  	s0 =	ssub.s32 s0, s2;
	s3 =	simm.s32 @!p2 $0x140  }
0x7d: {  	s0 =	sadd.s32 $0xFFFFC140, s0;
	s10 =	sshll.u32 s3, $0x6  }
0x7e: {  	s26 =	simm.s32 $0x9;
	s24 =	sshll.u32 s0, $0x2;
	s2 =	sand.u32 $0x3FFFFFC0, s10  }
0x7f: {  	p2 =	sgt.s32 s0, $0x13F;
	s25 =	ssub.s32 $0x500, s24;
	_ =	swait.ge [sflag:s26], s2  }
0x80: {  	s2 =	ssub.s32 $0x0, s2;
	[sflag:s26] =	ssyncset.done $0x0;
	s0 =	sshrl.u32 s25, $0x2  }
0x81: {  	[sflag:s26] =	ssyncadd.s32 s2;
	s0 =	simm.s32 @p2 $0x0  }
0x82: {  	_ =	swait.ge [sflag:s11], s0  }
0x83: {  	s0 =	ssub.s32 $0x0, s0;
	[sflag:s11] =	ssyncset.done $0x0  }
0x84: {  	[sflag:s11] =	ssyncadd.s32 s0  }
0x85: {  	v1 =	vld [tilespmem:$0xA108];
	_ =	sdelay $0x4  }
0x86: {  	(v2sf) =	vpush v1, $0x0  }
0x87: {  	(v2sf) =	vpush v1, $0x1  }
0x88: {  	(v2sf) =	vpush v1, $0x2;
	_ =	sdelay $0x3  }
0x89: {  	s0 =	sadd.s32 $0x140, s23  }
0x8a: {  	s2 =	ssub.s32 $0x8000, s23;
	p2 =	slt.s32 s8, s0  }
0x8b: {  	s0 =	smov.u32 @p2 s8;
	p2 =	sgt.s32 s2, $0x0  }
0x8c: {  	s0 =	ssub.s32 s0, s23;
	s2 =	simm.s32 @!p2 $0x0  }
0x8d: {  	p2 =	slt.s32 s2, s0  }
0x8e: {  	s0 =	smov.u32 @p2 s2  }
0x8f: {  	s26 =	simm.s32 $0x1;
	p2 =	slt.s32 s0, $0x1  }
.Ltmp10:
0x90: {  	s26 =	simm.s32 @!p1 $0x0;
	(pc) =	sbr.rel @p2 .LBB2_14-.Ltmp10, $4  }
0x91: {  	s30 =	smul.u32 $0x500, s26  }
0x92: {  	s28 =	spop (v2sf)  }
0x93: {  	s31 =	sshrl.u32 s30, $0x2;
	s29 =	spop (v2sf)  }
0x94: {  	s24 =	sadd.s32 $0xAD08, s31;
	s23 =	spop (v2sf)  }
0x95: {  	s2 =	smin.u32 s0, $0x10  }
0x96: {  	v1 =	vmov s2  }
0x97: {  	p3 =	sgt.s32 s0, $0x10;
	vm1 =	vgt.u32 v1, v0  }
.Ltmp11:
0x98: {  	_ = 	snop;
	(pc) =	sbr.rel @!p3 .LBB2_13-.Ltmp11, $2  }
0x99: {  	_ =	sdelay $0x2  }
0x9a: {  	s5 =	simm.s32 $0x10;
	s25 =	sadd.s32 $0xFFFFFFF0, s0;
	s4 =	smov.u32 s24;
	vm0 =	vmmov vm1  }
.LBB2_12:
0x9b: {  	s2 =	smin.u32 s25, $0x10;
	s5 =	sadd.s32 $0x10, s5;
	v1 =	vld.msk [tilespmem:s4+$0x0 ss:$0x1], vm1  }
0x9c: {  	v2 =	vmov s2;
	p3 =	slt.s32 s5, s0  }
0x9d: {  	vm1 =	vgt.u32 v2, v0  }
.Ltmp12:
0x9e: {  	(pc) =	sbr.rel @p3 .LBB2_12-.Ltmp12, $3  }
0x9f: {  	_ =	sdelay $0x1  }
0xa0: {  	v1 =	vshll.u32 v1, $0x4  }
0xa1: {  	s25 =	sadd.s32 $0xFFFFFFF0, s25;
	[tilespmem:s4+$0x0] =	vst.msk vm0, v1;
	s4 =	sadd.s32 $0x10, s4;
	vm0 =	vmmov vm1  }
.LBB2_13:
0xa2: {  	_ =	sdelay $0x4  }
0xa3: {  	v1 =	vld.msk [tilespmem:s4+$0x0 ss:$0x1], vm1;
	_ =	sdelay $0x4  }
0xa4: {  	v1 =	vshll.u32 v1, $0x4  }
0xa5: {  	[tilespmem:s4+$0x0] =	vst.msk vm0, v1  }
.LBB2_14:
0xa6: {  	s2 =	sand.u32 $0x1, s22  }
0xa7: {  	s2 =	smul.u32 $0x140, s2  }
0xa8: {  	p3 =	sne.s32 s29, $0xFFFFFFFF  }
0xa9: {  	v1 =	vld.msk @!p3 [tilespmem:s2+$0xAD08], $0x1;
	_ =	sdelay $0x4  }
0xaa: {  	(v2sf) =	vpush @!p3 v1, $0x0;
	_ =	sdelay $0xc  }
.Ltmp13:
0xab: {  	_ = 	snop;
	(pc) =	sbr.rel @p2 .LBB2_25-.Ltmp13, $4  }
0xac: {  	_ = 	snop  }
0xad: {  	s30 =	spop @!p3 (v2sf)  }
0xae: {  	s23 =	simm.s32 @!p3 $0x0;
	s25 =	smov.u32 s30  }
0xaf: {  	[sflag:s19] =	ssyncpa.u1 $0x0;
	s30 =	smov.u32 @p3 s28;
	s25 =	smov.u32 @p3 s29  }
0xb0: {  	v1 =	vld.msk [tilespmem:s24+$0x0], $0x1;
	_ =	sdelay $0x4  }
0xb1: {  	(v2sf) =	vpush v1, $0x0;
	_ =	sdelay $0xe  }
0xb2: {  	s2 =	smul.u32 $0x28000, s26;
	s4 =	spop (v2sf)  }
0xb3: {  	s28 =	ssub.s32 $0x0, s0;
	p2 =	seq.s32 s30, s4  }
0xb4: {  	s0 =	sadd.s32 $0x1, s28;
	s2 =	sshrl.u32 s2, $0x2;
	p3 =	sgt.s32 @!p2 s30, $0x0  }
0xb5: {  	s26 =	sadd.s32 $0xAFA8, s2;
	s2 =	smov.u32 s30;
	p3 =	por !p3, p2  }
0xb6: {  	s2 =	simm.s32 @p3 $0x0;
	p3 =	seq.s32 s0, $0x0  }
.Ltmp14:
0xb7: {  	_ = 	snop;
	(pc) =	sbr.rel @p3 .LBB2_17-.Ltmp14, $4  }
0xb8: {  	_ = 	snop  }
0xb9: {  	s29 =	simm.s32 $0x0;
	s5 =	simm.s32 @!p2 $0x1;
	s3 =	smin.u32 @!p2 s2, $0xFF8  }
0xba: {  	s31 =	sadd.s32 $0x1, s24;
	s5 =	smov.u32 @p2 s29;
	s9 =	sand.u32 @!p2 $0xFF8, s3  }
0xbb: {  	s2 =	simm.s32 @!p2 $0x50C8;
	s3 =	sand.u32 @!p2 $0x7, s3;
	s9 =	sadd.s32 @!p2 s1, s9  }
.LBB2_16:
0xbc: {  	s10 =	smov.u32 s5  }
0xbd: {  	[tilespmem:s2], [sflag:$0x2] =	stream.linear.gather @!p2 [hbm4b:s9+s3], $0x40, $0x38;
	[tilespmem:$0x1EF88] =	vst v63  }
0xbe: {  	s0 =	sadd.s32 $0x1, s0;
	s3 =	smov.u32 s4;
	v1 =	vld.msk [tilespmem:s31+$0x0], $0x1  }
0xbf: {  	p3 =	seq.s32 s0, $0x0;
	_ =	sdelay $0x3  }
0xc0: {  	(v2sf) =	vpush v1, $0x0;
	_ =	sdelay $0xe  }
0xc1: {  	s4 =	spop (v2sf)  }
0xc2: {  	p2 =	seq.s32 s3, s4  }
0xc3: {  	p4 =	sgt.s32 @!p2 s3, $0x0;
	s2 =	sshll.u32 @!p2 s5, $0x8;
	s5 =	sadd.s32 @!p2 $0x1, s5  }
.Ltmp15:
0xc4: {  	p4 =	por !p4, p2;
	s2 =	sshra.s32 @!p2 s2, $0x2;
	(pc) =	sbr.rel @!p3 .LBB2_16-.Ltmp15, $4  }
0xc5: {  	s5 =	smov.u32 @p2 s10;
	s3 =	simm.s32 @p4 $0x0;
	s2 =	sadd.s32 @!p2 $0x50C8, s2  }
0xc6: {  	s3 =	smin.u32 @!p2 s3, $0xFF8  }
0xc7: {  	s9 =	sand.u32 @!p2 $0xFF8, s3;
	s3 =	sand.u32 @!p2 $0x7, s3  }
0xc8: {  	s31 =	sadd.s32 $0x1, s31;
	s9 =	sadd.s32 @!p2 s1, s9  }
.LBB2_17:
0xc9: {  	[tilespmem:s2], [sflag:$0x2] =	stream.linear.gather @!p2 [hbm4b:s9+s3], $0x40, $0x38;
	[tilespmem:$0x1EF88] =	vst v63  }
.Ltmp16:
0xca: {  	s0 =	sshll.u32 s5, $0x6;
	(pc) =	sbr.rel .LBB2_18-.Ltmp16, $4  }
0xcb: {  	s31 =	simm.s32 $0x2;
	s0 =	sand.u32 $0x3FFFFFC0, s0  }
0xcc: {  	_ =	swait.ge [sflag:s31], s0  }
0xcd: {  	s0 =	ssub.s32 $0x0, s0;
	[sflag:s31] =	ssyncset.done $0x0  }
0xce: {  	[sflag:s31] =	ssyncadd.s32 s0;
	s0 =	simm.s32 $0x0  }
.LBB2_19:
0xcf: {  	v1 =	vld [tilespmem:s26+$0xFFFFFFE0];
	_ =	sdelay $0x4  }
0xd0: {  	[tilespmem:s4+$0x88] =	vst.add.f32.msk $0xffff, v1  }
0xd1: {  	v1 =	vld [tilespmem:s26+$0xFFFFFFF0];
	_ =	sdelay $0x4  }
0xd2: {  	[tilespmem:s4+$0x98] =	vst.add.f32.msk $0xffff, v1  }
0xd3: {  	v1 =	vld [tilespmem:s26+$0x0];
	_ =	sdelay $0x4  }
0xd4: {  	[tilespmem:s4+$0xA8] =	vst.add.f32.msk $0xffff, v1  }
0xd5: {  	v1 =	vld [tilespmem:s26+$0x10];
	_ =	sdelay $0x4  }
0xd6: {  	[tilespmem:s4+$0xB8] =	vst.add.f32.msk $0xffff, v1  }
.LBB2_23:
0xd7: {  	s28 =	sadd.s32 $0x1, s28  }
0xd8: {  	p2 =	seq.s32 s28, $0x0  }
.Ltmp17:
0xd9: {  	_ = 	snop;
	(pc) =	sbr.rel @p2 .LBB2_24-.Ltmp17, $2  }
0xda: {  	_ =	sdelay $0x2  }
0xdb: {  	s26 =	sadd.s32 $0x80, s26;
	s24 =	sadd.s32 $0x1, s24;
	s30 =	smov.u32 s31  }
.LBB2_18:
0xdc: {  	v1 =	vld.msk [tilespmem:s24+$0x0], $0x1;
	_ =	sdelay $0x4  }
0xdd: {  	(v2sf) =	vpush v1, $0x0;
	_ =	sdelay $0xe  }
0xde: {  	s31 =	spop (v2sf)  }
0xdf: {  	p2 =	sne.s32 s30, s31  }
.Ltmp18:
0xe0: {  	_ = 	snop;
	(pc) =	sbr.rel @!p2 .LBB2_19-.Ltmp18, $3  }
0xe1: {  	_ =	sdelay $0x1  }
0xe2: {  	s2 =	sshll.u32 s23, $0x8  }
0xe3: {  	s4 =	sshra.s32 s2, $0x2  }
0xe4: {  	p2 =	seq.s32 s30, s25  }
.Ltmp19:
0xe5: {  	_ = 	snop;
	(pc) =	sbr.rel @!p2 .LBB2_21-.Ltmp19, $1  }
0xe6: {  	_ =	sdelay $0x3  }
.Ltmp20:
0xe7: {  	s2 =	sadd.s32 $0x88, s4;
	(pc) =	sbr.rel .LBB2_22-.Ltmp20, $4  }
0xe8: {  	[spmem:s16] =	stream.linear.scatter [tilespmem:s2], [sflag:$0x1], $0x40, $0x38;
	[tilespmem:$0x1EF88] =	vst v63  }
0xe9: {  	_ =	swait.ge [sflag:s12], $0x40  }
0xea: {  	[sflag:s12] =	ssyncset.done $0x0  }
0xeb: {  	[sflag:s12] =	ssyncadd.s32 $0xFFFFFFC0  }
.LBB2_21:
0xec: {  	s2 =	sshll.u32 s29, $0x8  }
0xed: {  	s2 =	sshra.s32 s2, $0x2  }
0xee: {  	v1 =	vld [tilespmem:s2+$0x50C8];
	_ =	sdelay $0x4  }
0xef: {  	[tilespmem:s4+$0x88] =	vst.add.f32.msk $0xffff, v1  }
0xf0: {  	v1 =	vld [tilespmem:s2+$0x50D8];
	_ =	sdelay $0x4  }
0xf1: {  	[tilespmem:s4+$0x98] =	vst.add.f32.msk $0xffff, v1  }
0xf2: {  	v1 =	vld [tilespmem:s2+$0x50E8];
	_ =	sdelay $0x4  }
0xf3: {  	[tilespmem:s4+$0xA8] =	vst.add.f32.msk $0xffff, v1  }
0xf4: {  	v1 =	vld [tilespmem:s2+$0x50F8];
	_ =	sdelay $0x2  }
0xf5: {  	p2 =	sgt.u32 s30, $0xFF8  }
0xf6: {  	s2 =	sand.u32 @!p2 $0xFF8, s30  }
0xf7: {  	s3 =	sadd.s32 $0x88, s4;
	s2 =	sadd.s32 @!p2 s1, s2;
	[tilespmem:s4+$0xB8] =	vst.add.f32.msk $0xffff, v1;
	s4 =	sand.u32 @!p2 $0x7, s30  }
0xf8: {  	[hbm4b:s2+s4] =	stream.linear.scatter @!p2 [tilespmem:s3], [sflag:$0xC], $0x40, $0x38;
	[tilespmem:$0x1EF88] =	vst v63  }
0xf9: {  	s2 =	simm.s32 $0x0  }
0xfa: {  	s2 =	simm.s32 @!p2 $0x100  }
0xfb: {  	s0 =	sadd.s32 s2, s0  }
.LBB2_22:
0xfc: {  	s2 =	sadd.s32 $0x1, s23  }
0xfd: {  	s3 =	smulhi.u32 $0xCCCCCCCD, s2;
	_ =	sdelay $0x1  }
0xfe: {  	v1 =	vld [tilespmem:s26+$0xFFFFFFE0];
	s3 =	sshrl.u32 s3, $0x8  }
0xff: {  	s3 =	smul.u32 $0x140, s3;
	_ =	sdelay $0x1  }
0x100: {  	s23 =	ssub.s32 s2, s3  }
0x101: {  	s2 =	sshll.u32 s23, $0x6  }
0x102: {  	[tilespmem:s2+$0x88] =	vst v1  }
0x103: {  	v1 =	vld [tilespmem:s26+$0xFFFFFFF0];
	_ =	sdelay $0x4  }
0x104: {  	[tilespmem:s2+$0x98] =	vst v1  }
0x105: {  	v1 =	vld [tilespmem:s26+$0x0];
	_ =	sdelay $0x4  }
0x106: {  	[tilespmem:s2+$0xA8] =	vst v1  }
0x107: {  	v1 =	vld [tilespmem:s26+$0x10]  }
.Ltmp21:
0x108: {  	_ = 	snop;
	(pc) =	sbr.rel .LBB2_23-.Ltmp21, $2  }
0x109: {  	_ =	sdelay $0x2  }
0x10a: {  	s29 =	sadd.s32 $0x1, s29;
	[tilespmem:s2+$0xB8] =	vst v1  }
.LBB2_25:
.Ltmp22:
0x10b: {  	(pc) =	sbr.rel .LBB2_26-.Ltmp22, $4  }
0x10c: {  	_ = 	snop  }
0x10d: {  	s0 =	simm.s32 $0x2  }
0x10e: {  	_ =	swait.ge [sflag:s0], $0x0  }
0x10f: {  	s31 =	smov.u32 s30;
	[sflag:s0] =	ssyncset.done $0x0;
	s0 =	simm.s32 $0x0  }
.LBB2_28:
0x110: {  	_ =	sfence.sel $0x180000  }
0x111: {  	s0 =	simm.s32 $0x9;
	[bflag:$0x0] =	sbarrier.arrive $0xFFFF  }
0x112: {  	s24 =	simm.s32 $0xA;
	[sflag:s0] =	ssyncpa.u1 $0x1  }
0x113: {  	s25 =	simm.s32 $0xB;
	[sflag:s24] =	ssyncpa.u1 $0x1  }
0x114: {  	s26 =	simm.s32 $0x2;
	[sflag:s25] =	ssyncpa.u1 $0x1  }
0x115: {  	[sflag:s26] =	ssyncpa.u1 $0x1  }
0x116: {  	v0 =	vld [tilespmem:$0xA108];
	_ =	sdelay $0x4  }
0x117: {  	(v2sf) =	vpush v0, $0x0  }
0x118: {  	(v2sf) =	vpush v0, $0x1;
	_ =	sdelay $0x1  }
0x119: {  	(v2sf) =	vpush v0, $0x2;
	_ =	sdelay $0xb  }
0x11a: {  	s0 =	spop (v2sf)  }
0x11b: {  	s2 =	spop (v2sf)  }
0x11c: {  	s3 =	smov.u32 s0;
	p0 =	sne.s32 s0, s2  }
0x11d: {  	s4 =	spop (v2sf);
	s3 =	simm.s32 @!p0 $0xFFFFFFFF  }
0x11e: {  	v2 =	vimm.s32 $0x1;
	v3 =	vlaneseq.u32;
	p0 =	seq.s32 s4, $0xFFFFFFFF;
	v1 =	vmov s3  }
0x11f: {  	s15 =	stileid.u32;
	v0 =	vperm.xlane v0, v2;
	p1 =	sne.s32 @!p0 s0, s2;
	v1 =	vperm.xlane v1, v3  }
0x120: {  	vm0 =	vcmask $0x3F04;
	s6 =	simm.s32 $0xA108;
	s0 =	simm.s32 @!p0 $0x1;
	p1 =	por !p1, p0  }
0x121: {  	s3 =	sshll.u32 s15, $0x1;
	s2 =	sshll.u32 @!p0 s4, $0x8;
	s0 =	simm.s32 @p1 $0x0;
	v0 =	vsel vm0, v1, v0  }
0x122: {  	s5 =	sor.u32 $0x800, s3;
	s2 =	sshra.s32 @!p0 s2, $0x2;
	s0 =	sor.u32 @!p0 s0, s3;
	[tilespmem:$0xA108] =	vst v0  }
0x123: {  	[spmem:s5] =	stream.linear.scatter [tilespmem:s6], [sflag:$0x1], $0x2, $0x38;
	[tilespmem:$0x1EF88] =	vst v63  }
0x124: {  	s2 =	sadd.s32 @!p0 $0x88, s2;
	s0 =	sshll.u32 @!p0 s0, $0x6  }
0x125: {  	[spmem:s0] =	stream.linear.scatter @!p0 [tilespmem:s2], [sflag:$0x1], $0x40, $0x38;
	[tilespmem:$0x1EF88] =	vst v63  }
0x126: {  	s0 =	simm.s32 @!p0 $0x42  }
0x127: {  	s28 =	simm.s32 $0x1;
	s0 =	simm.s32 @p0 $0x2  }
0x128: {  	_ =	swait.ge [sflag:s28], s0  }
0x129: {  	s0 =	ssub.s32 $0x0, s0;
	[sflag:s28] =	ssyncset.done $0x0  }
0x12a: {  	p0 =	sne.s32 s15, $0x0;
	[sflag:s28] =	ssyncadd.s32 s0  }
.Ltmp23:
0x12b: {  	_ =	sfence.stream.spmem;
	(pc) =	sbr.rel @p0 .LBB2_45-.Ltmp23, $4  }
0x12c: {  	s29 =	simm.s32 $0x3;
	[bflag:$0x0] =	sbarrier.arrive $0xFFFF  }
0x12d: {  	s30 =	simm.s32 $0x4;
	[sflag:s29] =	ssyncpa.u1 $0x1  }
0x12e: {  	s31 =	simm.s32 $0x3C;
	[sflag:s30] =	ssyncpa.u1 $0x1  }
0x12f: {  	s14 =	rddreg [dreg:$0x4];
	[sflag:s31] =	ssyncpa.u1 $0x1  }
0x130: {  	_ =	sfence.stream.spmem;
	s0 =	simm.s32 $0x5  }
0x131: {  	s2 =	simm.s32 $0x800;
	s3 =	simm.s32 $0xA118;
	[sflag:s0] =	ssyncpa.u1 $0x0  }
0x132: {  	[tilespmem:s3], [sflag:$0x5] =	stream.linear.gather [spmem:s2], $0x20, $0x38;
	[tilespmem:$0x1EF88] =	vst v63  }
0x133: {  	s26 =	simm.s32 $0x0;
	s28 =	simm.s32 $0xA138  }
0x134: {  	[tilespmem:s28], [sflag:$0x5] =	stream.linear.gather [spmem:s26], $0x800, $0x38;
	[tilespmem:$0x1EF88] =	vst v63  }
0x135: {  	_ =	swait.ge [sflag:s0], $0x820  }
0x136: {  	[sflag:s0] =	ssyncset.done $0x0  }
0x137: {  	s29 =	simm.s32 $0x0;
	[sflag:s0] =	ssyncadd.s32 $0xFFFFF7E0  }
0x138: {  	v0 =	vld.msk [tilespmem:s29+$0xA118], $0x1;
	_ =	sdelay $0x1  }
0x139: {  	s30 =	simm.s32 $0x1  }
0x13a: {  	v1 =	vld.msk [tilespmem:s30+$0xA118], $0x1;
	_ =	sdelay $0x1  }
0x13b: {  	(v2sf) =	vpush v0, $0x0;
	_ =	sdelay $0x2  }
0x13c: {  	(v2sf) =	vpush v1, $0x0;
	_ =	sdelay $0x2  }
0x13d: {  	s31 =	simm.s32 $0x2  }
0x13e: {  	v0 =	vld.msk [tilespmem:s31+$0xA118], $0x1;
	_ =	sdelay $0x2  }
0x13f: {  	s4 =	simm.s32 $0xFFFFFFFF;
	s2 =	simm.s32 $0xFFFFFFFF;
	s0 =	simm.s32 $0xC  }
.LBB2_30:
0x140: {  	s3 =	smov.u32 s4;
	s5 =	smov.u32 s2  }
0x141: {  	s2 =	sshra.s32 s0, $0x2;
	p1 =	sne.s32 s0, $0x7C;
	s0 =	sadd.s32 $0x4, s0;
	(v2sf) =	vpush v0, $0x0  }
0x142: {  	v0 =	vld.msk [tilespmem:s2+$0xA118], $0x1  }
.Ltmp24:
0x143: {  	(pc) =	sbr.rel @p1 .LBB2_30-.Ltmp24, $4  }
0x144: {  	s4 =	spop (v2sf)  }
0x145: {  	p2 =	sne.s32 s5, $0xFFFFFFFF;
	s2 =	smov.u32 s4  }
0x146: {  	p3 =	seq.s32 s4, $0xFFFFFFFF;
	s2 =	smov.u32 @p2 s5  }
0x147: {  	s4 =	smov.u32 @p3 s3;
	s2 =	smov.u32 @p3 s5  }
0x148: {  	(v2sf) =	vpush v0, $0x0;
	_ =	sdelay $0x8  }
0x149: {  	s0 =	spop (v2sf)  }
0x14a: {  	p1 =	sne.s32 s2, $0xFFFFFFFF;
	s3 =	smov.u32 s0  }
0x14b: {  	s9 =	simm.s32 $0x6;
	p2 =	seq.s32 s0, $0xFFFFFFFF;
	s3 =	smov.u32 @p1 s2  }
0x14c: {  	s6 =	simm.s32 $0x0;
	s3 =	smov.u32 @p2 s2;
	s2 =	spop (v2sf)  }
0x14d: {  	s0 =	smov.u32 @p2 s4;
	p1 =	sne.s32 s3, $0xFFFFFFFF;
	s5 =	smov.u32 s2  }
.Ltmp25:
0x14e: {  	p2 =	seq.s32 s2, $0xFFFFFFFF;
	s5 =	smov.u32 @p1 s3;
	(pc) =	sbr.rel .LBB2_32-.Ltmp25, $4  }
0x14f: {  	s10 =	simm.s32 $0xA0C8;
	s5 =	smov.u32 @p2 s3;
	s7 =	spop (v2sf)  }
0x150: {  	s11 =	simm.s32 $0x0;
	p1 =	sne.s32 s5, $0xFFFFFFFF;
	s8 =	smov.u32 s7  }
0x151: {  	s2 =	smov.u32 @p2 s0;
	p2 =	seq.s32 s7, $0xFFFFFFFF;
	s8 =	smov.u32 @p1 s5  }
0x152: {  	[sflag:s9] =	ssyncpa.u1 $0x0;
	s7 =	smov.u32 @p2 s2;
	s8 =	smov.u32 @p2 s5  }
.LBB2_38:
0x153: {  	p1 =	sgt.u32 s12, $0xFF8  }
0x154: {  	p2 =	seq.s32 @!p1 s12, s8  }
0x155: {  	p1 =	por p1, p2  }
0x156: {  	p2 =	sne.s32 @!p1 s12, s7  }
0x157: {  	p1 =	por p1, !p2  }
0x158: {  	s0 =	sshll.u32 @p1 s11, $0x8  }
0x159: {  	s0 =	sand.u32 @!p1 $0xFF8, s12  }
0x15a: {  	s2 =	sand.u32 @!p1 $0x7, s12;
	s0 =	sadd.s32 @!p1 s1, s0  }
0x15b: {  	[tilespmem:s10], [sflag:$0x6] =	stream.linear.gather @!p1 [hbm4b:s0+s2], $0x40, $0x38;
	[tilespmem:$0x1EF88] =	vst v63  }
0x15c: {  	_ =	swait.ge @!p1 [sflag:s9], $0x40  }
0x15d: {  	[sflag:s9] =	ssyncset.done @!p1 $0x0  }
0x15e: {  	[sflag:s9] =	ssyncadd.s32 @!p1 $0xFFFFFFC0  }
0x15f: {  	v1 =	vld @!p1 [tilespmem:$0xA0C8];
	_ =	sdelay $0x2  }
0x160: {  	s0 =	sshll.u32 @!p1 s11, $0x8  }
0x161: {  	s2 =	sshrl.u32 @!p1 s0, $0x2  }
0x162: {  	[tilespmem:s2+$0xA138] =	vst.add.f32.msk @!p1 $0xffff, v1  }
0x163: {  	v1 =	vld @!p1 [tilespmem:$0xA0D8];
	_ =	sdelay $0x4  }
0x164: {  	[tilespmem:s2+$0xA148] =	vst.add.f32.msk @!p1 $0xffff, v1  }
0x165: {  	v1 =	vld @!p1 [tilespmem:$0xA0E8];
	_ =	sdelay $0x4  }
0x166: {  	[tilespmem:s2+$0xA158] =	vst.add.f32.msk @!p1 $0xffff, v1  }
0x167: {  	v1 =	vld @!p1 [tilespmem:$0xA0F8];
	_ =	sdelay $0x4  }
0x168: {  	[tilespmem:s2+$0xA168] =	vst.add.f32.msk @!p1 $0xffff, v1  }
0x169: {  	s0 =	sshrl.u32 s0, $0x2;
	[tilespmem:s6+$0xA118] =	vst.msk $0x1, v0  }
0x16a: {  	v0 =	vld [tilespmem:s0+$0xA138];
	_ =	sdelay $0x2  }
0x16b: {  	s31 =	sshll.u32 s6, $0x8  }
0x16c: {  	s2 =	sshra.s32 s31, $0x2  }
0x16d: {  	[tilespmem:s2+$0xA138] =	vst v0  }
0x16e: {  	v0 =	vld [tilespmem:s0+$0xA148];
	_ =	sdelay $0x4  }
0x16f: {  	[tilespmem:s2+$0xA148] =	vst v0  }
0x170: {  	v0 =	vld [tilespmem:s0+$0xA158];
	_ =	sdelay $0x4  }
0x171: {  	[tilespmem:s2+$0xA158] =	vst v0  }
0x172: {  	v0 =	vld [tilespmem:s0+$0xA168];
	_ =	sdelay $0x4  }
0x173: {  	s6 =	sadd.s32 $0x1, s6;
	[tilespmem:s2+$0xA168] =	vst v0  }
.LBB2_39:
0x174: {  	s11 =	sadd.s32 $0x1, s11  }
0x175: {  	p1 =	sne.s32 s11, $0x20  }
.Ltmp26:
0x176: {  	_ = 	snop;
	(pc) =	sbr.rel @!p1 .LBB2_40-.Ltmp26, $1  }
0x177: {  	_ =	sdelay $0x3  }
.LBB2_32:
0x178: {  	v0 =	vld.msk [tilespmem:s11+$0xA118], $0x1;
	_ =	sdelay $0x4  }
0x179: {  	(v2sf) =	vpush v0, $0x0;
	_ =	sdelay $0xe  }
0x17a: {  	s12 =	spop (v2sf)  }
0x17b: {  	p1 =	seq.s32 s12, $0xFFFFFFFF  }
.Ltmp27:
0x17c: {  	_ = 	snop;
	(pc) =	sbr.rel @p1 .LBB2_39-.Ltmp27, $1  }
0x17d: {  	_ =	sdelay $0x3  }
0x17e: {  	p1 =	slt.s32 s6, $0x1  }
.Ltmp28:
0x17f: {  	_ = 	snop;
	(pc) =	sbr.rel @p1 .LBB2_38-.Ltmp28, $1  }
0x180: {  	_ =	sdelay $0x3  }
0x181: {  	s0 =	simm.s32 $0xA118;
	p1 =	por $0x0, $0x0  }
0x182: {  	v1 =	vld.msk @!p1 [tilespmem:s0+$0x0], $0x1;
	_ =	sdelay $0x4  }
0x183: {  	(v2sf) =	vpush @!p1 v1, $0x0;
	_ =	sdelay $0xd  }
0x184: {  	p3 =	sne.s32 s6, $0x1  }
.Ltmp29:
0x185: {  	s2 =	spop @!p1 (v2sf);
	(pc) =	sbr.rel @!p3 .LBB2_36-.Ltmp29, $4  }
0x186: {  	p2 =	seq.s32 @!p1 s12, s2  }
0x187: {  	s13 =	simm.s32 $0x0;
	p2 =	por !p2, p1  }
0x188: {  	s2 =	simm.s32 $0xFFFFFFFF;
	s13 =	simm.s32 @p2 $0xFFFFFFFF  }
0x189: {  	s4 =	simm.s32 $0x1;
	s13 =	smov.u32 @p1 s2  }
.LBB2_35:
0x18a: {  	s2 =	smov.u32 s13;
	p1 =	sne.s32 s13, $0xFFFFFFFF  }
0x18b: {  	s0 =	sadd.s32 $0x1, s0;
	s13 =	smov.u32 s4;
	s4 =	sadd.s32 $0x1, s4  }
0x18c: {  	p2 =	sne.s32 s6, s4;
	v1 =	vld.msk @!p1 [tilespmem:s0+$0x0], $0x1;
	_ =	sdelay $0x4  }
0x18d: {  	(v2sf) =	vpush @!p1 v1, $0x0;
	_ =	sdelay $0xe  }
.Ltmp30:
0x18e: {  	s3 =	spop @!p1 (v2sf);
	(pc) =	sbr.rel @p2 .LBB2_35-.Ltmp30, $4  }
0x18f: {  	p3 =	seq.s32 @!p1 s12, s3  }
0x190: {  	p3 =	por !p3, p1  }
0x191: {  	s13 =	simm.s32 @p3 $0xFFFFFFFF  }
0x192: {  	s13 =	smov.u32 @p1 s2  }
.LBB2_36:
0x193: {  	p1 =	seq.s32 s13, $0xFFFFFFFF  }
.Ltmp31:
0x194: {  	_ = 	snop;
	(pc) =	sbr.rel @p1 .LBB2_38-.Ltmp31, $1  }
0x195: {  	_ =	sdelay $0x3  }
0x196: {  	s0 =	sshll.u32 s11, $0x6  }
0x197: {  	s0 =	sand.u32 $0x3FFFFFC0, s0  }
0x198: {  	v0 =	vld [tilespmem:s0+$0xA138];
	_ =	sdelay $0x2  }
0x199: {  	s2 =	sshll.u32 s13, $0x8  }
0x19a: {  	s2 =	sshra.s32 s2, $0x2  }
0x19b: {  	[tilespmem:s2+$0xA138] =	vst.add.f32.msk $0xffff, v0  }
0x19c: {  	v0 =	vld [tilespmem:s0+$0xA148];
	_ =	sdelay $0x4  }
0x19d: {  	[tilespmem:s2+$0xA148] =	vst.add.f32.msk $0xffff, v0  }
0x19e: {  	v0 =	vld [tilespmem:s0+$0xA158];
	_ =	sdelay $0x4  }
0x19f: {  	[tilespmem:s2+$0xA158] =	vst.add.f32.msk $0xffff, v0  }
0x1a0: {  	v0 =	vld [tilespmem:s0+$0xA168]  }
.Ltmp32:
0x1a1: {  	_ = 	snop;
	(pc) =	sbr.rel .LBB2_39-.Ltmp32, $2  }
0x1a2: {  	_ =	sdelay $0x2  }
0x1a3: {  	[tilespmem:s2+$0xA168] =	vst.add.f32.msk $0xffff, v0  }
.LBB2_40:
0x1a4: {  	s0 =	simm.s32 $0x6;
	p1 =	seq.s32 s6, $0x0  }
0x1a5: {  	[sflag:s0] =	ssyncpa.u1 $0x1;
	v0 =	vimm.s32 @p1 $0xFFFFFFFF  }
0x1a6: {  	s0 =	sadd.s32 $0xFFFFFFFF, s6;
	[tilespmem:$0xA938] =	vst @p1 v0  }
0x1a7: {  	v0 =	vld.msk @!p1 [tilespmem:s0+$0xA118], $0x1;
	_ =	sdelay $0x1  }
0x1a8: {  	v1 =	vld.msk @!p1 [tilespmem:$0xA118], $0x1;
	_ =	sdelay $0x2  }
0x1a9: {  	p2 =	seq.s32 @!p1 s0, $0x0;
	v0 =	vbroadcast @!p1 v0, $0x0  }
0x1aa: {  	vm0 =	vmmov @!p1 $0x1;
	p2 =	por !p2, p1  }
0x1ab: {  	v1 =	vnsel @!p1 vm0, $0xFFFFFFFF, v1;
	vm0 =	vcmask @!p1 $0x308;
	v0 =	vpsel !p2, $0xFFFFFFFF, v0  }
0x1ac: {  	p2 =	sne.s32 @!p1 s8, s7;
	v0 =	vsel @!p1 vm0, v1, v0  }
0x1ad: {  	s2 =	simm.s32 @!p1 $0xA138;
	s3 =	simm.s32 @!p1 $0x0;
	p3 =	por !p2, p1;
	[tilespmem:$0xA938] =	vst @!p1 v0  }
0x1ae: {  	[spmem:s3] =	stream.linear.scatter @!p1 [tilespmem:s2], [sflag:$0x1], $0x40, $0x38;
	[tilespmem:$0x1EF88] =	vst v63  }
0x1af: {  	s2 =	sshll.u32 @!p3 s0, $0x8  }
0x1b0: {  	s2 =	sshra.s32 @!p3 s2, $0x2  }
0x1b1: {  	s3 =	simm.s32 @!p3 $0x40;
	s2 =	sadd.s32 @!p3 $0xA138, s2  }
0x1b2: {  	[spmem:s3] =	stream.linear.scatter @!p3 [tilespmem:s2], [sflag:$0x1], $0x40, $0x38;
	[tilespmem:$0x1EF88] =	vst v63  }
0x1b3: {  	s2 =	simm.s32 @!p3 $0x1  }
0x1b4: {  	_ =	swait.ge @!p3 [sflag:s2], $0x80  }
0x1b5: {  	p1 =	por p2, p1;
	[sflag:s2] =	ssyncset.done @!p3 $0x0  }
0x1b6: {  	[sflag:s2] =	ssyncadd.s32 @!p3 $0xFFFFFF80;
	s2 =	simm.s32 @!p1 $0x1  }
0x1b7: {  	_ =	swait.ge @!p1 [sflag:s2], $0x40  }
0x1b8: {  	s29 =	simm.s32 $0xA938;
	[sflag:s2] =	ssyncset.done @!p1 $0x0  }
0x1b9: {  	s30 =	simm.s32 $0x800;
	s31 =	simm.s32 $0x1;
	[sflag:s2] =	ssyncadd.s32 @!p1 $0xFFFFFFC0  }
0x1ba: {  	[spmem:s30] =	stream.linear.scatter [tilespmem:s29], [sflag:$0x1], $0x10, $0x38;
	[tilespmem:$0x1EF88] =	vst v63  }
0x1bb: {  	_ =	swait.ge [sflag:s31], $0x10  }
0x1bc: {  	[sflag:s31] =	ssyncset.done $0x0  }
0x1bd: {  	p1 =	seq.s32 s14, $0x0;
	s9 =	rddreg [dreg:$0x1];
	[sflag:s31] =	ssyncadd.s32 $0xFFFFFFF0  }
0x1be: {  	s3 =	sshll.u32 @p1 s9, $0xE;
	s8 =	rddreg [dreg:$0x2]  }
0x1bf: {  	s2 =	sadd.s32 @p1 $0x15C3C, s3;
	s3 =	sshll.u32 @p1 s8, $0x11  }
0x1c0: {  	_ =	sfence.stream.spmem;
	s2 =	sor.u32 @p1 s3, s2  }
0x1c1: {  	[sflag:s2] =	ssyncadd.remote.s32 @p1 $0x1;
	s2 =	simm.s32 @p1 $0x4  }
0x1c2: {  	s4 =	simm.s32 @!p1 $0x3C;
	s3 =	sand.u32 $0xFFFFFFFE, s9;
	_ =	swait.ge @p1 [sflag:s2], $0x12  }
0x1c3: {  	s5 =	simm.s32 @!p1 $0x0;
	s3 =	sadd.s32 @!p1 $0x4, s3;
	[sflag:s2] =	ssyncset.done @p1 $0x0  }
0x1c4: {  	s7 =	simm.s32 @!p1 $0x80;
	[sflag:s2] =	ssyncadd.s32 @p1 $0xFFFFFFEE;
	s2 =	sshll.u32 @!p1 s3, $0x1A  }
0x1c5: {  	s3 =	sshll.u32 @!p1 s3, $0xD;
	s2 =	sor.u32 @!p1 s2, s8;
	_ =	swait.eq @!p1 [sflag:s4], $0x1  }
0x1c6: {  	s3 =	sor.u32 @!p1 $0x1C04, s3;
	s4 =	simm.s32 @!p1 $0x1C03;
	s2 =	sor.u32 @!p1 $0x80004000, s2  }
0x1c7: {  	[spmem:s7], [sflag:s3] =	dma.general @!p1 [spmem:s5], [sflag:s4], length:$0x10, [dreg:$0x0], stride_count:$0x0, ici_dest:s2, dma_misc:DstOpCode:WRITE  }
0x1c8: {  	p2 =	slt.s32 s0, $0x2;
	s5 =	simm.s32 @!p1 $0x100;
	s7 =	simm.s32 @!p1 $0x102  }
0x1c9: {  	[spmem:s7], [sflag:s3] =	dma.general @!p1 [spmem:s5], [sflag:s4], length:$0x2, [dreg:$0x0], stride_count:$0x0, ici_dest:s2, dma_misc:DstOpCode:WRITE  }
.Ltmp33:
0x1ca: {  	s2 =	simm.s32 @!p1 $0x3;
	(pc) =	sbr.rel @p2 .LBB2_44-.Ltmp33, $4  }
0x1cb: {  	s3 =	sshll.u32 @!p1 s9, $0xE;
	_ =	swait.ge @!p1 [sflag:s2], $0x12  }
0x1cc: {  	s4 =	sshll.u32 @!p1 s8, $0x11;
	s3 =	sadd.s32 @!p1 $0x11C3C, s3;
	[sflag:s2] =	ssyncset.done @!p1 $0x0  }
0x1cd: {  	[sflag:s2] =	ssyncadd.s32 @!p1 $0xFFFFFFEE;
	s2 =	sor.u32 @!p1 s4, s3  }
0x1ce: {  	s0 =	simm.s32 $0x0;
	[sflag:s2] =	ssyncadd.remote.s32 @!p1 $0xFFFFFFFF  }
0x1cf: {  	s0 =	simm.s32 $0xA119  }
0x1d0: {  	v0 =	vld.msk [tilespmem:s0+$0x0], $0x1;
	_ =	sdelay $0x4  }
0x1d1: {  	(v2sf) =	vpush v0, $0x0;
	_ =	sdelay $0xd  }
0x1d2: {  	s3 =	sadd.s32 $0xFFFFFFFE, s6  }
0x1d3: {  	s4 =	sadd.s32 $0xFFFFFFFF, s3;
	s2 =	spop (v2sf)  }
0x1d4: {  	p2 =	sne.s32 s4, $0x0;
	p1 =	sgt.u32 s2, $0xFF8  }
.Ltmp34:
0x1d5: {  	s5 =	sand.u32 @!p1 $0xFF8, s2;
	(pc) =	sbr.rel @!p2 .LBB2_43-.Ltmp34, $4  }
0x1d6: {  	s0 =	simm.s32 $0xA178;
	s2 =	sand.u32 @!p1 $0x7, s2;
	s3 =	sadd.s32 @!p1 s1, s5  }
0x1d7: {  	[hbm4b:s3+s2] =	stream.linear.scatter @!p1 [tilespmem:s0], [sflag:$0x5], $0x40, $0x38;
	[tilespmem:$0x1EF88] =	vst v63  }
0x1d8: {  	s2 =	simm.s32 $0x0  }
0x1d9: {  	s6 =	simm.s32 $0xA11A;
	s5 =	simm.s32 $0x0;
	s2 =	simm.s32 @!p1 $0x100  }
.LBB2_42:
0x1da: {  	v0 =	vld.msk [tilespmem:s6+$0x0], $0x1;
	s4 =	sadd.s32 $0xFFFFFFFF, s4;
	s5 =	sadd.s32 s5, s2  }
0x1db: {  	p1 =	sne.s32 s4, $0x0;
	_ =	sdelay $0x3  }
0x1dc: {  	(v2sf) =	vpush v0, $0x0;
	_ =	sdelay $0xe  }
.Ltmp35:
0x1dd: {  	s3 =	spop (v2sf);
	(pc) =	sbr.rel @p1 .LBB2_42-.Ltmp35, $4  }
0x1de: {  	s2 =	simm.s32 $0x0;
	p2 =	sgt.u32 s3, $0xFF8  }
0x1df: {  	s0 =	sadd.s32 $0x40, s0;
	s2 =	simm.s32 @!p2 $0x100;
	s7 =	sand.u32 @!p2 $0xFF8, s3  }
0x1e0: {  	s6 =	sadd.s32 $0x1, s6;
	s3 =	sand.u32 @!p2 $0x7, s3;
	s7 =	sadd.s32 @!p2 s1, s7  }
0x1e1: {  	[hbm4b:s7+s3] =	stream.linear.scatter @!p2 [tilespmem:s0], [sflag:$0x5], $0x40, $0x38;
	[tilespmem:$0x1EF88] =	vst v63  }
.LBB2_43:
0x1e2: {  	s0 =	sadd.s32 s5, s2  }
0x1e3: {  	s0 =	sshrl.u32 s0, $0x2  }
.LBB2_44:
0x1e4: {  	s2 =	simm.s32 $0x5  }
0x1e5: {  	_ =	swait.ge [sflag:s2], s0  }
0x1e6: {  	s31 =	ssub.s32 $0x0, s0;
	[sflag:s2] =	ssyncset.done $0x0  }
0x1e7: {  	[sflag:s2] =	ssyncadd.s32 s31  }
0x1e8: {  	[sflag:s2] =	ssyncpa.u1 $0x1  }
.LBB2_45:
0x1e9: {  	s0 =	sor.u32 s14, s15  }
0x1ea: {  	p1 =	sne.s32 s0, $0x0  }
.Ltmp36:
0x1eb: {  	_ = 	snop;
	(pc) =	sbr.rel @p1 .LBB2_60-.Ltmp36, $3  }
0x1ec: {  	_ =	sdelay $0x1  }
0x1ed: {  	[bflag:$0x0] =	sbarrier.arrive $0xFFFF  }
0x1ee: {  	_ =	sfence  }
0x1ef: {  	s0 =	simm.s32 $0x7  }
0x1f0: {  	s2 =	simm.s32 $0x800;
	s3 =	simm.s32 $0xA118;
	[sflag:s0] =	ssyncpa.u1 $0x0  }
0x1f1: {  	[tilespmem:s3], [sflag:$0x7] =	stream.linear.gather [spmem:s2], $0x20, $0x38;
	[tilespmem:$0x1EF88] =	vst v63  }
0x1f2: {  	s30 =	simm.s32 $0xA138;
	s2 =	simm.s32 $0x0  }
0x1f3: {  	[tilespmem:s30], [sflag:$0x7] =	stream.linear.gather [spmem:s2], $0x800, $0x38;
	[tilespmem:$0x1EF88] =	vst v63  }
.Ltmp37:
0x1f4: {  	_ = 	snop;
	(pc) =	sbr.rel .LBB2_47-.Ltmp37, $4  }
0x1f5: {  	_ =	swait.ge [sflag:s0], $0x820  }
0x1f6: {  	[sflag:s0] =	ssyncset.done $0x0  }
0x1f7: {  	s31 =	simm.s32 $0x8;
	[sflag:s0] =	ssyncadd.s32 $0xFFFFF7E0  }
0x1f8: {  	s3 =	simm.s32 $0x0;
	[sflag:s31] =	ssyncpa.u1 $0x0  }
.LBB2_53:
0x1f9: {  	p1 =	slt.u32 s0, $0xFF9  }
0x1fa: {  	s4 =	sand.u32 @p1 $0xFF8, s0  }
0x1fb: {  	s0 =	sand.u32 @p1 $0x7, s0;
	s5 =	simm.s32 @p1 $0xA0C8;
	s4 =	sadd.s32 @p1 s1, s4  }
0x1fc: {  	[tilespmem:s5], [sflag:$0x8] =	stream.linear.gather @p1 [hbm4b:s4+s0], $0x40, $0x38;
	[tilespmem:$0x1EF88] =	vst v63  }
0x1fd: {  	s0 =	simm.s32 @p1 $0x8  }
0x1fe: {  	_ =	swait.ge @p1 [sflag:s0], $0x40  }
0x1ff: {  	[sflag:s0] =	ssyncset.done @p1 $0x0  }
0x200: {  	[sflag:s0] =	ssyncadd.s32 @p1 $0xFFFFFFC0  }
0x201: {  	v1 =	vld @p1 [tilespmem:$0xA0C8];
	_ =	sdelay $0x2  }
0x202: {  	s0 =	sshll.u32 @p1 s3, $0x8  }
0x203: {  	s4 =	sshrl.u32 @p1 s0, $0x2  }
0x204: {  	[tilespmem:s4+$0xA138] =	vst.add.f32.msk @p1 $0xffff, v1  }
0x205: {  	v1 =	vld @p1 [tilespmem:$0xA0D8];
	_ =	sdelay $0x4  }
0x206: {  	[tilespmem:s4+$0xA148] =	vst.add.f32.msk @p1 $0xffff, v1  }
0x207: {  	v1 =	vld @p1 [tilespmem:$0xA0E8];
	_ =	sdelay $0x4  }
0x208: {  	[tilespmem:s4+$0xA158] =	vst.add.f32.msk @p1 $0xffff, v1  }
0x209: {  	v1 =	vld @p1 [tilespmem:$0xA0F8];
	_ =	sdelay $0x3  }
0x20a: {  	s5 =	sshll.u32 @!p1 s3, $0x8  }
0x20b: {  	s5 =	smov.u32 @p1 s0;
	[tilespmem:s4+$0xA168] =	vst.add.f32.msk @p1 $0xffff, v1  }
0x20c: {  	s0 =	sshrl.u32 s5, $0x2;
	[tilespmem:s2+$0xA118] =	vst.msk $0x1, v0  }
0x20d: {  	v0 =	vld [tilespmem:s0+$0xA138];
	_ =	sdelay $0x2  }
0x20e: {  	s31 =	sshll.u32 s2, $0x8  }
0x20f: {  	s4 =	sshra.s32 s31, $0x2  }
0x210: {  	[tilespmem:s4+$0xA138] =	vst v0  }
0x211: {  	v0 =	vld [tilespmem:s0+$0xA148];
	_ =	sdelay $0x4  }
0x212: {  	[tilespmem:s4+$0xA148] =	vst v0  }
0x213: {  	v0 =	vld [tilespmem:s0+$0xA158];
	_ =	sdelay $0x4  }
0x214: {  	[tilespmem:s4+$0xA158] =	vst v0  }
0x215: {  	v0 =	vld [tilespmem:s0+$0xA168];
	_ =	sdelay $0x4  }
0x216: {  	s2 =	sadd.s32 $0x1, s2;
	[tilespmem:s4+$0xA168] =	vst v0  }
.LBB2_54:
0x217: {  	s3 =	sadd.s32 $0x1, s3  }
0x218: {  	p1 =	sne.s32 s3, $0x20  }
.Ltmp38:
0x219: {  	_ = 	snop;
	(pc) =	sbr.rel @!p1 .LBB2_55-.Ltmp38, $1  }
0x21a: {  	_ =	sdelay $0x3  }
.LBB2_47:
0x21b: {  	v0 =	vld.msk [tilespmem:s3+$0xA118], $0x1;
	_ =	sdelay $0x4  }
0x21c: {  	(v2sf) =	vpush v0, $0x0;
	_ =	sdelay $0xe  }
0x21d: {  	s0 =	spop (v2sf)  }
0x21e: {  	p1 =	seq.s32 s0, $0xFFFFFFFF  }
.Ltmp39:
0x21f: {  	_ = 	snop;
	(pc) =	sbr.rel @p1 .LBB2_54-.Ltmp39, $1  }
0x220: {  	_ =	sdelay $0x3  }
0x221: {  	p1 =	slt.s32 s2, $0x1  }
.Ltmp40:
0x222: {  	_ = 	snop;
	(pc) =	sbr.rel @p1 .LBB2_53-.Ltmp40, $1  }
0x223: {  	_ =	sdelay $0x3  }
0x224: {  	s4 =	simm.s32 $0xA118;
	p1 =	por $0x0, $0x0  }
0x225: {  	v1 =	vld.msk @!p1 [tilespmem:s4+$0x0], $0x1;
	_ =	sdelay $0x4  }
0x226: {  	(v2sf) =	vpush @!p1 v1, $0x0;
	_ =	sdelay $0xd  }
0x227: {  	p3 =	sne.s32 s2, $0x1  }
.Ltmp41:
0x228: {  	s5 =	spop @!p1 (v2sf);
	(pc) =	sbr.rel @!p3 .LBB2_51-.Ltmp41, $4  }
0x229: {  	p2 =	seq.s32 @!p1 s0, s5  }
0x22a: {  	s5 =	simm.s32 $0x0;
	p2 =	por !p2, p1  }
0x22b: {  	s7 =	simm.s32 $0xFFFFFFFF;
	s5 =	simm.s32 @p2 $0xFFFFFFFF  }
0x22c: {  	s6 =	simm.s32 $0x1;
	s5 =	smov.u32 @p1 s7  }
.LBB2_50:
0x22d: {  	s7 =	smov.u32 s5;
	p1 =	sne.s32 s5, $0xFFFFFFFF  }
0x22e: {  	s4 =	sadd.s32 $0x1, s4;
	s5 =	smov.u32 s6;
	s6 =	sadd.s32 $0x1, s6  }
0x22f: {  	p2 =	sne.s32 s2, s6;
	v1 =	vld.msk @!p1 [tilespmem:s4+$0x0], $0x1;
	_ =	sdelay $0x4  }
0x230: {  	(v2sf) =	vpush @!p1 v1, $0x0;
	_ =	sdelay $0xe  }
.Ltmp42:
0x231: {  	s8 =	spop @!p1 (v2sf);
	(pc) =	sbr.rel @p2 .LBB2_50-.Ltmp42, $4  }
0x232: {  	p3 =	seq.s32 @!p1 s0, s8  }
0x233: {  	p3 =	por !p3, p1  }
0x234: {  	s5 =	simm.s32 @p3 $0xFFFFFFFF  }
0x235: {  	s5 =	smov.u32 @p1 s7  }
.LBB2_51:
0x236: {  	p1 =	seq.s32 s5, $0xFFFFFFFF  }
.Ltmp43:
0x237: {  	_ = 	snop;
	(pc) =	sbr.rel @p1 .LBB2_53-.Ltmp43, $1  }
0x238: {  	_ =	sdelay $0x3  }
0x239: {  	s0 =	sshll.u32 s3, $0x6  }
0x23a: {  	s0 =	sand.u32 $0x3FFFFFC0, s0  }
0x23b: {  	v0 =	vld [tilespmem:s0+$0xA138];
	_ =	sdelay $0x2  }
0x23c: {  	s4 =	sshll.u32 s5, $0x8  }
0x23d: {  	s4 =	sshra.s32 s4, $0x2  }
0x23e: {  	[tilespmem:s4+$0xA138] =	vst.add.f32.msk $0xffff, v0  }
0x23f: {  	v0 =	vld [tilespmem:s0+$0xA148];
	_ =	sdelay $0x4  }
0x240: {  	[tilespmem:s4+$0xA148] =	vst.add.f32.msk $0xffff, v0  }
0x241: {  	v0 =	vld [tilespmem:s0+$0xA158];
	_ =	sdelay $0x4  }
0x242: {  	[tilespmem:s4+$0xA158] =	vst.add.f32.msk $0xffff, v0  }
0x243: {  	v0 =	vld [tilespmem:s0+$0xA168]  }
.Ltmp44:
0x244: {  	_ = 	snop;
	(pc) =	sbr.rel .LBB2_54-.Ltmp44, $2  }
0x245: {  	_ =	sdelay $0x2  }
0x246: {  	[tilespmem:s4+$0xA168] =	vst.add.f32.msk $0xffff, v0  }
.LBB2_55:
0x247: {  	p1 =	slt.s32 s2, $0x1  }
.Ltmp45:
0x248: {  	_ = 	snop;
	(pc) =	sbr.rel @p1 .LBB2_59-.Ltmp45, $3  }
0x249: {  	_ =	sdelay $0x1  }
0x24a: {  	s0 =	simm.s32 $0x8  }
0x24b: {  	[sflag:s0] =	ssyncpa.u1 $0x1;
	s0 =	simm.s32 $0x0  }
0x24c: {  	s3 =	simm.s32 $0xA118  }
0x24d: {  	v0 =	vld.msk [tilespmem:s3+$0x0], $0x1;
	_ =	sdelay $0x4  }
0x24e: {  	(v2sf) =	vpush v0, $0x0;
	_ =	sdelay $0xe  }
0x24f: {  	s2 =	sadd.s32 $0xFFFFFFFF, s2;
	s4 =	spop (v2sf)  }
0x250: {  	p2 =	sne.s32 s2, $0x0;
	p1 =	sgt.u32 s4, $0xFF8  }
.Ltmp46:
0x251: {  	s5 =	sand.u32 @!p1 $0xFF8, s4;
	(pc) =	sbr.rel @!p2 .LBB2_58-.Ltmp46, $4  }
0x252: {  	s3 =	simm.s32 $0xA138;
	s4 =	sand.u32 @!p1 $0x7, s4;
	s5 =	sadd.s32 @!p1 s1, s5  }
0x253: {  	[hbm4b:s5+s4] =	stream.linear.scatter @!p1 [tilespmem:s3], [sflag:$0x7], $0x40, $0x38;
	[tilespmem:$0x1EF88] =	vst v63  }
0x254: {  	s5 =	simm.s32 $0x0  }
0x255: {  	s4 =	simm.s32 $0xA119;
	s5 =	simm.s32 @!p1 $0x100  }
.LBB2_57:
0x256: {  	v0 =	vld.msk [tilespmem:s4+$0x0], $0x1;
	s2 =	sadd.s32 $0xFFFFFFFF, s2;
	s0 =	sadd.s32 s0, s5  }
0x257: {  	p1 =	sne.s32 s2, $0x0;
	_ =	sdelay $0x3  }
0x258: {  	(v2sf) =	vpush v0, $0x0;
	_ =	sdelay $0xe  }
.Ltmp47:
0x259: {  	s6 =	spop (v2sf);
	(pc) =	sbr.rel @p1 .LBB2_57-.Ltmp47, $4  }
0x25a: {  	s5 =	simm.s32 $0x0;
	p2 =	sgt.u32 s6, $0xFF8  }
0x25b: {  	s3 =	sadd.s32 $0x40, s3;
	s5 =	simm.s32 @!p2 $0x100;
	s7 =	sand.u32 @!p2 $0xFF8, s6  }
0x25c: {  	s4 =	sadd.s32 $0x1, s4;
	s6 =	sand.u32 @!p2 $0x7, s6;
	s7 =	sadd.s32 @!p2 s1, s7  }
0x25d: {  	[hbm4b:s7+s6] =	stream.linear.scatter @!p2 [tilespmem:s3], [sflag:$0x7], $0x40, $0x38;
	[tilespmem:$0x1EF88] =	vst v63  }
.LBB2_58:
0x25e: {  	s0 =	sadd.s32 s0, s5  }
0x25f: {  	s0 =	sshrl.u32 s0, $0x2  }
.LBB2_59:
0x260: {  	s1 =	simm.s32 $0x7  }
0x261: {  	_ =	swait.ge [sflag:s1], s0  }
0x262: {  	s31 =	ssub.s32 $0x0, s0;
	[sflag:s1] =	ssyncset.done $0x0  }
0x263: {  	[sflag:s1] =	ssyncadd.s32 s31  }
0x264: {  	[sflag:s1] =	ssyncpa.u1 $0x1  }
.LBB2_60:
0x265: {  	_ =	sfence;
	s0 =	simm.s32 $0x1  }
0x266: {  	[sflag:s0] =	ssyncpa.u1 $0x1  }
0x267: {  	_ =	strace $0x9000005F  }
0x268: {  	[bflag:$0x2] =	sbarrier.arrive $0xFFFF  }
0x269: {  	s0 =	rddreg [dreg:$0x3]  }
0x26a: {  	s0 =	sadd.s32 @!p0 $0x100000, s0  }
0x26b: {  	[sflag:s0] =	ssyncadd.tile.s32 @!p0 $0x1;
	_ =	shalt  }
.Lfunc_end2:
_tile_overlayer_lowered:
.L_overlay_start_2:
0x26c: {  	(tag) =	ssettag $0x2  }
0x26d: {  	s0 =	rddreg [dreg:$0x0];
	s2 =	stileid.u32  }
0x26e: {  	s1 =	rddreg [dreg:$0x1];
	p0 =	sne.s32 s2, $0x0  }
0x26f: {  	s3 =	rddreg [dreg:$0x2];
	[bflag:$0x3] =	sbarrier.arrive $0xFFFF;
	s2 =	simm.s32 @!p0 $0x1C01  }
0x270: {  	[timem:s3], [sflag:s2] =	dma.local @!p0 [hbm:s0], s1  }
0x271: {  	s0 =	simm.s32 @!p0 $0x1  }
0x272: {  	_ =	swait.ge @!p0 [sflag:s0], s1  }
0x273: {  	s1 =	ssub.s32 @!p0 $0x0, s1;
	[sflag:s0] =	ssyncset.done @!p0 $0x0  }
0x274: {  	[sflag:s0] =	ssyncadd.s32 @!p0 s1  }
0x275: {  	[bflag:$0x3] =	sbarrier.arrive $0xFFFF  }
0x276: {  	_ =	shalt  }

// kernel: scatter_offload_async_start
scs
__scs_entry_jumppad:
0x0: {  	(pc) =	sbr.rel $0x88, $3  }
0x1: {  	(tag) =	ssettag $0x0;
	lr =	simm.s32 $0x1  }
0x2: {  	[smem:$0x3F95] =	sst lr;
	_ =	strace $0xD0000000  }
0x3: {  	_ = 	snop  }
0x4: {  	_ = 	snop  }
0x5: {  	_ = 	snop  }
0x6: {  	_ = 	snop  }
0x7: {  	_ = 	snop  }
__scs_overlays_trampoline_lowered:
0x8: {  	[smem:$0x3FA4] =	sst s0  }
0x9: {  	[smem:$0x3FA5] =	sst s1  }
0xa: {  	[smem:$0x3FA6] =	sst s2  }
0xb: {  	[smem:$0x3FA7] =	sst s3  }
0xc: {  	[smem:$0x3FA8] =	sst s4  }
0xd: {  	[smem:$0x3FA9] =	sst s5  }
0xe: {  	[smem:$0x3FAA] =	sst s6  }
0xf: {  	[smem:$0x3FAB] =	sst s7  }
0x10: {  	[smem:$0x3FAC] =	sst s8  }
0x11: {  	[smem:$0x3FAD] =	sst s9;
	s0 =	simm.s32 @!p0 $0x0  }
0x12: {  	s1 =	sld [smem:$0x3F93];
	s0 =	simm.s32 @p0 $0x1  }
0x13: {  	[smem:$0x3FAE] =	sst s0;
	s0 =	simm.s32 @!p1 $0x0  }
0x14: {  	s2 =	sld [smem:$0x3F92];
	s0 =	simm.s32 @p1 $0x1  }
0x15: {  	[smem:$0x3FAF] =	sst s0;
	s0 =	simm.s32 @!p2 $0x0  }
0x16: {  	s3 =	sld [smem:$0x3FDB];
	s0 =	simm.s32 @p2 $0x1  }
0x17: {  	s4 =	simm.s32 $0x1BF5;
	[smem:$0x3FB1] =	sst s0  }
0x18: {  	s0 =	sld [smem:$0x3F94];
	_ =	swait.ge [sflag:s4], $0x0  }
0x19: {  	s7 =	sld [smem:$0x3F95]  }
0x1a: {  	s8 =	sadd.s32 $0xFFFFE003, lr  }
0x1b: {  	s9 =	sadd.s32 $0xFFFFFEF7, lr;
	s5 =	simm.s32 $0xFFFFFFFF;
	p2 =	slt.u32 s8, $0xFFFFF086  }
0x1c: {  	p1 =	slt.u32 s9, $0xF7A;
	s5 =	simm.s32 @!p2 $0x0  }
0x1d: {  	s5 =	simm.s32 @p1 $0x1;
	p0 =	seq.s32 s7, s2  }
0x1e: {  	s7 =	smul.u32 @!p0 $0xF7A, s2;
	p2 =	seq.s32 @!p0 s5, $0x0  }
0x1f: {  	s9 =	smul.u32 $0xF7A, s1;
	s8 =	simm.s32 @!p0 $0x1BF5;
	p2 =	por !p2, p0  }
0x20: {  	[sflag:s8] =	ssyncset.s32 @!p0 $0xFFFFF086;
	s6 =	sadd.s32 @!p0 s3, s7;
	s7 =	simm.s32 @!p0 $0x108  }
0x21: {  	s3 =	sadd.s32 s3, s9;
	s6 =	sadd.s32 @!p0 $0x88, s6;
	s7 =	simm.s32 @p2 $0x1082  }
0x22: {  	[simem:s7], [sflag:s8] =	dma.local @!p0 [hbm:s6], $0xF7A  }
0x23: {  	s9 =	sor.u32 $0xD0000000, s2;
	s6 =	simm.s32 $0x108;
	_ =	swait.ge @!p0 [sflag:s8], $0x0  }
0x24: {  	s3 =	sadd.s32 $0x88, s3;
	s6 =	simm.s32 @!p1 $0x1082;
	[sflag:s4] =	ssyncset.s32 $0xFFFFF086  }
0x25: {  	[simem:s6], [sflag:s4] =	dma.local [hbm:s3], $0xF7A  }
0x26: {  	[smem:$0x3F95] =	sst s1;
	(tag) =	ssettag s2;
	_ =	strace s9  }
0x27: {  	s1 =	sld [smem:$0x3FA5]  }
0x28: {  	s2 =	sld [smem:$0x3FA6]  }
0x29: {  	s4 =	sld [smem:$0x3FA8]  }
0x2a: {  	p0 =	seq.s32 s5, $0x0;
	s5 =	sld [smem:$0x3FA9]  }
0x2b: {  	s6 =	sld [smem:$0x3FAA]  }
0x2c: {  	s7 =	sld [smem:$0x3FAB]  }
0x2d: {  	s3 =	simm.s32 $0x108;
	s8 =	sld [smem:$0x3FAC]  }
0x2e: {  	s3 =	simm.s32 @!p0 $0x1082;
	s9 =	sld [smem:$0x3FAD]  }
0x2f: {  	lr =	sadd.s32 s0, s3;
	s0 =	sld [smem:$0x3FA4]  }
0x30: {  	s3 =	sld [smem:$0x3FA7]  }
0x31: {  	[smem:$0x3FB0] =	sst s10  }
0x32: {  	s10 =	sld [smem:$0x3FAE];
	_ =	sdelay $0x3  }
0x33: {  	p0 =	seq.s32 s10, $0x1;
	s10 =	sld [smem:$0x3FB0];
	_ =	sdelay $0x3  }
0x34: {  	[smem:$0x3FB0] =	sst s10  }
0x35: {  	s10 =	sld [smem:$0x3FAF];
	_ =	sdelay $0x3  }
0x36: {  	p1 =	seq.s32 s10, $0x1;
	s10 =	sld [smem:$0x3FB0];
	_ =	sdelay $0x3  }
0x37: {  	[smem:$0x3FB0] =	sst s10  }
0x38: {  	s10 =	sld [smem:$0x3FB1]  }
0x39: {  	_ = 	snop;
	(pc) =	sbr.ind lr, $3  }
0x3a: {  	_ = 	snop  }
0x3b: {  	_ = 	snop  }
0x3c: {  	p2 =	seq.s32 s10, $0x1;
	s10 =	sld [smem:$0x3FB0]  }
0x3d: {  	_ =	shalt  }
0x3e: {  	_ =	shalt  }
0x3f: {  	_ =	shalt  }
0x40: {  	_ =	shalt  }
0x41: {  	_ =	shalt  }
0x42: {  	_ =	shalt  }
0x43: {  	_ =	shalt  }
0x44: {  	_ =	shalt  }
0x45: {  	_ =	shalt  }
0x46: {  	_ =	shalt  }
0x47: {  	_ =	shalt  }
0x48: {  	_ =	shalt  }
0x49: {  	_ =	shalt  }
0x4a: {  	_ =	shalt  }
0x4b: {  	_ =	shalt  }
0x4c: {  	_ =	shalt  }
0x4d: {  	_ =	shalt  }
0x4e: {  	_ =	shalt  }
0x4f: {  	_ =	shalt  }
0x50: {  	_ =	shalt  }
0x51: {  	_ =	shalt  }
0x52: {  	_ =	shalt  }
0x53: {  	_ =	shalt  }
0x54: {  	_ =	shalt  }
0x55: {  	_ =	shalt  }
0x56: {  	_ =	shalt  }
0x57: {  	_ =	shalt  }
0x58: {  	_ =	shalt  }
0x59: {  	_ =	shalt  }
0x5a: {  	_ =	shalt  }
0x5b: {  	_ =	shalt  }
0x5c: {  	_ =	shalt  }
0x5d: {  	_ =	shalt  }
0x5e: {  	_ =	shalt  }
0x5f: {  	_ =	shalt  }
0x60: {  	_ =	shalt  }
0x61: {  	_ =	shalt  }
0x62: {  	_ =	shalt  }
0x63: {  	_ =	shalt  }
0x64: {  	_ =	shalt  }
0x65: {  	_ =	shalt  }
0x66: {  	_ =	shalt  }
0x67: {  	_ =	shalt  }
0x68: {  	_ =	shalt  }
0x69: {  	_ =	shalt  }
0x6a: {  	_ =	shalt  }
0x6b: {  	_ =	shalt  }
0x6c: {  	_ =	shalt  }
0x6d: {  	_ =	shalt  }
0x6e: {  	_ =	shalt  }
0x6f: {  	_ =	shalt  }
0x70: {  	_ =	shalt  }
0x71: {  	_ =	shalt  }
0x72: {  	_ =	shalt  }
0x73: {  	_ =	shalt  }
0x74: {  	_ =	shalt  }
0x75: {  	_ =	shalt  }
0x76: {  	_ =	shalt  }
0x77: {  	_ =	shalt  }
0x78: {  	_ =	shalt  }
0x79: {  	_ =	shalt  }
0x7a: {  	_ =	shalt  }
0x7b: {  	_ =	shalt  }
0x7c: {  	_ =	shalt  }
0x7d: {  	_ =	shalt  }
0x7e: {  	_ =	shalt  }
0x7f: {  	_ =	shalt  }
0x80: {  	_ =	shalt  }
0x81: {  	_ =	shalt  }
0x82: {  	_ =	shalt  }
0x83: {  	_ =	shalt  }
0x84: {  	_ =	shalt  }
0x85: {  	_ =	shalt  }
0x86: {  	_ =	shalt  }
0x87: {  	_ =	shalt  }
.Lfunc_end0:
.L_simem_size_0:
called_computation_lowered:
.L_overlay_start_0:
0x88: {  	s2 =	sld [smem:$0x3FD9]  }
0x89: {  	s3 =	sld [smem:$0x3FFE];
	_ =	sdelay $0x1  }
0x8a: {  	s1 =	srdreg.scid  }
0x8b: {  	s0 =	sand.u32 $0x1, s1  }
0x8c: {  	s15 =	sshll.u32 s0, $0xA;
	s2 =	sadd.s32 s3, s2  }
0x8d: {  	s2 =	sadd.s32 s2, s15  }
0x8e: {  	[smem:$0x3FBC] =	sst s2  }
0x8f: {  	_ = 	snop  }
0x90: {  	(tm) =	ssettm $0x1  }
0x91: {  	s16 =	sld [smem:$0x3FFB];
	_ =	sdelay $0x3  }
0x92: {  	_ =	strace s16  }
0x93: {  	s2 =	sld [smem:$0x3FFC];
	_ =	sdelay $0x3  }
0x94: {  	_ =	strace s2  }
0x95: {  	s2 =	sld [smem:$0x3FFD];
	_ =	sdelay $0x3  }
0x96: {  	_ =	strace s2  }
0x97: {  	_ =	strace $0x8FFFFFFF  }
0x98: {  	s17 =	sld [smem:$0x3FDB];
	_ =	sdelay $0x1  }
0x99: {  	s18 =	simm.s32 $_scs_section_size  }
0x9a: {  	s4 =	simm.s32 $_size__tile_overlayer_lowered;
	s5 =	simm.s32 $_tile_overlayer_lowered  }
0x9b: {  	s6 =	simm.s32 $0x1BFF;
	s19 =	sshll.u32 s5, $0x1;
	s3 =	sadd.s32 s18, s17  }
0x9c: {  	s20 =	simm.s32 $0x0;
	s4 =	sshll.u32 s4, $0x1;
	s5 =	sadd.s32 s19, s3  }
0x9d: {  	[timem:s20], [sflag:s6] =	dma.local [hbm:s5], s4  }
0x9e: {  	_ =	swait.ge [sflag:s6], s4  }
0x9f: {  	s4 =	ssub.s32 $0x0, s4;
	[sflag:s6] =	ssyncset.done $0x0  }
0xa0: {  	[sflag:s6] =	ssyncadd.s32 s4;
	_ =	sdelay $0x1  }
0xa1: {  	s21 =	simm.s32 $0x1B8B  }
0xa2: {  	_ =	swait.ge [sflag:s21], $0x1  }
0xa3: {  	[sflag:s21] =	ssyncset.done $0x0  }
0xa4: {  	s22 =	sld [smem:$0x3FFE];
	[sflag:s21] =	ssyncadd.s32 $0xFFFFFFFF  }
0xa5: {  	s24 =	simm.s32 $0x1B8E;
	s23 =	sld [smem:$0x0]  }
0xa6: {  	s25 =	simm.s32 $execute0_lowered;
	[smem:$0x3FD2] =	sst s24  }
0xa7: {  	s6 =	sshll.u32 s25, $0x1;
	_ =	strace $0x80000046;
	[dreg:$0x1] =	wrdreg $0xFFFFFFFF  }
0xa8: {  	s7 =	simm.s32 $_size_execute0_lowered;
	s6 =	sadd.s32 s3, s6;
	[dreg:$0x0] =	wrdreg $0x0  }
0xa9: {  	s7 =	sshll.u32 s7, $0x1;
	[dreg:$0x2] =	wrdreg s6  }
0xaa: {  	[dreg:$0x3] =	wrdreg s7  }
0xab: {  	[dreg:$0x4] =	wrdreg $0xC0  }
0xac: {  	s26 =	simm.s32 $execute1_lowered;
	_ =	task [dreg:s20], $0x5FFFF  }
0xad: {  	s6 =	sshll.u32 s26, $0x1;
	[dreg:$0x1] =	wrdreg $0xFFFFFFFF  }
0xae: {  	s3 =	sadd.s32 s3, s6;
	[dreg:$0x0] =	wrdreg $0x60  }
0xaf: {  	[dreg:$0x2] =	wrdreg s3  }
0xb0: {  	[dreg:$0x3] =	wrdreg s22  }
0xb1: {  	[dreg:$0x4] =	wrdreg $0x9  }
0xb2: {  	_ =	task.clear_ibuf [dreg:s20], $0x5FFFF;
	_ =	strace $0x90000046  }
0xb3: {  	s28 =	simm.s32 $0x9;
	_ =	strace $0x80000048  }
0xb4: {  	_ =	swait.ge [sflag:s28], $0x1  }
0xb5: {  	[sflag:s28] =	ssyncadd.s32 $0xFFFFFFFF  }
0xb6: {  	_ =	strace $0x90000048  }
0xb7: {  	s3 =	sld [smem:$0x0]  }
0xb8: {  	s6 =	sand.u32 $0xFFFFFFFE, s1  }
0xb9: {  	p0 =	sne.s32 s1, s6  }
0xba: {  	s6 =	sshll.u32 @p0 s6, $0xE  }
0xbb: {  	s6 =	sadd.s32 @p0 $0x11BF3, s6;
	s7 =	sshll.u32 @p0 s3, $0x11  }
0xbc: {  	s6 =	sor.u32 @p0 s7, s6  }
0xbd: {  	[sflag:s6] =	ssyncadd.remote.s32 @p0 $0x1;
	_ =	sdelay $0x1  }
0xbe: {  	s6 =	simm.s32 @p0 $0x1BF3  }
0xbf: {  	_ =	swait.eq @p0 [sflag:s6], $0x1  }
0xc0: {  	[sflag:s6] =	ssyncadd.s32 @p0 $0xFFFFFFFF  }
0xc1: {  	s7 =	sshll.u32 @!p0 s1, $0xE  }
0xc2: {  	s7 =	sor.u32 @!p0 $0x4000, s7;
	s6 =	simm.s32 @!p0 $0x1BF3  }
0xc3: {  	s3 =	sshll.u32 @!p0 s3, $0x11;
	s7 =	sadd.s32 @!p0 $0x11BF3, s7;
	_ =	swait.eq @!p0 [sflag:s6], $0x1  }
0xc4: {  	s3 =	sor.u32 @!p0 s3, s7;
	[sflag:s6] =	ssyncadd.s32 @!p0 $0xFFFFFFFF  }
0xc5: {  	[sflag:s3] =	ssyncadd.remote.s32 @!p0 $0x1  }
0xc6: {  	_ =	strace $0x80000049;
	[dreg:$0x1] =	wrdreg $0xFFFFFFFF  }
0xc7: {  	[dreg:$0x0] =	wrdreg $0x2030  }
0xc8: {  	[dreg:$0x2] =	wrdreg s22  }
0xc9: {  	[dreg:$0x3] =	wrdreg s1  }
0xca: {  	[dreg:$0x4] =	wrdreg s23  }
0xcb: {  	[dreg:$0x5] =	wrdreg $0xA  }
0xcc: {  	_ =	task.clear_ibuf [dreg:s20], $0x6FFFF;
	_ =	strace $0x90000049  }
0xcd: {  	s29 =	simm.s32 $0xA;
	_ =	strace $0x8000004B  }
0xce: {  	_ =	swait.ge [sflag:s29], $0x1  }
0xcf: {  	[sflag:s29] =	ssyncadd.s32 $0xFFFFFFFF  }
0xd0: {  	_ =	strace $0x9000004B  }
0xd1: {  	_ =	sfence  }
0xd2: {  	s30 =	sld [smem:$0x0];
	_ =	sdelay $0x2  }
0xd3: {  	s31 =	sshll.u32 s1, $0xD;
	s1 =	sshrl.u32 s1, $0x2  }
0xd4: {  	s4 =	sand.u32 $0x4000, s31;
	s1 =	sadd.s32 s1, s30  }
0xd5: {  	s0 =	sor.u32 s4, s0;
	s1 =	sshll.u32 s1, $0x11  }
0xd6: {  	s0 =	sor.u32 s1, s0  }
0xd7: {  	s0 =	sadd.s32 $0x8F2B, s0  }
0xd8: {  	[sflag:s0] =	ssyncadd.remote.s32 $0x1  }
0xd9: {  	_ =	sfence.sel $0xFFFF  }
0xda: {  	[dreg:$0x0] =	wrdreg $0xFFFFFFFF;
	(pc) =	sbr.abs _section_cstart, $3  }
0xdb: {  	[dreg:$0x1] =	wrdreg $0xFFFFFFFF  }
0xdc: {  	_ =	task.clear_ibuf [dreg:s20], $0x2FFFF;
	_ =	strace $0x9FFFFFFF  }
0xdd: {  	(tm) =	ssettm $0x7FFFFFFF  }
tec
execute0_lowered:
.L_overlay_start_1:
0x0: {  	(tag) =	ssettag $0x1  }
0x1: {  	s2 =	rddreg [dreg:$0x0]  }
0x2: {  	s3 =	rddreg [dreg:$0x1]  }
0x3: {  	s0 =	rddreg [dreg:$0x2];
	s4 =	stileid.u32;
	[bflag:$0x3] =	sbarrier.arrive $0xFFFF  }
0x4: {  	s1 =	simm.s32 $_size_execute1_lowered;
	s31 =	srdreg.scid;
	p0 =	sne.s32 s4, $0x0  }
0x5: {  	s1 =	sshll.u32 s1, $0x1;
	s5 =	simm.s32 @!p0 $0x1C3F;
	s6 =	simm.s32 @!p0 $0x4060  }
0x6: {  	[timem:s6], [sflag:s5] =	dma.local @!p0 [hbm:s2], s1  }
0x7: {  	s8 =	simm.s32 $0x2;
	s2 =	sshll.u32 s31, $0x4  }
0x8: {  	s11 =	simm.s32 $0x0;
	s4 =	sshll.u32 s4, $0x5;
	s2 =	sand.u32 $0x10, s2  }
0x9: {  	s9 =	simm.s32 $0x80;
	s10 =	simm.s32 $0x0;
	s2 =	sor.u32 s4, s2  }
0xa: {  	s6 =	simm.s32 $0x3;
	s4 =	sshll.u32 s2, $0x4;
	s5 =	ssub.s32 $0x100, s2  }
0xb: {  	_ =	strace $0x80000047;
	s4 =	sand.u32 $0xF00, s4;
	p1 =	sgt.s32 s5, $0x0  }
.Ltmp0:
0xc: {  	s7 =	sadd.s32 s4, s3;
	s5 =	simm.s32 @!p1 $0x0;
	(pc) =	sbr.rel .LBB2_1-.Ltmp0, $4  }
0xd: {  	s3 =	sadd.s32 $0x143000, s3;
	s4 =	simm.s32 $0x1;
	s5 =	sand.u32 $0x1F0, s5  }
0xe: {  	[sflag:s4] =	ssyncpa.u1 $0x0;
	s7 =	sadd.s32 $0x142000, s7;
	p1 =	sne.s32 s5, $0x0  }
0xf: {  	s5 =	simm.s32 $0x1;
	[sflag:s8] =	ssyncpa.u1 $0x0;
	s8 =	simm.s32 $0x40  }
0x10: {  	s5 =	simm.s32 @!p1 $0x0;
	s6 =	simm.s32 @!p1 $0x2;
	p1 =	por $0x0, $0x0  }
.LBB2_4:
0x11: {  	_ =	sdelay $0x3  }
0x12: {  	[tilespmem:v2+s12+$0x30 ss:$0x1] =	vst.idx.msk $0xffff, v1  }
0x13: {  	[tilespmem:v2+s12+$0x0 ss:$0x1] =	vst.idx.msk $0xffff, v3;
	s11 =	sshll.u32 s11, $0x4  }
0x14: {  	[tilespmem:v2+s12+$0x10 ss:$0x1] =	vst.idx.msk $0xffff, v4;
	s11 =	sand.u32 $0xFF0, s11  }
0x15: {  	[tilespmem:v2+s12+$0x20 ss:$0x1] =	vst.idx.msk $0xffff, v5;
	s11 =	sadd.s32 s3, s11  }
0x16: {  	[hbm4b:s11+s8] =	stream.strided.scatter [tilespmem:s13], [sflag:$0x2], $0x400, s9, s8, $0x38;
	[tilespmem:$0x1000] =	vst v63  }
.LBB2_5:
0x17: {  	p2 =	slt.u32 s10, $0x2;
	s10 =	sadd.s32 $0x1, s10  }
0x18: {  	p3 =	sne.s32 s10, s6  }
.Ltmp1:
0x19: {  	_ = 	snop;
	(pc) =	sbr.rel @!p3 .LBB2_6-.Ltmp1, $4  }
0x1a: {  	s11 =	simm.s32 @!p2 $0x2  }
0x1b: {  	_ =	swait.ge @!p2 [sflag:s11], $0x400  }
0x1c: {  	[sflag:s11] =	ssyncset.done @!p2 $0x0  }
0x1d: {  	p1 =	por !p1, !p1;
	[sflag:s11] =	ssyncadd.s32 @!p2 $0xFFFFFC00;
	s11 =	smov.u32 s2  }
.LBB2_1:
0x1e: {  	p2 =	sge.u32 s10, s5;
	s31 =	sadd.s32 $0xFFFFFFFF, s10  }
0x1f: {  	s12 =	simm.s32 @!p2 $0x40;
	s13 =	simm.s32 @!p2 $0x80;
	s14 =	simm.s32 @!p2 $0x400  }
0x20: {  	[tilespmem:s14], [sflag:$0x1] =	stream.strided.gather @!p2 [hbm4b:s7+s12], $0x400, s13, s12, $0x38;
	[tilespmem:$0x1000] =	vst v63  }
0x21: {  	p2 =	sge.u32 s31, s5  }
.Ltmp2:
0x22: {  	_ = 	snop;
	(pc) =	sbr.rel @p2 .LBB2_5-.Ltmp2, $1  }
0x23: {  	_ =	sdelay $0x3  }
0x24: {  	s12 =	simm.s32 $0x1  }
0x25: {  	s12 =	simm.s32 @!p1 $0x0  }
0x26: {  	s13 =	sshll.u32 s12, $0xA  }
0x27: {  	s12 =	sor.u32 $0x20, s13  }
0x28: {  	v0 =	vmov s12;
	_ =	sdelay $0x1  }
0x29: {  	_ =	swait.ge [sflag:s4], $0x400  }
0x2a: {  	[sflag:s4] =	ssyncset.done $0x0  }
0x2b: {  	[sflag:s4] =	ssyncadd.s32 $0xFFFFFC00;
	s12 =	simm.s32 $0x0  }
0x2c: {  	s15 =	sor.u32 $0x800, s13;
	v1 =	vld.idx.msk [tilespmem:v0+s12+$0x10 ss:$0x1], $0xffff  }
0x2d: {  	s14 =	sshll.u32 s10, $0xA;
	v2 =	vmov s15;
	v3 =	vld.idx.msk [tilespmem:v0+s12+$0xFFFFFFE0 ss:$0x1], $0xffff  }
0x2e: {  	s31 =	sand.u32 $0x400, s14;
	v4 =	vld.idx.msk [tilespmem:v0+s12+$0xFFFFFFF0 ss:$0x1], $0xffff  }
0x2f: {  	s14 =	simm.s32 $0x100;
	s13 =	sor.u32 $0x800, s31;
	v5 =	vld.idx.msk [tilespmem:v0+s12+$0x0 ss:$0x1], $0xffff  }
.LBB2_3:
0x30: {  	p2 =	sne.s32 s14, $0xF00  }
.Ltmp3:
0x31: {  	s15 =	sshra.s32 s14, $0x2;
	s14 =	sadd.s32 $0x100, s14;
	(pc) =	sbr.rel @p2 .LBB2_3-.Ltmp3, $4  }
0x32: {  	[tilespmem:v2+s12+$0x30 ss:$0x1] =	vst.idx.msk $0xffff, v1;
	v1 =	vld.idx.msk [tilespmem:v0+s15+$0x10 ss:$0x1], $0xffff  }
0x33: {  	[tilespmem:v2+s12+$0x0 ss:$0x1] =	vst.idx.msk $0xffff, v3;
	v3 =	vld.idx.msk [tilespmem:v0+s15+$0xFFFFFFE0 ss:$0x1], $0xffff  }
0x34: {  	[tilespmem:v2+s12+$0x10 ss:$0x1] =	vst.idx.msk $0xffff, v4;
	v4 =	vld.idx.msk [tilespmem:v0+s15+$0xFFFFFFF0 ss:$0x1], $0xffff  }
0x35: {  	[tilespmem:v2+s12+$0x20 ss:$0x1] =	vst.idx.msk $0xffff, v5;
	v5 =	vld.idx.msk [tilespmem:v0+s15+$0x0 ss:$0x1], $0xffff;
	s12 =	smov.u32 s15  }
.Ltmp4:
0x36: {  	_ = 	snop;
	(pc) =	sbr.rel .LBB2_4-.Ltmp4, $1  }
0x37: {  	_ =	sdelay $0x3  }
.LBB2_6:
0x38: {  	_ =	sfence.sel $0x180000  }
0x39: {  	s2 =	simm.s32 $0x1;
	[bflag:$0x0] =	sbarrier.arrive $0xFFFF  }
0x3a: {  	s31 =	simm.s32 $0x2;
	[sflag:s2] =	ssyncpa.u1 $0x1  }
0x3b: {  	[sflag:s31] =	ssyncpa.u1 $0x1  }
0x3c: {  	_ =	strace $0x90000047  }
0x3d: {  	s0 =	sadd.s32 @!p0 $0x100000, s0;
	[bflag:$0x2] =	sbarrier.arrive $0xFFFF  }
0x3e: {  	[sflag:s0] =	ssyncadd.tile.s32 @!p0 $0x1;
	s0 =	simm.s32 @!p0 $0x3F  }
0x3f: {  	_ =	swait.ge @!p0 [sflag:s0], s1  }
0x40: {  	s1 =	ssub.s32 @!p0 $0x0, s1;
	[sflag:s0] =	ssyncset.done @!p0 $0x0  }
0x41: {  	[sflag:s0] =	ssyncadd.s32 @!p0 s1  }
0x42: {  	[bflag:$0x3] =	sbarrier.arrive $0xFFFF  }
0x43: {  	_ =	shalt  }
.Lfunc_end2:
execute1_lowered:
.L_overlay_start_2:
0x44: {  	(tag) =	ssettag $0x2  }
0x45: {  	s2 =	rddreg [dreg:$0x0]  }
0x46: {  	s3 =	rddreg [dreg:$0x1];
	_ =	strace $0x8000004A;
	s0 =	simm.s32 $0x1  }
0x47: {  	s4 =	simm.s32 $0x88;
	v0 =	vimm.s32 $0x0;
	[sflag:s0] =	ssyncpa.u1 $0x0  }
0x48: {  	s1 =	sadd.s32 $0x143000, s2;
	s0 =	sadd.s32 $0x140000, s2;
	[tilespmem:s4+$0x30] =	vst v0  }
0x49: {  	s6 =	sadd.s32 $0xC0000, s2;
	s3 =	sand.u32 $0x1, s3;
	s14 =	sadd.s32 $0x141000, s2;
	[tilespmem:s4+$0x20] =	vst v0  }
0x4a: {  	s2 =	simm.s32 $0x40;
	[dreg:$0x4] =	wrdreg s3;
	s15 =	sshll.u32 s3, $0xB;
	[tilespmem:s4+$0x10] =	vst v0  }
.LBB3_1:
0x4b: {  	s2 =	sadd.s32 $0x40, s2  }
0x4c: {  	[tilespmem:s4+$0x0] =	vst v0;
	s4 =	sadd.s32 $0x40, s4;
	p0 =	slt.u32 s2, $0x5040  }
.Ltmp5:
0x4d: {  	(pc) =	sbr.rel @p0 .LBB3_1-.Ltmp5, $4  }
0x4e: {  	_ = 	snop  }
0x4f: {  	[tilespmem:s4+$0x30] =	vst v0  }
0x50: {  	[tilespmem:s4+$0x20] =	vst v0  }
0x51: {  	[tilespmem:s4+$0x10] =	vst v0  }
0x52: {  	s9 =	stileid.u32  }
0x53: {  	s2 =	smul.u32 $0x3, s9  }
0x54: {  	s3 =	smin.u32 s9, $0x4  }
0x55: {  	s2 =	sadd.s32 s3, s2  }
0x56: {  	p0 =	slt.u32 s9, $0x4;
	s7 =	smul.u32 $0x140, s2;
	s2 =	simm.s32 $0x500  }
0x57: {  	s2 =	simm.s32 @!p0 $0x3C0  }
0x58: {  	s2 =	sadd.s32 s2, s7  }
0x59: {  	s8 =	smin.u32 s2, $0x4000  }
0x5a: {  	s2 =	ssub.s32 s8, s7  }
0x5b: {  	p0 =	sgt.s32 s2, $0x0  }
0x5c: {  	s28 =	simm.s32 $0x2;
	s30 =	simm.s32 $0x9;
	s2 =	simm.s32 @!p0 $0x0  }
0x5d: {  	s31 =	simm.s32 $0xA;
	s11 =	simm.s32 $0xB;
	s29 =	smul.u32 $0xCCCD, s2  }
0x5e: {  	s12 =	simm.s32 $0x1;
	s14 =	sadd.s32 s15, s14;
	s15 =	sadd.s32 s15, s0  }
0x5f: {  	s18 =	simm.s32 $0x0;
	p1 =	por $0x0, $0x0;
	s3 =	sshrl.u32 s29, $0x18  }
0x60: {  	s19 =	simm.s32 $0xC;
	s23 =	simm.s32 $0x0;
	s5 =	smul.u32 $0x140, s3  }
.Ltmp6:
0x61: {  	[tilespmem:s4+$0x0] =	vst v0;
	v0 =	vimm.s32 $0xFFFFFFFF;
	s20 =	simm.s32 $0x0;
	[sflag:s28] =	ssyncpa.u1 $0x0;
	(pc) =	sbr.rel .LBB3_3-.Ltmp6, $4  }
0x62: {  	[tilespmem:$0xA108] =	vst v0;
	[sflag:s30] =	ssyncpa.u1 $0x0;
	p0 =	sne.s32 s2, s5;
	s2 =	simm.s32 $0x1  }
0x63: {  	s22 =	simm.s32 $0x0;
	[sflag:s31] =	ssyncpa.u1 $0x0;
	s2 =	simm.s32 @!p0 $0x0  }
0x64: {  	s16 =	sshll.u32 s9, $0x7;
	[sflag:s11] =	ssyncpa.u1 $0x0;
	s13 =	sadd.s32 s3, s2  }
0x65: {  	v0 =	vlaneseq.u32;
	s21 =	smov.u32 s7;
	p0 =	por $0x1, $0x1;
	s17 =	sadd.s32 $0x1, s13  }
.LBB3_24:
0x66: {  	s0 =	sshrl.u32 s0, $0x2  }
.LBB3_26:
0x67: {  	_ =	swait.ge [sflag:s19], s0  }
0x68: {  	s30 =	ssub.s32 $0x0, s0;
	v1 =	vmov s25;
	vm0 =	veq.s32 v0, $0x0;
	[sflag:s19] =	ssyncset.done $0x0  }
0x69: {  	vm15 =	veq.s32 v0, $0x2;
	v1 =	vsel vm0, s31, v1;
	[sflag:s19] =	ssyncadd.s32 s30  }
0x6a: {  	v1 =	vsel vm15, s23, v1;
	[sflag:s19] =	ssyncpa.u1 $0x1  }
0x6b: {  	[tilespmem:$0xA108] =	vst v1  }
.LBB3_27:
0x6c: {  	s0 =	sadd.s32 $0x140, s21  }
0x6d: {  	s2 =	smov.u32 s7;
	p2 =	slt.s32 s0, s8  }
0x6e: {  	s2 =	smov.u32 @p2 s0;
	p2 =	sne.s32 s22, s17  }
.Ltmp7:
0x6f: {  	_ = 	snop;
	(pc) =	sbr.rel @!p2 .LBB3_28-.Ltmp7, $4  }
0x70: {  	_ = 	snop  }
0x71: {  	s23 =	smov.u32 s20  }
0x72: {  	s31 =	sadd.s32 $0x1, s22;
	s20 =	smov.u32 s21;
	p0 =	por !p0, !p0  }
0x73: {  	p1 =	por !p1, !p1;
	s22 =	smov.u32 s31;
	s21 =	smov.u32 s2  }
.LBB3_3:
0x74: {  	p2 =	sge.u32 s22, s13  }
0x75: {  	s0 =	smulhi.u32 @!p2 $0xAAAAAAAB, s22  }
0x76: {  	s2 =	smov.u32 s21;
	p3 =	sgt.s32 @!p2 s21, $0x3EC0  }
0x77: {  	s3 =	sshra.s32 @!p2 s21, $0x1F;
	p3 =	por !p3, p2;
	s0 =	sshrl.u32 @!p2 s0, $0x1  }
0x78: {  	s3 =	sand.u32 @!p2 s3, s21;
	s2 =	simm.s32 @p3 $0x3EC0;
	s0 =	smul.u32 @!p2 $0x3, s0  }
0x79: {  	s2 =	ssub.s32 @!p2 s2, s3  }
0x7a: {  	s2 =	sadd.s32 @!p2 $0xFFFFC140, s2;
	s0 =	ssub.s32 @!p2 s22, s0  }
0x7b: {  	s3 =	sshll.u32 @!p2 s2, $0x2;
	p3 =	sgt.s32 @!p2 s2, $0x13F;
	s0 =	smul.u32 @!p2 $0x500, s0  }
0x7c: {  	s4 =	sand.u32 @!p2 $0x7, s21;
	s2 =	ssub.s32 @!p2 $0x500, s3;
	p3 =	por !p3, p2  }
0x7d: {  	s3 =	sshrl.u32 @!p2 s21, $0x3;
	s2 =	sshrl.u32 @!p2 s2, $0x2;
	s0 =	sshrl.u32 @!p2 s0, $0x2  }
0x7e: {  	s3 =	sadd.s32 @!p2 s3, s14;
	s2 =	simm.s32 @!p3 $0x0;
	s0 =	sadd.s32 @!p2 $0xA948, s0  }
0x7f: {  	[tilespmem:s0], [sflag:$0xA] =	stream.linear.gather @!p2 [hbm4b:s3+s4], s2, $0x38;
	[tilespmem:$0x1EF88] =	vst v63  }
0x80: {  	s4 =	sadd.s32 $0xFFFFFFFF, s22  }
0x81: {  	p2 =	sge.u32 s4, s13  }
0x82: {  	p3 =	sgt.s32 @!p2 s20, $0x3EC0  }
0x83: {  	s0 =	smov.u32 s20;
	s2 =	sshra.s32 @!p2 s20, $0x1F;
	p3 =	por !p3, p2  }
0x84: {  	s2 =	sand.u32 @!p2 s2, s20;
	s0 =	simm.s32 @p3 $0x3EC0  }
0x85: {  	s0 =	ssub.s32 @!p2 s0, s2  }
0x86: {  	s0 =	sadd.s32 @!p2 $0xFFFFC140, s0  }
0x87: {  	s2 =	sshll.u32 @!p2 s0, $0x2  }
0x88: {  	p3 =	sgt.s32 @!p2 s0, $0x13F;
	s0 =	ssub.s32 @!p2 $0x500, s2  }
0x89: {  	p3 =	por !p3, p2;
	s0 =	sshrl.u32 @!p2 s0, $0x2  }
0x8a: {  	s3 =	simm.s32 @!p2 $0xA;
	s2 =	sand.u32 @!p2 $0x1, s4;
	s0 =	simm.s32 @!p3 $0x0  }
0x8b: {  	s2 =	smul.u32 @!p2 $0x500, s2;
	_ =	swait.ge @!p2 [sflag:s3], s0  }
0x8c: {  	s5 =	ssub.s32 @!p2 $0x0, s0;
	[sflag:s3] =	ssyncset.done @!p2 $0x0  }
0x8d: {  	s2 =	sshrl.u32 @!p2 s2, $0x2;
	[sflag:s3] =	ssyncadd.s32 @!p2 s5;
	s3 =	sshrl.u32 @!p2 s20, $0x3  }
0x8e: {  	s2 =	sadd.s32 @!p2 $0xAD08, s2;
	s5 =	sand.u32 @!p2 $0x7, s20;
	s3 =	sadd.s32 @!p2 s3, s15  }
0x8f: {  	[tilespmem:s2], [sflag:$0xB] =	stream.linear.gather @!p2 [hbm4b:s3+s5], s0, $0x38;
	[tilespmem:$0x1EF88] =	vst v63  }
0x90: {  	s0 =	ssub.s32 @!p2 $0x4000, s20  }
0x91: {  	p3 =	slt.s32 @!p2 s0, $0x1  }
0x92: {  	p3 =	por p2, p3  }
.Ltmp8:
0x93: {  	_ = 	snop;
	(pc) =	sbr.rel @p3 .LBB3_9-.Ltmp8, $1  }
0x94: {  	_ =	sdelay $0x3  }
0x95: {  	s2 =	smulhi.u32 $0xAAAAAAAB, s4;
	_ =	sdelay $0x1  }
0x96: {  	s2 =	sshrl.u32 s2, $0x1  }
0x97: {  	s2 =	smul.u32 $0x3, s2;
	_ =	sdelay $0x1  }
0x98: {  	s2 =	ssub.s32 s4, s2  }
0x99: {  	s3 =	simm.s32 $0x1;
	s2 =	smul.u32 $0x500, s2  }
.Ltmp9:
0x9a: {  	s3 =	simm.s32 @!p0 $0x0;
	(pc) =	sbr.rel .LBB3_6-.Ltmp9, $4  }
0x9b: {  	s3 =	smul.u32 $0x28000, s3  }
0x9c: {  	p3 =	slt.s32 @!p2 s0, $0x140;
	s2 =	sshrl.u32 s2, $0x2  }
0x9d: {  	p2 =	por !p3, p2;
	s3 =	sshrl.u32 s3, $0x2;
	s2 =	sadd.s32 $0xA948, s2  }
0x9e: {  	s24 =	simm.s32 $0x0;
	s0 =	simm.s32 @p2 $0x140;
	s4 =	sadd.s32 $0xAF88, s3;
	v1 =	vmov s2  }
.LBB3_5:
0x9f: {  	p2 =	sge.s32 s24, s0  }
.Ltmp10:
0xa0: {  	_ = 	snop;
	(pc) =	sbr.rel @p2 .LBB3_9-.Ltmp10, $2  }
0xa1: {  	_ =	sdelay $0x2  }
0xa2: {  	s4 =	sadd.s32 $0x800, s4  }
.LBB3_6:
0xa3: {  	p2 =	sle.s32 s0, s24  }
.Ltmp11:
0xa4: {  	_ = 	snop;
	(pc) =	sbr.rel @p2 .LBB3_5-.Ltmp11, $2  }
0xa5: {  	_ =	sdelay $0x2  }
0xa6: {  	s5 =	smov.u32 s24;
	s24 =	sadd.s32 $0x10, s24  }
0xa7: {  	s2 =	ssub.s32 s0, s5  }
0xa8: {  	p2 =	slt.s32 s2, $0x10  }
0xa9: {  	s2 =	simm.s32 @!p2 $0x10  }
0xaa: {  	v2 =	vmov s2  }
0xab: {  	vm0 =	vgt.s32 v2, v0;
	_ =	sdelay $0x5  }
0xac: {  	v2 =	vld.idx.msk [tilespmem:v1+s5+$0x0 ss:$0x1], vm0;
	_ =	sdelay $0x2  }
0xad: {  	p2 =	slt.s32 s24, s0;
	s2 =	smov.u32 s0  }
0xae: {  	s3 =	smov.u32 s4;
	s25 =	simm.s32 $0x0;
	s2 =	smov.u32 @p2 s24  }
.LBB3_8:
0xaf: {  	(v2sf) =	vpush v2, s25;
	_ =	sdelay $0xc  }
0xb0: {  	s25 =	sadd.s32 $0x1, s25  }
0xb1: {  	s31 =	sadd.s32 s25, s5  }
0xb2: {  	p2 =	slt.s32 s31, s2;
	s9 =	spop (v2sf)  }
.Ltmp12:
0xb3: {  	s9 =	sshll.u32 s9, $0x4;
	(pc) =	sbr.rel @p2 .LBB3_8-.Ltmp12, $4  }
0xb4: {  	s9 =	sand.u32 $0x1FFFFFF0, s9  }
0xb5: {  	s9 =	sadd.s32 s6, s9  }
0xb6: {  	[tilespmem:s3], [sflag:$0x9] =	stream.linear.gather [hbm4b:s9+s18], $0x40, $0x38;
	[tilespmem:$0x1EF88] =	vst v63  }
0xb7: {  	s3 =	sadd.s32 $0x80, s3  }
.Ltmp13:
0xb8: {  	_ = 	snop;
	(pc) =	sbr.rel .LBB3_5-.Ltmp13, $1  }
0xb9: {  	_ =	sdelay $0x3  }
.LBB3_9:
0xba: {  	p2 =	slt.u32 s22, $0x2  }
.Ltmp14:
0xbb: {  	_ = 	snop;
	(pc) =	sbr.rel @p2 .LBB3_27-.Ltmp14, $1  }
0xbc: {  	_ =	sdelay $0x3  }
0xbd: {  	p2 =	sgt.s32 s23, $0x3EC0  }
0xbe: {  	s0 =	smov.u32 s23;
	s2 =	sshra.s32 s23, $0x1F;
	s3 =	ssub.s32 $0x4000, s23  }
0xbf: {  	s0 =	simm.s32 @!p2 $0x3EC0;
	s2 =	sand.u32 s2, s23;
	p2 =	slt.s32 s3, $0x140  }
0xc0: {  	s0 =	ssub.s32 s0, s2;
	s3 =	simm.s32 @!p2 $0x140  }
0xc1: {  	s0 =	sadd.s32 $0xFFFFC140, s0;
	s10 =	sshll.u32 s3, $0x6  }
0xc2: {  	s26 =	simm.s32 $0x9;
	s24 =	sshll.u32 s0, $0x2;
	s2 =	sand.u32 $0x3FFFFFC0, s10  }
0xc3: {  	p2 =	sgt.s32 s0, $0x13F;
	s25 =	ssub.s32 $0x500, s24;
	_ =	swait.ge [sflag:s26], s2  }
0xc4: {  	s2 =	ssub.s32 $0x0, s2;
	[sflag:s26] =	ssyncset.done $0x0;
	s0 =	sshrl.u32 s25, $0x2  }
0xc5: {  	[sflag:s26] =	ssyncadd.s32 s2;
	s0 =	simm.s32 @p2 $0x0  }
0xc6: {  	_ =	swait.ge [sflag:s11], s0  }
0xc7: {  	s0 =	ssub.s32 $0x0, s0;
	[sflag:s11] =	ssyncset.done $0x0  }
0xc8: {  	[sflag:s11] =	ssyncadd.s32 s0  }
0xc9: {  	v1 =	vld [tilespmem:$0xA108];
	_ =	sdelay $0x4  }
0xca: {  	(v2sf) =	vpush v1, $0x0  }
0xcb: {  	(v2sf) =	vpush v1, $0x1  }
0xcc: {  	(v2sf) =	vpush v1, $0x2;
	_ =	sdelay $0x3  }
0xcd: {  	s0 =	sadd.s32 $0x140, s23  }
0xce: {  	s2 =	ssub.s32 $0x8000, s23;
	p2 =	slt.s32 s8, s0  }
0xcf: {  	s0 =	smov.u32 @p2 s8;
	p2 =	sgt.s32 s2, $0x0  }
0xd0: {  	s0 =	ssub.s32 s0, s23;
	s2 =	simm.s32 @!p2 $0x0  }
0xd1: {  	p2 =	slt.s32 s2, s0  }
0xd2: {  	s0 =	smov.u32 @p2 s2  }
0xd3: {  	s26 =	simm.s32 $0x1;
	p2 =	slt.s32 s0, $0x1  }
.Ltmp15:
0xd4: {  	s26 =	simm.s32 @!p1 $0x0;
	(pc) =	sbr.rel @p2 .LBB3_14-.Ltmp15, $4  }
0xd5: {  	s30 =	smul.u32 $0x500, s26  }
0xd6: {  	s28 =	spop (v2sf)  }
0xd7: {  	s31 =	sshrl.u32 s30, $0x2;
	s29 =	spop (v2sf)  }
0xd8: {  	s24 =	sadd.s32 $0xAD08, s31;
	s23 =	spop (v2sf)  }
0xd9: {  	s2 =	smin.u32 s0, $0x10  }
0xda: {  	v1 =	vmov s2  }
0xdb: {  	p3 =	sgt.s32 s0, $0x10;
	vm1 =	vgt.u32 v1, v0  }
.Ltmp16:
0xdc: {  	_ = 	snop;
	(pc) =	sbr.rel @!p3 .LBB3_13-.Ltmp16, $2  }
0xdd: {  	_ =	sdelay $0x2  }
0xde: {  	s5 =	simm.s32 $0x10;
	s25 =	sadd.s32 $0xFFFFFFF0, s0;
	s4 =	smov.u32 s24;
	vm0 =	vmmov vm1  }
.LBB3_12:
0xdf: {  	s2 =	smin.u32 s25, $0x10;
	s5 =	sadd.s32 $0x10, s5;
	v1 =	vld.msk [tilespmem:s4+$0x0 ss:$0x1], vm1  }
0xe0: {  	v2 =	vmov s2;
	p3 =	slt.s32 s5, s0  }
0xe1: {  	vm1 =	vgt.u32 v2, v0  }
.Ltmp17:
0xe2: {  	(pc) =	sbr.rel @p3 .LBB3_12-.Ltmp17, $3  }
0xe3: {  	_ =	sdelay $0x1  }
0xe4: {  	v1 =	vshll.u32 v1, $0x4  }
0xe5: {  	s25 =	sadd.s32 $0xFFFFFFF0, s25;
	[tilespmem:s4+$0x0] =	vst.msk vm0, v1;
	s4 =	sadd.s32 $0x10, s4;
	vm0 =	vmmov vm1  }
.LBB3_13:
0xe6: {  	_ =	sdelay $0x4  }
0xe7: {  	v1 =	vld.msk [tilespmem:s4+$0x0 ss:$0x1], vm1;
	_ =	sdelay $0x4  }
0xe8: {  	v1 =	vshll.u32 v1, $0x4  }
0xe9: {  	[tilespmem:s4+$0x0] =	vst.msk vm0, v1  }
.LBB3_14:
0xea: {  	s2 =	sand.u32 $0x1, s22  }
0xeb: {  	s2 =	smul.u32 $0x140, s2  }
0xec: {  	p3 =	sne.s32 s29, $0xFFFFFFFF  }
0xed: {  	v1 =	vld.msk @!p3 [tilespmem:s2+$0xAD08], $0x1;
	_ =	sdelay $0x4  }
0xee: {  	(v2sf) =	vpush @!p3 v1, $0x0;
	_ =	sdelay $0xc  }
.Ltmp18:
0xef: {  	_ = 	snop;
	(pc) =	sbr.rel @p2 .LBB3_25-.Ltmp18, $4  }
0xf0: {  	_ = 	snop  }
0xf1: {  	s30 =	spop @!p3 (v2sf)  }
0xf2: {  	s23 =	simm.s32 @!p3 $0x0;
	s25 =	smov.u32 s30  }
0xf3: {  	[sflag:s19] =	ssyncpa.u1 $0x0;
	s30 =	smov.u32 @p3 s28;
	s25 =	smov.u32 @p3 s29  }
0xf4: {  	v1 =	vld.msk [tilespmem:s24+$0x0], $0x1;
	_ =	sdelay $0x4  }
0xf5: {  	(v2sf) =	vpush v1, $0x0;
	_ =	sdelay $0xe  }
0xf6: {  	s2 =	smul.u32 $0x28000, s26;
	s4 =	spop (v2sf)  }
0xf7: {  	s28 =	ssub.s32 $0x0, s0;
	p2 =	seq.s32 s30, s4  }
0xf8: {  	s0 =	sadd.s32 $0x1, s28;
	s2 =	sshrl.u32 s2, $0x2;
	p3 =	sgt.s32 @!p2 s30, $0x0  }
0xf9: {  	s26 =	sadd.s32 $0xAFA8, s2;
	s2 =	smov.u32 s30;
	p3 =	por !p3, p2  }
0xfa: {  	s2 =	simm.s32 @p3 $0x0;
	p3 =	seq.s32 s0, $0x0  }
.Ltmp19:
0xfb: {  	_ = 	snop;
	(pc) =	sbr.rel @p3 .LBB3_17-.Ltmp19, $4  }
0xfc: {  	_ = 	snop  }
0xfd: {  	s29 =	simm.s32 $0x0;
	s5 =	simm.s32 @!p2 $0x1;
	s3 =	smin.u32 @!p2 s2, $0xFF8  }
0xfe: {  	s31 =	sadd.s32 $0x1, s24;
	s5 =	smov.u32 @p2 s29;
	s9 =	sand.u32 @!p2 $0xFF8, s3  }
0xff: {  	s2 =	simm.s32 @!p2 $0x50C8;
	s3 =	sand.u32 @!p2 $0x7, s3;
	s9 =	sadd.s32 @!p2 s1, s9  }
.LBB3_16:
0x100: {  	s10 =	smov.u32 s5  }
0x101: {  	[tilespmem:s2], [sflag:$0x2] =	stream.linear.gather @!p2 [hbm4b:s9+s3], $0x40, $0x38;
	[tilespmem:$0x1EF88] =	vst v63  }
0x102: {  	s0 =	sadd.s32 $0x1, s0;
	s3 =	smov.u32 s4;
	v1 =	vld.msk [tilespmem:s31+$0x0], $0x1  }
0x103: {  	p3 =	seq.s32 s0, $0x0;
	_ =	sdelay $0x3  }
0x104: {  	(v2sf) =	vpush v1, $0x0;
	_ =	sdelay $0xe  }
0x105: {  	s4 =	spop (v2sf)  }
0x106: {  	p2 =	seq.s32 s3, s4  }
0x107: {  	p4 =	sgt.s32 @!p2 s3, $0x0;
	s2 =	sshll.u32 @!p2 s5, $0x8;
	s5 =	sadd.s32 @!p2 $0x1, s5  }
.Ltmp20:
0x108: {  	p4 =	por !p4, p2;
	s2 =	sshra.s32 @!p2 s2, $0x2;
	(pc) =	sbr.rel @!p3 .LBB3_16-.Ltmp20, $4  }
0x109: {  	s5 =	smov.u32 @p2 s10;
	s3 =	simm.s32 @p4 $0x0;
	s2 =	sadd.s32 @!p2 $0x50C8, s2  }
0x10a: {  	s3 =	smin.u32 @!p2 s3, $0xFF8  }
0x10b: {  	s9 =	sand.u32 @!p2 $0xFF8, s3;
	s3 =	sand.u32 @!p2 $0x7, s3  }
0x10c: {  	s31 =	sadd.s32 $0x1, s31;
	s9 =	sadd.s32 @!p2 s1, s9  }
.LBB3_17:
0x10d: {  	[tilespmem:s2], [sflag:$0x2] =	stream.linear.gather @!p2 [hbm4b:s9+s3], $0x40, $0x38;
	[tilespmem:$0x1EF88] =	vst v63  }
.Ltmp21:
0x10e: {  	s0 =	sshll.u32 s5, $0x6;
	(pc) =	sbr.rel .LBB3_18-.Ltmp21, $4  }
0x10f: {  	s31 =	simm.s32 $0x2;
	s0 =	sand.u32 $0x3FFFFFC0, s0  }
0x110: {  	_ =	swait.ge [sflag:s31], s0  }
0x111: {  	s0 =	ssub.s32 $0x0, s0;
	[sflag:s31] =	ssyncset.done $0x0  }
0x112: {  	[sflag:s31] =	ssyncadd.s32 s0;
	s0 =	simm.s32 $0x0  }
.LBB3_19:
0x113: {  	v1 =	vld [tilespmem:s26+$0xFFFFFFE0];
	_ =	sdelay $0x4  }
0x114: {  	[tilespmem:s4+$0x88] =	vst.add.f32.msk $0xffff, v1  }
0x115: {  	v1 =	vld [tilespmem:s26+$0xFFFFFFF0];
	_ =	sdelay $0x4  }
0x116: {  	[tilespmem:s4+$0x98] =	vst.add.f32.msk $0xffff, v1  }
0x117: {  	v1 =	vld [tilespmem:s26+$0x0];
	_ =	sdelay $0x4  }
0x118: {  	[tilespmem:s4+$0xA8] =	vst.add.f32.msk $0xffff, v1  }
0x119: {  	v1 =	vld [tilespmem:s26+$0x10];
	_ =	sdelay $0x4  }
0x11a: {  	[tilespmem:s4+$0xB8] =	vst.add.f32.msk $0xffff, v1  }
.LBB3_23:
0x11b: {  	s28 =	sadd.s32 $0x1, s28  }
0x11c: {  	p2 =	seq.s32 s28, $0x0  }
.Ltmp22:
0x11d: {  	_ = 	snop;
	(pc) =	sbr.rel @p2 .LBB3_24-.Ltmp22, $2  }
0x11e: {  	_ =	sdelay $0x2  }
0x11f: {  	s26 =	sadd.s32 $0x80, s26;
	s24 =	sadd.s32 $0x1, s24;
	s30 =	smov.u32 s31  }
.LBB3_18:
0x120: {  	v1 =	vld.msk [tilespmem:s24+$0x0], $0x1;
	_ =	sdelay $0x4  }
0x121: {  	(v2sf) =	vpush v1, $0x0;
	_ =	sdelay $0xe  }
0x122: {  	s31 =	spop (v2sf)  }
0x123: {  	p2 =	sne.s32 s30, s31  }
.Ltmp23:
0x124: {  	_ = 	snop;
	(pc) =	sbr.rel @!p2 .LBB3_19-.Ltmp23, $3  }
0x125: {  	_ =	sdelay $0x1  }
0x126: {  	s2 =	sshll.u32 s23, $0x8  }
0x127: {  	s4 =	sshra.s32 s2, $0x2  }
0x128: {  	p2 =	seq.s32 s30, s25  }
.Ltmp24:
0x129: {  	_ = 	snop;
	(pc) =	sbr.rel @!p2 .LBB3_21-.Ltmp24, $1  }
0x12a: {  	_ =	sdelay $0x3  }
.Ltmp25:
0x12b: {  	s2 =	sadd.s32 $0x88, s4;
	(pc) =	sbr.rel .LBB3_22-.Ltmp25, $4  }
0x12c: {  	[spmem:s16] =	stream.linear.scatter [tilespmem:s2], [sflag:$0x1], $0x40, $0x38;
	[tilespmem:$0x1EF88] =	vst v63  }
0x12d: {  	_ =	swait.ge [sflag:s12], $0x40  }
0x12e: {  	[sflag:s12] =	ssyncset.done $0x0  }
0x12f: {  	[sflag:s12] =	ssyncadd.s32 $0xFFFFFFC0  }
.LBB3_21:
0x130: {  	s2 =	sshll.u32 s29, $0x8  }
0x131: {  	s2 =	sshra.s32 s2, $0x2  }
0x132: {  	v1 =	vld [tilespmem:s2+$0x50C8];
	_ =	sdelay $0x4  }
0x133: {  	[tilespmem:s4+$0x88] =	vst.add.f32.msk $0xffff, v1  }
0x134: {  	v1 =	vld [tilespmem:s2+$0x50D8];
	_ =	sdelay $0x4  }
0x135: {  	[tilespmem:s4+$0x98] =	vst.add.f32.msk $0xffff, v1  }
0x136: {  	v1 =	vld [tilespmem:s2+$0x50E8];
	_ =	sdelay $0x4  }
0x137: {  	[tilespmem:s4+$0xA8] =	vst.add.f32.msk $0xffff, v1  }
0x138: {  	v1 =	vld [tilespmem:s2+$0x50F8];
	_ =	sdelay $0x2  }
0x139: {  	p2 =	sgt.u32 s30, $0xFF8  }
0x13a: {  	s2 =	sand.u32 @!p2 $0xFF8, s30  }
0x13b: {  	s3 =	sadd.s32 $0x88, s4;
	s2 =	sadd.s32 @!p2 s1, s2;
	[tilespmem:s4+$0xB8] =	vst.add.f32.msk $0xffff, v1;
	s4 =	sand.u32 @!p2 $0x7, s30  }
0x13c: {  	[hbm4b:s2+s4] =	stream.linear.scatter @!p2 [tilespmem:s3], [sflag:$0xC], $0x40, $0x38;
	[tilespmem:$0x1EF88] =	vst v63  }
0x13d: {  	s2 =	simm.s32 $0x0  }
0x13e: {  	s2 =	simm.s32 @!p2 $0x100  }
0x13f: {  	s0 =	sadd.s32 s2, s0  }
.LBB3_22:
0x140: {  	s2 =	sadd.s32 $0x1, s23  }
0x141: {  	s3 =	smulhi.u32 $0xCCCCCCCD, s2;
	_ =	sdelay $0x1  }
0x142: {  	v1 =	vld [tilespmem:s26+$0xFFFFFFE0];
	s3 =	sshrl.u32 s3, $0x8  }
0x143: {  	s3 =	smul.u32 $0x140, s3;
	_ =	sdelay $0x1  }
0x144: {  	s23 =	ssub.s32 s2, s3  }
0x145: {  	s2 =	sshll.u32 s23, $0x6  }
0x146: {  	[tilespmem:s2+$0x88] =	vst v1  }
0x147: {  	v1 =	vld [tilespmem:s26+$0xFFFFFFF0];
	_ =	sdelay $0x4  }
0x148: {  	[tilespmem:s2+$0x98] =	vst v1  }
0x149: {  	v1 =	vld [tilespmem:s26+$0x0];
	_ =	sdelay $0x4  }
0x14a: {  	[tilespmem:s2+$0xA8] =	vst v1  }
0x14b: {  	v1 =	vld [tilespmem:s26+$0x10]  }
.Ltmp26:
0x14c: {  	_ = 	snop;
	(pc) =	sbr.rel .LBB3_23-.Ltmp26, $2  }
0x14d: {  	_ =	sdelay $0x2  }
0x14e: {  	s29 =	sadd.s32 $0x1, s29;
	[tilespmem:s2+$0xB8] =	vst v1  }
.LBB3_25:
.Ltmp27:
0x14f: {  	(pc) =	sbr.rel .LBB3_26-.Ltmp27, $4  }
0x150: {  	_ = 	snop  }
0x151: {  	s0 =	simm.s32 $0x2  }
0x152: {  	_ =	swait.ge [sflag:s0], $0x0  }
0x153: {  	s31 =	smov.u32 s30;
	[sflag:s0] =	ssyncset.done $0x0;
	s0 =	simm.s32 $0x0  }
.LBB3_28:
0x154: {  	_ =	sfence.sel $0x180000  }
0x155: {  	s0 =	simm.s32 $0x9;
	[bflag:$0x0] =	sbarrier.arrive $0xFFFF  }
0x156: {  	s24 =	simm.s32 $0xA;
	[sflag:s0] =	ssyncpa.u1 $0x1  }
0x157: {  	s25 =	simm.s32 $0xB;
	[sflag:s24] =	ssyncpa.u1 $0x1  }
0x158: {  	s26 =	simm.s32 $0x2;
	[sflag:s25] =	ssyncpa.u1 $0x1  }
0x159: {  	[sflag:s26] =	ssyncpa.u1 $0x1  }
0x15a: {  	v0 =	vld [tilespmem:$0xA108];
	_ =	sdelay $0x4  }
0x15b: {  	(v2sf) =	vpush v0, $0x0  }
0x15c: {  	(v2sf) =	vpush v0, $0x1;
	_ =	sdelay $0x1  }
0x15d: {  	(v2sf) =	vpush v0, $0x2;
	_ =	sdelay $0xb  }
0x15e: {  	s0 =	spop (v2sf)  }
0x15f: {  	s2 =	spop (v2sf)  }
0x160: {  	s3 =	smov.u32 s0;
	p0 =	sne.s32 s0, s2  }
0x161: {  	s4 =	spop (v2sf);
	s3 =	simm.s32 @!p0 $0xFFFFFFFF  }
0x162: {  	v2 =	vimm.s32 $0x1;
	v3 =	vlaneseq.u32;
	p0 =	seq.s32 s4, $0xFFFFFFFF;
	v1 =	vmov s3  }
0x163: {  	s15 =	stileid.u32;
	v0 =	vperm.xlane v0, v2;
	p1 =	sne.s32 @!p0 s0, s2;
	v1 =	vperm.xlane v1, v3  }
0x164: {  	vm0 =	vcmask $0x3F04;
	s6 =	simm.s32 $0xA108;
	s0 =	simm.s32 @!p0 $0x1;
	p1 =	por !p1, p0  }
0x165: {  	s3 =	sshll.u32 s15, $0x1;
	s2 =	sshll.u32 @!p0 s4, $0x8;
	s0 =	simm.s32 @p1 $0x0;
	v0 =	vsel vm0, v1, v0  }
0x166: {  	s5 =	sor.u32 $0x800, s3;
	s2 =	sshra.s32 @!p0 s2, $0x2;
	s0 =	sor.u32 @!p0 s0, s3;
	[tilespmem:$0xA108] =	vst v0  }
0x167: {  	[spmem:s5] =	stream.linear.scatter [tilespmem:s6], [sflag:$0x1], $0x2, $0x38;
	[tilespmem:$0x1EF88] =	vst v63  }
0x168: {  	s2 =	sadd.s32 @!p0 $0x88, s2;
	s0 =	sshll.u32 @!p0 s0, $0x6  }
0x169: {  	[spmem:s0] =	stream.linear.scatter @!p0 [tilespmem:s2], [sflag:$0x1], $0x40, $0x38;
	[tilespmem:$0x1EF88] =	vst v63  }
0x16a: {  	s0 =	simm.s32 @!p0 $0x42  }
0x16b: {  	s28 =	simm.s32 $0x1;
	s0 =	simm.s32 @p0 $0x2  }
0x16c: {  	_ =	swait.ge [sflag:s28], s0  }
0x16d: {  	s0 =	ssub.s32 $0x0, s0;
	[sflag:s28] =	ssyncset.done $0x0  }
0x16e: {  	p0 =	sne.s32 s15, $0x0;
	[sflag:s28] =	ssyncadd.s32 s0  }
.Ltmp28:
0x16f: {  	_ =	sfence.stream.spmem;
	(pc) =	sbr.rel @p0 .LBB3_45-.Ltmp28, $4  }
0x170: {  	s29 =	simm.s32 $0x3;
	[bflag:$0x0] =	sbarrier.arrive $0xFFFF  }
0x171: {  	s30 =	simm.s32 $0x4;
	[sflag:s29] =	ssyncpa.u1 $0x1  }
0x172: {  	s31 =	simm.s32 $0x3C;
	[sflag:s30] =	ssyncpa.u1 $0x1  }
0x173: {  	s14 =	rddreg [dreg:$0x4];
	[sflag:s31] =	ssyncpa.u1 $0x1  }
0x174: {  	_ =	sfence.stream.spmem;
	s0 =	simm.s32 $0x5  }
0x175: {  	s2 =	simm.s32 $0x800;
	s3 =	simm.s32 $0xA118;
	[sflag:s0] =	ssyncpa.u1 $0x0  }
0x176: {  	[tilespmem:s3], [sflag:$0x5] =	stream.linear.gather [spmem:s2], $0x20, $0x38;
	[tilespmem:$0x1EF88] =	vst v63  }
0x177: {  	s26 =	simm.s32 $0x0;
	s28 =	simm.s32 $0xA138  }
0x178: {  	[tilespmem:s28], [sflag:$0x5] =	stream.linear.gather [spmem:s26], $0x800, $0x38;
	[tilespmem:$0x1EF88] =	vst v63  }
0x179: {  	_ =	swait.ge [sflag:s0], $0x820  }
0x17a: {  	[sflag:s0] =	ssyncset.done $0x0  }
0x17b: {  	s29 =	simm.s32 $0x0;
	[sflag:s0] =	ssyncadd.s32 $0xFFFFF7E0  }
0x17c: {  	v0 =	vld.msk [tilespmem:s29+$0xA118], $0x1;
	_ =	sdelay $0x1  }
0x17d: {  	s30 =	simm.s32 $0x1  }
0x17e: {  	v1 =	vld.msk [tilespmem:s30+$0xA118], $0x1;
	_ =	sdelay $0x1  }
0x17f: {  	(v2sf) =	vpush v0, $0x0;
	_ =	sdelay $0x2  }
0x180: {  	(v2sf) =	vpush v1, $0x0;
	_ =	sdelay $0x2  }
0x181: {  	s31 =	simm.s32 $0x2  }
0x182: {  	v0 =	vld.msk [tilespmem:s31+$0xA118], $0x1;
	_ =	sdelay $0x2  }
0x183: {  	s4 =	simm.s32 $0xFFFFFFFF;
	s2 =	simm.s32 $0xFFFFFFFF;
	s0 =	simm.s32 $0xC  }
.LBB3_30:
0x184: {  	s3 =	smov.u32 s4;
	s5 =	smov.u32 s2  }
0x185: {  	s2 =	sshra.s32 s0, $0x2;
	p1 =	sne.s32 s0, $0x7C;
	s0 =	sadd.s32 $0x4, s0;
	(v2sf) =	vpush v0, $0x0  }
0x186: {  	v0 =	vld.msk [tilespmem:s2+$0xA118], $0x1  }
.Ltmp29:
0x187: {  	(pc) =	sbr.rel @p1 .LBB3_30-.Ltmp29, $4  }
0x188: {  	s4 =	spop (v2sf)  }
0x189: {  	p2 =	sne.s32 s5, $0xFFFFFFFF;
	s2 =	smov.u32 s4  }
0x18a: {  	p3 =	seq.s32 s4, $0xFFFFFFFF;
	s2 =	smov.u32 @p2 s5  }
0x18b: {  	s4 =	smov.u32 @p3 s3;
	s2 =	smov.u32 @p3 s5  }
0x18c: {  	(v2sf) =	vpush v0, $0x0;
	_ =	sdelay $0x8  }
0x18d: {  	s0 =	spop (v2sf)  }
0x18e: {  	p1 =	sne.s32 s2, $0xFFFFFFFF;
	s3 =	smov.u32 s0  }
0x18f: {  	s9 =	simm.s32 $0x6;
	p2 =	seq.s32 s0, $0xFFFFFFFF;
	s3 =	smov.u32 @p1 s2  }
0x190: {  	s6 =	simm.s32 $0x0;
	s3 =	smov.u32 @p2 s2;
	s2 =	spop (v2sf)  }
0x191: {  	s0 =	smov.u32 @p2 s4;
	p1 =	sne.s32 s3, $0xFFFFFFFF;
	s5 =	smov.u32 s2  }
.Ltmp30:
0x192: {  	p2 =	seq.s32 s2, $0xFFFFFFFF;
	s5 =	smov.u32 @p1 s3;
	(pc) =	sbr.rel .LBB3_32-.Ltmp30, $4  }
0x193: {  	s10 =	simm.s32 $0xA0C8;
	s5 =	smov.u32 @p2 s3;
	s7 =	spop (v2sf)  }
0x194: {  	s11 =	simm.s32 $0x0;
	p1 =	sne.s32 s5, $0xFFFFFFFF;
	s8 =	smov.u32 s7  }
0x195: {  	s2 =	smov.u32 @p2 s0;
	p2 =	seq.s32 s7, $0xFFFFFFFF;
	s8 =	smov.u32 @p1 s5  }
0x196: {  	[sflag:s9] =	ssyncpa.u1 $0x0;
	s7 =	smov.u32 @p2 s2;
	s8 =	smov.u32 @p2 s5  }
.LBB3_38:
0x197: {  	p1 =	sgt.u32 s12, $0xFF8  }
0x198: {  	p2 =	seq.s32 @!p1 s12, s8  }
0x199: {  	p1 =	por p1, p2  }
0x19a: {  	p2 =	sne.s32 @!p1 s12, s7  }
0x19b: {  	p1 =	por p1, !p2  }
0x19c: {  	s0 =	sshll.u32 @p1 s11, $0x8  }
0x19d: {  	s0 =	sand.u32 @!p1 $0xFF8, s12  }
0x19e: {  	s2 =	sand.u32 @!p1 $0x7, s12;
	s0 =	sadd.s32 @!p1 s1, s0  }
0x19f: {  	[tilespmem:s10], [sflag:$0x6] =	stream.linear.gather @!p1 [hbm4b:s0+s2], $0x40, $0x38;
	[tilespmem:$0x1EF88] =	vst v63  }
0x1a0: {  	_ =	swait.ge @!p1 [sflag:s9], $0x40  }
0x1a1: {  	[sflag:s9] =	ssyncset.done @!p1 $0x0  }
0x1a2: {  	[sflag:s9] =	ssyncadd.s32 @!p1 $0xFFFFFFC0  }
0x1a3: {  	v1 =	vld @!p1 [tilespmem:$0xA0C8];
	_ =	sdelay $0x2  }
0x1a4: {  	s0 =	sshll.u32 @!p1 s11, $0x8  }
0x1a5: {  	s2 =	sshrl.u32 @!p1 s0, $0x2  }
0x1a6: {  	[tilespmem:s2+$0xA138] =	vst.add.f32.msk @!p1 $0xffff, v1  }
0x1a7: {  	v1 =	vld @!p1 [tilespmem:$0xA0D8];
	_ =	sdelay $0x4  }
0x1a8: {  	[tilespmem:s2+$0xA148] =	vst.add.f32.msk @!p1 $0xffff, v1  }
0x1a9: {  	v1 =	vld @!p1 [tilespmem:$0xA0E8];
	_ =	sdelay $0x4  }
0x1aa: {  	[tilespmem:s2+$0xA158] =	vst.add.f32.msk @!p1 $0xffff, v1  }
0x1ab: {  	v1 =	vld @!p1 [tilespmem:$0xA0F8];
	_ =	sdelay $0x4  }
0x1ac: {  	[tilespmem:s2+$0xA168] =	vst.add.f32.msk @!p1 $0xffff, v1  }
0x1ad: {  	s0 =	sshrl.u32 s0, $0x2;
	[tilespmem:s6+$0xA118] =	vst.msk $0x1, v0  }
0x1ae: {  	v0 =	vld [tilespmem:s0+$0xA138];
	_ =	sdelay $0x2  }
0x1af: {  	s31 =	sshll.u32 s6, $0x8  }
0x1b0: {  	s2 =	sshra.s32 s31, $0x2  }
0x1b1: {  	[tilespmem:s2+$0xA138] =	vst v0  }
0x1b2: {  	v0 =	vld [tilespmem:s0+$0xA148];
	_ =	sdelay $0x4  }
0x1b3: {  	[tilespmem:s2+$0xA148] =	vst v0  }
0x1b4: {  	v0 =	vld [tilespmem:s0+$0xA158];
	_ =	sdelay $0x4  }
0x1b5: {  	[tilespmem:s2+$0xA158] =	vst v0  }
0x1b6: {  	v0 =	vld [tilespmem:s0+$0xA168];
	_ =	sdelay $0x4  }
0x1b7: {  	s6 =	sadd.s32 $0x1, s6;
	[tilespmem:s2+$0xA168] =	vst v0  }
.LBB3_39:
0x1b8: {  	s11 =	sadd.s32 $0x1, s11  }
0x1b9: {  	p1 =	sne.s32 s11, $0x20  }
.Ltmp31:
0x1ba: {  	_ = 	snop;
	(pc) =	sbr.rel @!p1 .LBB3_40-.Ltmp31, $1  }
0x1bb: {  	_ =	sdelay $0x3  }
.LBB3_32:
0x1bc: {  	v0 =	vld.msk [tilespmem:s11+$0xA118], $0x1;
	_ =	sdelay $0x4  }
0x1bd: {  	(v2sf) =	vpush v0, $0x0;
	_ =	sdelay $0xe  }
0x1be: {  	s12 =	spop (v2sf)  }
0x1bf: {  	p1 =	seq.s32 s12, $0xFFFFFFFF  }
.Ltmp32:
0x1c0: {  	_ = 	snop;
	(pc) =	sbr.rel @p1 .LBB3_39-.Ltmp32, $1  }
0x1c1: {  	_ =	sdelay $0x3  }
0x1c2: {  	p1 =	slt.s32 s6, $0x1  }
.Ltmp33:
0x1c3: {  	_ = 	snop;
	(pc) =	sbr.rel @p1 .LBB3_38-.Ltmp33, $1  }
0x1c4: {  	_ =	sdelay $0x3  }
0x1c5: {  	s0 =	simm.s32 $0xA118;
	p1 =	por $0x0, $0x0  }
0x1c6: {  	v1 =	vld.msk @!p1 [tilespmem:s0+$0x0], $0x1;
	_ =	sdelay $0x4  }
0x1c7: {  	(v2sf) =	vpush @!p1 v1, $0x0;
	_ =	sdelay $0xd  }
0x1c8: {  	p3 =	sne.s32 s6, $0x1  }
.Ltmp34:
0x1c9: {  	s2 =	spop @!p1 (v2sf);
	(pc) =	sbr.rel @!p3 .LBB3_36-.Ltmp34, $4  }
0x1ca: {  	p2 =	seq.s32 @!p1 s12, s2  }
0x1cb: {  	s13 =	simm.s32 $0x0;
	p2 =	por !p2, p1  }
0x1cc: {  	s2 =	simm.s32 $0xFFFFFFFF;
	s13 =	simm.s32 @p2 $0xFFFFFFFF  }
0x1cd: {  	s4 =	simm.s32 $0x1;
	s13 =	smov.u32 @p1 s2  }
.LBB3_35:
0x1ce: {  	s2 =	smov.u32 s13;
	p1 =	sne.s32 s13, $0xFFFFFFFF  }
0x1cf: {  	s0 =	sadd.s32 $0x1, s0;
	s13 =	smov.u32 s4;
	s4 =	sadd.s32 $0x1, s4  }
0x1d0: {  	p2 =	sne.s32 s6, s4;
	v1 =	vld.msk @!p1 [tilespmem:s0+$0x0], $0x1;
	_ =	sdelay $0x4  }
0x1d1: {  	(v2sf) =	vpush @!p1 v1, $0x0;
	_ =	sdelay $0xe  }
.Ltmp35:
0x1d2: {  	s3 =	spop @!p1 (v2sf);
	(pc) =	sbr.rel @p2 .LBB3_35-.Ltmp35, $4  }
0x1d3: {  	p3 =	seq.s32 @!p1 s12, s3  }
0x1d4: {  	p3 =	por !p3, p1  }
0x1d5: {  	s13 =	simm.s32 @p3 $0xFFFFFFFF  }
0x1d6: {  	s13 =	smov.u32 @p1 s2  }
.LBB3_36:
0x1d7: {  	p1 =	seq.s32 s13, $0xFFFFFFFF  }
.Ltmp36:
0x1d8: {  	_ = 	snop;
	(pc) =	sbr.rel @p1 .LBB3_38-.Ltmp36, $1  }
0x1d9: {  	_ =	sdelay $0x3  }
0x1da: {  	s0 =	sshll.u32 s11, $0x6  }
0x1db: {  	s0 =	sand.u32 $0x3FFFFFC0, s0  }
0x1dc: {  	v0 =	vld [tilespmem:s0+$0xA138];
	_ =	sdelay $0x2  }
0x1dd: {  	s2 =	sshll.u32 s13, $0x8  }
0x1de: {  	s2 =	sshra.s32 s2, $0x2  }
0x1df: {  	[tilespmem:s2+$0xA138] =	vst.add.f32.msk $0xffff, v0  }
0x1e0: {  	v0 =	vld [tilespmem:s0+$0xA148];
	_ =	sdelay $0x4  }
0x1e1: {  	[tilespmem:s2+$0xA148] =	vst.add.f32.msk $0xffff, v0  }
0x1e2: {  	v0 =	vld [tilespmem:s0+$0xA158];
	_ =	sdelay $0x4  }
0x1e3: {  	[tilespmem:s2+$0xA158] =	vst.add.f32.msk $0xffff, v0  }
0x1e4: {  	v0 =	vld [tilespmem:s0+$0xA168]  }
.Ltmp37:
0x1e5: {  	_ = 	snop;
	(pc) =	sbr.rel .LBB3_39-.Ltmp37, $2  }
0x1e6: {  	_ =	sdelay $0x2  }
0x1e7: {  	[tilespmem:s2+$0xA168] =	vst.add.f32.msk $0xffff, v0  }
.LBB3_40:
0x1e8: {  	s0 =	simm.s32 $0x6;
	p1 =	seq.s32 s6, $0x0  }
0x1e9: {  	[sflag:s0] =	ssyncpa.u1 $0x1;
	v0 =	vimm.s32 @p1 $0xFFFFFFFF  }
0x1ea: {  	s0 =	sadd.s32 $0xFFFFFFFF, s6;
	[tilespmem:$0xA938] =	vst @p1 v0  }
0x1eb: {  	v0 =	vld.msk @!p1 [tilespmem:s0+$0xA118], $0x1;
	_ =	sdelay $0x1  }
0x1ec: {  	v1 =	vld.msk @!p1 [tilespmem:$0xA118], $0x1;
	_ =	sdelay $0x2  }
0x1ed: {  	p2 =	seq.s32 @!p1 s0, $0x0;
	v0 =	vbroadcast @!p1 v0, $0x0  }
0x1ee: {  	vm0 =	vmmov @!p1 $0x1;
	p2 =	por !p2, p1  }
0x1ef: {  	v1 =	vnsel @!p1 vm0, $0xFFFFFFFF, v1;
	vm0 =	vcmask @!p1 $0x308;
	v0 =	vpsel !p2, $0xFFFFFFFF, v0  }
0x1f0: {  	p2 =	sne.s32 @!p1 s8, s7;
	v0 =	vsel @!p1 vm0, v1, v0  }
0x1f1: {  	s2 =	simm.s32 @!p1 $0xA138;
	s3 =	simm.s32 @!p1 $0x0;
	p3 =	por !p2, p1;
	[tilespmem:$0xA938] =	vst @!p1 v0  }
0x1f2: {  	[spmem:s3] =	stream.linear.scatter @!p1 [tilespmem:s2], [sflag:$0x1], $0x40, $0x38;
	[tilespmem:$0x1EF88] =	vst v63  }
0x1f3: {  	s2 =	sshll.u32 @!p3 s0, $0x8  }
0x1f4: {  	s2 =	sshra.s32 @!p3 s2, $0x2  }
0x1f5: {  	s3 =	simm.s32 @!p3 $0x40;
	s2 =	sadd.s32 @!p3 $0xA138, s2  }
0x1f6: {  	[spmem:s3] =	stream.linear.scatter @!p3 [tilespmem:s2], [sflag:$0x1], $0x40, $0x38;
	[tilespmem:$0x1EF88] =	vst v63  }
0x1f7: {  	s2 =	simm.s32 @!p3 $0x1  }
0x1f8: {  	_ =	swait.ge @!p3 [sflag:s2], $0x80  }
0x1f9: {  	p1 =	por p2, p1;
	[sflag:s2] =	ssyncset.done @!p3 $0x0  }
0x1fa: {  	[sflag:s2] =	ssyncadd.s32 @!p3 $0xFFFFFF80;
	s2 =	simm.s32 @!p1 $0x1  }
0x1fb: {  	_ =	swait.ge @!p1 [sflag:s2], $0x40  }
0x1fc: {  	s29 =	simm.s32 $0xA938;
	[sflag:s2] =	ssyncset.done @!p1 $0x0  }
0x1fd: {  	s30 =	simm.s32 $0x800;
	s31 =	simm.s32 $0x1;
	[sflag:s2] =	ssyncadd.s32 @!p1 $0xFFFFFFC0  }
0x1fe: {  	[spmem:s30] =	stream.linear.scatter [tilespmem:s29], [sflag:$0x1], $0x10, $0x38;
	[tilespmem:$0x1EF88] =	vst v63  }
0x1ff: {  	_ =	swait.ge [sflag:s31], $0x10  }
0x200: {  	[sflag:s31] =	ssyncset.done $0x0  }
0x201: {  	p1 =	seq.s32 s14, $0x0;
	s9 =	rddreg [dreg:$0x1];
	[sflag:s31] =	ssyncadd.s32 $0xFFFFFFF0  }
0x202: {  	s3 =	sshll.u32 @p1 s9, $0xE;
	s8 =	rddreg [dreg:$0x2]  }
0x203: {  	s2 =	sadd.s32 @p1 $0x15C3C, s3;
	s3 =	sshll.u32 @p1 s8, $0x11  }
0x204: {  	_ =	sfence.stream.spmem;
	s2 =	sor.u32 @p1 s3, s2  }
0x205: {  	[sflag:s2] =	ssyncadd.remote.s32 @p1 $0x1;
	s2 =	simm.s32 @p1 $0x4  }
0x206: {  	s4 =	simm.s32 @!p1 $0x3C;
	s3 =	sand.u32 $0xFFFFFFFE, s9;
	_ =	swait.ge @p1 [sflag:s2], $0x12  }
0x207: {  	s5 =	simm.s32 @!p1 $0x0;
	s3 =	sadd.s32 @!p1 $0x4, s3;
	[sflag:s2] =	ssyncset.done @p1 $0x0  }
0x208: {  	s7 =	simm.s32 @!p1 $0x80;
	[sflag:s2] =	ssyncadd.s32 @p1 $0xFFFFFFEE;
	s2 =	sshll.u32 @!p1 s3, $0x1A  }
0x209: {  	s3 =	sshll.u32 @!p1 s3, $0xD;
	s2 =	sor.u32 @!p1 s2, s8;
	_ =	swait.eq @!p1 [sflag:s4], $0x1  }
0x20a: {  	s3 =	sor.u32 @!p1 $0x1C04, s3;
	s4 =	simm.s32 @!p1 $0x1C03;
	s2 =	sor.u32 @!p1 $0x80004000, s2  }
0x20b: {  	[spmem:s7], [sflag:s3] =	dma.general @!p1 [spmem:s5], [sflag:s4], length:$0x10, [dreg:$0x0], stride_count:$0x0, ici_dest:s2, dma_misc:DstOpCode:WRITE  }
0x20c: {  	p2 =	slt.s32 s0, $0x2;
	s5 =	simm.s32 @!p1 $0x100;
	s7 =	simm.s32 @!p1 $0x102  }
0x20d: {  	[spmem:s7], [sflag:s3] =	dma.general @!p1 [spmem:s5], [sflag:s4], length:$0x2, [dreg:$0x0], stride_count:$0x0, ici_dest:s2, dma_misc:DstOpCode:WRITE  }
.Ltmp38:
0x20e: {  	s2 =	simm.s32 @!p1 $0x3;
	(pc) =	sbr.rel @p2 .LBB3_44-.Ltmp38, $4  }
0x20f: {  	s3 =	sshll.u32 @!p1 s9, $0xE;
	_ =	swait.ge @!p1 [sflag:s2], $0x12  }
0x210: {  	s4 =	sshll.u32 @!p1 s8, $0x11;
	s3 =	sadd.s32 @!p1 $0x11C3C, s3;
	[sflag:s2] =	ssyncset.done @!p1 $0x0  }
0x211: {  	[sflag:s2] =	ssyncadd.s32 @!p1 $0xFFFFFFEE;
	s2 =	sor.u32 @!p1 s4, s3  }
0x212: {  	s0 =	simm.s32 $0x0;
	[sflag:s2] =	ssyncadd.remote.s32 @!p1 $0xFFFFFFFF  }
0x213: {  	s0 =	simm.s32 $0xA119  }
0x214: {  	v0 =	vld.msk [tilespmem:s0+$0x0], $0x1;
	_ =	sdelay $0x4  }
0x215: {  	(v2sf) =	vpush v0, $0x0;
	_ =	sdelay $0xd  }
0x216: {  	s3 =	sadd.s32 $0xFFFFFFFE, s6  }
0x217: {  	s4 =	sadd.s32 $0xFFFFFFFF, s3;
	s2 =	spop (v2sf)  }
0x218: {  	p2 =	sne.s32 s4, $0x0;
	p1 =	sgt.u32 s2, $0xFF8  }
.Ltmp39:
0x219: {  	s5 =	sand.u32 @!p1 $0xFF8, s2;
	(pc) =	sbr.rel @!p2 .LBB3_43-.Ltmp39, $4  }
0x21a: {  	s0 =	simm.s32 $0xA178;
	s2 =	sand.u32 @!p1 $0x7, s2;
	s3 =	sadd.s32 @!p1 s1, s5  }
0x21b: {  	[hbm4b:s3+s2] =	stream.linear.scatter @!p1 [tilespmem:s0], [sflag:$0x5], $0x40, $0x38;
	[tilespmem:$0x1EF88] =	vst v63  }
0x21c: {  	s2 =	simm.s32 $0x0  }
0x21d: {  	s6 =	simm.s32 $0xA11A;
	s5 =	simm.s32 $0x0;
	s2 =	simm.s32 @!p1 $0x100  }
.LBB3_42:
0x21e: {  	v0 =	vld.msk [tilespmem:s6+$0x0], $0x1;
	s4 =	sadd.s32 $0xFFFFFFFF, s4;
	s5 =	sadd.s32 s5, s2  }
0x21f: {  	p1 =	sne.s32 s4, $0x0;
	_ =	sdelay $0x3  }
0x220: {  	(v2sf) =	vpush v0, $0x0;
	_ =	sdelay $0xe  }
.Ltmp40:
0x221: {  	s3 =	spop (v2sf);
	(pc) =	sbr.rel @p1 .LBB3_42-.Ltmp40, $4  }
0x222: {  	s2 =	simm.s32 $0x0;
	p2 =	sgt.u32 s3, $0xFF8  }
0x223: {  	s0 =	sadd.s32 $0x40, s0;
	s2 =	simm.s32 @!p2 $0x100;
	s7 =	sand.u32 @!p2 $0xFF8, s3  }
0x224: {  	s6 =	sadd.s32 $0x1, s6;
	s3 =	sand.u32 @!p2 $0x7, s3;
	s7 =	sadd.s32 @!p2 s1, s7  }
0x225: {  	[hbm4b:s7+s3] =	stream.linear.scatter @!p2 [tilespmem:s0], [sflag:$0x5], $0x40, $0x38;
	[tilespmem:$0x1EF88] =	vst v63  }
.LBB3_43:
0x226: {  	s0 =	sadd.s32 s5, s2  }
0x227: {  	s0 =	sshrl.u32 s0, $0x2  }
.LBB3_44:
0x228: {  	s2 =	simm.s32 $0x5  }
0x229: {  	_ =	swait.ge [sflag:s2], s0  }
0x22a: {  	s31 =	ssub.s32 $0x0, s0;
	[sflag:s2] =	ssyncset.done $0x0  }
0x22b: {  	[sflag:s2] =	ssyncadd.s32 s31  }
0x22c: {  	[sflag:s2] =	ssyncpa.u1 $0x1  }
.LBB3_45:
0x22d: {  	s0 =	sor.u32 s14, s15  }
0x22e: {  	p1 =	sne.s32 s0, $0x0  }
.Ltmp41:
0x22f: {  	_ = 	snop;
	(pc) =	sbr.rel @p1 .LBB3_60-.Ltmp41, $3  }
0x230: {  	_ =	sdelay $0x1  }
0x231: {  	[bflag:$0x0] =	sbarrier.arrive $0xFFFF  }
0x232: {  	_ =	sfence  }
0x233: {  	s0 =	simm.s32 $0x7  }
0x234: {  	s2 =	simm.s32 $0x800;
	s3 =	simm.s32 $0xA118;
	[sflag:s0] =	ssyncpa.u1 $0x0  }
0x235: {  	[tilespmem:s3], [sflag:$0x7] =	stream.linear.gather [spmem:s2], $0x20, $0x38;
	[tilespmem:$0x1EF88] =	vst v63  }
0x236: {  	s30 =	simm.s32 $0xA138;
	s2 =	simm.s32 $0x0  }
0x237: {  	[tilespmem:s30], [sflag:$0x7] =	stream.linear.gather [spmem:s2], $0x800, $0x38;
	[tilespmem:$0x1EF88] =	vst v63  }
.Ltmp42:
0x238: {  	_ = 	snop;
	(pc) =	sbr.rel .LBB3_47-.Ltmp42, $4  }
0x239: {  	_ =	swait.ge [sflag:s0], $0x820  }
0x23a: {  	[sflag:s0] =	ssyncset.done $0x0  }
0x23b: {  	s31 =	simm.s32 $0x8;
	[sflag:s0] =	ssyncadd.s32 $0xFFFFF7E0  }
0x23c: {  	s3 =	simm.s32 $0x0;
	[sflag:s31] =	ssyncpa.u1 $0x0  }
.LBB3_53:
0x23d: {  	p1 =	slt.u32 s0, $0xFF9  }
0x23e: {  	s4 =	sand.u32 @p1 $0xFF8, s0  }
0x23f: {  	s0 =	sand.u32 @p1 $0x7, s0;
	s5 =	simm.s32 @p1 $0xA0C8;
	s4 =	sadd.s32 @p1 s1, s4  }
0x240: {  	[tilespmem:s5], [sflag:$0x8] =	stream.linear.gather @p1 [hbm4b:s4+s0], $0x40, $0x38;
	[tilespmem:$0x1EF88] =	vst v63  }
0x241: {  	s0 =	simm.s32 @p1 $0x8  }
0x242: {  	_ =	swait.ge @p1 [sflag:s0], $0x40  }
0x243: {  	[sflag:s0] =	ssyncset.done @p1 $0x0  }
0x244: {  	[sflag:s0] =	ssyncadd.s32 @p1 $0xFFFFFFC0  }
0x245: {  	v1 =	vld @p1 [tilespmem:$0xA0C8];
	_ =	sdelay $0x2  }
0x246: {  	s0 =	sshll.u32 @p1 s3, $0x8  }
0x247: {  	s4 =	sshrl.u32 @p1 s0, $0x2  }
0x248: {  	[tilespmem:s4+$0xA138] =	vst.add.f32.msk @p1 $0xffff, v1  }
0x249: {  	v1 =	vld @p1 [tilespmem:$0xA0D8];
	_ =	sdelay $0x4  }
0x24a: {  	[tilespmem:s4+$0xA148] =	vst.add.f32.msk @p1 $0xffff, v1  }
0x24b: {  	v1 =	vld @p1 [tilespmem:$0xA0E8];
	_ =	sdelay $0x4  }
0x24c: {  	[tilespmem:s4+$0xA158] =	vst.add.f32.msk @p1 $0xffff, v1  }
0x24d: {  	v1 =	vld @p1 [tilespmem:$0xA0F8];
	_ =	sdelay $0x3  }
0x24e: {  	s5 =	sshll.u32 @!p1 s3, $0x8  }
0x24f: {  	s5 =	smov.u32 @p1 s0;
	[tilespmem:s4+$0xA168] =	vst.add.f32.msk @p1 $0xffff, v1  }
0x250: {  	s0 =	sshrl.u32 s5, $0x2;
	[tilespmem:s2+$0xA118] =	vst.msk $0x1, v0  }
0x251: {  	v0 =	vld [tilespmem:s0+$0xA138];
	_ =	sdelay $0x2  }
0x252: {  	s31 =	sshll.u32 s2, $0x8  }
0x253: {  	s4 =	sshra.s32 s31, $0x2  }
0x254: {  	[tilespmem:s4+$0xA138] =	vst v0  }
0x255: {  	v0 =	vld [tilespmem:s0+$0xA148];
	_ =	sdelay $0x4  }
0x256: {  	[tilespmem:s4+$0xA148] =	vst v0  }
0x257: {  	v0 =	vld [tilespmem:s0+$0xA158];
	_ =	sdelay $0x4  }
0x258: {  	[tilespmem:s4+$0xA158] =	vst v0  }
0x259: {  	v0 =	vld [tilespmem:s0+$0xA168];
	_ =	sdelay $0x4  }
0x25a: {  	s2 =	sadd.s32 $0x1, s2;
	[tilespmem:s4+$0xA168] =	vst v0  }
.LBB3_54:
0x25b: {  	s3 =	sadd.s32 $0x1, s3  }
0x25c: {  	p1 =	sne.s32 s3, $0x20  }
.Ltmp43:
0x25d: {  	_ = 	snop;
	(pc) =	sbr.rel @!p1 .LBB3_55-.Ltmp43, $1  }
0x25e: {  	_ =	sdelay $0x3  }
.LBB3_47:
0x25f: {  	v0 =	vld.msk [tilespmem:s3+$0xA118], $0x1;
	_ =	sdelay $0x4  }
0x260: {  	(v2sf) =	vpush v0, $0x0;
	_ =	sdelay $0xe  }
0x261: {  	s0 =	spop (v2sf)  }
0x262: {  	p1 =	seq.s32 s0, $0xFFFFFFFF  }
.Ltmp44:
0x263: {  	_ = 	snop;
	(pc) =	sbr.rel @p1 .LBB3_54-.Ltmp44, $1  }
0x264: {  	_ =	sdelay $0x3  }
0x265: {  	p1 =	slt.s32 s2, $0x1  }
.Ltmp45:
0x266: {  	_ = 	snop;
	(pc) =	sbr.rel @p1 .LBB3_53-.Ltmp45, $1  }
0x267: {  	_ =	sdelay $0x3  }
0x268: {  	s4 =	simm.s32 $0xA118;
	p1 =	por $0x0, $0x0  }
0x269: {  	v1 =	vld.msk @!p1 [tilespmem:s4+$0x0], $0x1;
	_ =	sdelay $0x4  }
0x26a: {  	(v2sf) =	vpush @!p1 v1, $0x0;
	_ =	sdelay $0xd  }
0x26b: {  	p3 =	sne.s32 s2, $0x1  }
.Ltmp46:
0x26c: {  	s5 =	spop @!p1 (v2sf);
	(pc) =	sbr.rel @!p3 .LBB3_51-.Ltmp46, $4  }
0x26d: {  	p2 =	seq.s32 @!p1 s0, s5  }
0x26e: {  	s5 =	simm.s32 $0x0;
	p2 =	por !p2, p1  }
0x26f: {  	s7 =	simm.s32 $0xFFFFFFFF;
	s5 =	simm.s32 @p2 $0xFFFFFFFF  }
0x270: {  	s6 =	simm.s32 $0x1;
	s5 =	smov.u32 @p1 s7  }
.LBB3_50:
0x271: {  	s7 =	smov.u32 s5;
	p1 =	sne.s32 s5, $0xFFFFFFFF  }
0x272: {  	s4 =	sadd.s32 $0x1, s4;
	s5 =	smov.u32 s6;
	s6 =	sadd.s32 $0x1, s6  }
0x273: {  	p2 =	sne.s32 s2, s6;
	v1 =	vld.msk @!p1 [tilespmem:s4+$0x0], $0x1;
	_ =	sdelay $0x4  }
0x274: {  	(v2sf) =	vpush @!p1 v1, $0x0;
	_ =	sdelay $0xe  }
.Ltmp47:
0x275: {  	s8 =	spop @!p1 (v2sf);
	(pc) =	sbr.rel @p2 .LBB3_50-.Ltmp47, $4  }
0x276: {  	p3 =	seq.s32 @!p1 s0, s8  }
0x277: {  	p3 =	por !p3, p1  }
0x278: {  	s5 =	simm.s32 @p3 $0xFFFFFFFF  }
0x279: {  	s5 =	smov.u32 @p1 s7  }
.LBB3_51:
0x27a: {  	p1 =	seq.s32 s5, $0xFFFFFFFF  }
.Ltmp48:
0x27b: {  	_ = 	snop;
	(pc) =	sbr.rel @p1 .LBB3_53-.Ltmp48, $1  }
0x27c: {  	_ =	sdelay $0x3  }
0x27d: {  	s0 =	sshll.u32 s3, $0x6  }
0x27e: {  	s0 =	sand.u32 $0x3FFFFFC0, s0  }
0x27f: {  	v0 =	vld [tilespmem:s0+$0xA138];
	_ =	sdelay $0x2  }
0x280: {  	s4 =	sshll.u32 s5, $0x8  }
0x281: {  	s4 =	sshra.s32 s4, $0x2  }
0x282: {  	[tilespmem:s4+$0xA138] =	vst.add.f32.msk $0xffff, v0  }
0x283: {  	v0 =	vld [tilespmem:s0+$0xA148];
	_ =	sdelay $0x4  }
0x284: {  	[tilespmem:s4+$0xA148] =	vst.add.f32.msk $0xffff, v0  }
0x285: {  	v0 =	vld [tilespmem:s0+$0xA158];
	_ =	sdelay $0x4  }
0x286: {  	[tilespmem:s4+$0xA158] =	vst.add.f32.msk $0xffff, v0  }
0x287: {  	v0 =	vld [tilespmem:s0+$0xA168]  }
.Ltmp49:
0x288: {  	_ = 	snop;
	(pc) =	sbr.rel .LBB3_54-.Ltmp49, $2  }
0x289: {  	_ =	sdelay $0x2  }
0x28a: {  	[tilespmem:s4+$0xA168] =	vst.add.f32.msk $0xffff, v0  }
.LBB3_55:
0x28b: {  	p1 =	slt.s32 s2, $0x1  }
.Ltmp50:
0x28c: {  	_ = 	snop;
	(pc) =	sbr.rel @p1 .LBB3_59-.Ltmp50, $3  }
0x28d: {  	_ =	sdelay $0x1  }
0x28e: {  	s0 =	simm.s32 $0x8  }
0x28f: {  	[sflag:s0] =	ssyncpa.u1 $0x1;
	s0 =	simm.s32 $0x0  }
0x290: {  	s3 =	simm.s32 $0xA118  }
0x291: {  	v0 =	vld.msk [tilespmem:s3+$0x0], $0x1;
	_ =	sdelay $0x4  }
0x292: {  	(v2sf) =	vpush v0, $0x0;
	_ =	sdelay $0xe  }
0x293: {  	s2 =	sadd.s32 $0xFFFFFFFF, s2;
	s4 =	spop (v2sf)  }
0x294: {  	p2 =	sne.s32 s2, $0x0;
	p1 =	sgt.u32 s4, $0xFF8  }
.Ltmp51:
0x295: {  	s5 =	sand.u32 @!p1 $0xFF8, s4;
	(pc) =	sbr.rel @!p2 .LBB3_58-.Ltmp51, $4  }
0x296: {  	s3 =	simm.s32 $0xA138;
	s4 =	sand.u32 @!p1 $0x7, s4;
	s5 =	sadd.s32 @!p1 s1, s5  }
0x297: {  	[hbm4b:s5+s4] =	stream.linear.scatter @!p1 [tilespmem:s3], [sflag:$0x7], $0x40, $0x38;
	[tilespmem:$0x1EF88] =	vst v63  }
0x298: {  	s5 =	simm.s32 $0x0  }
0x299: {  	s4 =	simm.s32 $0xA119;
	s5 =	simm.s32 @!p1 $0x100  }
.LBB3_57:
0x29a: {  	v0 =	vld.msk [tilespmem:s4+$0x0], $0x1;
	s2 =	sadd.s32 $0xFFFFFFFF, s2;
	s0 =	sadd.s32 s0, s5  }
0x29b: {  	p1 =	sne.s32 s2, $0x0;
	_ =	sdelay $0x3  }
0x29c: {  	(v2sf) =	vpush v0, $0x0;
	_ =	sdelay $0xe  }
.Ltmp52:
0x29d: {  	s6 =	spop (v2sf);
	(pc) =	sbr.rel @p1 .LBB3_57-.Ltmp52, $4  }
0x29e: {  	s5 =	simm.s32 $0x0;
	p2 =	sgt.u32 s6, $0xFF8  }
0x29f: {  	s3 =	sadd.s32 $0x40, s3;
	s5 =	simm.s32 @!p2 $0x100;
	s7 =	sand.u32 @!p2 $0xFF8, s6  }
0x2a0: {  	s4 =	sadd.s32 $0x1, s4;
	s6 =	sand.u32 @!p2 $0x7, s6;
	s7 =	sadd.s32 @!p2 s1, s7  }
0x2a1: {  	[hbm4b:s7+s6] =	stream.linear.scatter @!p2 [tilespmem:s3], [sflag:$0x7], $0x40, $0x38;
	[tilespmem:$0x1EF88] =	vst v63  }
.LBB3_58:
0x2a2: {  	s0 =	sadd.s32 s0, s5  }
0x2a3: {  	s0 =	sshrl.u32 s0, $0x2  }
.LBB3_59:
0x2a4: {  	s1 =	simm.s32 $0x7  }
0x2a5: {  	_ =	swait.ge [sflag:s1], s0  }
0x2a6: {  	s31 =	ssub.s32 $0x0, s0;
	[sflag:s1] =	ssyncset.done $0x0  }
0x2a7: {  	[sflag:s1] =	ssyncadd.s32 s31  }
0x2a8: {  	[sflag:s1] =	ssyncpa.u1 $0x1  }
.LBB3_60:
0x2a9: {  	_ =	sfence;
	s0 =	simm.s32 $0x1  }
0x2aa: {  	[sflag:s0] =	ssyncpa.u1 $0x1  }
0x2ab: {  	_ =	strace $0x9000004A  }
0x2ac: {  	[bflag:$0x2] =	sbarrier.arrive $0xFFFF  }
0x2ad: {  	s0 =	rddreg [dreg:$0x3]  }
0x2ae: {  	s0 =	sadd.s32 @!p0 $0x100000, s0  }
0x2af: {  	[sflag:s0] =	ssyncadd.tile.s32 @!p0 $0x1;
	_ =	shalt  }
.Lfunc_end3:
_tile_overlayer_lowered:
.L_overlay_start_3:
0x2b0: {  	(tag) =	ssettag $0x3  }
0x2b1: {  	s0 =	rddreg [dreg:$0x0];
	s2 =	stileid.u32  }
0x2b2: {  	s1 =	rddreg [dreg:$0x1];
	p0 =	sne.s32 s2, $0x0  }
0x2b3: {  	s3 =	rddreg [dreg:$0x2];
	[bflag:$0x3] =	sbarrier.arrive $0xFFFF;
	s2 =	simm.s32 @!p0 $0x1C01  }
0x2b4: {  	[timem:s3], [sflag:s2] =	dma.local @!p0 [hbm:s0], s1  }
0x2b5: {  	s0 =	simm.s32 @!p0 $0x1  }
0x2b6: {  	_ =	swait.ge @!p0 [sflag:s0], s1  }
0x2b7: {  	s1 =	ssub.s32 @!p0 $0x0, s1;
	[sflag:s0] =	ssyncset.done @!p0 $0x0  }
0x2b8: {  	[sflag:s0] =	ssyncadd.s32 @!p0 s1  }
0x2b9: {  	[bflag:$0x3] =	sbarrier.arrive $0xFFFF  }
0x2ba: {  	_ =	shalt  }

</sc_bundles>
